<compile_context>
chip_gen: v7x
topology: tpu7x:2x2x1
jax: 0.10.2.dev20260603
libtpu: 0.0.44.dev20260713+nightly
codegen_flags: <defaults>
</compile_context>

<pallas_src>
import functools
import numpy as np
import jax
import jax.numpy as jnp
from jax import lax
from jax.experimental import pallas as pl
from jax.experimental.pallas import tpu as pltpu
from jax.experimental.pallas import tpu_sc as plsc

N_NBR = 8
V_THRESH = 0.001
B, H, W = 4, 64, 96
N = H * W
NC, NS, L = 2, 16, 16
NW = NC * NS
QPW = B * N // NW
NVEC = QPW // L
CHUNK = 16

_dyg, _dxg = np.mgrid[-(H - 1):H, -(W - 1):W]
_dxf = _dxg.ravel().astype(np.int64)
_dyf = _dyg.ravel().astype(np.int64)
_order = np.lexsort((_dyf * W + _dxf, _dxf * _dxf + _dyf * _dyf))
_dxs, _dys = _dxf[_order], _dyf[_order]
NCAND = len(_dxs)
_pad = (-NCAND) % CHUNK
_words = ((_dys + 64) << 9) | (_dxs + 96)
_words = np.concatenate([_words, np.full(_pad, (255 << 9) | 511, np.int64)])
NCTAB = len(_words)
NCHUNKS = NCTAB // CHUNK
_TAB_NP = _words.astype(np.int32)

SEG0 = 2
_SEG_ENDS = [4, 30, NCHUNKS]
EAGER_CHUNKS = 30

_mesh = plsc.VectorSubcoreMesh(core_axis_name="c", subcore_axis_name="s")


@functools.partial(
    pl.kernel,
    out_type=(
        jax.ShapeDtypeStruct((B, 2, N_NBR, N), jnp.float32),
        jax.ShapeDtypeStruct((B, N_NBR, N), jnp.int32),
    ),
    mesh=_mesh,
    compiler_params=pltpu.CompilerParams(needs_layout_passes=False),
    scratch_types=[
        pltpu.VMEM((NCTAB,), jnp.int32),
        pltpu.VMEM((N + L,), jnp.float32),
        pltpu.VMEM((N_NBR + 1, QPW), jnp.int32),
        pltpu.VMEM((N_NBR, QPW), jnp.float32),
        pltpu.VMEM((N_NBR, QPW), jnp.float32),
        pltpu.SMEM((1,), jnp.int32),
        pltpu.SemaphoreType.DMA,
        pltpu.SemaphoreType.DMA,
        pltpu.SemaphoreType.DMA,
    ],
)
def _dist_sc(s_hbm, tab_hbm, of_hbm, args_hbm, tab_v, s_v, args_l, ofx_l,
             ofy_l, tail_ld, sem0, sem1, sem2):
    wid = lax.axis_index("s") * NC + lax.axis_index("c")
    b = wid // (NW // B)
    part = wid % (NW // B)
    qbase = part * QPW

    c0 = pltpu.async_copy(tab_hbm.at[pl.ds(0, EAGER_CHUNKS * CHUNK)],
                          tab_v.at[pl.ds(0, EAGER_CHUNKS * CHUNK)], sem0)
    c1 = pltpu.async_copy(s_hbm.at[b], s_v.at[pl.ds(0, N)], sem1)
    c0.wait()
    c1.wait()
    s_v[pl.ds(N, L)] = jnp.zeros((L,), jnp.float32)
    tail_ld[0] = 0

    def vec_body(v, _):
        qloc = v * L + lax.iota(jnp.int32, L)
        q = qbase + qloc
        qy = (q * 2731) >> 18
        qx = q - qy * W

        def chunk_body(c, cnt):
            base_vec = jnp.full((L,), c * CHUNK, jnp.int32)
            words = [plsc.load_gather(tab_v, [base_vec + k])
                     for k in range(CHUNK)]
            founds = []
            js = []
            for k in range(CHUNK):
                word = words[k]
                nx = qx + ((word & 511) - 96)
                ny = qy + ((word >> 9) - 64)
                inb = ((nx.astype(jnp.uint32) < W)
                       & (ny.astype(jnp.uint32) < H))
                j = ny * W + nx
                sval = plsc.load_gather(s_v, [jnp.where(inb, j, N)])
                founds.append(sval > V_THRESH)
                js.append(j)
            for k in range(CHUNK):
                plsc.store_scatter(args_l, [cnt, qloc], js[k],
                                   mask=founds[k])
                cnt = jnp.minimum(cnt + jnp.where(founds[k], 1, 0), N_NBR)
            return cnt

        cnt = lax.fori_loop(0, SEG0, chunk_body, jnp.zeros((L,), jnp.int32))
        start = SEG0
        for end in _SEG_ENDS:
            left = plsc.all_reduce_population_count(cnt < N_NBR)[0]
            if end == NCHUNKS:
                @pl.when(jnp.logical_and(left > 0, tail_ld[0] == 0))
                def _():
                    off = EAGER_CHUNKS * CHUNK
                    pltpu.sync_copy(tab_hbm.at[pl.ds(off, NCTAB - off)],
                                    tab_v.at[pl.ds(off, NCTAB - off)])
                    tail_ld[0] = 1
            stop = jnp.where(left > 0, end, start)
            cnt = lax.fori_loop(start, stop, chunk_body, cnt)
            start = end

        for k in range(N_NBR):
            jv = args_l[k, pl.ds(v * L, L)]
            jy = (jv * 2731) >> 18
            jx = jv - jy * W
            ofx_l[k, pl.ds(v * L, L)] = (jx - qx).astype(jnp.float32)
            ofy_l[k, pl.ds(v * L, L)] = (jy - qy).astype(jnp.float32)
        return 0

    lax.fori_loop(0, NVEC, vec_body, 0)

    w0 = pltpu.async_copy(args_l.at[pl.ds(0, N_NBR)],
                          args_hbm.at[b, :, pl.ds(qbase, QPW)], sem0)
    w1 = pltpu.async_copy(ofx_l, of_hbm.at[b, 0, :, pl.ds(qbase, QPW)], sem1)
    w2 = pltpu.async_copy(ofy_l, of_hbm.at[b, 1, :, pl.ds(qbase, QPW)], sem2)
    w0.wait()
    w1.wait()
    w2.wait()


@jax.jit
def kernel(S):
    Ofnum, args = _dist_sc(S.reshape(B, N), jnp.asarray(_TAB_NP))
    return (Ofnum, args)

# --- scband reference (transcript-rebuilt; emitter-appended) ---
"""Pipeline reference for scband-dist-61881888800851 (READ-ONLY COPY).

The authoritative reference and input builder live on the scoring server;
editing this copy changes nothing except your own understanding.
"""

import jax, jax.numpy as jnp
import numpy as np

N_NBR = 8
V_THRESH = 0.001
B, H, W = 4, 64, 96


def setup_inputs(seed: int = 0) -> dict:
    key = jax.random.key(seed)
    S = jax.random.normal(key, (B, 1, H, W), dtype=jnp.float32)
    return {"S": S}


def reference(S):
    # Faithful jax translation of Dist.forward: for every pixel of the H*W grid,
    # find the n closest *valid* pixels (S > vThresh) in 2D euclidean distance.
    # Returns (Ofnum, args):
    #   Ofnum: float32 [B, 2, n, N] -- xy offsets of the n nearest valid pixels
    #   args:  int32   [B, n, N]   -- flat indices of those pixels
    b, _, h, w = S.shape
    n = N_NBR
    Nn = h * w
    Sf = S.reshape(b, 1, Nn)
    xx, yy = jnp.meshgrid(jnp.arange(w), jnp.arange(h), indexing='xy')
    pts = jnp.stack((xx, yy), axis=0).reshape(2, Nn).T.astype(jnp.float32)  # [N, 2]
    valid = Sf > V_THRESH  # [b, 1, N]
    # pairwise squared distances between all grid pixels: [N, N]
    sq = jnp.sum(pts * pts, axis=1)
    d2 = sq[:, None] + sq[None, :] - 2.0 * (pts @ pts.T)
    big = jnp.float32(1e10)
    ofnum_list = []
    args_list = []
    for bi in range(b):
        vmask = valid[bi, 0]                       # [N] valid keys
        db = jnp.where(vmask[None, :], d2, big)    # [N_query, N_key]
        _, idx = jax.lax.top_k(-db, n)             # n smallest distances -> [N, n]
        nbr = jnp.take(pts, idx, axis=0)           # [N, n, 2] gather neighbour coords
        off = nbr - pts[:, None, :]                # [N, n, 2] offsets to neighbours
        ofnum_list.append(jnp.transpose(off, (2, 1, 0)))  # [2, n, N]
        args_list.append(idx.T)                    # [n, N]
    Ofnum = jnp.stack(ofnum_list, axis=0)          # [B, 2, n, N]
    args = jnp.stack(args_list, axis=0).astype(jnp.int32)  # [B, n, N]
    return (Ofnum, args)

if __name__ == "__main__":
    import jax
    _d = setup_inputs()
    print(jax.jit(kernel)(*tuple(_d.values())))

</pallas_src>

<mosaic_0001>
#map = affine_map<(d0, d1) -> (0, 0)>
#map1 = affine_map<(d0, d1) -> (0)>
#map2 = affine_map<(d0, d1) -> (0, 0, 0, 0)>
#map3 = affine_map<(d0, d1) -> (0, 0, 0)>
module attributes {stable_mosaic.version = 14 : i64} {
  func.func @_dist_sc(%arg0: i32, %arg1: i32, %arg2: memref<4x6144xf32, #tpu.memory_space<hbm>>, %arg3: memref<24272xi32, #tpu.memory_space<hbm>>, %arg4: memref<4x2x8x6144xf32, #tpu.memory_space<hbm>>, %arg5: memref<4x8x6144xi32, #tpu.memory_space<hbm>>, %arg6: memref<24272xi32, #tpu.memory_space<vmem>>, %arg7: memref<6160xf32, #tpu.memory_space<vmem>>, %arg8: memref<9x768xi32, #tpu.memory_space<vmem>>, %arg9: memref<8x768xf32, #tpu.memory_space<vmem>>, %arg10: memref<8x768xf32, #tpu.memory_space<vmem>>, %arg11: memref<1xi32, #tpu.memory_space<smem>>, %arg12: memref<!tpu.dma_semaphore, #tpu.memory_space<semaphore_mem>>, %arg13: memref<!tpu.dma_semaphore, #tpu.memory_space<semaphore_mem>>, %arg14: memref<!tpu.dma_semaphore, #tpu.memory_space<semaphore_mem>>) attributes {dimension_semantics = [#tpu.dimension_semantics<core_parallel>, #tpu.dimension_semantics<subcore_parallel>], iteration_bounds = array<i64: 2, 16>, scalar_prefetch = 0 : i64, scratch_operands = 9 : i64, tpu.core_type = #tpu.core_type<sc_vector_subcore>, window_params = [{transform_indices = #map}, {transform_indices = #map1}, {transform_indices = #map2}, {transform_indices = #map3}]} {
    %mul3A = arith.constant 2 : i32
    %mul3A_0 = arith.muli %arg1, %mul3A : i32
    %add3A = arith.addi %mul3A_0, %arg0 : i32
    %jit3A = arith.constant 8 : i32
    %div3A = arith.divsi %add3A, %jit3A : i32
    %sign3A = arith.constant 0 : i32
    %sign3A_1 = arith.cmpi sgt, %add3A, %sign3A : i32
    %sign3A_2 = arith.extui %sign3A_1 : i1 to i32
    %sign3A_3 = arith.constant 0 : i32
    %sign3A_4 = arith.cmpi slt, %add3A, %sign3A_3 : i32
    %sign3A_5 = arith.extui %sign3A_4 : i1 to i32
    %sign3A_6 = arith.subi %sign3A_2, %sign3A_5 : i32
    %sign3A_7 = arith.constant 0 : i32
    %sign3A_8 = arith.cmpi sgt, %jit3A, %sign3A_7 : i32
    %sign3A_9 = arith.extui %sign3A_8 : i1 to i32
    %sign3A_10 = arith.constant 0 : i32
    %sign3A_11 = arith.cmpi slt, %jit3A, %sign3A_10 : i32
    %sign3A_12 = arith.extui %sign3A_11 : i1 to i32
    %sign3A_13 = arith.subi %sign3A_9, %sign3A_12 : i32
    %ne3A = arith.cmpi ne, %sign3A_6, %sign3A_13 : i32
    %rem3A = arith.remsi %add3A, %jit3A : i32
    %ne3A_14 = arith.constant 0 : i32
    %ne3A_15 = arith.cmpi ne, %rem3A, %ne3A_14 : i32
    %and3A = arith.andi %ne3A, %ne3A_15 : i1
    %sub3A = arith.constant 1 : i32
    %sub3A_16 = arith.subi %div3A, %sub3A : i32
    %select_n3A = arith.select %and3A, %sub3A_16, %div3A : i32
    %jit3A_17 = arith.constant 8 : i32
    %eq3A = arith.constant 0 : i32
    %eq3A_18 = arith.cmpi eq, %jit3A_17, %eq3A : i32
    %jit3A_19 = arith.constant 1 : i32
    %select_n3A_20 = arith.select %eq3A_18, %jit3A_19, %jit3A_17 : i32
    %rem3A_21 = arith.remsi %add3A, %select_n3A_20 : i32
    %ne3A_22 = arith.constant 0 : i32
    %ne3A_23 = arith.cmpi ne, %rem3A_21, %ne3A_22 : i32
    %lt3A = arith.constant 0 : i32
    %lt3A_24 = arith.cmpi slt, %rem3A_21, %lt3A : i32
    %lt3A_25 = arith.constant 0 : i32
    %lt3A_26 = arith.cmpi slt, %select_n3A_20, %lt3A_25 : i32
    %ne3A_27 = arith.xori %lt3A_24, %lt3A_26 : i1
    %and3A_28 = arith.andi %ne3A_27, %ne3A_23 : i1
    %add3A_29 = arith.addi %rem3A_21, %select_n3A_20 : i32
    %select_n3A_30 = arith.select %and3A_28, %add3A_29, %rem3A_21 : i32
    %mul3A_31 = arith.constant 768 : i32
    %mul3A_32 = arith.muli %select_n3A_30, %mul3A_31 : i32
    %dma_start3A = arith.constant 0 : i32
    %dma_start3A_33 = tpu.memref_slice %arg6[%dma_start3A] : memref<24272xi32, #tpu.memory_space<vmem>> -> memref<480xi32, #tpu.memory_space<vmem>>
    %dma_start3A_34 = arith.constant 0 : i32
    %dma_start3A_35 = tpu.memref_slice %arg3[%dma_start3A_34] : memref<24272xi32, #tpu.memory_space<hbm>> -> memref<480xi32, #tpu.memory_space<hbm>>
    %dma_start3A_36 = arith.constant 0 : i32
    %dma_start3A_37 = tpu.memref_slice %arg6[%dma_start3A_36] : memref<24272xi32, #tpu.memory_space<vmem>> -> memref<480xi32, #tpu.memory_space<vmem>>
    %dma_start3A_38 = arith.constant 0 : i32
    %dma_start3A_39 = tpu.memref_slice %arg3[%dma_start3A_38] : memref<24272xi32, #tpu.memory_space<hbm>> -> memref<480xi32, #tpu.memory_space<hbm>>
    tpu.enqueue_dma source(%dma_start3A_39 : memref<480xi32, #tpu.memory_space<hbm>>) target(%dma_start3A_37 : memref<480xi32, #tpu.memory_space<vmem>>) target_semaphore(%arg12 : memref<!tpu.dma_semaphore, #tpu.memory_space<semaphore_mem>>)
    %dma_start3A_40 = arith.constant 0 : i32
    %dma_start3A_41 = tpu.memref_slice %arg7[%dma_start3A_40] : memref<6160xf32, #tpu.memory_space<vmem>> -> memref<6144xf32, #tpu.memory_space<vmem>>
    %dma_start3A_42 = arith.constant 0 : i32
    %dma_start3A_43 = tpu.memref_slice %arg2[%select_n3A, %dma_start3A_42] : memref<4x6144xf32, #tpu.memory_space<hbm>> -> memref<1x6144xf32, #tpu.memory_space<hbm>>
    %dma_start3A_44 = tpu.memref_squeeze %dma_start3A_43 : memref<1x6144xf32, #tpu.memory_space<hbm>> -> memref<6144xf32, #tpu.memory_space<hbm>>
    %dma_start3A_45 = arith.constant 0 : i32
    %dma_start3A_46 = tpu.memref_slice %arg7[%dma_start3A_45] : memref<6160xf32, #tpu.memory_space<vmem>> -> memref<6144xf32, #tpu.memory_space<vmem>>
    %dma_start3A_47 = arith.constant 0 : i32
    %dma_start3A_48 = tpu.memref_slice %arg2[%select_n3A, %dma_start3A_47] : memref<4x6144xf32, #tpu.memory_space<hbm>> -> memref<1x6144xf32, #tpu.memory_space<hbm>>
    %dma_start3A_49 = tpu.memref_squeeze %dma_start3A_48 : memref<1x6144xf32, #tpu.memory_space<hbm>> -> memref<6144xf32, #tpu.memory_space<hbm>>
    tpu.enqueue_dma source(%dma_start3A_49 : memref<6144xf32, #tpu.memory_space<hbm>>) target(%dma_start3A_46 : memref<6144xf32, #tpu.memory_space<vmem>>) target_semaphore(%arg13 : memref<!tpu.dma_semaphore, #tpu.memory_space<semaphore_mem>>)
    %dma_wait3A = arith.constant 0 : i32
    %dma_wait3A_50 = tpu.memref_slice %arg6[%dma_wait3A] : memref<24272xi32, #tpu.memory_space<vmem>> -> memref<480xi32, #tpu.memory_space<vmem>>
    %dma_wait3A_51 = arith.constant 0 : i32
    %dma_wait3A_52 = tpu.memref_slice %arg3[%dma_wait3A_51] : memref<24272xi32, #tpu.memory_space<hbm>> -> memref<480xi32, #tpu.memory_space<hbm>>
    %dma_wait3A_53 = arith.constant 0 : i32
    %dma_wait3A_54 = tpu.memref_slice %arg6[%dma_wait3A_53] : memref<24272xi32, #tpu.memory_space<vmem>> -> memref<480xi32, #tpu.memory_space<vmem>>
    %dma_wait3A_55 = arith.constant 0 : i32
    %dma_wait3A_56 = tpu.memref_slice %arg3[%dma_wait3A_55] : memref<24272xi32, #tpu.memory_space<hbm>> -> memref<480xi32, #tpu.memory_space<hbm>>
    tpu.wait_dma2 semaphore(%arg12 : memref<!tpu.dma_semaphore, #tpu.memory_space<semaphore_mem>>) src(%dma_wait3A_56 : memref<480xi32, #tpu.memory_space<hbm>>) dst(%dma_wait3A_54 : memref<480xi32, #tpu.memory_space<vmem>>)
    %dma_wait3A_57 = arith.constant 0 : i32
    %dma_wait3A_58 = tpu.memref_slice %arg7[%dma_wait3A_57] : memref<6160xf32, #tpu.memory_space<vmem>> -> memref<6144xf32, #tpu.memory_space<vmem>>
    %dma_wait3A_59 = arith.constant 0 : i32
    %dma_wait3A_60 = tpu.memref_slice %arg2[%select_n3A, %dma_wait3A_59] : memref<4x6144xf32, #tpu.memory_space<hbm>> -> memref<1x6144xf32, #tpu.memory_space<hbm>>
    %dma_wait3A_61 = tpu.memref_squeeze %dma_wait3A_60 : memref<1x6144xf32, #tpu.memory_space<hbm>> -> memref<6144xf32, #tpu.memory_space<hbm>>
    %dma_wait3A_62 = arith.constant 0 : i32
    %dma_wait3A_63 = tpu.memref_slice %arg7[%dma_wait3A_62] : memref<6160xf32, #tpu.memory_space<vmem>> -> memref<6144xf32, #tpu.memory_space<vmem>>
    %dma_wait3A_64 = arith.constant 0 : i32
    %dma_wait3A_65 = tpu.memref_slice %arg2[%select_n3A, %dma_wait3A_64] : memref<4x6144xf32, #tpu.memory_space<hbm>> -> memref<1x6144xf32, #tpu.memory_space<hbm>>
    %dma_wait3A_66 = tpu.memref_squeeze %dma_wait3A_65 : memref<1x6144xf32, #tpu.memory_space<hbm>> -> memref<6144xf32, #tpu.memory_space<hbm>>
    tpu.wait_dma2 semaphore(%arg13 : memref<!tpu.dma_semaphore, #tpu.memory_space<semaphore_mem>>) src(%dma_wait3A_66 : memref<6144xf32, #tpu.memory_space<hbm>>) dst(%dma_wait3A_63 : memref<6144xf32, #tpu.memory_space<vmem>>)
    %broadcast_in_dim3A = arith.constant 0.000000e+00 : f32
    %broadcast_in_dim3A_67 = vector.broadcast %broadcast_in_dim3A : f32 to vector<16xf32>
    %swap3A = arith.constant 6144 : index
    %swap3A_68 = tpu.vector_load %arg7[%swap3A] {strides = array<i32>} : memref<6160xf32, #tpu.memory_space<vmem>>, vector<16xf32>,
    tpu.vector_store %arg7[%swap3A], %broadcast_in_dim3A_67 {strides = array<i32>} : memref<6160xf32, #tpu.memory_space<vmem>>, vector<16xf32>,
    %swap3A_69 = arith.constant 0 : i32
    %swap3A_70 = arith.constant 0 : i32
    %swap3A_71 = arith.index_cast %swap3A_70 : i32 to index
    %swap3A_72 = memref.load %arg11[%swap3A_71] : memref<1xi32, #tpu.memory_space<smem>>
    memref.store %swap3A_69, %arg11[%swap3A_71] : memref<1xi32, #tpu.memory_space<smem>>
    %scan3A = arith.constant 0 : i32
    %scan3A_73 = arith.constant 0 : i32
    %scan3A_74 = arith.constant 48 : i32
    %scan3A_75 = arith.addi %scan3A_73, %scan3A_74 : i32
    %scan3A_76 = arith.constant 1 : i32
    %scan3A_77 = scf.for %scan3A_131 = %scan3A_73 to %scan3A_75 step %scan3A_76 iter_args(%scan3A_132 = %scan3A) -> (i32)  : i32 {
      %mul3A_133 = arith.constant 16 : i32
      %mul3A_134 = arith.muli %scan3A_131, %mul3A_133 : i32
      %iota3A = tpu.iota {dimensions = array<i32: 0>} : vector<16xi32>
      %add3A_135 = vector.broadcast %mul3A_134 : i32 to vector<16xi32>
      %add3A_136 = arith.addi %add3A_135, %iota3A : vector<16xi32>
      %add3A_137 = vector.broadcast %mul3A_32 : i32 to vector<16xi32>
      %add3A_138 = arith.addi %add3A_137, %add3A_136 : vector<16xi32>
      %mul3A_139 = arith.constant 2731 : i32
      %mul3A_140 = vector.broadcast %mul3A_139 : i32 to vector<16xi32>
      %mul3A_141 = arith.muli %add3A_138, %mul3A_140 : vector<16xi32>
      %shift_right_arithmetic3A = arith.constant 18 : i32
      %shift_right_arithmetic3A_142 = vector.broadcast %shift_right_arithmetic3A : i32 to vector<16xi32>
      %shift_right_arithmetic3A_143 = arith.shrsi %mul3A_141, %shift_right_arithmetic3A_142 : vector<16xi32>
      %mul3A_144 = arith.constant 96 : i32
      %mul3A_145 = vector.broadcast %mul3A_144 : i32 to vector<16xi32>
      %mul3A_146 = arith.muli %shift_right_arithmetic3A_143, %mul3A_145 : vector<16xi32>
      %sub3A_147 = arith.subi %add3A_138, %mul3A_146 : vector<16xi32>
      %broadcast_in_dim3A_148 = arith.constant 0 : i32
      %broadcast_in_dim3A_149 = vector.broadcast %broadcast_in_dim3A_148 : i32 to vector<16xi32>
      %scan3A_150 = arith.constant 0 : i32
      %scan3A_151 = arith.constant 2 : i32
      %scan3A_152 = arith.addi %scan3A_150, %scan3A_151 : i32
      %scan3A_153 = arith.constant 1 : i32
      %scan3A_154 = scf.for %scan3A_482 = %scan3A_150 to %scan3A_152 step %scan3A_153 iter_args(%scan3A_483 = %broadcast_in_dim3A_149) -> (vector<16xi32>)  : i32 {
        %mul3A_484 = arith.constant 16 : i32
        %mul3A_485 = arith.muli %scan3A_482, %mul3A_484 : i32
        %broadcast_in_dim3A_486 = vector.broadcast %mul3A_485 : i32 to vector<16xi32>
        %add3A_487 = arith.constant 0 : i32
        %add3A_488 = vector.broadcast %add3A_487 : i32 to vector<16xi32>
        %add3A_489 = arith.addi %broadcast_in_dim3A_486, %add3A_488 : vector<16xi32>
        %gather3A = tpu.vector_load_idx %arg6[%add3A_489] : memref<24272xi32, #tpu.memory_space<vmem>>[vector<16xi32>], vector<16xi32>,
        %add3A_490 = arith.constant 1 : i32
        %add3A_491 = vector.broadcast %add3A_490 : i32 to vector<16xi32>
        %add3A_492 = arith.addi %broadcast_in_dim3A_486, %add3A_491 : vector<16xi32>
        %gather3A_493 = tpu.vector_load_idx %arg6[%add3A_492] : memref<24272xi32, #tpu.memory_space<vmem>>[vector<16xi32>], vector<16xi32>,
        %add3A_494 = arith.constant 2 : i32
        %add3A_495 = vector.broadcast %add3A_494 : i32 to vector<16xi32>
        %add3A_496 = arith.addi %broadcast_in_dim3A_486, %add3A_495 : vector<16xi32>
        %gather3A_497 = tpu.vector_load_idx %arg6[%add3A_496] : memref<24272xi32, #tpu.memory_space<vmem>>[vector<16xi32>], vector<16xi32>,
        %add3A_498 = arith.constant 3 : i32
        %add3A_499 = vector.broadcast %add3A_498 : i32 to vector<16xi32>
        %add3A_500 = arith.addi %broadcast_in_dim3A_486, %add3A_499 : vector<16xi32>
        %gather3A_501 = tpu.vector_load_idx %arg6[%add3A_500] : memref<24272xi32, #tpu.memory_space<vmem>>[vector<16xi32>], vector<16xi32>,
        %add3A_502 = arith.constant 4 : i32
        %add3A_503 = vector.broadcast %add3A_502 : i32 to vector<16xi32>
        %add3A_504 = arith.addi %broadcast_in_dim3A_486, %add3A_503 : vector<16xi32>
        %gather3A_505 = tpu.vector_load_idx %arg6[%add3A_504] : memref<24272xi32, #tpu.memory_space<vmem>>[vector<16xi32>], vector<16xi32>,
        %add3A_506 = arith.constant 5 : i32
        %add3A_507 = vector.broadcast %add3A_506 : i32 to vector<16xi32>
        %add3A_508 = arith.addi %broadcast_in_dim3A_486, %add3A_507 : vector<16xi32>
        %gather3A_509 = tpu.vector_load_idx %arg6[%add3A_508] : memref<24272xi32, #tpu.memory_space<vmem>>[vector<16xi32>], vector<16xi32>,
        %add3A_510 = arith.constant 6 : i32
        %add3A_511 = vector.broadcast %add3A_510 : i32 to vector<16xi32>
        %add3A_512 = arith.addi %broadcast_in_dim3A_486, %add3A_511 : vector<16xi32>
        %gather3A_513 = tpu.vector_load_idx %arg6[%add3A_512] : memref<24272xi32, #tpu.memory_space<vmem>>[vector<16xi32>], vector<16xi32>,
        %add3A_514 = arith.constant 7 : i32
        %add3A_515 = vector.broadcast %add3A_514 : i32 to vector<16xi32>
        %add3A_516 = arith.addi %broadcast_in_dim3A_486, %add3A_515 : vector<16xi32>
        %gather3A_517 = tpu.vector_load_idx %arg6[%add3A_516] : memref<24272xi32, #tpu.memory_space<vmem>>[vector<16xi32>], vector<16xi32>,
        %add3A_518 = arith.constant 8 : i32
        %add3A_519 = vector.broadcast %add3A_518 : i32 to vector<16xi32>
        %add3A_520 = arith.addi %broadcast_in_dim3A_486, %add3A_519 : vector<16xi32>
        %gather3A_521 = tpu.vector_load_idx %arg6[%add3A_520] : memref<24272xi32, #tpu.memory_space<vmem>>[vector<16xi32>], vector<16xi32>,
        %add3A_522 = arith.constant 9 : i32
        %add3A_523 = vector.broadcast %add3A_522 : i32 to vector<16xi32>
        %add3A_524 = arith.addi %broadcast_in_dim3A_486, %add3A_523 : vector<16xi32>
        %gather3A_525 = tpu.vector_load_idx %arg6[%add3A_524] : memref<24272xi32, #tpu.memory_space<vmem>>[vector<16xi32>], vector<16xi32>,
        %add3A_526 = arith.constant 10 : i32
        %add3A_527 = vector.broadcast %add3A_526 : i32 to vector<16xi32>
        %add3A_528 = arith.addi %broadcast_in_dim3A_486, %add3A_527 : vector<16xi32>
        %gather3A_529 = tpu.vector_load_idx %arg6[%add3A_528] : memref<24272xi32, #tpu.memory_space<vmem>>[vector<16xi32>], vector<16xi32>,
        %add3A_530 = arith.constant 11 : i32
        %add3A_531 = vector.broadcast %add3A_530 : i32 to vector<16xi32>
        %add3A_532 = arith.addi %broadcast_in_dim3A_486, %add3A_531 : vector<16xi32>
        %gather3A_533 = tpu.vector_load_idx %arg6[%add3A_532] : memref<24272xi32, #tpu.memory_space<vmem>>[vector<16xi32>], vector<16xi32>,
        %add3A_534 = arith.constant 12 : i32
        %add3A_535 = vector.broadcast %add3A_534 : i32 to vector<16xi32>
        %add3A_536 = arith.addi %broadcast_in_dim3A_486, %add3A_535 : vector<16xi32>
        %gather3A_537 = tpu.vector_load_idx %arg6[%add3A_536] : memref<24272xi32, #tpu.memory_space<vmem>>[vector<16xi32>], vector<16xi32>,
        %add3A_538 = arith.constant 13 : i32
        %add3A_539 = vector.broadcast %add3A_538 : i32 to vector<16xi32>
        %add3A_540 = arith.addi %broadcast_in_dim3A_486, %add3A_539 : vector<16xi32>
        %gather3A_541 = tpu.vector_load_idx %arg6[%add3A_540] : memref<24272xi32, #tpu.memory_space<vmem>>[vector<16xi32>], vector<16xi32>,
        %add3A_542 = arith.constant 14 : i32
        %add3A_543 = vector.broadcast %add3A_542 : i32 to vector<16xi32>
        %add3A_544 = arith.addi %broadcast_in_dim3A_486, %add3A_543 : vector<16xi32>
        %gather3A_545 = tpu.vector_load_idx %arg6[%add3A_544] : memref<24272xi32, #tpu.memory_space<vmem>>[vector<16xi32>], vector<16xi32>,
        %add3A_546 = arith.constant 15 : i32
        %add3A_547 = vector.broadcast %add3A_546 : i32 to vector<16xi32>
        %add3A_548 = arith.addi %broadcast_in_dim3A_486, %add3A_547 : vector<16xi32>
        %gather3A_549 = tpu.vector_load_idx %arg6[%add3A_548] : memref<24272xi32, #tpu.memory_space<vmem>>[vector<16xi32>], vector<16xi32>,
        %and3A_550 = arith.constant 511 : i32
        %and3A_551 = vector.broadcast %and3A_550 : i32 to vector<16xi32>
        %and3A_552 = arith.andi %gather3A, %and3A_551 : vector<16xi32>
        %sub3A_553 = arith.constant 96 : i32
        %sub3A_554 = vector.broadcast %sub3A_553 : i32 to vector<16xi32>
        %sub3A_555 = arith.subi %and3A_552, %sub3A_554 : vector<16xi32>
        %add3A_556 = arith.addi %sub3A_147, %sub3A_555 : vector<16xi32>
        %shift_right_arithmetic3A_557 = arith.constant 9 : i32
        %shift_right_arithmetic3A_558 = vector.broadcast %shift_right_arithmetic3A_557 : i32 to vector<16xi32>
        %shift_right_arithmetic3A_559 = arith.shrsi %gather3A, %shift_right_arithmetic3A_558 : vector<16xi32>
        %sub3A_560 = arith.constant 64 : i32
        %sub3A_561 = vector.broadcast %sub3A_560 : i32 to vector<16xi32>
        %sub3A_562 = arith.subi %shift_right_arithmetic3A_559, %sub3A_561 : vector<16xi32>
        %add3A_563 = arith.addi %shift_right_arithmetic3A_143, %sub3A_562 : vector<16xi32>
        %lt3A_564 = arith.constant 96 : i32
        %lt3A_565 = vector.broadcast %lt3A_564 : i32 to vector<16xi32>
        %lt3A_566 = arith.cmpi ult, %add3A_556, %lt3A_565 : vector<16xi32>
        %lt3A_567 = arith.constant 64 : i32
        %lt3A_568 = vector.broadcast %lt3A_567 : i32 to vector<16xi32>
        %lt3A_569 = arith.cmpi ult, %add3A_563, %lt3A_568 : vector<16xi32>
        %and3A_570 = arith.andi %lt3A_566, %lt3A_569 : vector<16xi1>
        %mul3A_571 = arith.constant 96 : i32
        %mul3A_572 = vector.broadcast %mul3A_571 : i32 to vector<16xi32>
        %mul3A_573 = arith.muli %add3A_563, %mul3A_572 : vector<16xi32>
        %add3A_574 = arith.addi %mul3A_573, %add3A_556 : vector<16xi32>
        %jit3A_575 = arith.constant 6144 : i32
        %broadcast_in_dim3A_576 = vector.broadcast %jit3A_575 : i32 to vector<16xi32>
        %select_n3A_577 = arith.select %and3A_570, %add3A_574, %broadcast_in_dim3A_576 : vector<16xi1>, vector<16xi32>
        %gather3A_578 = tpu.vector_load_idx %arg7[%select_n3A_577] : memref<6160xf32, #tpu.memory_space<vmem>>[vector<16xi32>], vector<16xf32>,
        %gt3A_579 = arith.constant 1.000000e-03 : f32
        %gt3A_580 = vector.broadcast %gt3A_579 : f32 to vector<16xf32>
        %gt3A_581 = arith.cmpf ogt, %gather3A_578, %gt3A_580 : vector<16xf32>
        %and3A_582 = arith.constant 511 : i32
        %and3A_583 = vector.broadcast %and3A_582 : i32 to vector<16xi32>
        %and3A_584 = arith.andi %gather3A_493, %and3A_583 : vector<16xi32>
        %sub3A_585 = arith.constant 96 : i32
        %sub3A_586 = vector.broadcast %sub3A_585 : i32 to vector<16xi32>
        %sub3A_587 = arith.subi %and3A_584, %sub3A_586 : vector<16xi32>
        %add3A_588 = arith.addi %sub3A_147, %sub3A_587 : vector<16xi32>
        %shift_right_arithmetic3A_589 = arith.constant 9 : i32
        %shift_right_arithmetic3A_590 = vector.broadcast %shift_right_arithmetic3A_589 : i32 to vector<16xi32>
        %shift_right_arithmetic3A_591 = arith.shrsi %gather3A_493, %shift_right_arithmetic3A_590 : vector<16xi32>
        %sub3A_592 = arith.constant 64 : i32
        %sub3A_593 = vector.broadcast %sub3A_592 : i32 to vector<16xi32>
        %sub3A_594 = arith.subi %shift_right_arithmetic3A_591, %sub3A_593 : vector<16xi32>
        %add3A_595 = arith.addi %shift_right_arithmetic3A_143, %sub3A_594 : vector<16xi32>
        %lt3A_596 = arith.constant 96 : i32
        %lt3A_597 = vector.broadcast %lt3A_596 : i32 to vector<16xi32>
        %lt3A_598 = arith.cmpi ult, %add3A_588, %lt3A_597 : vector<16xi32>
        %lt3A_599 = arith.constant 64 : i32
        %lt3A_600 = vector.broadcast %lt3A_599 : i32 to vector<16xi32>
        %lt3A_601 = arith.cmpi ult, %add3A_595, %lt3A_600 : vector<16xi32>
        %and3A_602 = arith.andi %lt3A_598, %lt3A_601 : vector<16xi1>
        %mul3A_603 = arith.constant 96 : i32
        %mul3A_604 = vector.broadcast %mul3A_603 : i32 to vector<16xi32>
        %mul3A_605 = arith.muli %add3A_595, %mul3A_604 : vector<16xi32>
        %add3A_606 = arith.addi %mul3A_605, %add3A_588 : vector<16xi32>
        %jit3A_607 = arith.constant 6144 : i32
        %broadcast_in_dim3A_608 = vector.broadcast %jit3A_607 : i32 to vector<16xi32>
        %select_n3A_609 = arith.select %and3A_602, %add3A_606, %broadcast_in_dim3A_608 : vector<16xi1>, vector<16xi32>
        %gather3A_610 = tpu.vector_load_idx %arg7[%select_n3A_609] : memref<6160xf32, #tpu.memory_space<vmem>>[vector<16xi32>], vector<16xf32>,
        %gt3A_611 = arith.constant 1.000000e-03 : f32
        %gt3A_612 = vector.broadcast %gt3A_611 : f32 to vector<16xf32>
        %gt3A_613 = arith.cmpf ogt, %gather3A_610, %gt3A_612 : vector<16xf32>
        %and3A_614 = arith.constant 511 : i32
        %and3A_615 = vector.broadcast %and3A_614 : i32 to vector<16xi32>
        %and3A_616 = arith.andi %gather3A_497, %and3A_615 : vector<16xi32>
        %sub3A_617 = arith.constant 96 : i32
        %sub3A_618 = vector.broadcast %sub3A_617 : i32 to vector<16xi32>
        %sub3A_619 = arith.subi %and3A_616, %sub3A_618 : vector<16xi32>
        %add3A_620 = arith.addi %sub3A_147, %sub3A_619 : vector<16xi32>
        %shift_right_arithmetic3A_621 = arith.constant 9 : i32
        %shift_right_arithmetic3A_622 = vector.broadcast %shift_right_arithmetic3A_621 : i32 to vector<16xi32>
        %shift_right_arithmetic3A_623 = arith.shrsi %gather3A_497, %shift_right_arithmetic3A_622 : vector<16xi32>
        %sub3A_624 = arith.constant 64 : i32
        %sub3A_625 = vector.broadcast %sub3A_624 : i32 to vector<16xi32>
        %sub3A_626 = arith.subi %shift_right_arithmetic3A_623, %sub3A_625 : vector<16xi32>
        %add3A_627 = arith.addi %shift_right_arithmetic3A_143, %sub3A_626 : vector<16xi32>
        %lt3A_628 = arith.constant 96 : i32
        %lt3A_629 = vector.broadcast %lt3A_628 : i32 to vector<16xi32>
        %lt3A_630 = arith.cmpi ult, %add3A_620, %lt3A_629 : vector<16xi32>
        %lt3A_631 = arith.constant 64 : i32
        %lt3A_632 = vector.broadcast %lt3A_631 : i32 to vector<16xi32>
        %lt3A_633 = arith.cmpi ult, %add3A_627, %lt3A_632 : vector<16xi32>
        %and3A_634 = arith.andi %lt3A_630, %lt3A_633 : vector<16xi1>
        %mul3A_635 = arith.constant 96 : i32
        %mul3A_636 = vector.broadcast %mul3A_635 : i32 to vector<16xi32>
        %mul3A_637 = arith.muli %add3A_627, %mul3A_636 : vector<16xi32>
        %add3A_638 = arith.addi %mul3A_637, %add3A_620 : vector<16xi32>
        %jit3A_639 = arith.constant 6144 : i32
        %broadcast_in_dim3A_640 = vector.broadcast %jit3A_639 : i32 to vector<16xi32>
        %select_n3A_641 = arith.select %and3A_634, %add3A_638, %broadcast_in_dim3A_640 : vector<16xi1>, vector<16xi32>
        %gather3A_642 = tpu.vector_load_idx %arg7[%select_n3A_641] : memref<6160xf32, #tpu.memory_space<vmem>>[vector<16xi32>], vector<16xf32>,
        %gt3A_643 = arith.constant 1.000000e-03 : f32
        %gt3A_644 = vector.broadcast %gt3A_643 : f32 to vector<16xf32>
        %gt3A_645 = arith.cmpf ogt, %gather3A_642, %gt3A_644 : vector<16xf32>
        %and3A_646 = arith.constant 511 : i32
        %and3A_647 = vector.broadcast %and3A_646 : i32 to vector<16xi32>
        %and3A_648 = arith.andi %gather3A_501, %and3A_647 : vector<16xi32>
        %sub3A_649 = arith.constant 96 : i32
        %sub3A_650 = vector.broadcast %sub3A_649 : i32 to vector<16xi32>
        %sub3A_651 = arith.subi %and3A_648, %sub3A_650 : vector<16xi32>
        %add3A_652 = arith.addi %sub3A_147, %sub3A_651 : vector<16xi32>
        %shift_right_arithmetic3A_653 = arith.constant 9 : i32
        %shift_right_arithmetic3A_654 = vector.broadcast %shift_right_arithmetic3A_653 : i32 to vector<16xi32>
        %shift_right_arithmetic3A_655 = arith.shrsi %gather3A_501, %shift_right_arithmetic3A_654 : vector<16xi32>
        %sub3A_656 = arith.constant 64 : i32
        %sub3A_657 = vector.broadcast %sub3A_656 : i32 to vector<16xi32>
        %sub3A_658 = arith.subi %shift_right_arithmetic3A_655, %sub3A_657 : vector<16xi32>
        %add3A_659 = arith.addi %shift_right_arithmetic3A_143, %sub3A_658 : vector<16xi32>
        %lt3A_660 = arith.constant 96 : i32
        %lt3A_661 = vector.broadcast %lt3A_660 : i32 to vector<16xi32>
        %lt3A_662 = arith.cmpi ult, %add3A_652, %lt3A_661 : vector<16xi32>
        %lt3A_663 = arith.constant 64 : i32
        %lt3A_664 = vector.broadcast %lt3A_663 : i32 to vector<16xi32>
        %lt3A_665 = arith.cmpi ult, %add3A_659, %lt3A_664 : vector<16xi32>
        %and3A_666 = arith.andi %lt3A_662, %lt3A_665 : vector<16xi1>
        %mul3A_667 = arith.constant 96 : i32
        %mul3A_668 = vector.broadcast %mul3A_667 : i32 to vector<16xi32>
        %mul3A_669 = arith.muli %add3A_659, %mul3A_668 : vector<16xi32>
        %add3A_670 = arith.addi %mul3A_669, %add3A_652 : vector<16xi32>
        %jit3A_671 = arith.constant 6144 : i32
        %broadcast_in_dim3A_672 = vector.broadcast %jit3A_671 : i32 to vector<16xi32>
        %select_n3A_673 = arith.select %and3A_666, %add3A_670, %broadcast_in_dim3A_672 : vector<16xi1>, vector<16xi32>
        %gather3A_674 = tpu.vector_load_idx %arg7[%select_n3A_673] : memref<6160xf32, #tpu.memory_space<vmem>>[vector<16xi32>], vector<16xf32>,
        %gt3A_675 = arith.constant 1.000000e-03 : f32
        %gt3A_676 = vector.broadcast %gt3A_675 : f32 to vector<16xf32>
        %gt3A_677 = arith.cmpf ogt, %gather3A_674, %gt3A_676 : vector<16xf32>
        %and3A_678 = arith.constant 511 : i32
        %and3A_679 = vector.broadcast %and3A_678 : i32 to vector<16xi32>
        %and3A_680 = arith.andi %gather3A_505, %and3A_679 : vector<16xi32>
        %sub3A_681 = arith.constant 96 : i32
        %sub3A_682 = vector.broadcast %sub3A_681 : i32 to vector<16xi32>
        %sub3A_683 = arith.subi %and3A_680, %sub3A_682 : vector<16xi32>
        %add3A_684 = arith.addi %sub3A_147, %sub3A_683 : vector<16xi32>
        %shift_right_arithmetic3A_685 = arith.constant 9 : i32
        %shift_right_arithmetic3A_686 = vector.broadcast %shift_right_arithmetic3A_685 : i32 to vector<16xi32>
        %shift_right_arithmetic3A_687 = arith.shrsi %gather3A_505, %shift_right_arithmetic3A_686 : vector<16xi32>
        %sub3A_688 = arith.constant 64 : i32
        %sub3A_689 = vector.broadcast %sub3A_688 : i32 to vector<16xi32>
        %sub3A_690 = arith.subi %shift_right_arithmetic3A_687, %sub3A_689 : vector<16xi32>
        %add3A_691 = arith.addi %shift_right_arithmetic3A_143, %sub3A_690 : vector<16xi32>
        %lt3A_692 = arith.constant 96 : i32
        %lt3A_693 = vector.broadcast %lt3A_692 : i32 to vector<16xi32>
        %lt3A_694 = arith.cmpi ult, %add3A_684, %lt3A_693 : vector<16xi32>
        %lt3A_695 = arith.constant 64 : i32
        %lt3A_696 = vector.broadcast %lt3A_695 : i32 to vector<16xi32>
        %lt3A_697 = arith.cmpi ult, %add3A_691, %lt3A_696 : vector<16xi32>
        %and3A_698 = arith.andi %lt3A_694, %lt3A_697 : vector<16xi1>
        %mul3A_699 = arith.constant 96 : i32
        %mul3A_700 = vector.broadcast %mul3A_699 : i32 to vector<16xi32>
        %mul3A_701 = arith.muli %add3A_691, %mul3A_700 : vector<16xi32>
        %add3A_702 = arith.addi %mul3A_701, %add3A_684 : vector<16xi32>
        %jit3A_703 = arith.constant 6144 : i32
        %broadcast_in_dim3A_704 = vector.broadcast %jit3A_703 : i32 to vector<16xi32>
        %select_n3A_705 = arith.select %and3A_698, %add3A_702, %broadcast_in_dim3A_704 : vector<16xi1>, vector<16xi32>
        %gather3A_706 = tpu.vector_load_idx %arg7[%select_n3A_705] : memref<6160xf32, #tpu.memory_space<vmem>>[vector<16xi32>], vector<16xf32>,
        %gt3A_707 = arith.constant 1.000000e-03 : f32
        %gt3A_708 = vector.broadcast %gt3A_707 : f32 to vector<16xf32>
        %gt3A_709 = arith.cmpf ogt, %gather3A_706, %gt3A_708 : vector<16xf32>
        %and3A_710 = arith.constant 511 : i32
        %and3A_711 = vector.broadcast %and3A_710 : i32 to vector<16xi32>
        %and3A_712 = arith.andi %gather3A_509, %and3A_711 : vector<16xi32>
        %sub3A_713 = arith.constant 96 : i32
        %sub3A_714 = vector.broadcast %sub3A_713 : i32 to vector<16xi32>
        %sub3A_715 = arith.subi %and3A_712, %sub3A_714 : vector<16xi32>
        %add3A_716 = arith.addi %sub3A_147, %sub3A_715 : vector<16xi32>
        %shift_right_arithmetic3A_717 = arith.constant 9 : i32
        %shift_right_arithmetic3A_718 = vector.broadcast %shift_right_arithmetic3A_717 : i32 to vector<16xi32>
        %shift_right_arithmetic3A_719 = arith.shrsi %gather3A_509, %shift_right_arithmetic3A_718 : vector<16xi32>
        %sub3A_720 = arith.constant 64 : i32
        %sub3A_721 = vector.broadcast %sub3A_720 : i32 to vector<16xi32>
        %sub3A_722 = arith.subi %shift_right_arithmetic3A_719, %sub3A_721 : vector<16xi32>
        %add3A_723 = arith.addi %shift_right_arithmetic3A_143, %sub3A_722 : vector<16xi32>
        %lt3A_724 = arith.constant 96 : i32
        %lt3A_725 = vector.broadcast %lt3A_724 : i32 to vector<16xi32>
        %lt3A_726 = arith.cmpi ult, %add3A_716, %lt3A_725 : vector<16xi32>
        %lt3A_727 = arith.constant 64 : i32
        %lt3A_728 = vector.broadcast %lt3A_727 : i32 to vector<16xi32>
        %lt3A_729 = arith.cmpi ult, %add3A_723, %lt3A_728 : vector<16xi32>
        %and3A_730 = arith.andi %lt3A_726, %lt3A_729 : vector<16xi1>
        %mul3A_731 = arith.constant 96 : i32
        %mul3A_732 = vector.broadcast %mul3A_731 : i32 to vector<16xi32>
        %mul3A_733 = arith.muli %add3A_723, %mul3A_732 : vector<16xi32>
        %add3A_734 = arith.addi %mul3A_733, %add3A_716 : vector<16xi32>
        %jit3A_735 = arith.constant 6144 : i32
        %broadcast_in_dim3A_736 = vector.broadcast %jit3A_735 : i32 to vector<16xi32>
        %select_n3A_737 = arith.select %and3A_730, %add3A_734, %broadcast_in_dim3A_736 : vector<16xi1>, vector<16xi32>
        %gather3A_738 = tpu.vector_load_idx %arg7[%select_n3A_737] : memref<6160xf32, #tpu.memory_space<vmem>>[vector<16xi32>], vector<16xf32>,
        %gt3A_739 = arith.constant 1.000000e-03 : f32
        %gt3A_740 = vector.broadcast %gt3A_739 : f32 to vector<16xf32>
        %gt3A_741 = arith.cmpf ogt, %gather3A_738, %gt3A_740 : vector<16xf32>
        %and3A_742 = arith.constant 511 : i32
        %and3A_743 = vector.broadcast %and3A_742 : i32 to vector<16xi32>
        %and3A_744 = arith.andi %gather3A_513, %and3A_743 : vector<16xi32>
        %sub3A_745 = arith.constant 96 : i32
        %sub3A_746 = vector.broadcast %sub3A_745 : i32 to vector<16xi32>
        %sub3A_747 = arith.subi %and3A_744, %sub3A_746 : vector<16xi32>
        %add3A_748 = arith.addi %sub3A_147, %sub3A_747 : vector<16xi32>
        %shift_right_arithmetic3A_749 = arith.constant 9 : i32
        %shift_right_arithmetic3A_750 = vector.broadcast %shift_right_arithmetic3A_749 : i32 to vector<16xi32>
        %shift_right_arithmetic3A_751 = arith.shrsi %gather3A_513, %shift_right_arithmetic3A_750 : vector<16xi32>
        %sub3A_752 = arith.constant 64 : i32
        %sub3A_753 = vector.broadcast %sub3A_752 : i32 to vector<16xi32>
        %sub3A_754 = arith.subi %shift_right_arithmetic3A_751, %sub3A_753 : vector<16xi32>
        %add3A_755 = arith.addi %shift_right_arithmetic3A_143, %sub3A_754 : vector<16xi32>
        %lt3A_756 = arith.constant 96 : i32
        %lt3A_757 = vector.broadcast %lt3A_756 : i32 to vector<16xi32>
        %lt3A_758 = arith.cmpi ult, %add3A_748, %lt3A_757 : vector<16xi32>
        %lt3A_759 = arith.constant 64 : i32
        %lt3A_760 = vector.broadcast %lt3A_759 : i32 to vector<16xi32>
        %lt3A_761 = arith.cmpi ult, %add3A_755, %lt3A_760 : vector<16xi32>
        %and3A_762 = arith.andi %lt3A_758, %lt3A_761 : vector<16xi1>
        %mul3A_763 = arith.constant 96 : i32
        %mul3A_764 = vector.broadcast %mul3A_763 : i32 to vector<16xi32>
        %mul3A_765 = arith.muli %add3A_755, %mul3A_764 : vector<16xi32>
        %add3A_766 = arith.addi %mul3A_765, %add3A_748 : vector<16xi32>
        %jit3A_767 = arith.constant 6144 : i32
        %broadcast_in_dim3A_768 = vector.broadcast %jit3A_767 : i32 to vector<16xi32>
        %select_n3A_769 = arith.select %and3A_762, %add3A_766, %broadcast_in_dim3A_768 : vector<16xi1>, vector<16xi32>
        %gather3A_770 = tpu.vector_load_idx %arg7[%select_n3A_769] : memref<6160xf32, #tpu.memory_space<vmem>>[vector<16xi32>], vector<16xf32>,
        %gt3A_771 = arith.constant 1.000000e-03 : f32
        %gt3A_772 = vector.broadcast %gt3A_771 : f32 to vector<16xf32>
        %gt3A_773 = arith.cmpf ogt, %gather3A_770, %gt3A_772 : vector<16xf32>
        %and3A_774 = arith.constant 511 : i32
        %and3A_775 = vector.broadcast %and3A_774 : i32 to vector<16xi32>
        %and3A_776 = arith.andi %gather3A_517, %and3A_775 : vector<16xi32>
        %sub3A_777 = arith.constant 96 : i32
        %sub3A_778 = vector.broadcast %sub3A_777 : i32 to vector<16xi32>
        %sub3A_779 = arith.subi %and3A_776, %sub3A_778 : vector<16xi32>
        %add3A_780 = arith.addi %sub3A_147, %sub3A_779 : vector<16xi32>
        %shift_right_arithmetic3A_781 = arith.constant 9 : i32
        %shift_right_arithmetic3A_782 = vector.broadcast %shift_right_arithmetic3A_781 : i32 to vector<16xi32>
        %shift_right_arithmetic3A_783 = arith.shrsi %gather3A_517, %shift_right_arithmetic3A_782 : vector<16xi32>
        %sub3A_784 = arith.constant 64 : i32
        %sub3A_785 = vector.broadcast %sub3A_784 : i32 to vector<16xi32>
        %sub3A_786 = arith.subi %shift_right_arithmetic3A_783, %sub3A_785 : vector<16xi32>
        %add3A_787 = arith.addi %shift_right_arithmetic3A_143, %sub3A_786 : vector<16xi32>
        %lt3A_788 = arith.constant 96 : i32
        %lt3A_789 = vector.broadcast %lt3A_788 : i32 to vector<16xi32>
        %lt3A_790 = arith.cmpi ult, %add3A_780, %lt3A_789 : vector<16xi32>
        %lt3A_791 = arith.constant 64 : i32
        %lt3A_792 = vector.broadcast %lt3A_791 : i32 to vector<16xi32>
        %lt3A_793 = arith.cmpi ult, %add3A_787, %lt3A_792 : vector<16xi32>
        %and3A_794 = arith.andi %lt3A_790, %lt3A_793 : vector<16xi1>
        %mul3A_795 = arith.constant 96 : i32
        %mul3A_796 = vector.broadcast %mul3A_795 : i32 to vector<16xi32>
        %mul3A_797 = arith.muli %add3A_787, %mul3A_796 : vector<16xi32>
        %add3A_798 = arith.addi %mul3A_797, %add3A_780 : vector<16xi32>
        %jit3A_799 = arith.constant 6144 : i32
        %broadcast_in_dim3A_800 = vector.broadcast %jit3A_799 : i32 to vector<16xi32>
        %select_n3A_801 = arith.select %and3A_794, %add3A_798, %broadcast_in_dim3A_800 : vector<16xi1>, vector<16xi32>
        %gather3A_802 = tpu.vector_load_idx %arg7[%select_n3A_801] : memref<6160xf32, #tpu.memory_space<vmem>>[vector<16xi32>], vector<16xf32>,
        %gt3A_803 = arith.constant 1.000000e-03 : f32
        %gt3A_804 = vector.broadcast %gt3A_803 : f32 to vector<16xf32>
        %gt3A_805 = arith.cmpf ogt, %gather3A_802, %gt3A_804 : vector<16xf32>
        %and3A_806 = arith.constant 511 : i32
        %and3A_807 = vector.broadcast %and3A_806 : i32 to vector<16xi32>
        %and3A_808 = arith.andi %gather3A_521, %and3A_807 : vector<16xi32>
        %sub3A_809 = arith.constant 96 : i32
        %sub3A_810 = vector.broadcast %sub3A_809 : i32 to vector<16xi32>
        %sub3A_811 = arith.subi %and3A_808, %sub3A_810 : vector<16xi32>
        %add3A_812 = arith.addi %sub3A_147, %sub3A_811 : vector<16xi32>
        %shift_right_arithmetic3A_813 = arith.constant 9 : i32
        %shift_right_arithmetic3A_814 = vector.broadcast %shift_right_arithmetic3A_813 : i32 to vector<16xi32>
        %shift_right_arithmetic3A_815 = arith.shrsi %gather3A_521, %shift_right_arithmetic3A_814 : vector<16xi32>
        %sub3A_816 = arith.constant 64 : i32
        %sub3A_817 = vector.broadcast %sub3A_816 : i32 to vector<16xi32>
        %sub3A_818 = arith.subi %shift_right_arithmetic3A_815, %sub3A_817 : vector<16xi32>
        %add3A_819 = arith.addi %shift_right_arithmetic3A_143, %sub3A_818 : vector<16xi32>
        %lt3A_820 = arith.constant 96 : i32
        %lt3A_821 = vector.broadcast %lt3A_820 : i32 to vector<16xi32>
        %lt3A_822 = arith.cmpi ult, %add3A_812, %lt3A_821 : vector<16xi32>
        %lt3A_823 = arith.constant 64 : i32
        %lt3A_824 = vector.broadcast %lt3A_823 : i32 to vector<16xi32>
        %lt3A_825 = arith.cmpi ult, %add3A_819, %lt3A_824 : vector<16xi32>
        %and3A_826 = arith.andi %lt3A_822, %lt3A_825 : vector<16xi1>
        %mul3A_827 = arith.constant 96 : i32
        %mul3A_828 = vector.broadcast %mul3A_827 : i32 to vector<16xi32>
        %mul3A_829 = arith.muli %add3A_819, %mul3A_828 : vector<16xi32>
        %add3A_830 = arith.addi %mul3A_829, %add3A_812 : vector<16xi32>
        %jit3A_831 = arith.constant 6144 : i32
        %broadcast_in_dim3A_832 = vector.broadcast %jit3A_831 : i32 to vector<16xi32>
        %select_n3A_833 = arith.select %and3A_826, %add3A_830, %broadcast_in_dim3A_832 : vector<16xi1>, vector<16xi32>
        %gather3A_834 = tpu.vector_load_idx %arg7[%select_n3A_833] : memref<6160xf32, #tpu.memory_space<vmem>>[vector<16xi32>], vector<16xf32>,
        %gt3A_835 = arith.constant 1.000000e-03 : f32
        %gt3A_836 = vector.broadcast %gt3A_835 : f32 to vector<16xf32>
        %gt3A_837 = arith.cmpf ogt, %gather3A_834, %gt3A_836 : vector<16xf32>
        %and3A_838 = arith.constant 511 : i32
        %and3A_839 = vector.broadcast %and3A_838 : i32 to vector<16xi32>
        %and3A_840 = arith.andi %gather3A_525, %and3A_839 : vector<16xi32>
        %sub3A_841 = arith.constant 96 : i32
        %sub3A_842 = vector.broadcast %sub3A_841 : i32 to vector<16xi32>
        %sub3A_843 = arith.subi %and3A_840, %sub3A_842 : vector<16xi32>
        %add3A_844 = arith.addi %sub3A_147, %sub3A_843 : vector<16xi32>
        %shift_right_arithmetic3A_845 = arith.constant 9 : i32
        %shift_right_arithmetic3A_846 = vector.broadcast %shift_right_arithmetic3A_845 : i32 to vector<16xi32>
        %shift_right_arithmetic3A_847 = arith.shrsi %gather3A_525, %shift_right_arithmetic3A_846 : vector<16xi32>
        %sub3A_848 = arith.constant 64 : i32
        %sub3A_849 = vector.broadcast %sub3A_848 : i32 to vector<16xi32>
        %sub3A_850 = arith.subi %shift_right_arithmetic3A_847, %sub3A_849 : vector<16xi32>
        %add3A_851 = arith.addi %shift_right_arithmetic3A_143, %sub3A_850 : vector<16xi32>
        %lt3A_852 = arith.constant 96 : i32
        %lt3A_853 = vector.broadcast %lt3A_852 : i32 to vector<16xi32>
        %lt3A_854 = arith.cmpi ult, %add3A_844, %lt3A_853 : vector<16xi32>
        %lt3A_855 = arith.constant 64 : i32
        %lt3A_856 = vector.broadcast %lt3A_855 : i32 to vector<16xi32>
        %lt3A_857 = arith.cmpi ult, %add3A_851, %lt3A_856 : vector<16xi32>
        %and3A_858 = arith.andi %lt3A_854, %lt3A_857 : vector<16xi1>
        %mul3A_859 = arith.constant 96 : i32
        %mul3A_860 = vector.broadcast %mul3A_859 : i32 to vector<16xi32>
        %mul3A_861 = arith.muli %add3A_851, %mul3A_860 : vector<16xi32>
        %add3A_862 = arith.addi %mul3A_861, %add3A_844 : vector<16xi32>
        %jit3A_863 = arith.constant 6144 : i32
        %broadcast_in_dim3A_864 = vector.broadcast %jit3A_863 : i32 to vector<16xi32>
        %select_n3A_865 = arith.select %and3A_858, %add3A_862, %broadcast_in_dim3A_864 : vector<16xi1>, vector<16xi32>
        %gather3A_866 = tpu.vector_load_idx %arg7[%select_n3A_865] : memref<6160xf32, #tpu.memory_space<vmem>>[vector<16xi32>], vector<16xf32>,
        %gt3A_867 = arith.constant 1.000000e-03 : f32
        %gt3A_868 = vector.broadcast %gt3A_867 : f32 to vector<16xf32>
        %gt3A_869 = arith.cmpf ogt, %gather3A_866, %gt3A_868 : vector<16xf32>
        %and3A_870 = arith.constant 511 : i32
        %and3A_871 = vector.broadcast %and3A_870 : i32 to vector<16xi32>
        %and3A_872 = arith.andi %gather3A_529, %and3A_871 : vector<16xi32>
        %sub3A_873 = arith.constant 96 : i32
        %sub3A_874 = vector.broadcast %sub3A_873 : i32 to vector<16xi32>
        %sub3A_875 = arith.subi %and3A_872, %sub3A_874 : vector<16xi32>
        %add3A_876 = arith.addi %sub3A_147, %sub3A_875 : vector<16xi32>
        %shift_right_arithmetic3A_877 = arith.constant 9 : i32
        %shift_right_arithmetic3A_878 = vector.broadcast %shift_right_arithmetic3A_877 : i32 to vector<16xi32>
        %shift_right_arithmetic3A_879 = arith.shrsi %gather3A_529, %shift_right_arithmetic3A_878 : vector<16xi32>
        %sub3A_880 = arith.constant 64 : i32
        %sub3A_881 = vector.broadcast %sub3A_880 : i32 to vector<16xi32>
        %sub3A_882 = arith.subi %shift_right_arithmetic3A_879, %sub3A_881 : vector<16xi32>
        %add3A_883 = arith.addi %shift_right_arithmetic3A_143, %sub3A_882 : vector<16xi32>
        %lt3A_884 = arith.constant 96 : i32
        %lt3A_885 = vector.broadcast %lt3A_884 : i32 to vector<16xi32>
        %lt3A_886 = arith.cmpi ult, %add3A_876, %lt3A_885 : vector<16xi32>
        %lt3A_887 = arith.constant 64 : i32
        %lt3A_888 = vector.broadcast %lt3A_887 : i32 to vector<16xi32>
        %lt3A_889 = arith.cmpi ult, %add3A_883, %lt3A_888 : vector<16xi32>
        %and3A_890 = arith.andi %lt3A_886, %lt3A_889 : vector<16xi1>
        %mul3A_891 = arith.constant 96 : i32
        %mul3A_892 = vector.broadcast %mul3A_891 : i32 to vector<16xi32>
        %mul3A_893 = arith.muli %add3A_883, %mul3A_892 : vector<16xi32>
        %add3A_894 = arith.addi %mul3A_893, %add3A_876 : vector<16xi32>
        %jit3A_895 = arith.constant 6144 : i32
        %broadcast_in_dim3A_896 = vector.broadcast %jit3A_895 : i32 to vector<16xi32>
        %select_n3A_897 = arith.select %and3A_890, %add3A_894, %broadcast_in_dim3A_896 : vector<16xi1>, vector<16xi32>
        %gather3A_898 = tpu.vector_load_idx %arg7[%select_n3A_897] : memref<6160xf32, #tpu.memory_space<vmem>>[vector<16xi32>], vector<16xf32>,
        %gt3A_899 = arith.constant 1.000000e-03 : f32
        %gt3A_900 = vector.broadcast %gt3A_899 : f32 to vector<16xf32>
        %gt3A_901 = arith.cmpf ogt, %gather3A_898, %gt3A_900 : vector<16xf32>
        %and3A_902 = arith.constant 511 : i32
        %and3A_903 = vector.broadcast %and3A_902 : i32 to vector<16xi32>
        %and3A_904 = arith.andi %gather3A_533, %and3A_903 : vector<16xi32>
        %sub3A_905 = arith.constant 96 : i32
        %sub3A_906 = vector.broadcast %sub3A_905 : i32 to vector<16xi32>
        %sub3A_907 = arith.subi %and3A_904, %sub3A_906 : vector<16xi32>
        %add3A_908 = arith.addi %sub3A_147, %sub3A_907 : vector<16xi32>
        %shift_right_arithmetic3A_909 = arith.constant 9 : i32
        %shift_right_arithmetic3A_910 = vector.broadcast %shift_right_arithmetic3A_909 : i32 to vector<16xi32>
        %shift_right_arithmetic3A_911 = arith.shrsi %gather3A_533, %shift_right_arithmetic3A_910 : vector<16xi32>
        %sub3A_912 = arith.constant 64 : i32
        %sub3A_913 = vector.broadcast %sub3A_912 : i32 to vector<16xi32>
        %sub3A_914 = arith.subi %shift_right_arithmetic3A_911, %sub3A_913 : vector<16xi32>
        %add3A_915 = arith.addi %shift_right_arithmetic3A_143, %sub3A_914 : vector<16xi32>
        %lt3A_916 = arith.constant 96 : i32
        %lt3A_917 = vector.broadcast %lt3A_916 : i32 to vector<16xi32>
        %lt3A_918 = arith.cmpi ult, %add3A_908, %lt3A_917 : vector<16xi32>
        %lt3A_919 = arith.constant 64 : i32
        %lt3A_920 = vector.broadcast %lt3A_919 : i32 to vector<16xi32>
        %lt3A_921 = arith.cmpi ult, %add3A_915, %lt3A_920 : vector<16xi32>
        %and3A_922 = arith.andi %lt3A_918, %lt3A_921 : vector<16xi1>
        %mul3A_923 = arith.constant 96 : i32
        %mul3A_924 = vector.broadcast %mul3A_923 : i32 to vector<16xi32>
        %mul3A_925 = arith.muli %add3A_915, %mul3A_924 : vector<16xi32>
        %add3A_926 = arith.addi %mul3A_925, %add3A_908 : vector<16xi32>
        %jit3A_927 = arith.constant 6144 : i32
        %broadcast_in_dim3A_928 = vector.broadcast %jit3A_927 : i32 to vector<16xi32>
        %select_n3A_929 = arith.select %and3A_922, %add3A_926, %broadcast_in_dim3A_928 : vector<16xi1>, vector<16xi32>
        %gather3A_930 = tpu.vector_load_idx %arg7[%select_n3A_929] : memref<6160xf32, #tpu.memory_space<vmem>>[vector<16xi32>], vector<16xf32>,
        %gt3A_931 = arith.constant 1.000000e-03 : f32
        %gt3A_932 = vector.broadcast %gt3A_931 : f32 to vector<16xf32>
        %gt3A_933 = arith.cmpf ogt, %gather3A_930, %gt3A_932 : vector<16xf32>
        %and3A_934 = arith.constant 511 : i32
        %and3A_935 = vector.broadcast %and3A_934 : i32 to vector<16xi32>
        %and3A_936 = arith.andi %gather3A_537, %and3A_935 : vector<16xi32>
        %sub3A_937 = arith.constant 96 : i32
        %sub3A_938 = vector.broadcast %sub3A_937 : i32 to vector<16xi32>
        %sub3A_939 = arith.subi %and3A_936, %sub3A_938 : vector<16xi32>
        %add3A_940 = arith.addi %sub3A_147, %sub3A_939 : vector<16xi32>
        %shift_right_arithmetic3A_941 = arith.constant 9 : i32
        %shift_right_arithmetic3A_942 = vector.broadcast %shift_right_arithmetic3A_941 : i32 to vector<16xi32>
        %shift_right_arithmetic3A_943 = arith.shrsi %gather3A_537, %shift_right_arithmetic3A_942 : vector<16xi32>
        %sub3A_944 = arith.constant 64 : i32
        %sub3A_945 = vector.broadcast %sub3A_944 : i32 to vector<16xi32>
        %sub3A_946 = arith.subi %shift_right_arithmetic3A_943, %sub3A_945 : vector<16xi32>
        %add3A_947 = arith.addi %shift_right_arithmetic3A_143, %sub3A_946 : vector<16xi32>
        %lt3A_948 = arith.constant 96 : i32
        %lt3A_949 = vector.broadcast %lt3A_948 : i32 to vector<16xi32>
        %lt3A_950 = arith.cmpi ult, %add3A_940, %lt3A_949 : vector<16xi32>
        %lt3A_951 = arith.constant 64 : i32
        %lt3A_952 = vector.broadcast %lt3A_951 : i32 to vector<16xi32>
        %lt3A_953 = arith.cmpi ult, %add3A_947, %lt3A_952 : vector<16xi32>
        %and3A_954 = arith.andi %lt3A_950, %lt3A_953 : vector<16xi1>
        %mul3A_955 = arith.constant 96 : i32
        %mul3A_956 = vector.broadcast %mul3A_955 : i32 to vector<16xi32>
        %mul3A_957 = arith.muli %add3A_947, %mul3A_956 : vector<16xi32>
        %add3A_958 = arith.addi %mul3A_957, %add3A_940 : vector<16xi32>
        %jit3A_959 = arith.constant 6144 : i32
        %broadcast_in_dim3A_960 = vector.broadcast %jit3A_959 : i32 to vector<16xi32>
        %select_n3A_961 = arith.select %and3A_954, %add3A_958, %broadcast_in_dim3A_960 : vector<16xi1>, vector<16xi32>
        %gather3A_962 = tpu.vector_load_idx %arg7[%select_n3A_961] : memref<6160xf32, #tpu.memory_space<vmem>>[vector<16xi32>], vector<16xf32>,
        %gt3A_963 = arith.constant 1.000000e-03 : f32
        %gt3A_964 = vector.broadcast %gt3A_963 : f32 to vector<16xf32>
        %gt3A_965 = arith.cmpf ogt, %gather3A_962, %gt3A_964 : vector<16xf32>
        %and3A_966 = arith.constant 511 : i32
        %and3A_967 = vector.broadcast %and3A_966 : i32 to vector<16xi32>
        %and3A_968 = arith.andi %gather3A_541, %and3A_967 : vector<16xi32>
        %sub3A_969 = arith.constant 96 : i32
        %sub3A_970 = vector.broadcast %sub3A_969 : i32 to vector<16xi32>
        %sub3A_971 = arith.subi %and3A_968, %sub3A_970 : vector<16xi32>
        %add3A_972 = arith.addi %sub3A_147, %sub3A_971 : vector<16xi32>
        %shift_right_arithmetic3A_973 = arith.constant 9 : i32
        %shift_right_arithmetic3A_974 = vector.broadcast %shift_right_arithmetic3A_973 : i32 to vector<16xi32>
        %shift_right_arithmetic3A_975 = arith.shrsi %gather3A_541, %shift_right_arithmetic3A_974 : vector<16xi32>
        %sub3A_976 = arith.constant 64 : i32
        %sub3A_977 = vector.broadcast %sub3A_976 : i32 to vector<16xi32>
        %sub3A_978 = arith.subi %shift_right_arithmetic3A_975, %sub3A_977 : vector<16xi32>
        %add3A_979 = arith.addi %shift_right_arithmetic3A_143, %sub3A_978 : vector<16xi32>
        %lt3A_980 = arith.constant 96 : i32
        %lt3A_981 = vector.broadcast %lt3A_980 : i32 to vector<16xi32>
        %lt3A_982 = arith.cmpi ult, %add3A_972, %lt3A_981 : vector<16xi32>
        %lt3A_983 = arith.constant 64 : i32
        %lt3A_984 = vector.broadcast %lt3A_983 : i32 to vector<16xi32>
        %lt3A_985 = arith.cmpi ult, %add3A_979, %lt3A_984 : vector<16xi32>
        %and3A_986 = arith.andi %lt3A_982, %lt3A_985 : vector<16xi1>
        %mul3A_987 = arith.constant 96 : i32
        %mul3A_988 = vector.broadcast %mul3A_987 : i32 to vector<16xi32>
        %mul3A_989 = arith.muli %add3A_979, %mul3A_988 : vector<16xi32>
        %add3A_990 = arith.addi %mul3A_989, %add3A_972 : vector<16xi32>
        %jit3A_991 = arith.constant 6144 : i32
        %broadcast_in_dim3A_992 = vector.broadcast %jit3A_991 : i32 to vector<16xi32>
        %select_n3A_993 = arith.select %and3A_986, %add3A_990, %broadcast_in_dim3A_992 : vector<16xi1>, vector<16xi32>
        %gather3A_994 = tpu.vector_load_idx %arg7[%select_n3A_993] : memref<6160xf32, #tpu.memory_space<vmem>>[vector<16xi32>], vector<16xf32>,
        %gt3A_995 = arith.constant 1.000000e-03 : f32
        %gt3A_996 = vector.broadcast %gt3A_995 : f32 to vector<16xf32>
        %gt3A_997 = arith.cmpf ogt, %gather3A_994, %gt3A_996 : vector<16xf32>
        %and3A_998 = arith.constant 511 : i32
        %and3A_999 = vector.broadcast %and3A_998 : i32 to vector<16xi32>
        %and3A_1000 = arith.andi %gather3A_545, %and3A_999 : vector<16xi32>
        %sub3A_1001 = arith.constant 96 : i32
        %sub3A_1002 = vector.broadcast %sub3A_1001 : i32 to vector<16xi32>
        %sub3A_1003 = arith.subi %and3A_1000, %sub3A_1002 : vector<16xi32>
        %add3A_1004 = arith.addi %sub3A_147, %sub3A_1003 : vector<16xi32>
        %shift_right_arithmetic3A_1005 = arith.constant 9 : i32
        %shift_right_arithmetic3A_1006 = vector.broadcast %shift_right_arithmetic3A_1005 : i32 to vector<16xi32>
        %shift_right_arithmetic3A_1007 = arith.shrsi %gather3A_545, %shift_right_arithmetic3A_1006 : vector<16xi32>
        %sub3A_1008 = arith.constant 64 : i32
        %sub3A_1009 = vector.broadcast %sub3A_1008 : i32 to vector<16xi32>
        %sub3A_1010 = arith.subi %shift_right_arithmetic3A_1007, %sub3A_1009 : vector<16xi32>
        %add3A_1011 = arith.addi %shift_right_arithmetic3A_143, %sub3A_1010 : vector<16xi32>
        %lt3A_1012 = arith.constant 96 : i32
        %lt3A_1013 = vector.broadcast %lt3A_1012 : i32 to vector<16xi32>
        %lt3A_1014 = arith.cmpi ult, %add3A_1004, %lt3A_1013 : vector<16xi32>
        %lt3A_1015 = arith.constant 64 : i32
        %lt3A_1016 = vector.broadcast %lt3A_1015 : i32 to vector<16xi32>
        %lt3A_1017 = arith.cmpi ult, %add3A_1011, %lt3A_1016 : vector<16xi32>
        %and3A_1018 = arith.andi %lt3A_1014, %lt3A_1017 : vector<16xi1>
        %mul3A_1019 = arith.constant 96 : i32
        %mul3A_1020 = vector.broadcast %mul3A_1019 : i32 to vector<16xi32>
        %mul3A_1021 = arith.muli %add3A_1011, %mul3A_1020 : vector<16xi32>
        %add3A_1022 = arith.addi %mul3A_1021, %add3A_1004 : vector<16xi32>
        %jit3A_1023 = arith.constant 6144 : i32
        %broadcast_in_dim3A_1024 = vector.broadcast %jit3A_1023 : i32 to vector<16xi32>
        %select_n3A_1025 = arith.select %and3A_1018, %add3A_1022, %broadcast_in_dim3A_1024 : vector<16xi1>, vector<16xi32>
        %gather3A_1026 = tpu.vector_load_idx %arg7[%select_n3A_1025] : memref<6160xf32, #tpu.memory_space<vmem>>[vector<16xi32>], vector<16xf32>,
        %gt3A_1027 = arith.constant 1.000000e-03 : f32
        %gt3A_1028 = vector.broadcast %gt3A_1027 : f32 to vector<16xf32>
        %gt3A_1029 = arith.cmpf ogt, %gather3A_1026, %gt3A_1028 : vector<16xf32>
        %and3A_1030 = arith.constant 511 : i32
        %and3A_1031 = vector.broadcast %and3A_1030 : i32 to vector<16xi32>
        %and3A_1032 = arith.andi %gather3A_549, %and3A_1031 : vector<16xi32>
        %sub3A_1033 = arith.constant 96 : i32
        %sub3A_1034 = vector.broadcast %sub3A_1033 : i32 to vector<16xi32>
        %sub3A_1035 = arith.subi %and3A_1032, %sub3A_1034 : vector<16xi32>
        %add3A_1036 = arith.addi %sub3A_147, %sub3A_1035 : vector<16xi32>
        %shift_right_arithmetic3A_1037 = arith.constant 9 : i32
        %shift_right_arithmetic3A_1038 = vector.broadcast %shift_right_arithmetic3A_1037 : i32 to vector<16xi32>
        %shift_right_arithmetic3A_1039 = arith.shrsi %gather3A_549, %shift_right_arithmetic3A_1038 : vector<16xi32>
        %sub3A_1040 = arith.constant 64 : i32
        %sub3A_1041 = vector.broadcast %sub3A_1040 : i32 to vector<16xi32>
        %sub3A_1042 = arith.subi %shift_right_arithmetic3A_1039, %sub3A_1041 : vector<16xi32>
        %add3A_1043 = arith.addi %shift_right_arithmetic3A_143, %sub3A_1042 : vector<16xi32>
        %lt3A_1044 = arith.constant 96 : i32
        %lt3A_1045 = vector.broadcast %lt3A_1044 : i32 to vector<16xi32>
        %lt3A_1046 = arith.cmpi ult, %add3A_1036, %lt3A_1045 : vector<16xi32>
        %lt3A_1047 = arith.constant 64 : i32
        %lt3A_1048 = vector.broadcast %lt3A_1047 : i32 to vector<16xi32>
        %lt3A_1049 = arith.cmpi ult, %add3A_1043, %lt3A_1048 : vector<16xi32>
        %and3A_1050 = arith.andi %lt3A_1046, %lt3A_1049 : vector<16xi1>
        %mul3A_1051 = arith.constant 96 : i32
        %mul3A_1052 = vector.broadcast %mul3A_1051 : i32 to vector<16xi32>
        %mul3A_1053 = arith.muli %add3A_1043, %mul3A_1052 : vector<16xi32>
        %add3A_1054 = arith.addi %mul3A_1053, %add3A_1036 : vector<16xi32>
        %jit3A_1055 = arith.constant 6144 : i32
        %broadcast_in_dim3A_1056 = vector.broadcast %jit3A_1055 : i32 to vector<16xi32>
        %select_n3A_1057 = arith.select %and3A_1050, %add3A_1054, %broadcast_in_dim3A_1056 : vector<16xi1>, vector<16xi32>
        %gather3A_1058 = tpu.vector_load_idx %arg7[%select_n3A_1057] : memref<6160xf32, #tpu.memory_space<vmem>>[vector<16xi32>], vector<16xf32>,
        %gt3A_1059 = arith.constant 1.000000e-03 : f32
        %gt3A_1060 = vector.broadcast %gt3A_1059 : f32 to vector<16xf32>
        %gt3A_1061 = arith.cmpf ogt, %gather3A_1058, %gt3A_1060 : vector<16xf32>
        tpu.vector_store_idx %arg8[%scan3A_483, %add3A_136], %add3A_574 masked %gt3A_581 : memref<9x768xi32, #tpu.memory_space<vmem>>[vector<16xi32>, vector<16xi32>], vector<16xi32>, vector<16xi1>
        %jit3A_1062 = arith.constant 1 : i32
        %jit3A_1063 = arith.constant 0 : i32
        %broadcast_in_dim3A_1064 = vector.broadcast %jit3A_1062 : i32 to vector<16xi32>
        %broadcast_in_dim3A_1065 = vector.broadcast %jit3A_1063 : i32 to vector<16xi32>
        %select_n3A_1066 = arith.select %gt3A_581, %broadcast_in_dim3A_1064, %broadcast_in_dim3A_1065 : vector<16xi1>, vector<16xi32>
        %add3A_1067 = arith.addi %scan3A_483, %select_n3A_1066 : vector<16xi32>
        %min3A = arith.constant 8 : i32
        %min3A_1068 = vector.broadcast %min3A : i32 to vector<16xi32>
        %min3A_1069 = arith.minsi %add3A_1067, %min3A_1068 : vector<16xi32>
        tpu.vector_store_idx %arg8[%min3A_1069, %add3A_136], %add3A_606 masked %gt3A_613 : memref<9x768xi32, #tpu.memory_space<vmem>>[vector<16xi32>, vector<16xi32>], vector<16xi32>, vector<16xi1>
        %jit3A_1070 = arith.constant 1 : i32
        %jit3A_1071 = arith.constant 0 : i32
        %broadcast_in_dim3A_1072 = vector.broadcast %jit3A_1070 : i32 to vector<16xi32>
        %broadcast_in_dim3A_1073 = vector.broadcast %jit3A_1071 : i32 to vector<16xi32>
        %select_n3A_1074 = arith.select %gt3A_613, %broadcast_in_dim3A_1072, %broadcast_in_dim3A_1073 : vector<16xi1>, vector<16xi32>
        %add3A_1075 = arith.addi %min3A_1069, %select_n3A_1074 : vector<16xi32>
        %min3A_1076 = arith.constant 8 : i32
        %min3A_1077 = vector.broadcast %min3A_1076 : i32 to vector<16xi32>
        %min3A_1078 = arith.minsi %add3A_1075, %min3A_1077 : vector<16xi32>
        tpu.vector_store_idx %arg8[%min3A_1078, %add3A_136], %add3A_638 masked %gt3A_645 : memref<9x768xi32, #tpu.memory_space<vmem>>[vector<16xi32>, vector<16xi32>], vector<16xi32>, vector<16xi1>
        %jit3A_1079 = arith.constant 1 : i32
        %jit3A_1080 = arith.constant 0 : i32
        %broadcast_in_dim3A_1081 = vector.broadcast %jit3A_1079 : i32 to vector<16xi32>
        %broadcast_in_dim3A_1082 = vector.broadcast %jit3A_1080 : i32 to vector<16xi32>
        %select_n3A_1083 = arith.select %gt3A_645, %broadcast_in_dim3A_1081, %broadcast_in_dim3A_1082 : vector<16xi1>, vector<16xi32>
        %add3A_1084 = arith.addi %min3A_1078, %select_n3A_1083 : vector<16xi32>
        %min3A_1085 = arith.constant 8 : i32
        %min3A_1086 = vector.broadcast %min3A_1085 : i32 to vector<16xi32>
        %min3A_1087 = arith.minsi %add3A_1084, %min3A_1086 : vector<16xi32>
        tpu.vector_store_idx %arg8[%min3A_1087, %add3A_136], %add3A_670 masked %gt3A_677 : memref<9x768xi32, #tpu.memory_space<vmem>>[vector<16xi32>, vector<16xi32>], vector<16xi32>, vector<16xi1>
        %jit3A_1088 = arith.constant 1 : i32
        %jit3A_1089 = arith.constant 0 : i32
        %broadcast_in_dim3A_1090 = vector.broadcast %jit3A_1088 : i32 to vector<16xi32>
        %broadcast_in_dim3A_1091 = vector.broadcast %jit3A_1089 : i32 to vector<16xi32>
        %select_n3A_1092 = arith.select %gt3A_677, %broadcast_in_dim3A_1090, %broadcast_in_dim3A_1091 : vector<16xi1>, vector<16xi32>
        %add3A_1093 = arith.addi %min3A_1087, %select_n3A_1092 : vector<16xi32>
        %min3A_1094 = arith.constant 8 : i32
        %min3A_1095 = vector.broadcast %min3A_1094 : i32 to vector<16xi32>
        %min3A_1096 = arith.minsi %add3A_1093, %min3A_1095 : vector<16xi32>
        tpu.vector_store_idx %arg8[%min3A_1096, %add3A_136], %add3A_702 masked %gt3A_709 : memref<9x768xi32, #tpu.memory_space<vmem>>[vector<16xi32>, vector<16xi32>], vector<16xi32>, vector<16xi1>
        %jit3A_1097 = arith.constant 1 : i32
        %jit3A_1098 = arith.constant 0 : i32
        %broadcast_in_dim3A_1099 = vector.broadcast %jit3A_1097 : i32 to vector<16xi32>
        %broadcast_in_dim3A_1100 = vector.broadcast %jit3A_1098 : i32 to vector<16xi32>
        %select_n3A_1101 = arith.select %gt3A_709, %broadcast_in_dim3A_1099, %broadcast_in_dim3A_1100 : vector<16xi1>, vector<16xi32>
        %add3A_1102 = arith.addi %min3A_1096, %select_n3A_1101 : vector<16xi32>
        %min3A_1103 = arith.constant 8 : i32
        %min3A_1104 = vector.broadcast %min3A_1103 : i32 to vector<16xi32>
        %min3A_1105 = arith.minsi %add3A_1102, %min3A_1104 : vector<16xi32>
        tpu.vector_store_idx %arg8[%min3A_1105, %add3A_136], %add3A_734 masked %gt3A_741 : memref<9x768xi32, #tpu.memory_space<vmem>>[vector<16xi32>, vector<16xi32>], vector<16xi32>, vector<16xi1>
        %jit3A_1106 = arith.constant 1 : i32
        %jit3A_1107 = arith.constant 0 : i32
        %broadcast_in_dim3A_1108 = vector.broadcast %jit3A_1106 : i32 to vector<16xi32>
        %broadcast_in_dim3A_1109 = vector.broadcast %jit3A_1107 : i32 to vector<16xi32>
        %select_n3A_1110 = arith.select %gt3A_741, %broadcast_in_dim3A_1108, %broadcast_in_dim3A_1109 : vector<16xi1>, vector<16xi32>
        %add3A_1111 = arith.addi %min3A_1105, %select_n3A_1110 : vector<16xi32>
        %min3A_1112 = arith.constant 8 : i32
        %min3A_1113 = vector.broadcast %min3A_1112 : i32 to vector<16xi32>
        %min3A_1114 = arith.minsi %add3A_1111, %min3A_1113 : vector<16xi32>
        tpu.vector_store_idx %arg8[%min3A_1114, %add3A_136], %add3A_766 masked %gt3A_773 : memref<9x768xi32, #tpu.memory_space<vmem>>[vector<16xi32>, vector<16xi32>], vector<16xi32>, vector<16xi1>
        %jit3A_1115 = arith.constant 1 : i32
        %jit3A_1116 = arith.constant 0 : i32
        %broadcast_in_dim3A_1117 = vector.broadcast %jit3A_1115 : i32 to vector<16xi32>
        %broadcast_in_dim3A_1118 = vector.broadcast %jit3A_1116 : i32 to vector<16xi32>
        %select_n3A_1119 = arith.select %gt3A_773, %broadcast_in_dim3A_1117, %broadcast_in_dim3A_1118 : vector<16xi1>, vector<16xi32>
        %add3A_1120 = arith.addi %min3A_1114, %select_n3A_1119 : vector<16xi32>
        %min3A_1121 = arith.constant 8 : i32
        %min3A_1122 = vector.broadcast %min3A_1121 : i32 to vector<16xi32>
        %min3A_1123 = arith.minsi %add3A_1120, %min3A_1122 : vector<16xi32>
        tpu.vector_store_idx %arg8[%min3A_1123, %add3A_136], %add3A_798 masked %gt3A_805 : memref<9x768xi32, #tpu.memory_space<vmem>>[vector<16xi32>, vector<16xi32>], vector<16xi32>, vector<16xi1>
        %jit3A_1124 = arith.constant 1 : i32
        %jit3A_1125 = arith.constant 0 : i32
        %broadcast_in_dim3A_1126 = vector.broadcast %jit3A_1124 : i32 to vector<16xi32>
        %broadcast_in_dim3A_1127 = vector.broadcast %jit3A_1125 : i32 to vector<16xi32>
        %select_n3A_1128 = arith.select %gt3A_805, %broadcast_in_dim3A_1126, %broadcast_in_dim3A_1127 : vector<16xi1>, vector<16xi32>
        %add3A_1129 = arith.addi %min3A_1123, %select_n3A_1128 : vector<16xi32>
        %min3A_1130 = arith.constant 8 : i32
        %min3A_1131 = vector.broadcast %min3A_1130 : i32 to vector<16xi32>
        %min3A_1132 = arith.minsi %add3A_1129, %min3A_1131 : vector<16xi32>
        tpu.vector_store_idx %arg8[%min3A_1132, %add3A_136], %add3A_830 masked %gt3A_837 : memref<9x768xi32, #tpu.memory_space<vmem>>[vector<16xi32>, vector<16xi32>], vector<16xi32>, vector<16xi1>
        %jit3A_1133 = arith.constant 1 : i32
        %jit3A_1134 = arith.constant 0 : i32
        %broadcast_in_dim3A_1135 = vector.broadcast %jit3A_1133 : i32 to vector<16xi32>
        %broadcast_in_dim3A_1136 = vector.broadcast %jit3A_1134 : i32 to vector<16xi32>
        %select_n3A_1137 = arith.select %gt3A_837, %broadcast_in_dim3A_1135, %broadcast_in_dim3A_1136 : vector<16xi1>, vector<16xi32>
        %add3A_1138 = arith.addi %min3A_1132, %select_n3A_1137 : vector<16xi32>
        %min3A_1139 = arith.constant 8 : i32
        %min3A_1140 = vector.broadcast %min3A_1139 : i32 to vector<16xi32>
        %min3A_1141 = arith.minsi %add3A_1138, %min3A_1140 : vector<16xi32>
        tpu.vector_store_idx %arg8[%min3A_1141, %add3A_136], %add3A_862 masked %gt3A_869 : memref<9x768xi32, #tpu.memory_space<vmem>>[vector<16xi32>, vector<16xi32>], vector<16xi32>, vector<16xi1>
        %jit3A_1142 = arith.constant 1 : i32
        %jit3A_1143 = arith.constant 0 : i32
        %broadcast_in_dim3A_1144 = vector.broadcast %jit3A_1142 : i32 to vector<16xi32>
        %broadcast_in_dim3A_1145 = vector.broadcast %jit3A_1143 : i32 to vector<16xi32>
        %select_n3A_1146 = arith.select %gt3A_869, %broadcast_in_dim3A_1144, %broadcast_in_dim3A_1145 : vector<16xi1>, vector<16xi32>
        %add3A_1147 = arith.addi %min3A_1141, %select_n3A_1146 : vector<16xi32>
        %min3A_1148 = arith.constant 8 : i32
        %min3A_1149 = vector.broadcast %min3A_1148 : i32 to vector<16xi32>
        %min3A_1150 = arith.minsi %add3A_1147, %min3A_1149 : vector<16xi32>
        tpu.vector_store_idx %arg8[%min3A_1150, %add3A_136], %add3A_894 masked %gt3A_901 : memref<9x768xi32, #tpu.memory_space<vmem>>[vector<16xi32>, vector<16xi32>], vector<16xi32>, vector<16xi1>
        %jit3A_1151 = arith.constant 1 : i32
        %jit3A_1152 = arith.constant 0 : i32
        %broadcast_in_dim3A_1153 = vector.broadcast %jit3A_1151 : i32 to vector<16xi32>
        %broadcast_in_dim3A_1154 = vector.broadcast %jit3A_1152 : i32 to vector<16xi32>
        %select_n3A_1155 = arith.select %gt3A_901, %broadcast_in_dim3A_1153, %broadcast_in_dim3A_1154 : vector<16xi1>, vector<16xi32>
        %add3A_1156 = arith.addi %min3A_1150, %select_n3A_1155 : vector<16xi32>
        %min3A_1157 = arith.constant 8 : i32
        %min3A_1158 = vector.broadcast %min3A_1157 : i32 to vector<16xi32>
        %min3A_1159 = arith.minsi %add3A_1156, %min3A_1158 : vector<16xi32>
        tpu.vector_store_idx %arg8[%min3A_1159, %add3A_136], %add3A_926 masked %gt3A_933 : memref<9x768xi32, #tpu.memory_space<vmem>>[vector<16xi32>, vector<16xi32>], vector<16xi32>, vector<16xi1>
        %jit3A_1160 = arith.constant 1 : i32
        %jit3A_1161 = arith.constant 0 : i32
        %broadcast_in_dim3A_1162 = vector.broadcast %jit3A_1160 : i32 to vector<16xi32>
        %broadcast_in_dim3A_1163 = vector.broadcast %jit3A_1161 : i32 to vector<16xi32>
        %select_n3A_1164 = arith.select %gt3A_933, %broadcast_in_dim3A_1162, %broadcast_in_dim3A_1163 : vector<16xi1>, vector<16xi32>
        %add3A_1165 = arith.addi %min3A_1159, %select_n3A_1164 : vector<16xi32>
        %min3A_1166 = arith.constant 8 : i32
        %min3A_1167 = vector.broadcast %min3A_1166 : i32 to vector<16xi32>
        %min3A_1168 = arith.minsi %add3A_1165, %min3A_1167 : vector<16xi32>
        tpu.vector_store_idx %arg8[%min3A_1168, %add3A_136], %add3A_958 masked %gt3A_965 : memref<9x768xi32, #tpu.memory_space<vmem>>[vector<16xi32>, vector<16xi32>], vector<16xi32>, vector<16xi1>
        %jit3A_1169 = arith.constant 1 : i32
        %jit3A_1170 = arith.constant 0 : i32
        %broadcast_in_dim3A_1171 = vector.broadcast %jit3A_1169 : i32 to vector<16xi32>
        %broadcast_in_dim3A_1172 = vector.broadcast %jit3A_1170 : i32 to vector<16xi32>
        %select_n3A_1173 = arith.select %gt3A_965, %broadcast_in_dim3A_1171, %broadcast_in_dim3A_1172 : vector<16xi1>, vector<16xi32>
        %add3A_1174 = arith.addi %min3A_1168, %select_n3A_1173 : vector<16xi32>
        %min3A_1175 = arith.constant 8 : i32
        %min3A_1176 = vector.broadcast %min3A_1175 : i32 to vector<16xi32>
        %min3A_1177 = arith.minsi %add3A_1174, %min3A_1176 : vector<16xi32>
        tpu.vector_store_idx %arg8[%min3A_1177, %add3A_136], %add3A_990 masked %gt3A_997 : memref<9x768xi32, #tpu.memory_space<vmem>>[vector<16xi32>, vector<16xi32>], vector<16xi32>, vector<16xi1>
        %jit3A_1178 = arith.constant 1 : i32
        %jit3A_1179 = arith.constant 0 : i32
        %broadcast_in_dim3A_1180 = vector.broadcast %jit3A_1178 : i32 to vector<16xi32>
        %broadcast_in_dim3A_1181 = vector.broadcast %jit3A_1179 : i32 to vector<16xi32>
        %select_n3A_1182 = arith.select %gt3A_997, %broadcast_in_dim3A_1180, %broadcast_in_dim3A_1181 : vector<16xi1>, vector<16xi32>
        %add3A_1183 = arith.addi %min3A_1177, %select_n3A_1182 : vector<16xi32>
        %min3A_1184 = arith.constant 8 : i32
        %min3A_1185 = vector.broadcast %min3A_1184 : i32 to vector<16xi32>
        %min3A_1186 = arith.minsi %add3A_1183, %min3A_1185 : vector<16xi32>
        tpu.vector_store_idx %arg8[%min3A_1186, %add3A_136], %add3A_1022 masked %gt3A_1029 : memref<9x768xi32, #tpu.memory_space<vmem>>[vector<16xi32>, vector<16xi32>], vector<16xi32>, vector<16xi1>
        %jit3A_1187 = arith.constant 1 : i32
        %jit3A_1188 = arith.constant 0 : i32
        %broadcast_in_dim3A_1189 = vector.broadcast %jit3A_1187 : i32 to vector<16xi32>
        %broadcast_in_dim3A_1190 = vector.broadcast %jit3A_1188 : i32 to vector<16xi32>
        %select_n3A_1191 = arith.select %gt3A_1029, %broadcast_in_dim3A_1189, %broadcast_in_dim3A_1190 : vector<16xi1>, vector<16xi32>
        %add3A_1192 = arith.addi %min3A_1186, %select_n3A_1191 : vector<16xi32>
        %min3A_1193 = arith.constant 8 : i32
        %min3A_1194 = vector.broadcast %min3A_1193 : i32 to vector<16xi32>
        %min3A_1195 = arith.minsi %add3A_1192, %min3A_1194 : vector<16xi32>
        tpu.vector_store_idx %arg8[%min3A_1195, %add3A_136], %add3A_1054 masked %gt3A_1061 : memref<9x768xi32, #tpu.memory_space<vmem>>[vector<16xi32>, vector<16xi32>], vector<16xi32>, vector<16xi1>
        %jit3A_1196 = arith.constant 1 : i32
        %jit3A_1197 = arith.constant 0 : i32
        %broadcast_in_dim3A_1198 = vector.broadcast %jit3A_1196 : i32 to vector<16xi32>
        %broadcast_in_dim3A_1199 = vector.broadcast %jit3A_1197 : i32 to vector<16xi32>
        %select_n3A_1200 = arith.select %gt3A_1061, %broadcast_in_dim3A_1198, %broadcast_in_dim3A_1199 : vector<16xi1>, vector<16xi32>
        %add3A_1201 = arith.addi %min3A_1195, %select_n3A_1200 : vector<16xi32>
        %min3A_1202 = arith.constant 8 : i32
        %min3A_1203 = vector.broadcast %min3A_1202 : i32 to vector<16xi32>
        %min3A_1204 = arith.minsi %add3A_1201, %min3A_1203 : vector<16xi32>
        scf.yield %min3A_1204 : vector<16xi32>
      }
      %scan3A_155 = arith.constant 2 : i32
      %lt3A_156 = arith.constant 8 : i32
      %lt3A_157 = vector.broadcast %lt3A_156 : i32 to vector<16xi32>
      %lt3A_158 = arith.cmpi slt, %scan3A_154, %lt3A_157 : vector<16xi32>
      %all_reduce_population_count3A = tpu.all_reduce %lt3A_158 {dim = 0 : i64, kind = #tpu.reduction_kind<sum>} : vector<16xi1> -> vector<16xi32>
      %slice3A = vector.extract_strided_slice %all_reduce_population_count3A {offsets = [0], sizes = [1], strides = [1]} : vector<16xi32> to vector<1xi32>
      %squeeze3A = vector.extract %slice3A[0] : i32 from vector<1xi32>
      %gt3A = arith.constant 0 : i32
      %gt3A_159 = arith.cmpi sgt, %squeeze3A, %gt3A : i32
      %jit3A_160 = arith.constant 4 : i32
      %jit3A_161 = arith.constant 2 : i32
      %select_n3A_162 = arith.select %gt3A_159, %jit3A_160, %jit3A_161 : i32
      %while3A = arith.constant 2 : i32
      %while3A_163 = arith.subi %select_n3A_162, %while3A : i32
      %while3A_164 = arith.addi %while3A, %while3A_163 : i32
      %while3A_165 = arith.constant 1 : i32
      %while3A_166 = arith.divsi %while3A_163, %while3A_165 : i32
      %while3A_167 = arith.muli %while3A_166, %while3A_165 : i32
      %while3A_168 = arith.addi %while3A, %while3A_167 : i32
      %while3A_169 = arith.constant 1 : i32
      %while3A_170 = scf.for %while3A_482 = %while3A to %while3A_168 step %while3A_169 iter_args(%while3A_483 = %scan3A_154) -> (vector<16xi32>)  : i32 {
        %mul3A_484 = arith.constant 16 : i32
        %mul3A_485 = arith.muli %while3A_482, %mul3A_484 : i32
        %broadcast_in_dim3A_486 = vector.broadcast %mul3A_485 : i32 to vector<16xi32>
        %add3A_487 = arith.constant 0 : i32
        %add3A_488 = vector.broadcast %add3A_487 : i32 to vector<16xi32>
        %add3A_489 = arith.addi %broadcast_in_dim3A_486, %add3A_488 : vector<16xi32>
        %gather3A = tpu.vector_load_idx %arg6[%add3A_489] : memref<24272xi32, #tpu.memory_space<vmem>>[vector<16xi32>], vector<16xi32>,
        %add3A_490 = arith.constant 1 : i32
        %add3A_491 = vector.broadcast %add3A_490 : i32 to vector<16xi32>
        %add3A_492 = arith.addi %broadcast_in_dim3A_486, %add3A_491 : vector<16xi32>
        %gather3A_493 = tpu.vector_load_idx %arg6[%add3A_492] : memref<24272xi32, #tpu.memory_space<vmem>>[vector<16xi32>], vector<16xi32>,
        %add3A_494 = arith.constant 2 : i32
        %add3A_495 = vector.broadcast %add3A_494 : i32 to vector<16xi32>
        %add3A_496 = arith.addi %broadcast_in_dim3A_486, %add3A_495 : vector<16xi32>
        %gather3A_497 = tpu.vector_load_idx %arg6[%add3A_496] : memref<24272xi32, #tpu.memory_space<vmem>>[vector<16xi32>], vector<16xi32>,
        %add3A_498 = arith.constant 3 : i32
        %add3A_499 = vector.broadcast %add3A_498 : i32 to vector<16xi32>
        %add3A_500 = arith.addi %broadcast_in_dim3A_486, %add3A_499 : vector<16xi32>
        %gather3A_501 = tpu.vector_load_idx %arg6[%add3A_500] : memref<24272xi32, #tpu.memory_space<vmem>>[vector<16xi32>], vector<16xi32>,
        %add3A_502 = arith.constant 4 : i32
        %add3A_503 = vector.broadcast %add3A_502 : i32 to vector<16xi32>
        %add3A_504 = arith.addi %broadcast_in_dim3A_486, %add3A_503 : vector<16xi32>
        %gather3A_505 = tpu.vector_load_idx %arg6[%add3A_504] : memref<24272xi32, #tpu.memory_space<vmem>>[vector<16xi32>], vector<16xi32>,
        %add3A_506 = arith.constant 5 : i32
        %add3A_507 = vector.broadcast %add3A_506 : i32 to vector<16xi32>
        %add3A_508 = arith.addi %broadcast_in_dim3A_486, %add3A_507 : vector<16xi32>
        %gather3A_509 = tpu.vector_load_idx %arg6[%add3A_508] : memref<24272xi32, #tpu.memory_space<vmem>>[vector<16xi32>], vector<16xi32>,
        %add3A_510 = arith.constant 6 : i32
        %add3A_511 = vector.broadcast %add3A_510 : i32 to vector<16xi32>
        %add3A_512 = arith.addi %broadcast_in_dim3A_486, %add3A_511 : vector<16xi32>
        %gather3A_513 = tpu.vector_load_idx %arg6[%add3A_512] : memref<24272xi32, #tpu.memory_space<vmem>>[vector<16xi32>], vector<16xi32>,
        %add3A_514 = arith.constant 7 : i32
        %add3A_515 = vector.broadcast %add3A_514 : i32 to vector<16xi32>
        %add3A_516 = arith.addi %broadcast_in_dim3A_486, %add3A_515 : vector<16xi32>
        %gather3A_517 = tpu.vector_load_idx %arg6[%add3A_516] : memref<24272xi32, #tpu.memory_space<vmem>>[vector<16xi32>], vector<16xi32>,
        %add3A_518 = arith.constant 8 : i32
        %add3A_519 = vector.broadcast %add3A_518 : i32 to vector<16xi32>
        %add3A_520 = arith.addi %broadcast_in_dim3A_486, %add3A_519 : vector<16xi32>
        %gather3A_521 = tpu.vector_load_idx %arg6[%add3A_520] : memref<24272xi32, #tpu.memory_space<vmem>>[vector<16xi32>], vector<16xi32>,
        %add3A_522 = arith.constant 9 : i32
        %add3A_523 = vector.broadcast %add3A_522 : i32 to vector<16xi32>
        %add3A_524 = arith.addi %broadcast_in_dim3A_486, %add3A_523 : vector<16xi32>
        %gather3A_525 = tpu.vector_load_idx %arg6[%add3A_524] : memref<24272xi32, #tpu.memory_space<vmem>>[vector<16xi32>], vector<16xi32>,
        %add3A_526 = arith.constant 10 : i32
        %add3A_527 = vector.broadcast %add3A_526 : i32 to vector<16xi32>
        %add3A_528 = arith.addi %broadcast_in_dim3A_486, %add3A_527 : vector<16xi32>
        %gather3A_529 = tpu.vector_load_idx %arg6[%add3A_528] : memref<24272xi32, #tpu.memory_space<vmem>>[vector<16xi32>], vector<16xi32>,
        %add3A_530 = arith.constant 11 : i32
        %add3A_531 = vector.broadcast %add3A_530 : i32 to vector<16xi32>
        %add3A_532 = arith.addi %broadcast_in_dim3A_486, %add3A_531 : vector<16xi32>
        %gather3A_533 = tpu.vector_load_idx %arg6[%add3A_532] : memref<24272xi32, #tpu.memory_space<vmem>>[vector<16xi32>], vector<16xi32>,
        %add3A_534 = arith.constant 12 : i32
        %add3A_535 = vector.broadcast %add3A_534 : i32 to vector<16xi32>
        %add3A_536 = arith.addi %broadcast_in_dim3A_486, %add3A_535 : vector<16xi32>
        %gather3A_537 = tpu.vector_load_idx %arg6[%add3A_536] : memref<24272xi32, #tpu.memory_space<vmem>>[vector<16xi32>], vector<16xi32>,
        %add3A_538 = arith.constant 13 : i32
        %add3A_539 = vector.broadcast %add3A_538 : i32 to vector<16xi32>
        %add3A_540 = arith.addi %broadcast_in_dim3A_486, %add3A_539 : vector<16xi32>
        %gather3A_541 = tpu.vector_load_idx %arg6[%add3A_540] : memref<24272xi32, #tpu.memory_space<vmem>>[vector<16xi32>], vector<16xi32>,
        %add3A_542 = arith.constant 14 : i32
        %add3A_543 = vector.broadcast %add3A_542 : i32 to vector<16xi32>
        %add3A_544 = arith.addi %broadcast_in_dim3A_486, %add3A_543 : vector<16xi32>
        %gather3A_545 = tpu.vector_load_idx %arg6[%add3A_544] : memref<24272xi32, #tpu.memory_space<vmem>>[vector<16xi32>], vector<16xi32>,
        %add3A_546 = arith.constant 15 : i32
        %add3A_547 = vector.broadcast %add3A_546 : i32 to vector<16xi32>
        %add3A_548 = arith.addi %broadcast_in_dim3A_486, %add3A_547 : vector<16xi32>
        %gather3A_549 = tpu.vector_load_idx %arg6[%add3A_548] : memref<24272xi32, #tpu.memory_space<vmem>>[vector<16xi32>], vector<16xi32>,
        %and3A_550 = arith.constant 511 : i32
        %and3A_551 = vector.broadcast %and3A_550 : i32 to vector<16xi32>
        %and3A_552 = arith.andi %gather3A, %and3A_551 : vector<16xi32>
        %sub3A_553 = arith.constant 96 : i32
        %sub3A_554 = vector.broadcast %sub3A_553 : i32 to vector<16xi32>
        %sub3A_555 = arith.subi %and3A_552, %sub3A_554 : vector<16xi32>
        %add3A_556 = arith.addi %sub3A_147, %sub3A_555 : vector<16xi32>
        %shift_right_arithmetic3A_557 = arith.constant 9 : i32
        %shift_right_arithmetic3A_558 = vector.broadcast %shift_right_arithmetic3A_557 : i32 to vector<16xi32>
        %shift_right_arithmetic3A_559 = arith.shrsi %gather3A, %shift_right_arithmetic3A_558 : vector<16xi32>
        %sub3A_560 = arith.constant 64 : i32
        %sub3A_561 = vector.broadcast %sub3A_560 : i32 to vector<16xi32>
        %sub3A_562 = arith.subi %shift_right_arithmetic3A_559, %sub3A_561 : vector<16xi32>
        %add3A_563 = arith.addi %shift_right_arithmetic3A_143, %sub3A_562 : vector<16xi32>
        %lt3A_564 = arith.constant 96 : i32
        %lt3A_565 = vector.broadcast %lt3A_564 : i32 to vector<16xi32>
        %lt3A_566 = arith.cmpi ult, %add3A_556, %lt3A_565 : vector<16xi32>
        %lt3A_567 = arith.constant 64 : i32
        %lt3A_568 = vector.broadcast %lt3A_567 : i32 to vector<16xi32>
        %lt3A_569 = arith.cmpi ult, %add3A_563, %lt3A_568 : vector<16xi32>
        %and3A_570 = arith.andi %lt3A_566, %lt3A_569 : vector<16xi1>
        %mul3A_571 = arith.constant 96 : i32
        %mul3A_572 = vector.broadcast %mul3A_571 : i32 to vector<16xi32>
        %mul3A_573 = arith.muli %add3A_563, %mul3A_572 : vector<16xi32>
        %add3A_574 = arith.addi %mul3A_573, %add3A_556 : vector<16xi32>
        %jit3A_575 = arith.constant 6144 : i32
        %broadcast_in_dim3A_576 = vector.broadcast %jit3A_575 : i32 to vector<16xi32>
        %select_n3A_577 = arith.select %and3A_570, %add3A_574, %broadcast_in_dim3A_576 : vector<16xi1>, vector<16xi32>
        %gather3A_578 = tpu.vector_load_idx %arg7[%select_n3A_577] : memref<6160xf32, #tpu.memory_space<vmem>>[vector<16xi32>], vector<16xf32>,
        %gt3A_579 = arith.constant 1.000000e-03 : f32
        %gt3A_580 = vector.broadcast %gt3A_579 : f32 to vector<16xf32>
        %gt3A_581 = arith.cmpf ogt, %gather3A_578, %gt3A_580 : vector<16xf32>
        %and3A_582 = arith.constant 511 : i32
        %and3A_583 = vector.broadcast %and3A_582 : i32 to vector<16xi32>
        %and3A_584 = arith.andi %gather3A_493, %and3A_583 : vector<16xi32>
        %sub3A_585 = arith.constant 96 : i32
        %sub3A_586 = vector.broadcast %sub3A_585 : i32 to vector<16xi32>
        %sub3A_587 = arith.subi %and3A_584, %sub3A_586 : vector<16xi32>
        %add3A_588 = arith.addi %sub3A_147, %sub3A_587 : vector<16xi32>
        %shift_right_arithmetic3A_589 = arith.constant 9 : i32
        %shift_right_arithmetic3A_590 = vector.broadcast %shift_right_arithmetic3A_589 : i32 to vector<16xi32>
        %shift_right_arithmetic3A_591 = arith.shrsi %gather3A_493, %shift_right_arithmetic3A_590 : vector<16xi32>
        %sub3A_592 = arith.constant 64 : i32
        %sub3A_593 = vector.broadcast %sub3A_592 : i32 to vector<16xi32>
        %sub3A_594 = arith.subi %shift_right_arithmetic3A_591, %sub3A_593 : vector<16xi32>
        %add3A_595 = arith.addi %shift_right_arithmetic3A_143, %sub3A_594 : vector<16xi32>
        %lt3A_596 = arith.constant 96 : i32
        %lt3A_597 = vector.broadcast %lt3A_596 : i32 to vector<16xi32>
        %lt3A_598 = arith.cmpi ult, %add3A_588, %lt3A_597 : vector<16xi32>
        %lt3A_599 = arith.constant 64 : i32
        %lt3A_600 = vector.broadcast %lt3A_599 : i32 to vector<16xi32>
        %lt3A_601 = arith.cmpi ult, %add3A_595, %lt3A_600 : vector<16xi32>
        %and3A_602 = arith.andi %lt3A_598, %lt3A_601 : vector<16xi1>
        %mul3A_603 = arith.constant 96 : i32
        %mul3A_604 = vector.broadcast %mul3A_603 : i32 to vector<16xi32>
        %mul3A_605 = arith.muli %add3A_595, %mul3A_604 : vector<16xi32>
        %add3A_606 = arith.addi %mul3A_605, %add3A_588 : vector<16xi32>
        %jit3A_607 = arith.constant 6144 : i32
        %broadcast_in_dim3A_608 = vector.broadcast %jit3A_607 : i32 to vector<16xi32>
        %select_n3A_609 = arith.select %and3A_602, %add3A_606, %broadcast_in_dim3A_608 : vector<16xi1>, vector<16xi32>
        %gather3A_610 = tpu.vector_load_idx %arg7[%select_n3A_609] : memref<6160xf32, #tpu.memory_space<vmem>>[vector<16xi32>], vector<16xf32>,
        %gt3A_611 = arith.constant 1.000000e-03 : f32
        %gt3A_612 = vector.broadcast %gt3A_611 : f32 to vector<16xf32>
        %gt3A_613 = arith.cmpf ogt, %gather3A_610, %gt3A_612 : vector<16xf32>
        %and3A_614 = arith.constant 511 : i32
        %and3A_615 = vector.broadcast %and3A_614 : i32 to vector<16xi32>
        %and3A_616 = arith.andi %gather3A_497, %and3A_615 : vector<16xi32>
        %sub3A_617 = arith.constant 96 : i32
        %sub3A_618 = vector.broadcast %sub3A_617 : i32 to vector<16xi32>
        %sub3A_619 = arith.subi %and3A_616, %sub3A_618 : vector<16xi32>
        %add3A_620 = arith.addi %sub3A_147, %sub3A_619 : vector<16xi32>
        %shift_right_arithmetic3A_621 = arith.constant 9 : i32
        %shift_right_arithmetic3A_622 = vector.broadcast %shift_right_arithmetic3A_621 : i32 to vector<16xi32>
        %shift_right_arithmetic3A_623 = arith.shrsi %gather3A_497, %shift_right_arithmetic3A_622 : vector<16xi32>
        %sub3A_624 = arith.constant 64 : i32
        %sub3A_625 = vector.broadcast %sub3A_624 : i32 to vector<16xi32>
        %sub3A_626 = arith.subi %shift_right_arithmetic3A_623, %sub3A_625 : vector<16xi32>
        %add3A_627 = arith.addi %shift_right_arithmetic3A_143, %sub3A_626 : vector<16xi32>
        %lt3A_628 = arith.constant 96 : i32
        %lt3A_629 = vector.broadcast %lt3A_628 : i32 to vector<16xi32>
        %lt3A_630 = arith.cmpi ult, %add3A_620, %lt3A_629 : vector<16xi32>
        %lt3A_631 = arith.constant 64 : i32
        %lt3A_632 = vector.broadcast %lt3A_631 : i32 to vector<16xi32>
        %lt3A_633 = arith.cmpi ult, %add3A_627, %lt3A_632 : vector<16xi32>
        %and3A_634 = arith.andi %lt3A_630, %lt3A_633 : vector<16xi1>
        %mul3A_635 = arith.constant 96 : i32
        %mul3A_636 = vector.broadcast %mul3A_635 : i32 to vector<16xi32>
        %mul3A_637 = arith.muli %add3A_627, %mul3A_636 : vector<16xi32>
        %add3A_638 = arith.addi %mul3A_637, %add3A_620 : vector<16xi32>
        %jit3A_639 = arith.constant 6144 : i32
        %broadcast_in_dim3A_640 = vector.broadcast %jit3A_639 : i32 to vector<16xi32>
        %select_n3A_641 = arith.select %and3A_634, %add3A_638, %broadcast_in_dim3A_640 : vector<16xi1>, vector<16xi32>
        %gather3A_642 = tpu.vector_load_idx %arg7[%select_n3A_641] : memref<6160xf32, #tpu.memory_space<vmem>>[vector<16xi32>], vector<16xf32>,
        %gt3A_643 = arith.constant 1.000000e-03 : f32
        %gt3A_644 = vector.broadcast %gt3A_643 : f32 to vector<16xf32>
        %gt3A_645 = arith.cmpf ogt, %gather3A_642, %gt3A_644 : vector<16xf32>
        %and3A_646 = arith.constant 511 : i32
        %and3A_647 = vector.broadcast %and3A_646 : i32 to vector<16xi32>
        %and3A_648 = arith.andi %gather3A_501, %and3A_647 : vector<16xi32>
        %sub3A_649 = arith.constant 96 : i32
        %sub3A_650 = vector.broadcast %sub3A_649 : i32 to vector<16xi32>
        %sub3A_651 = arith.subi %and3A_648, %sub3A_650 : vector<16xi32>
        %add3A_652 = arith.addi %sub3A_147, %sub3A_651 : vector<16xi32>
        %shift_right_arithmetic3A_653 = arith.constant 9 : i32
        %shift_right_arithmetic3A_654 = vector.broadcast %shift_right_arithmetic3A_653 : i32 to vector<16xi32>
        %shift_right_arithmetic3A_655 = arith.shrsi %gather3A_501, %shift_right_arithmetic3A_654 : vector<16xi32>
        %sub3A_656 = arith.constant 64 : i32
        %sub3A_657 = vector.broadcast %sub3A_656 : i32 to vector<16xi32>
        %sub3A_658 = arith.subi %shift_right_arithmetic3A_655, %sub3A_657 : vector<16xi32>
        %add3A_659 = arith.addi %shift_right_arithmetic3A_143, %sub3A_658 : vector<16xi32>
        %lt3A_660 = arith.constant 96 : i32
        %lt3A_661 = vector.broadcast %lt3A_660 : i32 to vector<16xi32>
        %lt3A_662 = arith.cmpi ult, %add3A_652, %lt3A_661 : vector<16xi32>
        %lt3A_663 = arith.constant 64 : i32
        %lt3A_664 = vector.broadcast %lt3A_663 : i32 to vector<16xi32>
        %lt3A_665 = arith.cmpi ult, %add3A_659, %lt3A_664 : vector<16xi32>
        %and3A_666 = arith.andi %lt3A_662, %lt3A_665 : vector<16xi1>
        %mul3A_667 = arith.constant 96 : i32
        %mul3A_668 = vector.broadcast %mul3A_667 : i32 to vector<16xi32>
        %mul3A_669 = arith.muli %add3A_659, %mul3A_668 : vector<16xi32>
        %add3A_670 = arith.addi %mul3A_669, %add3A_652 : vector<16xi32>
        %jit3A_671 = arith.constant 6144 : i32
        %broadcast_in_dim3A_672 = vector.broadcast %jit3A_671 : i32 to vector<16xi32>
        %select_n3A_673 = arith.select %and3A_666, %add3A_670, %broadcast_in_dim3A_672 : vector<16xi1>, vector<16xi32>
        %gather3A_674 = tpu.vector_load_idx %arg7[%select_n3A_673] : memref<6160xf32, #tpu.memory_space<vmem>>[vector<16xi32>], vector<16xf32>,
        %gt3A_675 = arith.constant 1.000000e-03 : f32
        %gt3A_676 = vector.broadcast %gt3A_675 : f32 to vector<16xf32>
        %gt3A_677 = arith.cmpf ogt, %gather3A_674, %gt3A_676 : vector<16xf32>
        %and3A_678 = arith.constant 511 : i32
        %and3A_679 = vector.broadcast %and3A_678 : i32 to vector<16xi32>
        %and3A_680 = arith.andi %gather3A_505, %and3A_679 : vector<16xi32>
        %sub3A_681 = arith.constant 96 : i32
        %sub3A_682 = vector.broadcast %sub3A_681 : i32 to vector<16xi32>
        %sub3A_683 = arith.subi %and3A_680, %sub3A_682 : vector<16xi32>
        %add3A_684 = arith.addi %sub3A_147, %sub3A_683 : vector<16xi32>
        %shift_right_arithmetic3A_685 = arith.constant 9 : i32
        %shift_right_arithmetic3A_686 = vector.broadcast %shift_right_arithmetic3A_685 : i32 to vector<16xi32>
        %shift_right_arithmetic3A_687 = arith.shrsi %gather3A_505, %shift_right_arithmetic3A_686 : vector<16xi32>
        %sub3A_688 = arith.constant 64 : i32
        %sub3A_689 = vector.broadcast %sub3A_688 : i32 to vector<16xi32>
        %sub3A_690 = arith.subi %shift_right_arithmetic3A_687, %sub3A_689 : vector<16xi32>
        %add3A_691 = arith.addi %shift_right_arithmetic3A_143, %sub3A_690 : vector<16xi32>
        %lt3A_692 = arith.constant 96 : i32
        %lt3A_693 = vector.broadcast %lt3A_692 : i32 to vector<16xi32>
        %lt3A_694 = arith.cmpi ult, %add3A_684, %lt3A_693 : vector<16xi32>
        %lt3A_695 = arith.constant 64 : i32
        %lt3A_696 = vector.broadcast %lt3A_695 : i32 to vector<16xi32>
        %lt3A_697 = arith.cmpi ult, %add3A_691, %lt3A_696 : vector<16xi32>
        %and3A_698 = arith.andi %lt3A_694, %lt3A_697 : vector<16xi1>
        %mul3A_699 = arith.constant 96 : i32
        %mul3A_700 = vector.broadcast %mul3A_699 : i32 to vector<16xi32>
        %mul3A_701 = arith.muli %add3A_691, %mul3A_700 : vector<16xi32>
        %add3A_702 = arith.addi %mul3A_701, %add3A_684 : vector<16xi32>
        %jit3A_703 = arith.constant 6144 : i32
        %broadcast_in_dim3A_704 = vector.broadcast %jit3A_703 : i32 to vector<16xi32>
        %select_n3A_705 = arith.select %and3A_698, %add3A_702, %broadcast_in_dim3A_704 : vector<16xi1>, vector<16xi32>
        %gather3A_706 = tpu.vector_load_idx %arg7[%select_n3A_705] : memref<6160xf32, #tpu.memory_space<vmem>>[vector<16xi32>], vector<16xf32>,
        %gt3A_707 = arith.constant 1.000000e-03 : f32
        %gt3A_708 = vector.broadcast %gt3A_707 : f32 to vector<16xf32>
        %gt3A_709 = arith.cmpf ogt, %gather3A_706, %gt3A_708 : vector<16xf32>
        %and3A_710 = arith.constant 511 : i32
        %and3A_711 = vector.broadcast %and3A_710 : i32 to vector<16xi32>
        %and3A_712 = arith.andi %gather3A_509, %and3A_711 : vector<16xi32>
        %sub3A_713 = arith.constant 96 : i32
        %sub3A_714 = vector.broadcast %sub3A_713 : i32 to vector<16xi32>
        %sub3A_715 = arith.subi %and3A_712, %sub3A_714 : vector<16xi32>
        %add3A_716 = arith.addi %sub3A_147, %sub3A_715 : vector<16xi32>
        %shift_right_arithmetic3A_717 = arith.constant 9 : i32
        %shift_right_arithmetic3A_718 = vector.broadcast %shift_right_arithmetic3A_717 : i32 to vector<16xi32>
        %shift_right_arithmetic3A_719 = arith.shrsi %gather3A_509, %shift_right_arithmetic3A_718 : vector<16xi32>
        %sub3A_720 = arith.constant 64 : i32
        %sub3A_721 = vector.broadcast %sub3A_720 : i32 to vector<16xi32>
        %sub3A_722 = arith.subi %shift_right_arithmetic3A_719, %sub3A_721 : vector<16xi32>
        %add3A_723 = arith.addi %shift_right_arithmetic3A_143, %sub3A_722 : vector<16xi32>
        %lt3A_724 = arith.constant 96 : i32
        %lt3A_725 = vector.broadcast %lt3A_724 : i32 to vector<16xi32>
        %lt3A_726 = arith.cmpi ult, %add3A_716, %lt3A_725 : vector<16xi32>
        %lt3A_727 = arith.constant 64 : i32
        %lt3A_728 = vector.broadcast %lt3A_727 : i32 to vector<16xi32>
        %lt3A_729 = arith.cmpi ult, %add3A_723, %lt3A_728 : vector<16xi32>
        %and3A_730 = arith.andi %lt3A_726, %lt3A_729 : vector<16xi1>
        %mul3A_731 = arith.constant 96 : i32
        %mul3A_732 = vector.broadcast %mul3A_731 : i32 to vector<16xi32>
        %mul3A_733 = arith.muli %add3A_723, %mul3A_732 : vector<16xi32>
        %add3A_734 = arith.addi %mul3A_733, %add3A_716 : vector<16xi32>
        %jit3A_735 = arith.constant 6144 : i32
        %broadcast_in_dim3A_736 = vector.broadcast %jit3A_735 : i32 to vector<16xi32>
        %select_n3A_737 = arith.select %and3A_730, %add3A_734, %broadcast_in_dim3A_736 : vector<16xi1>, vector<16xi32>
        %gather3A_738 = tpu.vector_load_idx %arg7[%select_n3A_737] : memref<6160xf32, #tpu.memory_space<vmem>>[vector<16xi32>], vector<16xf32>,
        %gt3A_739 = arith.constant 1.000000e-03 : f32
        %gt3A_740 = vector.broadcast %gt3A_739 : f32 to vector<16xf32>
        %gt3A_741 = arith.cmpf ogt, %gather3A_738, %gt3A_740 : vector<16xf32>
        %and3A_742 = arith.constant 511 : i32
        %and3A_743 = vector.broadcast %and3A_742 : i32 to vector<16xi32>
        %and3A_744 = arith.andi %gather3A_513, %and3A_743 : vector<16xi32>
        %sub3A_745 = arith.constant 96 : i32
        %sub3A_746 = vector.broadcast %sub3A_745 : i32 to vector<16xi32>
        %sub3A_747 = arith.subi %and3A_744, %sub3A_746 : vector<16xi32>
        %add3A_748 = arith.addi %sub3A_147, %sub3A_747 : vector<16xi32>
        %shift_right_arithmetic3A_749 = arith.constant 9 : i32
        %shift_right_arithmetic3A_750 = vector.broadcast %shift_right_arithmetic3A_749 : i32 to vector<16xi32>
        %shift_right_arithmetic3A_751 = arith.shrsi %gather3A_513, %shift_right_arithmetic3A_750 : vector<16xi32>
        %sub3A_752 = arith.constant 64 : i32
        %sub3A_753 = vector.broadcast %sub3A_752 : i32 to vector<16xi32>
        %sub3A_754 = arith.subi %shift_right_arithmetic3A_751, %sub3A_753 : vector<16xi32>
        %add3A_755 = arith.addi %shift_right_arithmetic3A_143, %sub3A_754 : vector<16xi32>
        %lt3A_756 = arith.constant 96 : i32
        %lt3A_757 = vector.broadcast %lt3A_756 : i32 to vector<16xi32>
        %lt3A_758 = arith.cmpi ult, %add3A_748, %lt3A_757 : vector<16xi32>
        %lt3A_759 = arith.constant 64 : i32
        %lt3A_760 = vector.broadcast %lt3A_759 : i32 to vector<16xi32>
        %lt3A_761 = arith.cmpi ult, %add3A_755, %lt3A_760 : vector<16xi32>
        %and3A_762 = arith.andi %lt3A_758, %lt3A_761 : vector<16xi1>
        %mul3A_763 = arith.constant 96 : i32
        %mul3A_764 = vector.broadcast %mul3A_763 : i32 to vector<16xi32>
        %mul3A_765 = arith.muli %add3A_755, %mul3A_764 : vector<16xi32>
        %add3A_766 = arith.addi %mul3A_765, %add3A_748 : vector<16xi32>
        %jit3A_767 = arith.constant 6144 : i32
        %broadcast_in_dim3A_768 = vector.broadcast %jit3A_767 : i32 to vector<16xi32>
        %select_n3A_769 = arith.select %and3A_762, %add3A_766, %broadcast_in_dim3A_768 : vector<16xi1>, vector<16xi32>
        %gather3A_770 = tpu.vector_load_idx %arg7[%select_n3A_769] : memref<6160xf32, #tpu.memory_space<vmem>>[vector<16xi32>], vector<16xf32>,
        %gt3A_771 = arith.constant 1.000000e-03 : f32
        %gt3A_772 = vector.broadcast %gt3A_771 : f32 to vector<16xf32>
        %gt3A_773 = arith.cmpf ogt, %gather3A_770, %gt3A_772 : vector<16xf32>
        %and3A_774 = arith.constant 511 : i32
        %and3A_775 = vector.broadcast %and3A_774 : i32 to vector<16xi32>
        %and3A_776 = arith.andi %gather3A_517, %and3A_775 : vector<16xi32>
        %sub3A_777 = arith.constant 96 : i32
        %sub3A_778 = vector.broadcast %sub3A_777 : i32 to vector<16xi32>
        %sub3A_779 = arith.subi %and3A_776, %sub3A_778 : vector<16xi32>
        %add3A_780 = arith.addi %sub3A_147, %sub3A_779 : vector<16xi32>
        %shift_right_arithmetic3A_781 = arith.constant 9 : i32
        %shift_right_arithmetic3A_782 = vector.broadcast %shift_right_arithmetic3A_781 : i32 to vector<16xi32>
        %shift_right_arithmetic3A_783 = arith.shrsi %gather3A_517, %shift_right_arithmetic3A_782 : vector<16xi32>
        %sub3A_784 = arith.constant 64 : i32
        %sub3A_785 = vector.broadcast %sub3A_784 : i32 to vector<16xi32>
        %sub3A_786 = arith.subi %shift_right_arithmetic3A_783, %sub3A_785 : vector<16xi32>
        %add3A_787 = arith.addi %shift_right_arithmetic3A_143, %sub3A_786 : vector<16xi32>
        %lt3A_788 = arith.constant 96 : i32
        %lt3A_789 = vector.broadcast %lt3A_788 : i32 to vector<16xi32>
        %lt3A_790 = arith.cmpi ult, %add3A_780, %lt3A_789 : vector<16xi32>
        %lt3A_791 = arith.constant 64 : i32
        %lt3A_792 = vector.broadcast %lt3A_791 : i32 to vector<16xi32>
        %lt3A_793 = arith.cmpi ult, %add3A_787, %lt3A_792 : vector<16xi32>
        %and3A_794 = arith.andi %lt3A_790, %lt3A_793 : vector<16xi1>
        %mul3A_795 = arith.constant 96 : i32
        %mul3A_796 = vector.broadcast %mul3A_795 : i32 to vector<16xi32>
        %mul3A_797 = arith.muli %add3A_787, %mul3A_796 : vector<16xi32>
        %add3A_798 = arith.addi %mul3A_797, %add3A_780 : vector<16xi32>
        %jit3A_799 = arith.constant 6144 : i32
        %broadcast_in_dim3A_800 = vector.broadcast %jit3A_799 : i32 to vector<16xi32>
        %select_n3A_801 = arith.select %and3A_794, %add3A_798, %broadcast_in_dim3A_800 : vector<16xi1>, vector<16xi32>
        %gather3A_802 = tpu.vector_load_idx %arg7[%select_n3A_801] : memref<6160xf32, #tpu.memory_space<vmem>>[vector<16xi32>], vector<16xf32>,
        %gt3A_803 = arith.constant 1.000000e-03 : f32
        %gt3A_804 = vector.broadcast %gt3A_803 : f32 to vector<16xf32>
        %gt3A_805 = arith.cmpf ogt, %gather3A_802, %gt3A_804 : vector<16xf32>
        %and3A_806 = arith.constant 511 : i32
        %and3A_807 = vector.broadcast %and3A_806 : i32 to vector<16xi32>
        %and3A_808 = arith.andi %gather3A_521, %and3A_807 : vector<16xi32>
        %sub3A_809 = arith.constant 96 : i32
        %sub3A_810 = vector.broadcast %sub3A_809 : i32 to vector<16xi32>
        %sub3A_811 = arith.subi %and3A_808, %sub3A_810 : vector<16xi32>
        %add3A_812 = arith.addi %sub3A_147, %sub3A_811 : vector<16xi32>
        %shift_right_arithmetic3A_813 = arith.constant 9 : i32
        %shift_right_arithmetic3A_814 = vector.broadcast %shift_right_arithmetic3A_813 : i32 to vector<16xi32>
        %shift_right_arithmetic3A_815 = arith.shrsi %gather3A_521, %shift_right_arithmetic3A_814 : vector<16xi32>
        %sub3A_816 = arith.constant 64 : i32
        %sub3A_817 = vector.broadcast %sub3A_816 : i32 to vector<16xi32>
        %sub3A_818 = arith.subi %shift_right_arithmetic3A_815, %sub3A_817 : vector<16xi32>
        %add3A_819 = arith.addi %shift_right_arithmetic3A_143, %sub3A_818 : vector<16xi32>
        %lt3A_820 = arith.constant 96 : i32
        %lt3A_821 = vector.broadcast %lt3A_820 : i32 to vector<16xi32>
        %lt3A_822 = arith.cmpi ult, %add3A_812, %lt3A_821 : vector<16xi32>
        %lt3A_823 = arith.constant 64 : i32
        %lt3A_824 = vector.broadcast %lt3A_823 : i32 to vector<16xi32>
        %lt3A_825 = arith.cmpi ult, %add3A_819, %lt3A_824 : vector<16xi32>
        %and3A_826 = arith.andi %lt3A_822, %lt3A_825 : vector<16xi1>
        %mul3A_827 = arith.constant 96 : i32
        %mul3A_828 = vector.broadcast %mul3A_827 : i32 to vector<16xi32>
        %mul3A_829 = arith.muli %add3A_819, %mul3A_828 : vector<16xi32>
        %add3A_830 = arith.addi %mul3A_829, %add3A_812 : vector<16xi32>
        %jit3A_831 = arith.constant 6144 : i32
        %broadcast_in_dim3A_832 = vector.broadcast %jit3A_831 : i32 to vector<16xi32>
        %select_n3A_833 = arith.select %and3A_826, %add3A_830, %broadcast_in_dim3A_832 : vector<16xi1>, vector<16xi32>
        %gather3A_834 = tpu.vector_load_idx %arg7[%select_n3A_833] : memref<6160xf32, #tpu.memory_space<vmem>>[vector<16xi32>], vector<16xf32>,
        %gt3A_835 = arith.constant 1.000000e-03 : f32
        %gt3A_836 = vector.broadcast %gt3A_835 : f32 to vector<16xf32>
        %gt3A_837 = arith.cmpf ogt, %gather3A_834, %gt3A_836 : vector<16xf32>
        %and3A_838 = arith.constant 511 : i32
        %and3A_839 = vector.broadcast %and3A_838 : i32 to vector<16xi32>
        %and3A_840 = arith.andi %gather3A_525, %and3A_839 : vector<16xi32>
        %sub3A_841 = arith.constant 96 : i32
        %sub3A_842 = vector.broadcast %sub3A_841 : i32 to vector<16xi32>
        %sub3A_843 = arith.subi %and3A_840, %sub3A_842 : vector<16xi32>
        %add3A_844 = arith.addi %sub3A_147, %sub3A_843 : vector<16xi32>
        %shift_right_arithmetic3A_845 = arith.constant 9 : i32
        %shift_right_arithmetic3A_846 = vector.broadcast %shift_right_arithmetic3A_845 : i32 to vector<16xi32>
        %shift_right_arithmetic3A_847 = arith.shrsi %gather3A_525, %shift_right_arithmetic3A_846 : vector<16xi32>
        %sub3A_848 = arith.constant 64 : i32
        %sub3A_849 = vector.broadcast %sub3A_848 : i32 to vector<16xi32>
        %sub3A_850 = arith.subi %shift_right_arithmetic3A_847, %sub3A_849 : vector<16xi32>
        %add3A_851 = arith.addi %shift_right_arithmetic3A_143, %sub3A_850 : vector<16xi32>
        %lt3A_852 = arith.constant 96 : i32
        %lt3A_853 = vector.broadcast %lt3A_852 : i32 to vector<16xi32>
        %lt3A_854 = arith.cmpi ult, %add3A_844, %lt3A_853 : vector<16xi32>
        %lt3A_855 = arith.constant 64 : i32
        %lt3A_856 = vector.broadcast %lt3A_855 : i32 to vector<16xi32>
        %lt3A_857 = arith.cmpi ult, %add3A_851, %lt3A_856 : vector<16xi32>
        %and3A_858 = arith.andi %lt3A_854, %lt3A_857 : vector<16xi1>
        %mul3A_859 = arith.constant 96 : i32
        %mul3A_860 = vector.broadcast %mul3A_859 : i32 to vector<16xi32>
        %mul3A_861 = arith.muli %add3A_851, %mul3A_860 : vector<16xi32>
        %add3A_862 = arith.addi %mul3A_861, %add3A_844 : vector<16xi32>
        %jit3A_863 = arith.constant 6144 : i32
        %broadcast_in_dim3A_864 = vector.broadcast %jit3A_863 : i32 to vector<16xi32>
        %select_n3A_865 = arith.select %and3A_858, %add3A_862, %broadcast_in_dim3A_864 : vector<16xi1>, vector<16xi32>
        %gather3A_866 = tpu.vector_load_idx %arg7[%select_n3A_865] : memref<6160xf32, #tpu.memory_space<vmem>>[vector<16xi32>], vector<16xf32>,
        %gt3A_867 = arith.constant 1.000000e-03 : f32
        %gt3A_868 = vector.broadcast %gt3A_867 : f32 to vector<16xf32>
        %gt3A_869 = arith.cmpf ogt, %gather3A_866, %gt3A_868 : vector<16xf32>
        %and3A_870 = arith.constant 511 : i32
        %and3A_871 = vector.broadcast %and3A_870 : i32 to vector<16xi32>
        %and3A_872 = arith.andi %gather3A_529, %and3A_871 : vector<16xi32>
        %sub3A_873 = arith.constant 96 : i32
        %sub3A_874 = vector.broadcast %sub3A_873 : i32 to vector<16xi32>
        %sub3A_875 = arith.subi %and3A_872, %sub3A_874 : vector<16xi32>
        %add3A_876 = arith.addi %sub3A_147, %sub3A_875 : vector<16xi32>
        %shift_right_arithmetic3A_877 = arith.constant 9 : i32
        %shift_right_arithmetic3A_878 = vector.broadcast %shift_right_arithmetic3A_877 : i32 to vector<16xi32>
        %shift_right_arithmetic3A_879 = arith.shrsi %gather3A_529, %shift_right_arithmetic3A_878 : vector<16xi32>
        %sub3A_880 = arith.constant 64 : i32
        %sub3A_881 = vector.broadcast %sub3A_880 : i32 to vector<16xi32>
        %sub3A_882 = arith.subi %shift_right_arithmetic3A_879, %sub3A_881 : vector<16xi32>
        %add3A_883 = arith.addi %shift_right_arithmetic3A_143, %sub3A_882 : vector<16xi32>
        %lt3A_884 = arith.constant 96 : i32
        %lt3A_885 = vector.broadcast %lt3A_884 : i32 to vector<16xi32>
        %lt3A_886 = arith.cmpi ult, %add3A_876, %lt3A_885 : vector<16xi32>
        %lt3A_887 = arith.constant 64 : i32
        %lt3A_888 = vector.broadcast %lt3A_887 : i32 to vector<16xi32>
        %lt3A_889 = arith.cmpi ult, %add3A_883, %lt3A_888 : vector<16xi32>
        %and3A_890 = arith.andi %lt3A_886, %lt3A_889 : vector<16xi1>
        %mul3A_891 = arith.constant 96 : i32
        %mul3A_892 = vector.broadcast %mul3A_891 : i32 to vector<16xi32>
        %mul3A_893 = arith.muli %add3A_883, %mul3A_892 : vector<16xi32>
        %add3A_894 = arith.addi %mul3A_893, %add3A_876 : vector<16xi32>
        %jit3A_895 = arith.constant 6144 : i32
        %broadcast_in_dim3A_896 = vector.broadcast %jit3A_895 : i32 to vector<16xi32>
        %select_n3A_897 = arith.select %and3A_890, %add3A_894, %broadcast_in_dim3A_896 : vector<16xi1>, vector<16xi32>
        %gather3A_898 = tpu.vector_load_idx %arg7[%select_n3A_897] : memref<6160xf32, #tpu.memory_space<vmem>>[vector<16xi32>], vector<16xf32>,
        %gt3A_899 = arith.constant 1.000000e-03 : f32
        %gt3A_900 = vector.broadcast %gt3A_899 : f32 to vector<16xf32>
        %gt3A_901 = arith.cmpf ogt, %gather3A_898, %gt3A_900 : vector<16xf32>
        %and3A_902 = arith.constant 511 : i32
        %and3A_903 = vector.broadcast %and3A_902 : i32 to vector<16xi32>
        %and3A_904 = arith.andi %gather3A_533, %and3A_903 : vector<16xi32>
        %sub3A_905 = arith.constant 96 : i32
        %sub3A_906 = vector.broadcast %sub3A_905 : i32 to vector<16xi32>
        %sub3A_907 = arith.subi %and3A_904, %sub3A_906 : vector<16xi32>
        %add3A_908 = arith.addi %sub3A_147, %sub3A_907 : vector<16xi32>
        %shift_right_arithmetic3A_909 = arith.constant 9 : i32
        %shift_right_arithmetic3A_910 = vector.broadcast %shift_right_arithmetic3A_909 : i32 to vector<16xi32>
        %shift_right_arithmetic3A_911 = arith.shrsi %gather3A_533, %shift_right_arithmetic3A_910 : vector<16xi32>
        %sub3A_912 = arith.constant 64 : i32
        %sub3A_913 = vector.broadcast %sub3A_912 : i32 to vector<16xi32>
        %sub3A_914 = arith.subi %shift_right_arithmetic3A_911, %sub3A_913 : vector<16xi32>
        %add3A_915 = arith.addi %shift_right_arithmetic3A_143, %sub3A_914 : vector<16xi32>
        %lt3A_916 = arith.constant 96 : i32
        %lt3A_917 = vector.broadcast %lt3A_916 : i32 to vector<16xi32>
        %lt3A_918 = arith.cmpi ult, %add3A_908, %lt3A_917 : vector<16xi32>
        %lt3A_919 = arith.constant 64 : i32
        %lt3A_920 = vector.broadcast %lt3A_919 : i32 to vector<16xi32>
        %lt3A_921 = arith.cmpi ult, %add3A_915, %lt3A_920 : vector<16xi32>
        %and3A_922 = arith.andi %lt3A_918, %lt3A_921 : vector<16xi1>
        %mul3A_923 = arith.constant 96 : i32
        %mul3A_924 = vector.broadcast %mul3A_923 : i32 to vector<16xi32>
        %mul3A_925 = arith.muli %add3A_915, %mul3A_924 : vector<16xi32>
        %add3A_926 = arith.addi %mul3A_925, %add3A_908 : vector<16xi32>
        %jit3A_927 = arith.constant 6144 : i32
        %broadcast_in_dim3A_928 = vector.broadcast %jit3A_927 : i32 to vector<16xi32>
        %select_n3A_929 = arith.select %and3A_922, %add3A_926, %broadcast_in_dim3A_928 : vector<16xi1>, vector<16xi32>
        %gather3A_930 = tpu.vector_load_idx %arg7[%select_n3A_929] : memref<6160xf32, #tpu.memory_space<vmem>>[vector<16xi32>], vector<16xf32>,
        %gt3A_931 = arith.constant 1.000000e-03 : f32
        %gt3A_932 = vector.broadcast %gt3A_931 : f32 to vector<16xf32>
        %gt3A_933 = arith.cmpf ogt, %gather3A_930, %gt3A_932 : vector<16xf32>
        %and3A_934 = arith.constant 511 : i32
        %and3A_935 = vector.broadcast %and3A_934 : i32 to vector<16xi32>
        %and3A_936 = arith.andi %gather3A_537, %and3A_935 : vector<16xi32>
        %sub3A_937 = arith.constant 96 : i32
        %sub3A_938 = vector.broadcast %sub3A_937 : i32 to vector<16xi32>
        %sub3A_939 = arith.subi %and3A_936, %sub3A_938 : vector<16xi32>
        %add3A_940 = arith.addi %sub3A_147, %sub3A_939 : vector<16xi32>
        %shift_right_arithmetic3A_941 = arith.constant 9 : i32
        %shift_right_arithmetic3A_942 = vector.broadcast %shift_right_arithmetic3A_941 : i32 to vector<16xi32>
        %shift_right_arithmetic3A_943 = arith.shrsi %gather3A_537, %shift_right_arithmetic3A_942 : vector<16xi32>
        %sub3A_944 = arith.constant 64 : i32
        %sub3A_945 = vector.broadcast %sub3A_944 : i32 to vector<16xi32>
        %sub3A_946 = arith.subi %shift_right_arithmetic3A_943, %sub3A_945 : vector<16xi32>
        %add3A_947 = arith.addi %shift_right_arithmetic3A_143, %sub3A_946 : vector<16xi32>
        %lt3A_948 = arith.constant 96 : i32
        %lt3A_949 = vector.broadcast %lt3A_948 : i32 to vector<16xi32>
        %lt3A_950 = arith.cmpi ult, %add3A_940, %lt3A_949 : vector<16xi32>
        %lt3A_951 = arith.constant 64 : i32
        %lt3A_952 = vector.broadcast %lt3A_951 : i32 to vector<16xi32>
        %lt3A_953 = arith.cmpi ult, %add3A_947, %lt3A_952 : vector<16xi32>
        %and3A_954 = arith.andi %lt3A_950, %lt3A_953 : vector<16xi1>
        %mul3A_955 = arith.constant 96 : i32
        %mul3A_956 = vector.broadcast %mul3A_955 : i32 to vector<16xi32>
        %mul3A_957 = arith.muli %add3A_947, %mul3A_956 : vector<16xi32>
        %add3A_958 = arith.addi %mul3A_957, %add3A_940 : vector<16xi32>
        %jit3A_959 = arith.constant 6144 : i32
        %broadcast_in_dim3A_960 = vector.broadcast %jit3A_959 : i32 to vector<16xi32>
        %select_n3A_961 = arith.select %and3A_954, %add3A_958, %broadcast_in_dim3A_960 : vector<16xi1>, vector<16xi32>
        %gather3A_962 = tpu.vector_load_idx %arg7[%select_n3A_961] : memref<6160xf32, #tpu.memory_space<vmem>>[vector<16xi32>], vector<16xf32>,
        %gt3A_963 = arith.constant 1.000000e-03 : f32
        %gt3A_964 = vector.broadcast %gt3A_963 : f32 to vector<16xf32>
        %gt3A_965 = arith.cmpf ogt, %gather3A_962, %gt3A_964 : vector<16xf32>
        %and3A_966 = arith.constant 511 : i32
        %and3A_967 = vector.broadcast %and3A_966 : i32 to vector<16xi32>
        %and3A_968 = arith.andi %gather3A_541, %and3A_967 : vector<16xi32>
        %sub3A_969 = arith.constant 96 : i32
        %sub3A_970 = vector.broadcast %sub3A_969 : i32 to vector<16xi32>
        %sub3A_971 = arith.subi %and3A_968, %sub3A_970 : vector<16xi32>
        %add3A_972 = arith.addi %sub3A_147, %sub3A_971 : vector<16xi32>
        %shift_right_arithmetic3A_973 = arith.constant 9 : i32
        %shift_right_arithmetic3A_974 = vector.broadcast %shift_right_arithmetic3A_973 : i32 to vector<16xi32>
        %shift_right_arithmetic3A_975 = arith.shrsi %gather3A_541, %shift_right_arithmetic3A_974 : vector<16xi32>
        %sub3A_976 = arith.constant 64 : i32
        %sub3A_977 = vector.broadcast %sub3A_976 : i32 to vector<16xi32>
        %sub3A_978 = arith.subi %shift_right_arithmetic3A_975, %sub3A_977 : vector<16xi32>
        %add3A_979 = arith.addi %shift_right_arithmetic3A_143, %sub3A_978 : vector<16xi32>
        %lt3A_980 = arith.constant 96 : i32
        %lt3A_981 = vector.broadcast %lt3A_980 : i32 to vector<16xi32>
        %lt3A_982 = arith.cmpi ult, %add3A_972, %lt3A_981 : vector<16xi32>
        %lt3A_983 = arith.constant 64 : i32
        %lt3A_984 = vector.broadcast %lt3A_983 : i32 to vector<16xi32>
        %lt3A_985 = arith.cmpi ult, %add3A_979, %lt3A_984 : vector<16xi32>
        %and3A_986 = arith.andi %lt3A_982, %lt3A_985 : vector<16xi1>
        %mul3A_987 = arith.constant 96 : i32
        %mul3A_988 = vector.broadcast %mul3A_987 : i32 to vector<16xi32>
        %mul3A_989 = arith.muli %add3A_979, %mul3A_988 : vector<16xi32>
        %add3A_990 = arith.addi %mul3A_989, %add3A_972 : vector<16xi32>
        %jit3A_991 = arith.constant 6144 : i32
        %broadcast_in_dim3A_992 = vector.broadcast %jit3A_991 : i32 to vector<16xi32>
        %select_n3A_993 = arith.select %and3A_986, %add3A_990, %broadcast_in_dim3A_992 : vector<16xi1>, vector<16xi32>
        %gather3A_994 = tpu.vector_load_idx %arg7[%select_n3A_993] : memref<6160xf32, #tpu.memory_space<vmem>>[vector<16xi32>], vector<16xf32>,
        %gt3A_995 = arith.constant 1.000000e-03 : f32
        %gt3A_996 = vector.broadcast %gt3A_995 : f32 to vector<16xf32>
        %gt3A_997 = arith.cmpf ogt, %gather3A_994, %gt3A_996 : vector<16xf32>
        %and3A_998 = arith.constant 511 : i32
        %and3A_999 = vector.broadcast %and3A_998 : i32 to vector<16xi32>
        %and3A_1000 = arith.andi %gather3A_545, %and3A_999 : vector<16xi32>
        %sub3A_1001 = arith.constant 96 : i32
        %sub3A_1002 = vector.broadcast %sub3A_1001 : i32 to vector<16xi32>
        %sub3A_1003 = arith.subi %and3A_1000, %sub3A_1002 : vector<16xi32>
        %add3A_1004 = arith.addi %sub3A_147, %sub3A_1003 : vector<16xi32>
        %shift_right_arithmetic3A_1005 = arith.constant 9 : i32
        %shift_right_arithmetic3A_1006 = vector.broadcast %shift_right_arithmetic3A_1005 : i32 to vector<16xi32>
        %shift_right_arithmetic3A_1007 = arith.shrsi %gather3A_545, %shift_right_arithmetic3A_1006 : vector<16xi32>
        %sub3A_1008 = arith.constant 64 : i32
        %sub3A_1009 = vector.broadcast %sub3A_1008 : i32 to vector<16xi32>
        %sub3A_1010 = arith.subi %shift_right_arithmetic3A_1007, %sub3A_1009 : vector<16xi32>
        %add3A_1011 = arith.addi %shift_right_arithmetic3A_143, %sub3A_1010 : vector<16xi32>
        %lt3A_1012 = arith.constant 96 : i32
        %lt3A_1013 = vector.broadcast %lt3A_1012 : i32 to vector<16xi32>
        %lt3A_1014 = arith.cmpi ult, %add3A_1004, %lt3A_1013 : vector<16xi32>
        %lt3A_1015 = arith.constant 64 : i32
        %lt3A_1016 = vector.broadcast %lt3A_1015 : i32 to vector<16xi32>
        %lt3A_1017 = arith.cmpi ult, %add3A_1011, %lt3A_1016 : vector<16xi32>
        %and3A_1018 = arith.andi %lt3A_1014, %lt3A_1017 : vector<16xi1>
        %mul3A_1019 = arith.constant 96 : i32
        %mul3A_1020 = vector.broadcast %mul3A_1019 : i32 to vector<16xi32>
        %mul3A_1021 = arith.muli %add3A_1011, %mul3A_1020 : vector<16xi32>
        %add3A_1022 = arith.addi %mul3A_1021, %add3A_1004 : vector<16xi32>
        %jit3A_1023 = arith.constant 6144 : i32
        %broadcast_in_dim3A_1024 = vector.broadcast %jit3A_1023 : i32 to vector<16xi32>
        %select_n3A_1025 = arith.select %and3A_1018, %add3A_1022, %broadcast_in_dim3A_1024 : vector<16xi1>, vector<16xi32>
        %gather3A_1026 = tpu.vector_load_idx %arg7[%select_n3A_1025] : memref<6160xf32, #tpu.memory_space<vmem>>[vector<16xi32>], vector<16xf32>,
        %gt3A_1027 = arith.constant 1.000000e-03 : f32
        %gt3A_1028 = vector.broadcast %gt3A_1027 : f32 to vector<16xf32>
        %gt3A_1029 = arith.cmpf ogt, %gather3A_1026, %gt3A_1028 : vector<16xf32>
        %and3A_1030 = arith.constant 511 : i32
        %and3A_1031 = vector.broadcast %and3A_1030 : i32 to vector<16xi32>
        %and3A_1032 = arith.andi %gather3A_549, %and3A_1031 : vector<16xi32>
        %sub3A_1033 = arith.constant 96 : i32
        %sub3A_1034 = vector.broadcast %sub3A_1033 : i32 to vector<16xi32>
        %sub3A_1035 = arith.subi %and3A_1032, %sub3A_1034 : vector<16xi32>
        %add3A_1036 = arith.addi %sub3A_147, %sub3A_1035 : vector<16xi32>
        %shift_right_arithmetic3A_1037 = arith.constant 9 : i32
        %shift_right_arithmetic3A_1038 = vector.broadcast %shift_right_arithmetic3A_1037 : i32 to vector<16xi32>
        %shift_right_arithmetic3A_1039 = arith.shrsi %gather3A_549, %shift_right_arithmetic3A_1038 : vector<16xi32>
        %sub3A_1040 = arith.constant 64 : i32
        %sub3A_1041 = vector.broadcast %sub3A_1040 : i32 to vector<16xi32>
        %sub3A_1042 = arith.subi %shift_right_arithmetic3A_1039, %sub3A_1041 : vector<16xi32>
        %add3A_1043 = arith.addi %shift_right_arithmetic3A_143, %sub3A_1042 : vector<16xi32>
        %lt3A_1044 = arith.constant 96 : i32
        %lt3A_1045 = vector.broadcast %lt3A_1044 : i32 to vector<16xi32>
        %lt3A_1046 = arith.cmpi ult, %add3A_1036, %lt3A_1045 : vector<16xi32>
        %lt3A_1047 = arith.constant 64 : i32
        %lt3A_1048 = vector.broadcast %lt3A_1047 : i32 to vector<16xi32>
        %lt3A_1049 = arith.cmpi ult, %add3A_1043, %lt3A_1048 : vector<16xi32>
        %and3A_1050 = arith.andi %lt3A_1046, %lt3A_1049 : vector<16xi1>
        %mul3A_1051 = arith.constant 96 : i32
        %mul3A_1052 = vector.broadcast %mul3A_1051 : i32 to vector<16xi32>
        %mul3A_1053 = arith.muli %add3A_1043, %mul3A_1052 : vector<16xi32>
        %add3A_1054 = arith.addi %mul3A_1053, %add3A_1036 : vector<16xi32>
        %jit3A_1055 = arith.constant 6144 : i32
        %broadcast_in_dim3A_1056 = vector.broadcast %jit3A_1055 : i32 to vector<16xi32>
        %select_n3A_1057 = arith.select %and3A_1050, %add3A_1054, %broadcast_in_dim3A_1056 : vector<16xi1>, vector<16xi32>
        %gather3A_1058 = tpu.vector_load_idx %arg7[%select_n3A_1057] : memref<6160xf32, #tpu.memory_space<vmem>>[vector<16xi32>], vector<16xf32>,
        %gt3A_1059 = arith.constant 1.000000e-03 : f32
        %gt3A_1060 = vector.broadcast %gt3A_1059 : f32 to vector<16xf32>
        %gt3A_1061 = arith.cmpf ogt, %gather3A_1058, %gt3A_1060 : vector<16xf32>
        tpu.vector_store_idx %arg8[%while3A_483, %add3A_136], %add3A_574 masked %gt3A_581 : memref<9x768xi32, #tpu.memory_space<vmem>>[vector<16xi32>, vector<16xi32>], vector<16xi32>, vector<16xi1>
        %jit3A_1062 = arith.constant 1 : i32
        %jit3A_1063 = arith.constant 0 : i32
        %broadcast_in_dim3A_1064 = vector.broadcast %jit3A_1062 : i32 to vector<16xi32>
        %broadcast_in_dim3A_1065 = vector.broadcast %jit3A_1063 : i32 to vector<16xi32>
        %select_n3A_1066 = arith.select %gt3A_581, %broadcast_in_dim3A_1064, %broadcast_in_dim3A_1065 : vector<16xi1>, vector<16xi32>
        %add3A_1067 = arith.addi %while3A_483, %select_n3A_1066 : vector<16xi32>
        %min3A = arith.constant 8 : i32
        %min3A_1068 = vector.broadcast %min3A : i32 to vector<16xi32>
        %min3A_1069 = arith.minsi %add3A_1067, %min3A_1068 : vector<16xi32>
        tpu.vector_store_idx %arg8[%min3A_1069, %add3A_136], %add3A_606 masked %gt3A_613 : memref<9x768xi32, #tpu.memory_space<vmem>>[vector<16xi32>, vector<16xi32>], vector<16xi32>, vector<16xi1>
        %jit3A_1070 = arith.constant 1 : i32
        %jit3A_1071 = arith.constant 0 : i32
        %broadcast_in_dim3A_1072 = vector.broadcast %jit3A_1070 : i32 to vector<16xi32>
        %broadcast_in_dim3A_1073 = vector.broadcast %jit3A_1071 : i32 to vector<16xi32>
        %select_n3A_1074 = arith.select %gt3A_613, %broadcast_in_dim3A_1072, %broadcast_in_dim3A_1073 : vector<16xi1>, vector<16xi32>
        %add3A_1075 = arith.addi %min3A_1069, %select_n3A_1074 : vector<16xi32>
        %min3A_1076 = arith.constant 8 : i32
        %min3A_1077 = vector.broadcast %min3A_1076 : i32 to vector<16xi32>
        %min3A_1078 = arith.minsi %add3A_1075, %min3A_1077 : vector<16xi32>
        tpu.vector_store_idx %arg8[%min3A_1078, %add3A_136], %add3A_638 masked %gt3A_645 : memref<9x768xi32, #tpu.memory_space<vmem>>[vector<16xi32>, vector<16xi32>], vector<16xi32>, vector<16xi1>
        %jit3A_1079 = arith.constant 1 : i32
        %jit3A_1080 = arith.constant 0 : i32
        %broadcast_in_dim3A_1081 = vector.broadcast %jit3A_1079 : i32 to vector<16xi32>
        %broadcast_in_dim3A_1082 = vector.broadcast %jit3A_1080 : i32 to vector<16xi32>
        %select_n3A_1083 = arith.select %gt3A_645, %broadcast_in_dim3A_1081, %broadcast_in_dim3A_1082 : vector<16xi1>, vector<16xi32>
        %add3A_1084 = arith.addi %min3A_1078, %select_n3A_1083 : vector<16xi32>
        %min3A_1085 = arith.constant 8 : i32
        %min3A_1086 = vector.broadcast %min3A_1085 : i32 to vector<16xi32>
        %min3A_1087 = arith.minsi %add3A_1084, %min3A_1086 : vector<16xi32>
        tpu.vector_store_idx %arg8[%min3A_1087, %add3A_136], %add3A_670 masked %gt3A_677 : memref<9x768xi32, #tpu.memory_space<vmem>>[vector<16xi32>, vector<16xi32>], vector<16xi32>, vector<16xi1>
        %jit3A_1088 = arith.constant 1 : i32
        %jit3A_1089 = arith.constant 0 : i32
        %broadcast_in_dim3A_1090 = vector.broadcast %jit3A_1088 : i32 to vector<16xi32>
        %broadcast_in_dim3A_1091 = vector.broadcast %jit3A_1089 : i32 to vector<16xi32>
        %select_n3A_1092 = arith.select %gt3A_677, %broadcast_in_dim3A_1090, %broadcast_in_dim3A_1091 : vector<16xi1>, vector<16xi32>
        %add3A_1093 = arith.addi %min3A_1087, %select_n3A_1092 : vector<16xi32>
        %min3A_1094 = arith.constant 8 : i32
        %min3A_1095 = vector.broadcast %min3A_1094 : i32 to vector<16xi32>
        %min3A_1096 = arith.minsi %add3A_1093, %min3A_1095 : vector<16xi32>
        tpu.vector_store_idx %arg8[%min3A_1096, %add3A_136], %add3A_702 masked %gt3A_709 : memref<9x768xi32, #tpu.memory_space<vmem>>[vector<16xi32>, vector<16xi32>], vector<16xi32>, vector<16xi1>
        %jit3A_1097 = arith.constant 1 : i32
        %jit3A_1098 = arith.constant 0 : i32
        %broadcast_in_dim3A_1099 = vector.broadcast %jit3A_1097 : i32 to vector<16xi32>
        %broadcast_in_dim3A_1100 = vector.broadcast %jit3A_1098 : i32 to vector<16xi32>
        %select_n3A_1101 = arith.select %gt3A_709, %broadcast_in_dim3A_1099, %broadcast_in_dim3A_1100 : vector<16xi1>, vector<16xi32>
        %add3A_1102 = arith.addi %min3A_1096, %select_n3A_1101 : vector<16xi32>
        %min3A_1103 = arith.constant 8 : i32
        %min3A_1104 = vector.broadcast %min3A_1103 : i32 to vector<16xi32>
        %min3A_1105 = arith.minsi %add3A_1102, %min3A_1104 : vector<16xi32>
        tpu.vector_store_idx %arg8[%min3A_1105, %add3A_136], %add3A_734 masked %gt3A_741 : memref<9x768xi32, #tpu.memory_space<vmem>>[vector<16xi32>, vector<16xi32>], vector<16xi32>, vector<16xi1>
        %jit3A_1106 = arith.constant 1 : i32
        %jit3A_1107 = arith.constant 0 : i32
        %broadcast_in_dim3A_1108 = vector.broadcast %jit3A_1106 : i32 to vector<16xi32>
        %broadcast_in_dim3A_1109 = vector.broadcast %jit3A_1107 : i32 to vector<16xi32>
        %select_n3A_1110 = arith.select %gt3A_741, %broadcast_in_dim3A_1108, %broadcast_in_dim3A_1109 : vector<16xi1>, vector<16xi32>
        %add3A_1111 = arith.addi %min3A_1105, %select_n3A_1110 : vector<16xi32>
        %min3A_1112 = arith.constant 8 : i32
        %min3A_1113 = vector.broadcast %min3A_1112 : i32 to vector<16xi32>
        %min3A_1114 = arith.minsi %add3A_1111, %min3A_1113 : vector<16xi32>
        tpu.vector_store_idx %arg8[%min3A_1114, %add3A_136], %add3A_766 masked %gt3A_773 : memref<9x768xi32, #tpu.memory_space<vmem>>[vector<16xi32>, vector<16xi32>], vector<16xi32>, vector<16xi1>
        %jit3A_1115 = arith.constant 1 : i32
        %jit3A_1116 = arith.constant 0 : i32
        %broadcast_in_dim3A_1117 = vector.broadcast %jit3A_1115 : i32 to vector<16xi32>
        %broadcast_in_dim3A_1118 = vector.broadcast %jit3A_1116 : i32 to vector<16xi32>
        %select_n3A_1119 = arith.select %gt3A_773, %broadcast_in_dim3A_1117, %broadcast_in_dim3A_1118 : vector<16xi1>, vector<16xi32>
        %add3A_1120 = arith.addi %min3A_1114, %select_n3A_1119 : vector<16xi32>
        %min3A_1121 = arith.constant 8 : i32
        %min3A_1122 = vector.broadcast %min3A_1121 : i32 to vector<16xi32>
        %min3A_1123 = arith.minsi %add3A_1120, %min3A_1122 : vector<16xi32>
        tpu.vector_store_idx %arg8[%min3A_1123, %add3A_136], %add3A_798 masked %gt3A_805 : memref<9x768xi32, #tpu.memory_space<vmem>>[vector<16xi32>, vector<16xi32>], vector<16xi32>, vector<16xi1>
        %jit3A_1124 = arith.constant 1 : i32
        %jit3A_1125 = arith.constant 0 : i32
        %broadcast_in_dim3A_1126 = vector.broadcast %jit3A_1124 : i32 to vector<16xi32>
        %broadcast_in_dim3A_1127 = vector.broadcast %jit3A_1125 : i32 to vector<16xi32>
        %select_n3A_1128 = arith.select %gt3A_805, %broadcast_in_dim3A_1126, %broadcast_in_dim3A_1127 : vector<16xi1>, vector<16xi32>
        %add3A_1129 = arith.addi %min3A_1123, %select_n3A_1128 : vector<16xi32>
        %min3A_1130 = arith.constant 8 : i32
        %min3A_1131 = vector.broadcast %min3A_1130 : i32 to vector<16xi32>
        %min3A_1132 = arith.minsi %add3A_1129, %min3A_1131 : vector<16xi32>
        tpu.vector_store_idx %arg8[%min3A_1132, %add3A_136], %add3A_830 masked %gt3A_837 : memref<9x768xi32, #tpu.memory_space<vmem>>[vector<16xi32>, vector<16xi32>], vector<16xi32>, vector<16xi1>
        %jit3A_1133 = arith.constant 1 : i32
        %jit3A_1134 = arith.constant 0 : i32
        %broadcast_in_dim3A_1135 = vector.broadcast %jit3A_1133 : i32 to vector<16xi32>
        %broadcast_in_dim3A_1136 = vector.broadcast %jit3A_1134 : i32 to vector<16xi32>
        %select_n3A_1137 = arith.select %gt3A_837, %broadcast_in_dim3A_1135, %broadcast_in_dim3A_1136 : vector<16xi1>, vector<16xi32>
        %add3A_1138 = arith.addi %min3A_1132, %select_n3A_1137 : vector<16xi32>
        %min3A_1139 = arith.constant 8 : i32
        %min3A_1140 = vector.broadcast %min3A_1139 : i32 to vector<16xi32>
        %min3A_1141 = arith.minsi %add3A_1138, %min3A_1140 : vector<16xi32>
        tpu.vector_store_idx %arg8[%min3A_1141, %add3A_136], %add3A_862 masked %gt3A_869 : memref<9x768xi32, #tpu.memory_space<vmem>>[vector<16xi32>, vector<16xi32>], vector<16xi32>, vector<16xi1>
        %jit3A_1142 = arith.constant 1 : i32
        %jit3A_1143 = arith.constant 0 : i32
        %broadcast_in_dim3A_1144 = vector.broadcast %jit3A_1142 : i32 to vector<16xi32>
        %broadcast_in_dim3A_1145 = vector.broadcast %jit3A_1143 : i32 to vector<16xi32>
        %select_n3A_1146 = arith.select %gt3A_869, %broadcast_in_dim3A_1144, %broadcast_in_dim3A_1145 : vector<16xi1>, vector<16xi32>
        %add3A_1147 = arith.addi %min3A_1141, %select_n3A_1146 : vector<16xi32>
        %min3A_1148 = arith.constant 8 : i32
        %min3A_1149 = vector.broadcast %min3A_1148 : i32 to vector<16xi32>
        %min3A_1150 = arith.minsi %add3A_1147, %min3A_1149 : vector<16xi32>
        tpu.vector_store_idx %arg8[%min3A_1150, %add3A_136], %add3A_894 masked %gt3A_901 : memref<9x768xi32, #tpu.memory_space<vmem>>[vector<16xi32>, vector<16xi32>], vector<16xi32>, vector<16xi1>
        %jit3A_1151 = arith.constant 1 : i32
        %jit3A_1152 = arith.constant 0 : i32
        %broadcast_in_dim3A_1153 = vector.broadcast %jit3A_1151 : i32 to vector<16xi32>
        %broadcast_in_dim3A_1154 = vector.broadcast %jit3A_1152 : i32 to vector<16xi32>
        %select_n3A_1155 = arith.select %gt3A_901, %broadcast_in_dim3A_1153, %broadcast_in_dim3A_1154 : vector<16xi1>, vector<16xi32>
        %add3A_1156 = arith.addi %min3A_1150, %select_n3A_1155 : vector<16xi32>
        %min3A_1157 = arith.constant 8 : i32
        %min3A_1158 = vector.broadcast %min3A_1157 : i32 to vector<16xi32>
        %min3A_1159 = arith.minsi %add3A_1156, %min3A_1158 : vector<16xi32>
        tpu.vector_store_idx %arg8[%min3A_1159, %add3A_136], %add3A_926 masked %gt3A_933 : memref<9x768xi32, #tpu.memory_space<vmem>>[vector<16xi32>, vector<16xi32>], vector<16xi32>, vector<16xi1>
        %jit3A_1160 = arith.constant 1 : i32
        %jit3A_1161 = arith.constant 0 : i32
        %broadcast_in_dim3A_1162 = vector.broadcast %jit3A_1160 : i32 to vector<16xi32>
        %broadcast_in_dim3A_1163 = vector.broadcast %jit3A_1161 : i32 to vector<16xi32>
        %select_n3A_1164 = arith.select %gt3A_933, %broadcast_in_dim3A_1162, %broadcast_in_dim3A_1163 : vector<16xi1>, vector<16xi32>
        %add3A_1165 = arith.addi %min3A_1159, %select_n3A_1164 : vector<16xi32>
        %min3A_1166 = arith.constant 8 : i32
        %min3A_1167 = vector.broadcast %min3A_1166 : i32 to vector<16xi32>
        %min3A_1168 = arith.minsi %add3A_1165, %min3A_1167 : vector<16xi32>
        tpu.vector_store_idx %arg8[%min3A_1168, %add3A_136], %add3A_958 masked %gt3A_965 : memref<9x768xi32, #tpu.memory_space<vmem>>[vector<16xi32>, vector<16xi32>], vector<16xi32>, vector<16xi1>
        %jit3A_1169 = arith.constant 1 : i32
        %jit3A_1170 = arith.constant 0 : i32
        %broadcast_in_dim3A_1171 = vector.broadcast %jit3A_1169 : i32 to vector<16xi32>
        %broadcast_in_dim3A_1172 = vector.broadcast %jit3A_1170 : i32 to vector<16xi32>
        %select_n3A_1173 = arith.select %gt3A_965, %broadcast_in_dim3A_1171, %broadcast_in_dim3A_1172 : vector<16xi1>, vector<16xi32>
        %add3A_1174 = arith.addi %min3A_1168, %select_n3A_1173 : vector<16xi32>
        %min3A_1175 = arith.constant 8 : i32
        %min3A_1176 = vector.broadcast %min3A_1175 : i32 to vector<16xi32>
        %min3A_1177 = arith.minsi %add3A_1174, %min3A_1176 : vector<16xi32>
        tpu.vector_store_idx %arg8[%min3A_1177, %add3A_136], %add3A_990 masked %gt3A_997 : memref<9x768xi32, #tpu.memory_space<vmem>>[vector<16xi32>, vector<16xi32>], vector<16xi32>, vector<16xi1>
        %jit3A_1178 = arith.constant 1 : i32
        %jit3A_1179 = arith.constant 0 : i32
        %broadcast_in_dim3A_1180 = vector.broadcast %jit3A_1178 : i32 to vector<16xi32>
        %broadcast_in_dim3A_1181 = vector.broadcast %jit3A_1179 : i32 to vector<16xi32>
        %select_n3A_1182 = arith.select %gt3A_997, %broadcast_in_dim3A_1180, %broadcast_in_dim3A_1181 : vector<16xi1>, vector<16xi32>
        %add3A_1183 = arith.addi %min3A_1177, %select_n3A_1182 : vector<16xi32>
        %min3A_1184 = arith.constant 8 : i32
        %min3A_1185 = vector.broadcast %min3A_1184 : i32 to vector<16xi32>
        %min3A_1186 = arith.minsi %add3A_1183, %min3A_1185 : vector<16xi32>
        tpu.vector_store_idx %arg8[%min3A_1186, %add3A_136], %add3A_1022 masked %gt3A_1029 : memref<9x768xi32, #tpu.memory_space<vmem>>[vector<16xi32>, vector<16xi32>], vector<16xi32>, vector<16xi1>
        %jit3A_1187 = arith.constant 1 : i32
        %jit3A_1188 = arith.constant 0 : i32
        %broadcast_in_dim3A_1189 = vector.broadcast %jit3A_1187 : i32 to vector<16xi32>
        %broadcast_in_dim3A_1190 = vector.broadcast %jit3A_1188 : i32 to vector<16xi32>
        %select_n3A_1191 = arith.select %gt3A_1029, %broadcast_in_dim3A_1189, %broadcast_in_dim3A_1190 : vector<16xi1>, vector<16xi32>
        %add3A_1192 = arith.addi %min3A_1186, %select_n3A_1191 : vector<16xi32>
        %min3A_1193 = arith.constant 8 : i32
        %min3A_1194 = vector.broadcast %min3A_1193 : i32 to vector<16xi32>
        %min3A_1195 = arith.minsi %add3A_1192, %min3A_1194 : vector<16xi32>
        tpu.vector_store_idx %arg8[%min3A_1195, %add3A_136], %add3A_1054 masked %gt3A_1061 : memref<9x768xi32, #tpu.memory_space<vmem>>[vector<16xi32>, vector<16xi32>], vector<16xi32>, vector<16xi1>
        %jit3A_1196 = arith.constant 1 : i32
        %jit3A_1197 = arith.constant 0 : i32
        %broadcast_in_dim3A_1198 = vector.broadcast %jit3A_1196 : i32 to vector<16xi32>
        %broadcast_in_dim3A_1199 = vector.broadcast %jit3A_1197 : i32 to vector<16xi32>
        %select_n3A_1200 = arith.select %gt3A_1061, %broadcast_in_dim3A_1198, %broadcast_in_dim3A_1199 : vector<16xi1>, vector<16xi32>
        %add3A_1201 = arith.addi %min3A_1195, %select_n3A_1200 : vector<16xi32>
        %min3A_1202 = arith.constant 8 : i32
        %min3A_1203 = vector.broadcast %min3A_1202 : i32 to vector<16xi32>
        %min3A_1204 = arith.minsi %add3A_1201, %min3A_1203 : vector<16xi32>
        scf.yield %min3A_1204 : vector<16xi32>
      }
      %while3A_171 = arith.constant 1 : i32
      %while3A_172 = scf.for %while3A_482 = %while3A_168 to %while3A_164 step %while3A_171 iter_args(%while3A_483 = %while3A_170) -> (vector<16xi32>)  : i32 {
        %mul3A_484 = arith.constant 16 : i32
        %mul3A_485 = arith.muli %while3A_482, %mul3A_484 : i32
        %broadcast_in_dim3A_486 = vector.broadcast %mul3A_485 : i32 to vector<16xi32>
        %add3A_487 = arith.constant 0 : i32
        %add3A_488 = vector.broadcast %add3A_487 : i32 to vector<16xi32>
        %add3A_489 = arith.addi %broadcast_in_dim3A_486, %add3A_488 : vector<16xi32>
        %gather3A = tpu.vector_load_idx %arg6[%add3A_489] : memref<24272xi32, #tpu.memory_space<vmem>>[vector<16xi32>], vector<16xi32>,
        %add3A_490 = arith.constant 1 : i32
        %add3A_491 = vector.broadcast %add3A_490 : i32 to vector<16xi32>
        %add3A_492 = arith.addi %broadcast_in_dim3A_486, %add3A_491 : vector<16xi32>
        %gather3A_493 = tpu.vector_load_idx %arg6[%add3A_492] : memref<24272xi32, #tpu.memory_space<vmem>>[vector<16xi32>], vector<16xi32>,
        %add3A_494 = arith.constant 2 : i32
        %add3A_495 = vector.broadcast %add3A_494 : i32 to vector<16xi32>
        %add3A_496 = arith.addi %broadcast_in_dim3A_486, %add3A_495 : vector<16xi32>
        %gather3A_497 = tpu.vector_load_idx %arg6[%add3A_496] : memref<24272xi32, #tpu.memory_space<vmem>>[vector<16xi32>], vector<16xi32>,
        %add3A_498 = arith.constant 3 : i32
        %add3A_499 = vector.broadcast %add3A_498 : i32 to vector<16xi32>
        %add3A_500 = arith.addi %broadcast_in_dim3A_486, %add3A_499 : vector<16xi32>
        %gather3A_501 = tpu.vector_load_idx %arg6[%add3A_500] : memref<24272xi32, #tpu.memory_space<vmem>>[vector<16xi32>], vector<16xi32>,
        %add3A_502 = arith.constant 4 : i32
        %add3A_503 = vector.broadcast %add3A_502 : i32 to vector<16xi32>
        %add3A_504 = arith.addi %broadcast_in_dim3A_486, %add3A_503 : vector<16xi32>
        %gather3A_505 = tpu.vector_load_idx %arg6[%add3A_504] : memref<24272xi32, #tpu.memory_space<vmem>>[vector<16xi32>], vector<16xi32>,
        %add3A_506 = arith.constant 5 : i32
        %add3A_507 = vector.broadcast %add3A_506 : i32 to vector<16xi32>
        %add3A_508 = arith.addi %broadcast_in_dim3A_486, %add3A_507 : vector<16xi32>
        %gather3A_509 = tpu.vector_load_idx %arg6[%add3A_508] : memref<24272xi32, #tpu.memory_space<vmem>>[vector<16xi32>], vector<16xi32>,
        %add3A_510 = arith.constant 6 : i32
        %add3A_511 = vector.broadcast %add3A_510 : i32 to vector<16xi32>
        %add3A_512 = arith.addi %broadcast_in_dim3A_486, %add3A_511 : vector<16xi32>
        %gather3A_513 = tpu.vector_load_idx %arg6[%add3A_512] : memref<24272xi32, #tpu.memory_space<vmem>>[vector<16xi32>], vector<16xi32>,
        %add3A_514 = arith.constant 7 : i32
        %add3A_515 = vector.broadcast %add3A_514 : i32 to vector<16xi32>
        %add3A_516 = arith.addi %broadcast_in_dim3A_486, %add3A_515 : vector<16xi32>
        %gather3A_517 = tpu.vector_load_idx %arg6[%add3A_516] : memref<24272xi32, #tpu.memory_space<vmem>>[vector<16xi32>], vector<16xi32>,
        %add3A_518 = arith.constant 8 : i32
        %add3A_519 = vector.broadcast %add3A_518 : i32 to vector<16xi32>
        %add3A_520 = arith.addi %broadcast_in_dim3A_486, %add3A_519 : vector<16xi32>
        %gather3A_521 = tpu.vector_load_idx %arg6[%add3A_520] : memref<24272xi32, #tpu.memory_space<vmem>>[vector<16xi32>], vector<16xi32>,
        %add3A_522 = arith.constant 9 : i32
        %add3A_523 = vector.broadcast %add3A_522 : i32 to vector<16xi32>
        %add3A_524 = arith.addi %broadcast_in_dim3A_486, %add3A_523 : vector<16xi32>
        %gather3A_525 = tpu.vector_load_idx %arg6[%add3A_524] : memref<24272xi32, #tpu.memory_space<vmem>>[vector<16xi32>], vector<16xi32>,
        %add3A_526 = arith.constant 10 : i32
        %add3A_527 = vector.broadcast %add3A_526 : i32 to vector<16xi32>
        %add3A_528 = arith.addi %broadcast_in_dim3A_486, %add3A_527 : vector<16xi32>
        %gather3A_529 = tpu.vector_load_idx %arg6[%add3A_528] : memref<24272xi32, #tpu.memory_space<vmem>>[vector<16xi32>], vector<16xi32>,
        %add3A_530 = arith.constant 11 : i32
        %add3A_531 = vector.broadcast %add3A_530 : i32 to vector<16xi32>
        %add3A_532 = arith.addi %broadcast_in_dim3A_486, %add3A_531 : vector<16xi32>
        %gather3A_533 = tpu.vector_load_idx %arg6[%add3A_532] : memref<24272xi32, #tpu.memory_space<vmem>>[vector<16xi32>], vector<16xi32>,
        %add3A_534 = arith.constant 12 : i32
        %add3A_535 = vector.broadcast %add3A_534 : i32 to vector<16xi32>
        %add3A_536 = arith.addi %broadcast_in_dim3A_486, %add3A_535 : vector<16xi32>
        %gather3A_537 = tpu.vector_load_idx %arg6[%add3A_536] : memref<24272xi32, #tpu.memory_space<vmem>>[vector<16xi32>], vector<16xi32>,
        %add3A_538 = arith.constant 13 : i32
        %add3A_539 = vector.broadcast %add3A_538 : i32 to vector<16xi32>
        %add3A_540 = arith.addi %broadcast_in_dim3A_486, %add3A_539 : vector<16xi32>
        %gather3A_541 = tpu.vector_load_idx %arg6[%add3A_540] : memref<24272xi32, #tpu.memory_space<vmem>>[vector<16xi32>], vector<16xi32>,
        %add3A_542 = arith.constant 14 : i32
        %add3A_543 = vector.broadcast %add3A_542 : i32 to vector<16xi32>
        %add3A_544 = arith.addi %broadcast_in_dim3A_486, %add3A_543 : vector<16xi32>
        %gather3A_545 = tpu.vector_load_idx %arg6[%add3A_544] : memref<24272xi32, #tpu.memory_space<vmem>>[vector<16xi32>], vector<16xi32>,
        %add3A_546 = arith.constant 15 : i32
        %add3A_547 = vector.broadcast %add3A_546 : i32 to vector<16xi32>
        %add3A_548 = arith.addi %broadcast_in_dim3A_486, %add3A_547 : vector<16xi32>
        %gather3A_549 = tpu.vector_load_idx %arg6[%add3A_548] : memref<24272xi32, #tpu.memory_space<vmem>>[vector<16xi32>], vector<16xi32>,
        %and3A_550 = arith.constant 511 : i32
        %and3A_551 = vector.broadcast %and3A_550 : i32 to vector<16xi32>
        %and3A_552 = arith.andi %gather3A, %and3A_551 : vector<16xi32>
        %sub3A_553 = arith.constant 96 : i32
        %sub3A_554 = vector.broadcast %sub3A_553 : i32 to vector<16xi32>
        %sub3A_555 = arith.subi %and3A_552, %sub3A_554 : vector<16xi32>
        %add3A_556 = arith.addi %sub3A_147, %sub3A_555 : vector<16xi32>
        %shift_right_arithmetic3A_557 = arith.constant 9 : i32
        %shift_right_arithmetic3A_558 = vector.broadcast %shift_right_arithmetic3A_557 : i32 to vector<16xi32>
        %shift_right_arithmetic3A_559 = arith.shrsi %gather3A, %shift_right_arithmetic3A_558 : vector<16xi32>
        %sub3A_560 = arith.constant 64 : i32
        %sub3A_561 = vector.broadcast %sub3A_560 : i32 to vector<16xi32>
        %sub3A_562 = arith.subi %shift_right_arithmetic3A_559, %sub3A_561 : vector<16xi32>
        %add3A_563 = arith.addi %shift_right_arithmetic3A_143, %sub3A_562 : vector<16xi32>
        %lt3A_564 = arith.constant 96 : i32
        %lt3A_565 = vector.broadcast %lt3A_564 : i32 to vector<16xi32>
        %lt3A_566 = arith.cmpi ult, %add3A_556, %lt3A_565 : vector<16xi32>
        %lt3A_567 = arith.constant 64 : i32
        %lt3A_568 = vector.broadcast %lt3A_567 : i32 to vector<16xi32>
        %lt3A_569 = arith.cmpi ult, %add3A_563, %lt3A_568 : vector<16xi32>
        %and3A_570 = arith.andi %lt3A_566, %lt3A_569 : vector<16xi1>
        %mul3A_571 = arith.constant 96 : i32
        %mul3A_572 = vector.broadcast %mul3A_571 : i32 to vector<16xi32>
        %mul3A_573 = arith.muli %add3A_563, %mul3A_572 : vector<16xi32>
        %add3A_574 = arith.addi %mul3A_573, %add3A_556 : vector<16xi32>
        %jit3A_575 = arith.constant 6144 : i32
        %broadcast_in_dim3A_576 = vector.broadcast %jit3A_575 : i32 to vector<16xi32>
        %select_n3A_577 = arith.select %and3A_570, %add3A_574, %broadcast_in_dim3A_576 : vector<16xi1>, vector<16xi32>
        %gather3A_578 = tpu.vector_load_idx %arg7[%select_n3A_577] : memref<6160xf32, #tpu.memory_space<vmem>>[vector<16xi32>], vector<16xf32>,
        %gt3A_579 = arith.constant 1.000000e-03 : f32
        %gt3A_580 = vector.broadcast %gt3A_579 : f32 to vector<16xf32>
        %gt3A_581 = arith.cmpf ogt, %gather3A_578, %gt3A_580 : vector<16xf32>
        %and3A_582 = arith.constant 511 : i32
        %and3A_583 = vector.broadcast %and3A_582 : i32 to vector<16xi32>
        %and3A_584 = arith.andi %gather3A_493, %and3A_583 : vector<16xi32>
        %sub3A_585 = arith.constant 96 : i32
        %sub3A_586 = vector.broadcast %sub3A_585 : i32 to vector<16xi32>
        %sub3A_587 = arith.subi %and3A_584, %sub3A_586 : vector<16xi32>
        %add3A_588 = arith.addi %sub3A_147, %sub3A_587 : vector<16xi32>
        %shift_right_arithmetic3A_589 = arith.constant 9 : i32
        %shift_right_arithmetic3A_590 = vector.broadcast %shift_right_arithmetic3A_589 : i32 to vector<16xi32>
        %shift_right_arithmetic3A_591 = arith.shrsi %gather3A_493, %shift_right_arithmetic3A_590 : vector<16xi32>
        %sub3A_592 = arith.constant 64 : i32
        %sub3A_593 = vector.broadcast %sub3A_592 : i32 to vector<16xi32>
        %sub3A_594 = arith.subi %shift_right_arithmetic3A_591, %sub3A_593 : vector<16xi32>
        %add3A_595 = arith.addi %shift_right_arithmetic3A_143, %sub3A_594 : vector<16xi32>
        %lt3A_596 = arith.constant 96 : i32
        %lt3A_597 = vector.broadcast %lt3A_596 : i32 to vector<16xi32>
        %lt3A_598 = arith.cmpi ult, %add3A_588, %lt3A_597 : vector<16xi32>
        %lt3A_599 = arith.constant 64 : i32
        %lt3A_600 = vector.broadcast %lt3A_599 : i32 to vector<16xi32>
        %lt3A_601 = arith.cmpi ult, %add3A_595, %lt3A_600 : vector<16xi32>
        %and3A_602 = arith.andi %lt3A_598, %lt3A_601 : vector<16xi1>
        %mul3A_603 = arith.constant 96 : i32
        %mul3A_604 = vector.broadcast %mul3A_603 : i32 to vector<16xi32>
        %mul3A_605 = arith.muli %add3A_595, %mul3A_604 : vector<16xi32>
        %add3A_606 = arith.addi %mul3A_605, %add3A_588 : vector<16xi32>
        %jit3A_607 = arith.constant 6144 : i32
        %broadcast_in_dim3A_608 = vector.broadcast %jit3A_607 : i32 to vector<16xi32>
        %select_n3A_609 = arith.select %and3A_602, %add3A_606, %broadcast_in_dim3A_608 : vector<16xi1>, vector<16xi32>
        %gather3A_610 = tpu.vector_load_idx %arg7[%select_n3A_609] : memref<6160xf32, #tpu.memory_space<vmem>>[vector<16xi32>], vector<16xf32>,
        %gt3A_611 = arith.constant 1.000000e-03 : f32
        %gt3A_612 = vector.broadcast %gt3A_611 : f32 to vector<16xf32>
        %gt3A_613 = arith.cmpf ogt, %gather3A_610, %gt3A_612 : vector<16xf32>
        %and3A_614 = arith.constant 511 : i32
        %and3A_615 = vector.broadcast %and3A_614 : i32 to vector<16xi32>
        %and3A_616 = arith.andi %gather3A_497, %and3A_615 : vector<16xi32>
        %sub3A_617 = arith.constant 96 : i32
        %sub3A_618 = vector.broadcast %sub3A_617 : i32 to vector<16xi32>
        %sub3A_619 = arith.subi %and3A_616, %sub3A_618 : vector<16xi32>
        %add3A_620 = arith.addi %sub3A_147, %sub3A_619 : vector<16xi32>
        %shift_right_arithmetic3A_621 = arith.constant 9 : i32
        %shift_right_arithmetic3A_622 = vector.broadcast %shift_right_arithmetic3A_621 : i32 to vector<16xi32>
        %shift_right_arithmetic3A_623 = arith.shrsi %gather3A_497, %shift_right_arithmetic3A_622 : vector<16xi32>
        %sub3A_624 = arith.constant 64 : i32
        %sub3A_625 = vector.broadcast %sub3A_624 : i32 to vector<16xi32>
        %sub3A_626 = arith.subi %shift_right_arithmetic3A_623, %sub3A_625 : vector<16xi32>
        %add3A_627 = arith.addi %shift_right_arithmetic3A_143, %sub3A_626 : vector<16xi32>
        %lt3A_628 = arith.constant 96 : i32
        %lt3A_629 = vector.broadcast %lt3A_628 : i32 to vector<16xi32>
        %lt3A_630 = arith.cmpi ult, %add3A_620, %lt3A_629 : vector<16xi32>
        %lt3A_631 = arith.constant 64 : i32
        %lt3A_632 = vector.broadcast %lt3A_631 : i32 to vector<16xi32>
        %lt3A_633 = arith.cmpi ult, %add3A_627, %lt3A_632 : vector<16xi32>
        %and3A_634 = arith.andi %lt3A_630, %lt3A_633 : vector<16xi1>
        %mul3A_635 = arith.constant 96 : i32
        %mul3A_636 = vector.broadcast %mul3A_635 : i32 to vector<16xi32>
        %mul3A_637 = arith.muli %add3A_627, %mul3A_636 : vector<16xi32>
        %add3A_638 = arith.addi %mul3A_637, %add3A_620 : vector<16xi32>
        %jit3A_639 = arith.constant 6144 : i32
        %broadcast_in_dim3A_640 = vector.broadcast %jit3A_639 : i32 to vector<16xi32>
        %select_n3A_641 = arith.select %and3A_634, %add3A_638, %broadcast_in_dim3A_640 : vector<16xi1>, vector<16xi32>
        %gather3A_642 = tpu.vector_load_idx %arg7[%select_n3A_641] : memref<6160xf32, #tpu.memory_space<vmem>>[vector<16xi32>], vector<16xf32>,
        %gt3A_643 = arith.constant 1.000000e-03 : f32
        %gt3A_644 = vector.broadcast %gt3A_643 : f32 to vector<16xf32>
        %gt3A_645 = arith.cmpf ogt, %gather3A_642, %gt3A_644 : vector<16xf32>
        %and3A_646 = arith.constant 511 : i32
        %and3A_647 = vector.broadcast %and3A_646 : i32 to vector<16xi32>
        %and3A_648 = arith.andi %gather3A_501, %and3A_647 : vector<16xi32>
        %sub3A_649 = arith.constant 96 : i32
        %sub3A_650 = vector.broadcast %sub3A_649 : i32 to vector<16xi32>
        %sub3A_651 = arith.subi %and3A_648, %sub3A_650 : vector<16xi32>
        %add3A_652 = arith.addi %sub3A_147, %sub3A_651 : vector<16xi32>
        %shift_right_arithmetic3A_653 = arith.constant 9 : i32
        %shift_right_arithmetic3A_654 = vector.broadcast %shift_right_arithmetic3A_653 : i32 to vector<16xi32>
        %shift_right_arithmetic3A_655 = arith.shrsi %gather3A_501, %shift_right_arithmetic3A_654 : vector<16xi32>
        %sub3A_656 = arith.constant 64 : i32
        %sub3A_657 = vector.broadcast %sub3A_656 : i32 to vector<16xi32>
        %sub3A_658 = arith.subi %shift_right_arithmetic3A_655, %sub3A_657 : vector<16xi32>
        %add3A_659 = arith.addi %shift_right_arithmetic3A_143, %sub3A_658 : vector<16xi32>
        %lt3A_660 = arith.constant 96 : i32
        %lt3A_661 = vector.broadcast %lt3A_660 : i32 to vector<16xi32>
        %lt3A_662 = arith.cmpi ult, %add3A_652, %lt3A_661 : vector<16xi32>
        %lt3A_663 = arith.constant 64 : i32
        %lt3A_664 = vector.broadcast %lt3A_663 : i32 to vector<16xi32>
        %lt3A_665 = arith.cmpi ult, %add3A_659, %lt3A_664 : vector<16xi32>
        %and3A_666 = arith.andi %lt3A_662, %lt3A_665 : vector<16xi1>
        %mul3A_667 = arith.constant 96 : i32
        %mul3A_668 = vector.broadcast %mul3A_667 : i32 to vector<16xi32>
        %mul3A_669 = arith.muli %add3A_659, %mul3A_668 : vector<16xi32>
        %add3A_670 = arith.addi %mul3A_669, %add3A_652 : vector<16xi32>
        %jit3A_671 = arith.constant 6144 : i32
        %broadcast_in_dim3A_672 = vector.broadcast %jit3A_671 : i32 to vector<16xi32>
        %select_n3A_673 = arith.select %and3A_666, %add3A_670, %broadcast_in_dim3A_672 : vector<16xi1>, vector<16xi32>
        %gather3A_674 = tpu.vector_load_idx %arg7[%select_n3A_673] : memref<6160xf32, #tpu.memory_space<vmem>>[vector<16xi32>], vector<16xf32>,
        %gt3A_675 = arith.constant 1.000000e-03 : f32
        %gt3A_676 = vector.broadcast %gt3A_675 : f32 to vector<16xf32>
        %gt3A_677 = arith.cmpf ogt, %gather3A_674, %gt3A_676 : vector<16xf32>
        %and3A_678 = arith.constant 511 : i32
        %and3A_679 = vector.broadcast %and3A_678 : i32 to vector<16xi32>
        %and3A_680 = arith.andi %gather3A_505, %and3A_679 : vector<16xi32>
        %sub3A_681 = arith.constant 96 : i32
        %sub3A_682 = vector.broadcast %sub3A_681 : i32 to vector<16xi32>
        %sub3A_683 = arith.subi %and3A_680, %sub3A_682 : vector<16xi32>
        %add3A_684 = arith.addi %sub3A_147, %sub3A_683 : vector<16xi32>
        %shift_right_arithmetic3A_685 = arith.constant 9 : i32
        %shift_right_arithmetic3A_686 = vector.broadcast %shift_right_arithmetic3A_685 : i32 to vector<16xi32>
        %shift_right_arithmetic3A_687 = arith.shrsi %gather3A_505, %shift_right_arithmetic3A_686 : vector<16xi32>
        %sub3A_688 = arith.constant 64 : i32
        %sub3A_689 = vector.broadcast %sub3A_688 : i32 to vector<16xi32>
        %sub3A_690 = arith.subi %shift_right_arithmetic3A_687, %sub3A_689 : vector<16xi32>
        %add3A_691 = arith.addi %shift_right_arithmetic3A_143, %sub3A_690 : vector<16xi32>
        %lt3A_692 = arith.constant 96 : i32
        %lt3A_693 = vector.broadcast %lt3A_692 : i32 to vector<16xi32>
        %lt3A_694 = arith.cmpi ult, %add3A_684, %lt3A_693 : vector<16xi32>
        %lt3A_695 = arith.constant 64 : i32
        %lt3A_696 = vector.broadcast %lt3A_695 : i32 to vector<16xi32>
        %lt3A_697 = arith.cmpi ult, %add3A_691, %lt3A_696 : vector<16xi32>
        %and3A_698 = arith.andi %lt3A_694, %lt3A_697 : vector<16xi1>
        %mul3A_699 = arith.constant 96 : i32
        %mul3A_700 = vector.broadcast %mul3A_699 : i32 to vector<16xi32>
        %mul3A_701 = arith.muli %add3A_691, %mul3A_700 : vector<16xi32>
        %add3A_702 = arith.addi %mul3A_701, %add3A_684 : vector<16xi32>
        %jit3A_703 = arith.constant 6144 : i32
        %broadcast_in_dim3A_704 = vector.broadcast %jit3A_703 : i32 to vector<16xi32>
        %select_n3A_705 = arith.select %and3A_698, %add3A_702, %broadcast_in_dim3A_704 : vector<16xi1>, vector<16xi32>
        %gather3A_706 = tpu.vector_load_idx %arg7[%select_n3A_705] : memref<6160xf32, #tpu.memory_space<vmem>>[vector<16xi32>], vector<16xf32>,
        %gt3A_707 = arith.constant 1.000000e-03 : f32
        %gt3A_708 = vector.broadcast %gt3A_707 : f32 to vector<16xf32>
        %gt3A_709 = arith.cmpf ogt, %gather3A_706, %gt3A_708 : vector<16xf32>
        %and3A_710 = arith.constant 511 : i32
        %and3A_711 = vector.broadcast %and3A_710 : i32 to vector<16xi32>
        %and3A_712 = arith.andi %gather3A_509, %and3A_711 : vector<16xi32>
        %sub3A_713 = arith.constant 96 : i32
        %sub3A_714 = vector.broadcast %sub3A_713 : i32 to vector<16xi32>
        %sub3A_715 = arith.subi %and3A_712, %sub3A_714 : vector<16xi32>
        %add3A_716 = arith.addi %sub3A_147, %sub3A_715 : vector<16xi32>
        %shift_right_arithmetic3A_717 = arith.constant 9 : i32
        %shift_right_arithmetic3A_718 = vector.broadcast %shift_right_arithmetic3A_717 : i32 to vector<16xi32>
        %shift_right_arithmetic3A_719 = arith.shrsi %gather3A_509, %shift_right_arithmetic3A_718 : vector<16xi32>
        %sub3A_720 = arith.constant 64 : i32
        %sub3A_721 = vector.broadcast %sub3A_720 : i32 to vector<16xi32>
        %sub3A_722 = arith.subi %shift_right_arithmetic3A_719, %sub3A_721 : vector<16xi32>
        %add3A_723 = arith.addi %shift_right_arithmetic3A_143, %sub3A_722 : vector<16xi32>
        %lt3A_724 = arith.constant 96 : i32
        %lt3A_725 = vector.broadcast %lt3A_724 : i32 to vector<16xi32>
        %lt3A_726 = arith.cmpi ult, %add3A_716, %lt3A_725 : vector<16xi32>
        %lt3A_727 = arith.constant 64 : i32
        %lt3A_728 = vector.broadcast %lt3A_727 : i32 to vector<16xi32>
        %lt3A_729 = arith.cmpi ult, %add3A_723, %lt3A_728 : vector<16xi32>
        %and3A_730 = arith.andi %lt3A_726, %lt3A_729 : vector<16xi1>
        %mul3A_731 = arith.constant 96 : i32
        %mul3A_732 = vector.broadcast %mul3A_731 : i32 to vector<16xi32>
        %mul3A_733 = arith.muli %add3A_723, %mul3A_732 : vector<16xi32>
        %add3A_734 = arith.addi %mul3A_733, %add3A_716 : vector<16xi32>
        %jit3A_735 = arith.constant 6144 : i32
        %broadcast_in_dim3A_736 = vector.broadcast %jit3A_735 : i32 to vector<16xi32>
        %select_n3A_737 = arith.select %and3A_730, %add3A_734, %broadcast_in_dim3A_736 : vector<16xi1>, vector<16xi32>
        %gather3A_738 = tpu.vector_load_idx %arg7[%select_n3A_737] : memref<6160xf32, #tpu.memory_space<vmem>>[vector<16xi32>], vector<16xf32>,
        %gt3A_739 = arith.constant 1.000000e-03 : f32
        %gt3A_740 = vector.broadcast %gt3A_739 : f32 to vector<16xf32>
        %gt3A_741 = arith.cmpf ogt, %gather3A_738, %gt3A_740 : vector<16xf32>
        %and3A_742 = arith.constant 511 : i32
        %and3A_743 = vector.broadcast %and3A_742 : i32 to vector<16xi32>
        %and3A_744 = arith.andi %gather3A_513, %and3A_743 : vector<16xi32>
        %sub3A_745 = arith.constant 96 : i32
        %sub3A_746 = vector.broadcast %sub3A_745 : i32 to vector<16xi32>
        %sub3A_747 = arith.subi %and3A_744, %sub3A_746 : vector<16xi32>
        %add3A_748 = arith.addi %sub3A_147, %sub3A_747 : vector<16xi32>
        %shift_right_arithmetic3A_749 = arith.constant 9 : i32
        %shift_right_arithmetic3A_750 = vector.broadcast %shift_right_arithmetic3A_749 : i32 to vector<16xi32>
        %shift_right_arithmetic3A_751 = arith.shrsi %gather3A_513, %shift_right_arithmetic3A_750 : vector<16xi32>
        %sub3A_752 = arith.constant 64 : i32
        %sub3A_753 = vector.broadcast %sub3A_752 : i32 to vector<16xi32>
        %sub3A_754 = arith.subi %shift_right_arithmetic3A_751, %sub3A_753 : vector<16xi32>
        %add3A_755 = arith.addi %shift_right_arithmetic3A_143, %sub3A_754 : vector<16xi32>
        %lt3A_756 = arith.constant 96 : i32
        %lt3A_757 = vector.broadcast %lt3A_756 : i32 to vector<16xi32>
        %lt3A_758 = arith.cmpi ult, %add3A_748, %lt3A_757 : vector<16xi32>
        %lt3A_759 = arith.constant 64 : i32
        %lt3A_760 = vector.broadcast %lt3A_759 : i32 to vector<16xi32>
        %lt3A_761 = arith.cmpi ult, %add3A_755, %lt3A_760 : vector<16xi32>
        %and3A_762 = arith.andi %lt3A_758, %lt3A_761 : vector<16xi1>
        %mul3A_763 = arith.constant 96 : i32
        %mul3A_764 = vector.broadcast %mul3A_763 : i32 to vector<16xi32>
        %mul3A_765 = arith.muli %add3A_755, %mul3A_764 : vector<16xi32>
        %add3A_766 = arith.addi %mul3A_765, %add3A_748 : vector<16xi32>
        %jit3A_767 = arith.constant 6144 : i32
        %broadcast_in_dim3A_768 = vector.broadcast %jit3A_767 : i32 to vector<16xi32>
        %select_n3A_769 = arith.select %and3A_762, %add3A_766, %broadcast_in_dim3A_768 : vector<16xi1>, vector<16xi32>
        %gather3A_770 = tpu.vector_load_idx %arg7[%select_n3A_769] : memref<6160xf32, #tpu.memory_space<vmem>>[vector<16xi32>], vector<16xf32>,
        %gt3A_771 = arith.constant 1.000000e-03 : f32
        %gt3A_772 = vector.broadcast %gt3A_771 : f32 to vector<16xf32>
        %gt3A_773 = arith.cmpf ogt, %gather3A_770, %gt3A_772 : vector<16xf32>
        %and3A_774 = arith.constant 511 : i32
        %and3A_775 = vector.broadcast %and3A_774 : i32 to vector<16xi32>
        %and3A_776 = arith.andi %gather3A_517, %and3A_775 : vector<16xi32>
        %sub3A_777 = arith.constant 96 : i32
        %sub3A_778 = vector.broadcast %sub3A_777 : i32 to vector<16xi32>
        %sub3A_779 = arith.subi %and3A_776, %sub3A_778 : vector<16xi32>
        %add3A_780 = arith.addi %sub3A_147, %sub3A_779 : vector<16xi32>
        %shift_right_arithmetic3A_781 = arith.constant 9 : i32
        %shift_right_arithmetic3A_782 = vector.broadcast %shift_right_arithmetic3A_781 : i32 to vector<16xi32>
        %shift_right_arithmetic3A_783 = arith.shrsi %gather3A_517, %shift_right_arithmetic3A_782 : vector<16xi32>
        %sub3A_784 = arith.constant 64 : i32
        %sub3A_785 = vector.broadcast %sub3A_784 : i32 to vector<16xi32>
        %sub3A_786 = arith.subi %shift_right_arithmetic3A_783, %sub3A_785 : vector<16xi32>
        %add3A_787 = arith.addi %shift_right_arithmetic3A_143, %sub3A_786 : vector<16xi32>
        %lt3A_788 = arith.constant 96 : i32
        %lt3A_789 = vector.broadcast %lt3A_788 : i32 to vector<16xi32>
        %lt3A_790 = arith.cmpi ult, %add3A_780, %lt3A_789 : vector<16xi32>
        %lt3A_791 = arith.constant 64 : i32
        %lt3A_792 = vector.broadcast %lt3A_791 : i32 to vector<16xi32>
        %lt3A_793 = arith.cmpi ult, %add3A_787, %lt3A_792 : vector<16xi32>
        %and3A_794 = arith.andi %lt3A_790, %lt3A_793 : vector<16xi1>
        %mul3A_795 = arith.constant 96 : i32
        %mul3A_796 = vector.broadcast %mul3A_795 : i32 to vector<16xi32>
        %mul3A_797 = arith.muli %add3A_787, %mul3A_796 : vector<16xi32>
        %add3A_798 = arith.addi %mul3A_797, %add3A_780 : vector<16xi32>
        %jit3A_799 = arith.constant 6144 : i32
        %broadcast_in_dim3A_800 = vector.broadcast %jit3A_799 : i32 to vector<16xi32>
        %select_n3A_801 = arith.select %and3A_794, %add3A_798, %broadcast_in_dim3A_800 : vector<16xi1>, vector<16xi32>
        %gather3A_802 = tpu.vector_load_idx %arg7[%select_n3A_801] : memref<6160xf32, #tpu.memory_space<vmem>>[vector<16xi32>], vector<16xf32>,
        %gt3A_803 = arith.constant 1.000000e-03 : f32
        %gt3A_804 = vector.broadcast %gt3A_803 : f32 to vector<16xf32>
        %gt3A_805 = arith.cmpf ogt, %gather3A_802, %gt3A_804 : vector<16xf32>
        %and3A_806 = arith.constant 511 : i32
        %and3A_807 = vector.broadcast %and3A_806 : i32 to vector<16xi32>
        %and3A_808 = arith.andi %gather3A_521, %and3A_807 : vector<16xi32>
        %sub3A_809 = arith.constant 96 : i32
        %sub3A_810 = vector.broadcast %sub3A_809 : i32 to vector<16xi32>
        %sub3A_811 = arith.subi %and3A_808, %sub3A_810 : vector<16xi32>
        %add3A_812 = arith.addi %sub3A_147, %sub3A_811 : vector<16xi32>
        %shift_right_arithmetic3A_813 = arith.constant 9 : i32
        %shift_right_arithmetic3A_814 = vector.broadcast %shift_right_arithmetic3A_813 : i32 to vector<16xi32>
        %shift_right_arithmetic3A_815 = arith.shrsi %gather3A_521, %shift_right_arithmetic3A_814 : vector<16xi32>
        %sub3A_816 = arith.constant 64 : i32
        %sub3A_817 = vector.broadcast %sub3A_816 : i32 to vector<16xi32>
        %sub3A_818 = arith.subi %shift_right_arithmetic3A_815, %sub3A_817 : vector<16xi32>
        %add3A_819 = arith.addi %shift_right_arithmetic3A_143, %sub3A_818 : vector<16xi32>
        %lt3A_820 = arith.constant 96 : i32
        %lt3A_821 = vector.broadcast %lt3A_820 : i32 to vector<16xi32>
        %lt3A_822 = arith.cmpi ult, %add3A_812, %lt3A_821 : vector<16xi32>
        %lt3A_823 = arith.constant 64 : i32
        %lt3A_824 = vector.broadcast %lt3A_823 : i32 to vector<16xi32>
        %lt3A_825 = arith.cmpi ult, %add3A_819, %lt3A_824 : vector<16xi32>
        %and3A_826 = arith.andi %lt3A_822, %lt3A_825 : vector<16xi1>
        %mul3A_827 = arith.constant 96 : i32
        %mul3A_828 = vector.broadcast %mul3A_827 : i32 to vector<16xi32>
        %mul3A_829 = arith.muli %add3A_819, %mul3A_828 : vector<16xi32>
        %add3A_830 = arith.addi %mul3A_829, %add3A_812 : vector<16xi32>
        %jit3A_831 = arith.constant 6144 : i32
        %broadcast_in_dim3A_832 = vector.broadcast %jit3A_831 : i32 to vector<16xi32>
        %select_n3A_833 = arith.select %and3A_826, %add3A_830, %broadcast_in_dim3A_832 : vector<16xi1>, vector<16xi32>
        %gather3A_834 = tpu.vector_load_idx %arg7[%select_n3A_833] : memref<6160xf32, #tpu.memory_space<vmem>>[vector<16xi32>], vector<16xf32>,
        %gt3A_835 = arith.constant 1.000000e-03 : f32
        %gt3A_836 = vector.broadcast %gt3A_835 : f32 to vector<16xf32>
        %gt3A_837 = arith.cmpf ogt, %gather3A_834, %gt3A_836 : vector<16xf32>
        %and3A_838 = arith.constant 511 : i32
        %and3A_839 = vector.broadcast %and3A_838 : i32 to vector<16xi32>
        %and3A_840 = arith.andi %gather3A_525, %and3A_839 : vector<16xi32>
        %sub3A_841 = arith.constant 96 : i32
        %sub3A_842 = vector.broadcast %sub3A_841 : i32 to vector<16xi32>
        %sub3A_843 = arith.subi %and3A_840, %sub3A_842 : vector<16xi32>
        %add3A_844 = arith.addi %sub3A_147, %sub3A_843 : vector<16xi32>
        %shift_right_arithmetic3A_845 = arith.constant 9 : i32
        %shift_right_arithmetic3A_846 = vector.broadcast %shift_right_arithmetic3A_845 : i32 to vector<16xi32>
        %shift_right_arithmetic3A_847 = arith.shrsi %gather3A_525, %shift_right_arithmetic3A_846 : vector<16xi32>
        %sub3A_848 = arith.constant 64 : i32
        %sub3A_849 = vector.broadcast %sub3A_848 : i32 to vector<16xi32>
        %sub3A_850 = arith.subi %shift_right_arithmetic3A_847, %sub3A_849 : vector<16xi32>
        %add3A_851 = arith.addi %shift_right_arithmetic3A_143, %sub3A_850 : vector<16xi32>
        %lt3A_852 = arith.constant 96 : i32
        %lt3A_853 = vector.broadcast %lt3A_852 : i32 to vector<16xi32>
        %lt3A_854 = arith.cmpi ult, %add3A_844, %lt3A_853 : vector<16xi32>
        %lt3A_855 = arith.constant 64 : i32
        %lt3A_856 = vector.broadcast %lt3A_855 : i32 to vector<16xi32>
        %lt3A_857 = arith.cmpi ult, %add3A_851, %lt3A_856 : vector<16xi32>
        %and3A_858 = arith.andi %lt3A_854, %lt3A_857 : vector<16xi1>
        %mul3A_859 = arith.constant 96 : i32
        %mul3A_860 = vector.broadcast %mul3A_859 : i32 to vector<16xi32>
        %mul3A_861 = arith.muli %add3A_851, %mul3A_860 : vector<16xi32>
        %add3A_862 = arith.addi %mul3A_861, %add3A_844 : vector<16xi32>
        %jit3A_863 = arith.constant 6144 : i32
        %broadcast_in_dim3A_864 = vector.broadcast %jit3A_863 : i32 to vector<16xi32>
        %select_n3A_865 = arith.select %and3A_858, %add3A_862, %broadcast_in_dim3A_864 : vector<16xi1>, vector<16xi32>
        %gather3A_866 = tpu.vector_load_idx %arg7[%select_n3A_865] : memref<6160xf32, #tpu.memory_space<vmem>>[vector<16xi32>], vector<16xf32>,
        %gt3A_867 = arith.constant 1.000000e-03 : f32
        %gt3A_868 = vector.broadcast %gt3A_867 : f32 to vector<16xf32>
        %gt3A_869 = arith.cmpf ogt, %gather3A_866, %gt3A_868 : vector<16xf32>
        %and3A_870 = arith.constant 511 : i32
        %and3A_871 = vector.broadcast %and3A_870 : i32 to vector<16xi32>
        %and3A_872 = arith.andi %gather3A_529, %and3A_871 : vector<16xi32>
        %sub3A_873 = arith.constant 96 : i32
        %sub3A_874 = vector.broadcast %sub3A_873 : i32 to vector<16xi32>
        %sub3A_875 = arith.subi %and3A_872, %sub3A_874 : vector<16xi32>
        %add3A_876 = arith.addi %sub3A_147, %sub3A_875 : vector<16xi32>
        %shift_right_arithmetic3A_877 = arith.constant 9 : i32
        %shift_right_arithmetic3A_878 = vector.broadcast %shift_right_arithmetic3A_877 : i32 to vector<16xi32>
        %shift_right_arithmetic3A_879 = arith.shrsi %gather3A_529, %shift_right_arithmetic3A_878 : vector<16xi32>
        %sub3A_880 = arith.constant 64 : i32
        %sub3A_881 = vector.broadcast %sub3A_880 : i32 to vector<16xi32>
        %sub3A_882 = arith.subi %shift_right_arithmetic3A_879, %sub3A_881 : vector<16xi32>
        %add3A_883 = arith.addi %shift_right_arithmetic3A_143, %sub3A_882 : vector<16xi32>
        %lt3A_884 = arith.constant 96 : i32
        %lt3A_885 = vector.broadcast %lt3A_884 : i32 to vector<16xi32>
        %lt3A_886 = arith.cmpi ult, %add3A_876, %lt3A_885 : vector<16xi32>
        %lt3A_887 = arith.constant 64 : i32
        %lt3A_888 = vector.broadcast %lt3A_887 : i32 to vector<16xi32>
        %lt3A_889 = arith.cmpi ult, %add3A_883, %lt3A_888 : vector<16xi32>
        %and3A_890 = arith.andi %lt3A_886, %lt3A_889 : vector<16xi1>
        %mul3A_891 = arith.constant 96 : i32
        %mul3A_892 = vector.broadcast %mul3A_891 : i32 to vector<16xi32>
        %mul3A_893 = arith.muli %add3A_883, %mul3A_892 : vector<16xi32>
        %add3A_894 = arith.addi %mul3A_893, %add3A_876 : vector<16xi32>
        %jit3A_895 = arith.constant 6144 : i32
        %broadcast_in_dim3A_896 = vector.broadcast %jit3A_895 : i32 to vector<16xi32>
        %select_n3A_897 = arith.select %and3A_890, %add3A_894, %broadcast_in_dim3A_896 : vector<16xi1>, vector<16xi32>
        %gather3A_898 = tpu.vector_load_idx %arg7[%select_n3A_897] : memref<6160xf32, #tpu.memory_space<vmem>>[vector<16xi32>], vector<16xf32>,
        %gt3A_899 = arith.constant 1.000000e-03 : f32
        %gt3A_900 = vector.broadcast %gt3A_899 : f32 to vector<16xf32>
        %gt3A_901 = arith.cmpf ogt, %gather3A_898, %gt3A_900 : vector<16xf32>
        %and3A_902 = arith.constant 511 : i32
        %and3A_903 = vector.broadcast %and3A_902 : i32 to vector<16xi32>
        %and3A_904 = arith.andi %gather3A_533, %and3A_903 : vector<16xi32>
        %sub3A_905 = arith.constant 96 : i32
        %sub3A_906 = vector.broadcast %sub3A_905 : i32 to vector<16xi32>
        %sub3A_907 = arith.subi %and3A_904, %sub3A_906 : vector<16xi32>
        %add3A_908 = arith.addi %sub3A_147, %sub3A_907 : vector<16xi32>
        %shift_right_arithmetic3A_909 = arith.constant 9 : i32
        %shift_right_arithmetic3A_910 = vector.broadcast %shift_right_arithmetic3A_909 : i32 to vector<16xi32>
        %shift_right_arithmetic3A_911 = arith.shrsi %gather3A_533, %shift_right_arithmetic3A_910 : vector<16xi32>
        %sub3A_912 = arith.constant 64 : i32
        %sub3A_913 = vector.broadcast %sub3A_912 : i32 to vector<16xi32>
        %sub3A_914 = arith.subi %shift_right_arithmetic3A_911, %sub3A_913 : vector<16xi32>
        %add3A_915 = arith.addi %shift_right_arithmetic3A_143, %sub3A_914 : vector<16xi32>
        %lt3A_916 = arith.constant 96 : i32
        %lt3A_917 = vector.broadcast %lt3A_916 : i32 to vector<16xi32>
        %lt3A_918 = arith.cmpi ult, %add3A_908, %lt3A_917 : vector<16xi32>
        %lt3A_919 = arith.constant 64 : i32
        %lt3A_920 = vector.broadcast %lt3A_919 : i32 to vector<16xi32>
        %lt3A_921 = arith.cmpi ult, %add3A_915, %lt3A_920 : vector<16xi32>
        %and3A_922 = arith.andi %lt3A_918, %lt3A_921 : vector<16xi1>
        %mul3A_923 = arith.constant 96 : i32
        %mul3A_924 = vector.broadcast %mul3A_923 : i32 to vector<16xi32>
        %mul3A_925 = arith.muli %add3A_915, %mul3A_924 : vector<16xi32>
        %add3A_926 = arith.addi %mul3A_925, %add3A_908 : vector<16xi32>
        %jit3A_927 = arith.constant 6144 : i32
        %broadcast_in_dim3A_928 = vector.broadcast %jit3A_927 : i32 to vector<16xi32>
        %select_n3A_929 = arith.select %and3A_922, %add3A_926, %broadcast_in_dim3A_928 : vector<16xi1>, vector<16xi32>
        %gather3A_930 = tpu.vector_load_idx %arg7[%select_n3A_929] : memref<6160xf32, #tpu.memory_space<vmem>>[vector<16xi32>], vector<16xf32>,
        %gt3A_931 = arith.constant 1.000000e-03 : f32
        %gt3A_932 = vector.broadcast %gt3A_931 : f32 to vector<16xf32>
        %gt3A_933 = arith.cmpf ogt, %gather3A_930, %gt3A_932 : vector<16xf32>
        %and3A_934 = arith.constant 511 : i32
        %and3A_935 = vector.broadcast %and3A_934 : i32 to vector<16xi32>
        %and3A_936 = arith.andi %gather3A_537, %and3A_935 : vector<16xi32>
        %sub3A_937 = arith.constant 96 : i32
        %sub3A_938 = vector.broadcast %sub3A_937 : i32 to vector<16xi32>
        %sub3A_939 = arith.subi %and3A_936, %sub3A_938 : vector<16xi32>
        %add3A_940 = arith.addi %sub3A_147, %sub3A_939 : vector<16xi32>
        %shift_right_arithmetic3A_941 = arith.constant 9 : i32
        %shift_right_arithmetic3A_942 = vector.broadcast %shift_right_arithmetic3A_941 : i32 to vector<16xi32>
        %shift_right_arithmetic3A_943 = arith.shrsi %gather3A_537, %shift_right_arithmetic3A_942 : vector<16xi32>
        %sub3A_944 = arith.constant 64 : i32
        %sub3A_945 = vector.broadcast %sub3A_944 : i32 to vector<16xi32>
        %sub3A_946 = arith.subi %shift_right_arithmetic3A_943, %sub3A_945 : vector<16xi32>
        %add3A_947 = arith.addi %shift_right_arithmetic3A_143, %sub3A_946 : vector<16xi32>
        %lt3A_948 = arith.constant 96 : i32
        %lt3A_949 = vector.broadcast %lt3A_948 : i32 to vector<16xi32>
        %lt3A_950 = arith.cmpi ult, %add3A_940, %lt3A_949 : vector<16xi32>
        %lt3A_951 = arith.constant 64 : i32
        %lt3A_952 = vector.broadcast %lt3A_951 : i32 to vector<16xi32>
        %lt3A_953 = arith.cmpi ult, %add3A_947, %lt3A_952 : vector<16xi32>
        %and3A_954 = arith.andi %lt3A_950, %lt3A_953 : vector<16xi1>
        %mul3A_955 = arith.constant 96 : i32
        %mul3A_956 = vector.broadcast %mul3A_955 : i32 to vector<16xi32>
        %mul3A_957 = arith.muli %add3A_947, %mul3A_956 : vector<16xi32>
        %add3A_958 = arith.addi %mul3A_957, %add3A_940 : vector<16xi32>
        %jit3A_959 = arith.constant 6144 : i32
        %broadcast_in_dim3A_960 = vector.broadcast %jit3A_959 : i32 to vector<16xi32>
        %select_n3A_961 = arith.select %and3A_954, %add3A_958, %broadcast_in_dim3A_960 : vector<16xi1>, vector<16xi32>
        %gather3A_962 = tpu.vector_load_idx %arg7[%select_n3A_961] : memref<6160xf32, #tpu.memory_space<vmem>>[vector<16xi32>], vector<16xf32>,
        %gt3A_963 = arith.constant 1.000000e-03 : f32
        %gt3A_964 = vector.broadcast %gt3A_963 : f32 to vector<16xf32>
        %gt3A_965 = arith.cmpf ogt, %gather3A_962, %gt3A_964 : vector<16xf32>
        %and3A_966 = arith.constant 511 : i32
        %and3A_967 = vector.broadcast %and3A_966 : i32 to vector<16xi32>
        %and3A_968 = arith.andi %gather3A_541, %and3A_967 : vector<16xi32>
        %sub3A_969 = arith.constant 96 : i32
        %sub3A_970 = vector.broadcast %sub3A_969 : i32 to vector<16xi32>
        %sub3A_971 = arith.subi %and3A_968, %sub3A_970 : vector<16xi32>
        %add3A_972 = arith.addi %sub3A_147, %sub3A_971 : vector<16xi32>
        %shift_right_arithmetic3A_973 = arith.constant 9 : i32
        %shift_right_arithmetic3A_974 = vector.broadcast %shift_right_arithmetic3A_973 : i32 to vector<16xi32>
        %shift_right_arithmetic3A_975 = arith.shrsi %gather3A_541, %shift_right_arithmetic3A_974 : vector<16xi32>
        %sub3A_976 = arith.constant 64 : i32
        %sub3A_977 = vector.broadcast %sub3A_976 : i32 to vector<16xi32>
        %sub3A_978 = arith.subi %shift_right_arithmetic3A_975, %sub3A_977 : vector<16xi32>
        %add3A_979 = arith.addi %shift_right_arithmetic3A_143, %sub3A_978 : vector<16xi32>
        %lt3A_980 = arith.constant 96 : i32
        %lt3A_981 = vector.broadcast %lt3A_980 : i32 to vector<16xi32>
        %lt3A_982 = arith.cmpi ult, %add3A_972, %lt3A_981 : vector<16xi32>
        %lt3A_983 = arith.constant 64 : i32
        %lt3A_984 = vector.broadcast %lt3A_983 : i32 to vector<16xi32>
        %lt3A_985 = arith.cmpi ult, %add3A_979, %lt3A_984 : vector<16xi32>
        %and3A_986 = arith.andi %lt3A_982, %lt3A_985 : vector<16xi1>
        %mul3A_987 = arith.constant 96 : i32
        %mul3A_988 = vector.broadcast %mul3A_987 : i32 to vector<16xi32>
        %mul3A_989 = arith.muli %add3A_979, %mul3A_988 : vector<16xi32>
        %add3A_990 = arith.addi %mul3A_989, %add3A_972 : vector<16xi32>
        %jit3A_991 = arith.constant 6144 : i32
        %broadcast_in_dim3A_992 = vector.broadcast %jit3A_991 : i32 to vector<16xi32>
        %select_n3A_993 = arith.select %and3A_986, %add3A_990, %broadcast_in_dim3A_992 : vector<16xi1>, vector<16xi32>
        %gather3A_994 = tpu.vector_load_idx %arg7[%select_n3A_993] : memref<6160xf32, #tpu.memory_space<vmem>>[vector<16xi32>], vector<16xf32>,
        %gt3A_995 = arith.constant 1.000000e-03 : f32
        %gt3A_996 = vector.broadcast %gt3A_995 : f32 to vector<16xf32>
        %gt3A_997 = arith.cmpf ogt, %gather3A_994, %gt3A_996 : vector<16xf32>
        %and3A_998 = arith.constant 511 : i32
        %and3A_999 = vector.broadcast %and3A_998 : i32 to vector<16xi32>
        %and3A_1000 = arith.andi %gather3A_545, %and3A_999 : vector<16xi32>
        %sub3A_1001 = arith.constant 96 : i32
        %sub3A_1002 = vector.broadcast %sub3A_1001 : i32 to vector<16xi32>
        %sub3A_1003 = arith.subi %and3A_1000, %sub3A_1002 : vector<16xi32>
        %add3A_1004 = arith.addi %sub3A_147, %sub3A_1003 : vector<16xi32>
        %shift_right_arithmetic3A_1005 = arith.constant 9 : i32
        %shift_right_arithmetic3A_1006 = vector.broadcast %shift_right_arithmetic3A_1005 : i32 to vector<16xi32>
        %shift_right_arithmetic3A_1007 = arith.shrsi %gather3A_545, %shift_right_arithmetic3A_1006 : vector<16xi32>
        %sub3A_1008 = arith.constant 64 : i32
        %sub3A_1009 = vector.broadcast %sub3A_1008 : i32 to vector<16xi32>
        %sub3A_1010 = arith.subi %shift_right_arithmetic3A_1007, %sub3A_1009 : vector<16xi32>
        %add3A_1011 = arith.addi %shift_right_arithmetic3A_143, %sub3A_1010 : vector<16xi32>
        %lt3A_1012 = arith.constant 96 : i32
        %lt3A_1013 = vector.broadcast %lt3A_1012 : i32 to vector<16xi32>
        %lt3A_1014 = arith.cmpi ult, %add3A_1004, %lt3A_1013 : vector<16xi32>
        %lt3A_1015 = arith.constant 64 : i32
        %lt3A_1016 = vector.broadcast %lt3A_1015 : i32 to vector<16xi32>
        %lt3A_1017 = arith.cmpi ult, %add3A_1011, %lt3A_1016 : vector<16xi32>
        %and3A_1018 = arith.andi %lt3A_1014, %lt3A_1017 : vector<16xi1>
        %mul3A_1019 = arith.constant 96 : i32
        %mul3A_1020 = vector.broadcast %mul3A_1019 : i32 to vector<16xi32>
        %mul3A_1021 = arith.muli %add3A_1011, %mul3A_1020 : vector<16xi32>
        %add3A_1022 = arith.addi %mul3A_1021, %add3A_1004 : vector<16xi32>
        %jit3A_1023 = arith.constant 6144 : i32
        %broadcast_in_dim3A_1024 = vector.broadcast %jit3A_1023 : i32 to vector<16xi32>
        %select_n3A_1025 = arith.select %and3A_1018, %add3A_1022, %broadcast_in_dim3A_1024 : vector<16xi1>, vector<16xi32>
        %gather3A_1026 = tpu.vector_load_idx %arg7[%select_n3A_1025] : memref<6160xf32, #tpu.memory_space<vmem>>[vector<16xi32>], vector<16xf32>,
        %gt3A_1027 = arith.constant 1.000000e-03 : f32
        %gt3A_1028 = vector.broadcast %gt3A_1027 : f32 to vector<16xf32>
        %gt3A_1029 = arith.cmpf ogt, %gather3A_1026, %gt3A_1028 : vector<16xf32>
        %and3A_1030 = arith.constant 511 : i32
        %and3A_1031 = vector.broadcast %and3A_1030 : i32 to vector<16xi32>
        %and3A_1032 = arith.andi %gather3A_549, %and3A_1031 : vector<16xi32>
        %sub3A_1033 = arith.constant 96 : i32
        %sub3A_1034 = vector.broadcast %sub3A_1033 : i32 to vector<16xi32>
        %sub3A_1035 = arith.subi %and3A_1032, %sub3A_1034 : vector<16xi32>
        %add3A_1036 = arith.addi %sub3A_147, %sub3A_1035 : vector<16xi32>
        %shift_right_arithmetic3A_1037 = arith.constant 9 : i32
        %shift_right_arithmetic3A_1038 = vector.broadcast %shift_right_arithmetic3A_1037 : i32 to vector<16xi32>
        %shift_right_arithmetic3A_1039 = arith.shrsi %gather3A_549, %shift_right_arithmetic3A_1038 : vector<16xi32>
        %sub3A_1040 = arith.constant 64 : i32
        %sub3A_1041 = vector.broadcast %sub3A_1040 : i32 to vector<16xi32>
        %sub3A_1042 = arith.subi %shift_right_arithmetic3A_1039, %sub3A_1041 : vector<16xi32>
        %add3A_1043 = arith.addi %shift_right_arithmetic3A_143, %sub3A_1042 : vector<16xi32>
        %lt3A_1044 = arith.constant 96 : i32
        %lt3A_1045 = vector.broadcast %lt3A_1044 : i32 to vector<16xi32>
        %lt3A_1046 = arith.cmpi ult, %add3A_1036, %lt3A_1045 : vector<16xi32>
        %lt3A_1047 = arith.constant 64 : i32
        %lt3A_1048 = vector.broadcast %lt3A_1047 : i32 to vector<16xi32>
        %lt3A_1049 = arith.cmpi ult, %add3A_1043, %lt3A_1048 : vector<16xi32>
        %and3A_1050 = arith.andi %lt3A_1046, %lt3A_1049 : vector<16xi1>
        %mul3A_1051 = arith.constant 96 : i32
        %mul3A_1052 = vector.broadcast %mul3A_1051 : i32 to vector<16xi32>
        %mul3A_1053 = arith.muli %add3A_1043, %mul3A_1052 : vector<16xi32>
        %add3A_1054 = arith.addi %mul3A_1053, %add3A_1036 : vector<16xi32>
        %jit3A_1055 = arith.constant 6144 : i32
        %broadcast_in_dim3A_1056 = vector.broadcast %jit3A_1055 : i32 to vector<16xi32>
        %select_n3A_1057 = arith.select %and3A_1050, %add3A_1054, %broadcast_in_dim3A_1056 : vector<16xi1>, vector<16xi32>
        %gather3A_1058 = tpu.vector_load_idx %arg7[%select_n3A_1057] : memref<6160xf32, #tpu.memory_space<vmem>>[vector<16xi32>], vector<16xf32>,
        %gt3A_1059 = arith.constant 1.000000e-03 : f32
        %gt3A_1060 = vector.broadcast %gt3A_1059 : f32 to vector<16xf32>
        %gt3A_1061 = arith.cmpf ogt, %gather3A_1058, %gt3A_1060 : vector<16xf32>
        tpu.vector_store_idx %arg8[%while3A_483, %add3A_136], %add3A_574 masked %gt3A_581 : memref<9x768xi32, #tpu.memory_space<vmem>>[vector<16xi32>, vector<16xi32>], vector<16xi32>, vector<16xi1>
        %jit3A_1062 = arith.constant 1 : i32
        %jit3A_1063 = arith.constant 0 : i32
        %broadcast_in_dim3A_1064 = vector.broadcast %jit3A_1062 : i32 to vector<16xi32>
        %broadcast_in_dim3A_1065 = vector.broadcast %jit3A_1063 : i32 to vector<16xi32>
        %select_n3A_1066 = arith.select %gt3A_581, %broadcast_in_dim3A_1064, %broadcast_in_dim3A_1065 : vector<16xi1>, vector<16xi32>
        %add3A_1067 = arith.addi %while3A_483, %select_n3A_1066 : vector<16xi32>
        %min3A = arith.constant 8 : i32
        %min3A_1068 = vector.broadcast %min3A : i32 to vector<16xi32>
        %min3A_1069 = arith.minsi %add3A_1067, %min3A_1068 : vector<16xi32>
        tpu.vector_store_idx %arg8[%min3A_1069, %add3A_136], %add3A_606 masked %gt3A_613 : memref<9x768xi32, #tpu.memory_space<vmem>>[vector<16xi32>, vector<16xi32>], vector<16xi32>, vector<16xi1>
        %jit3A_1070 = arith.constant 1 : i32
        %jit3A_1071 = arith.constant 0 : i32
        %broadcast_in_dim3A_1072 = vector.broadcast %jit3A_1070 : i32 to vector<16xi32>
        %broadcast_in_dim3A_1073 = vector.broadcast %jit3A_1071 : i32 to vector<16xi32>
        %select_n3A_1074 = arith.select %gt3A_613, %broadcast_in_dim3A_1072, %broadcast_in_dim3A_1073 : vector<16xi1>, vector<16xi32>
        %add3A_1075 = arith.addi %min3A_1069, %select_n3A_1074 : vector<16xi32>
        %min3A_1076 = arith.constant 8 : i32
        %min3A_1077 = vector.broadcast %min3A_1076 : i32 to vector<16xi32>
        %min3A_1078 = arith.minsi %add3A_1075, %min3A_1077 : vector<16xi32>
        tpu.vector_store_idx %arg8[%min3A_1078, %add3A_136], %add3A_638 masked %gt3A_645 : memref<9x768xi32, #tpu.memory_space<vmem>>[vector<16xi32>, vector<16xi32>], vector<16xi32>, vector<16xi1>
        %jit3A_1079 = arith.constant 1 : i32
        %jit3A_1080 = arith.constant 0 : i32
        %broadcast_in_dim3A_1081 = vector.broadcast %jit3A_1079 : i32 to vector<16xi32>
        %broadcast_in_dim3A_1082 = vector.broadcast %jit3A_1080 : i32 to vector<16xi32>
        %select_n3A_1083 = arith.select %gt3A_645, %broadcast_in_dim3A_1081, %broadcast_in_dim3A_1082 : vector<16xi1>, vector<16xi32>
        %add3A_1084 = arith.addi %min3A_1078, %select_n3A_1083 : vector<16xi32>
        %min3A_1085 = arith.constant 8 : i32
        %min3A_1086 = vector.broadcast %min3A_1085 : i32 to vector<16xi32>
        %min3A_1087 = arith.minsi %add3A_1084, %min3A_1086 : vector<16xi32>
        tpu.vector_store_idx %arg8[%min3A_1087, %add3A_136], %add3A_670 masked %gt3A_677 : memref<9x768xi32, #tpu.memory_space<vmem>>[vector<16xi32>, vector<16xi32>], vector<16xi32>, vector<16xi1>
        %jit3A_1088 = arith.constant 1 : i32
        %jit3A_1089 = arith.constant 0 : i32
        %broadcast_in_dim3A_1090 = vector.broadcast %jit3A_1088 : i32 to vector<16xi32>
        %broadcast_in_dim3A_1091 = vector.broadcast %jit3A_1089 : i32 to vector<16xi32>
        %select_n3A_1092 = arith.select %gt3A_677, %broadcast_in_dim3A_1090, %broadcast_in_dim3A_1091 : vector<16xi1>, vector<16xi32>
        %add3A_1093 = arith.addi %min3A_1087, %select_n3A_1092 : vector<16xi32>
        %min3A_1094 = arith.constant 8 : i32
        %min3A_1095 = vector.broadcast %min3A_1094 : i32 to vector<16xi32>
        %min3A_1096 = arith.minsi %add3A_1093, %min3A_1095 : vector<16xi32>
        tpu.vector_store_idx %arg8[%min3A_1096, %add3A_136], %add3A_702 masked %gt3A_709 : memref<9x768xi32, #tpu.memory_space<vmem>>[vector<16xi32>, vector<16xi32>], vector<16xi32>, vector<16xi1>
        %jit3A_1097 = arith.constant 1 : i32
        %jit3A_1098 = arith.constant 0 : i32
        %broadcast_in_dim3A_1099 = vector.broadcast %jit3A_1097 : i32 to vector<16xi32>
        %broadcast_in_dim3A_1100 = vector.broadcast %jit3A_1098 : i32 to vector<16xi32>
        %select_n3A_1101 = arith.select %gt3A_709, %broadcast_in_dim3A_1099, %broadcast_in_dim3A_1100 : vector<16xi1>, vector<16xi32>
        %add3A_1102 = arith.addi %min3A_1096, %select_n3A_1101 : vector<16xi32>
        %min3A_1103 = arith.constant 8 : i32
        %min3A_1104 = vector.broadcast %min3A_1103 : i32 to vector<16xi32>
        %min3A_1105 = arith.minsi %add3A_1102, %min3A_1104 : vector<16xi32>
        tpu.vector_store_idx %arg8[%min3A_1105, %add3A_136], %add3A_734 masked %gt3A_741 : memref<9x768xi32, #tpu.memory_space<vmem>>[vector<16xi32>, vector<16xi32>], vector<16xi32>, vector<16xi1>
        %jit3A_1106 = arith.constant 1 : i32
        %jit3A_1107 = arith.constant 0 : i32
        %broadcast_in_dim3A_1108 = vector.broadcast %jit3A_1106 : i32 to vector<16xi32>
        %broadcast_in_dim3A_1109 = vector.broadcast %jit3A_1107 : i32 to vector<16xi32>
        %select_n3A_1110 = arith.select %gt3A_741, %broadcast_in_dim3A_1108, %broadcast_in_dim3A_1109 : vector<16xi1>, vector<16xi32>
        %add3A_1111 = arith.addi %min3A_1105, %select_n3A_1110 : vector<16xi32>
        %min3A_1112 = arith.constant 8 : i32
        %min3A_1113 = vector.broadcast %min3A_1112 : i32 to vector<16xi32>
        %min3A_1114 = arith.minsi %add3A_1111, %min3A_1113 : vector<16xi32>
        tpu.vector_store_idx %arg8[%min3A_1114, %add3A_136], %add3A_766 masked %gt3A_773 : memref<9x768xi32, #tpu.memory_space<vmem>>[vector<16xi32>, vector<16xi32>], vector<16xi32>, vector<16xi1>
        %jit3A_1115 = arith.constant 1 : i32
        %jit3A_1116 = arith.constant 0 : i32
        %broadcast_in_dim3A_1117 = vector.broadcast %jit3A_1115 : i32 to vector<16xi32>
        %broadcast_in_dim3A_1118 = vector.broadcast %jit3A_1116 : i32 to vector<16xi32>
        %select_n3A_1119 = arith.select %gt3A_773, %broadcast_in_dim3A_1117, %broadcast_in_dim3A_1118 : vector<16xi1>, vector<16xi32>
        %add3A_1120 = arith.addi %min3A_1114, %select_n3A_1119 : vector<16xi32>
        %min3A_1121 = arith.constant 8 : i32
        %min3A_1122 = vector.broadcast %min3A_1121 : i32 to vector<16xi32>
        %min3A_1123 = arith.minsi %add3A_1120, %min3A_1122 : vector<16xi32>
        tpu.vector_store_idx %arg8[%min3A_1123, %add3A_136], %add3A_798 masked %gt3A_805 : memref<9x768xi32, #tpu.memory_space<vmem>>[vector<16xi32>, vector<16xi32>], vector<16xi32>, vector<16xi1>
        %jit3A_1124 = arith.constant 1 : i32
        %jit3A_1125 = arith.constant 0 : i32
        %broadcast_in_dim3A_1126 = vector.broadcast %jit3A_1124 : i32 to vector<16xi32>
        %broadcast_in_dim3A_1127 = vector.broadcast %jit3A_1125 : i32 to vector<16xi32>
        %select_n3A_1128 = arith.select %gt3A_805, %broadcast_in_dim3A_1126, %broadcast_in_dim3A_1127 : vector<16xi1>, vector<16xi32>
        %add3A_1129 = arith.addi %min3A_1123, %select_n3A_1128 : vector<16xi32>
        %min3A_1130 = arith.constant 8 : i32
        %min3A_1131 = vector.broadcast %min3A_1130 : i32 to vector<16xi32>
        %min3A_1132 = arith.minsi %add3A_1129, %min3A_1131 : vector<16xi32>
        tpu.vector_store_idx %arg8[%min3A_1132, %add3A_136], %add3A_830 masked %gt3A_837 : memref<9x768xi32, #tpu.memory_space<vmem>>[vector<16xi32>, vector<16xi32>], vector<16xi32>, vector<16xi1>
        %jit3A_1133 = arith.constant 1 : i32
        %jit3A_1134 = arith.constant 0 : i32
        %broadcast_in_dim3A_1135 = vector.broadcast %jit3A_1133 : i32 to vector<16xi32>
        %broadcast_in_dim3A_1136 = vector.broadcast %jit3A_1134 : i32 to vector<16xi32>
        %select_n3A_1137 = arith.select %gt3A_837, %broadcast_in_dim3A_1135, %broadcast_in_dim3A_1136 : vector<16xi1>, vector<16xi32>
        %add3A_1138 = arith.addi %min3A_1132, %select_n3A_1137 : vector<16xi32>
        %min3A_1139 = arith.constant 8 : i32
        %min3A_1140 = vector.broadcast %min3A_1139 : i32 to vector<16xi32>
        %min3A_1141 = arith.minsi %add3A_1138, %min3A_1140 : vector<16xi32>
        tpu.vector_store_idx %arg8[%min3A_1141, %add3A_136], %add3A_862 masked %gt3A_869 : memref<9x768xi32, #tpu.memory_space<vmem>>[vector<16xi32>, vector<16xi32>], vector<16xi32>, vector<16xi1>
        %jit3A_1142 = arith.constant 1 : i32
        %jit3A_1143 = arith.constant 0 : i32
        %broadcast_in_dim3A_1144 = vector.broadcast %jit3A_1142 : i32 to vector<16xi32>
        %broadcast_in_dim3A_1145 = vector.broadcast %jit3A_1143 : i32 to vector<16xi32>
        %select_n3A_1146 = arith.select %gt3A_869, %broadcast_in_dim3A_1144, %broadcast_in_dim3A_1145 : vector<16xi1>, vector<16xi32>
        %add3A_1147 = arith.addi %min3A_1141, %select_n3A_1146 : vector<16xi32>
        %min3A_1148 = arith.constant 8 : i32
        %min3A_1149 = vector.broadcast %min3A_1148 : i32 to vector<16xi32>
        %min3A_1150 = arith.minsi %add3A_1147, %min3A_1149 : vector<16xi32>
        tpu.vector_store_idx %arg8[%min3A_1150, %add3A_136], %add3A_894 masked %gt3A_901 : memref<9x768xi32, #tpu.memory_space<vmem>>[vector<16xi32>, vector<16xi32>], vector<16xi32>, vector<16xi1>
        %jit3A_1151 = arith.constant 1 : i32
        %jit3A_1152 = arith.constant 0 : i32
        %broadcast_in_dim3A_1153 = vector.broadcast %jit3A_1151 : i32 to vector<16xi32>
        %broadcast_in_dim3A_1154 = vector.broadcast %jit3A_1152 : i32 to vector<16xi32>
        %select_n3A_1155 = arith.select %gt3A_901, %broadcast_in_dim3A_1153, %broadcast_in_dim3A_1154 : vector<16xi1>, vector<16xi32>
        %add3A_1156 = arith.addi %min3A_1150, %select_n3A_1155 : vector<16xi32>
        %min3A_1157 = arith.constant 8 : i32
        %min3A_1158 = vector.broadcast %min3A_1157 : i32 to vector<16xi32>
        %min3A_1159 = arith.minsi %add3A_1156, %min3A_1158 : vector<16xi32>
        tpu.vector_store_idx %arg8[%min3A_1159, %add3A_136], %add3A_926 masked %gt3A_933 : memref<9x768xi32, #tpu.memory_space<vmem>>[vector<16xi32>, vector<16xi32>], vector<16xi32>, vector<16xi1>
        %jit3A_1160 = arith.constant 1 : i32
        %jit3A_1161 = arith.constant 0 : i32
        %broadcast_in_dim3A_1162 = vector.broadcast %jit3A_1160 : i32 to vector<16xi32>
        %broadcast_in_dim3A_1163 = vector.broadcast %jit3A_1161 : i32 to vector<16xi32>
        %select_n3A_1164 = arith.select %gt3A_933, %broadcast_in_dim3A_1162, %broadcast_in_dim3A_1163 : vector<16xi1>, vector<16xi32>
        %add3A_1165 = arith.addi %min3A_1159, %select_n3A_1164 : vector<16xi32>
        %min3A_1166 = arith.constant 8 : i32
        %min3A_1167 = vector.broadcast %min3A_1166 : i32 to vector<16xi32>
        %min3A_1168 = arith.minsi %add3A_1165, %min3A_1167 : vector<16xi32>
        tpu.vector_store_idx %arg8[%min3A_1168, %add3A_136], %add3A_958 masked %gt3A_965 : memref<9x768xi32, #tpu.memory_space<vmem>>[vector<16xi32>, vector<16xi32>], vector<16xi32>, vector<16xi1>
        %jit3A_1169 = arith.constant 1 : i32
        %jit3A_1170 = arith.constant 0 : i32
        %broadcast_in_dim3A_1171 = vector.broadcast %jit3A_1169 : i32 to vector<16xi32>
        %broadcast_in_dim3A_1172 = vector.broadcast %jit3A_1170 : i32 to vector<16xi32>
        %select_n3A_1173 = arith.select %gt3A_965, %broadcast_in_dim3A_1171, %broadcast_in_dim3A_1172 : vector<16xi1>, vector<16xi32>
        %add3A_1174 = arith.addi %min3A_1168, %select_n3A_1173 : vector<16xi32>
        %min3A_1175 = arith.constant 8 : i32
        %min3A_1176 = vector.broadcast %min3A_1175 : i32 to vector<16xi32>
        %min3A_1177 = arith.minsi %add3A_1174, %min3A_1176 : vector<16xi32>
        tpu.vector_store_idx %arg8[%min3A_1177, %add3A_136], %add3A_990 masked %gt3A_997 : memref<9x768xi32, #tpu.memory_space<vmem>>[vector<16xi32>, vector<16xi32>], vector<16xi32>, vector<16xi1>
        %jit3A_1178 = arith.constant 1 : i32
        %jit3A_1179 = arith.constant 0 : i32
        %broadcast_in_dim3A_1180 = vector.broadcast %jit3A_1178 : i32 to vector<16xi32>
        %broadcast_in_dim3A_1181 = vector.broadcast %jit3A_1179 : i32 to vector<16xi32>
        %select_n3A_1182 = arith.select %gt3A_997, %broadcast_in_dim3A_1180, %broadcast_in_dim3A_1181 : vector<16xi1>, vector<16xi32>
        %add3A_1183 = arith.addi %min3A_1177, %select_n3A_1182 : vector<16xi32>
        %min3A_1184 = arith.constant 8 : i32
        %min3A_1185 = vector.broadcast %min3A_1184 : i32 to vector<16xi32>
        %min3A_1186 = arith.minsi %add3A_1183, %min3A_1185 : vector<16xi32>
        tpu.vector_store_idx %arg8[%min3A_1186, %add3A_136], %add3A_1022 masked %gt3A_1029 : memref<9x768xi32, #tpu.memory_space<vmem>>[vector<16xi32>, vector<16xi32>], vector<16xi32>, vector<16xi1>
        %jit3A_1187 = arith.constant 1 : i32
        %jit3A_1188 = arith.constant 0 : i32
        %broadcast_in_dim3A_1189 = vector.broadcast %jit3A_1187 : i32 to vector<16xi32>
        %broadcast_in_dim3A_1190 = vector.broadcast %jit3A_1188 : i32 to vector<16xi32>
        %select_n3A_1191 = arith.select %gt3A_1029, %broadcast_in_dim3A_1189, %broadcast_in_dim3A_1190 : vector<16xi1>, vector<16xi32>
        %add3A_1192 = arith.addi %min3A_1186, %select_n3A_1191 : vector<16xi32>
        %min3A_1193 = arith.constant 8 : i32
        %min3A_1194 = vector.broadcast %min3A_1193 : i32 to vector<16xi32>
        %min3A_1195 = arith.minsi %add3A_1192, %min3A_1194 : vector<16xi32>
        tpu.vector_store_idx %arg8[%min3A_1195, %add3A_136], %add3A_1054 masked %gt3A_1061 : memref<9x768xi32, #tpu.memory_space<vmem>>[vector<16xi32>, vector<16xi32>], vector<16xi32>, vector<16xi1>
        %jit3A_1196 = arith.constant 1 : i32
        %jit3A_1197 = arith.constant 0 : i32
        %broadcast_in_dim3A_1198 = vector.broadcast %jit3A_1196 : i32 to vector<16xi32>
        %broadcast_in_dim3A_1199 = vector.broadcast %jit3A_1197 : i32 to vector<16xi32>
        %select_n3A_1200 = arith.select %gt3A_1061, %broadcast_in_dim3A_1198, %broadcast_in_dim3A_1199 : vector<16xi1>, vector<16xi32>
        %add3A_1201 = arith.addi %min3A_1195, %select_n3A_1200 : vector<16xi32>
        %min3A_1202 = arith.constant 8 : i32
        %min3A_1203 = vector.broadcast %min3A_1202 : i32 to vector<16xi32>
        %min3A_1204 = arith.minsi %add3A_1201, %min3A_1203 : vector<16xi32>
        scf.yield %min3A_1204 : vector<16xi32>
      }
      %lt3A_173 = arith.constant 8 : i32
      %lt3A_174 = vector.broadcast %lt3A_173 : i32 to vector<16xi32>
      %lt3A_175 = arith.cmpi slt, %while3A_172, %lt3A_174 : vector<16xi32>
      %all_reduce_population_count3A_176 = tpu.all_reduce %lt3A_175 {dim = 0 : i64, kind = #tpu.reduction_kind<sum>} : vector<16xi1> -> vector<16xi32>
      %slice3A_177 = vector.extract_strided_slice %all_reduce_population_count3A_176 {offsets = [0], sizes = [1], strides = [1]} : vector<16xi32> to vector<1xi32>
      %squeeze3A_178 = vector.extract %slice3A_177[0] : i32 from vector<1xi32>
      %gt3A_179 = arith.constant 0 : i32
      %gt3A_180 = arith.cmpi sgt, %squeeze3A_178, %gt3A_179 : i32
      %jit3A_181 = arith.constant 30 : i32
      %jit3A_182 = arith.constant 4 : i32
      %select_n3A_183 = arith.select %gt3A_180, %jit3A_181, %jit3A_182 : i32
      %while3A_184 = arith.constant 4 : i32
      %while3A_185 = arith.subi %select_n3A_183, %while3A_184 : i32
      %while3A_186 = arith.addi %while3A_184, %while3A_185 : i32
      %while3A_187 = arith.constant 1 : i32
      %while3A_188 = arith.divsi %while3A_185, %while3A_187 : i32
      %while3A_189 = arith.muli %while3A_188, %while3A_187 : i32
      %while3A_190 = arith.addi %while3A_184, %while3A_189 : i32
      %while3A_191 = arith.constant 1 : i32
      %while3A_192 = scf.for %while3A_482 = %while3A_184 to %while3A_190 step %while3A_191 iter_args(%while3A_483 = %while3A_172) -> (vector<16xi32>)  : i32 {
        %mul3A_484 = arith.constant 16 : i32
        %mul3A_485 = arith.muli %while3A_482, %mul3A_484 : i32
        %broadcast_in_dim3A_486 = vector.broadcast %mul3A_485 : i32 to vector<16xi32>
        %add3A_487 = arith.constant 0 : i32
        %add3A_488 = vector.broadcast %add3A_487 : i32 to vector<16xi32>
        %add3A_489 = arith.addi %broadcast_in_dim3A_486, %add3A_488 : vector<16xi32>
        %gather3A = tpu.vector_load_idx %arg6[%add3A_489] : memref<24272xi32, #tpu.memory_space<vmem>>[vector<16xi32>], vector<16xi32>,
        %add3A_490 = arith.constant 1 : i32
        %add3A_491 = vector.broadcast %add3A_490 : i32 to vector<16xi32>
        %add3A_492 = arith.addi %broadcast_in_dim3A_486, %add3A_491 : vector<16xi32>
        %gather3A_493 = tpu.vector_load_idx %arg6[%add3A_492] : memref<24272xi32, #tpu.memory_space<vmem>>[vector<16xi32>], vector<16xi32>,
        %add3A_494 = arith.constant 2 : i32
        %add3A_495 = vector.broadcast %add3A_494 : i32 to vector<16xi32>
        %add3A_496 = arith.addi %broadcast_in_dim3A_486, %add3A_495 : vector<16xi32>
        %gather3A_497 = tpu.vector_load_idx %arg6[%add3A_496] : memref<24272xi32, #tpu.memory_space<vmem>>[vector<16xi32>], vector<16xi32>,
        %add3A_498 = arith.constant 3 : i32
        %add3A_499 = vector.broadcast %add3A_498 : i32 to vector<16xi32>
        %add3A_500 = arith.addi %broadcast_in_dim3A_486, %add3A_499 : vector<16xi32>
        %gather3A_501 = tpu.vector_load_idx %arg6[%add3A_500] : memref<24272xi32, #tpu.memory_space<vmem>>[vector<16xi32>], vector<16xi32>,
        %add3A_502 = arith.constant 4 : i32
        %add3A_503 = vector.broadcast %add3A_502 : i32 to vector<16xi32>
        %add3A_504 = arith.addi %broadcast_in_dim3A_486, %add3A_503 : vector<16xi32>
        %gather3A_505 = tpu.vector_load_idx %arg6[%add3A_504] : memref<24272xi32, #tpu.memory_space<vmem>>[vector<16xi32>], vector<16xi32>,
        %add3A_506 = arith.constant 5 : i32
        %add3A_507 = vector.broadcast %add3A_506 : i32 to vector<16xi32>
        %add3A_508 = arith.addi %broadcast_in_dim3A_486, %add3A_507 : vector<16xi32>
        %gather3A_509 = tpu.vector_load_idx %arg6[%add3A_508] : memref<24272xi32, #tpu.memory_space<vmem>>[vector<16xi32>], vector<16xi32>,
        %add3A_510 = arith.constant 6 : i32
        %add3A_511 = vector.broadcast %add3A_510 : i32 to vector<16xi32>
        %add3A_512 = arith.addi %broadcast_in_dim3A_486, %add3A_511 : vector<16xi32>
        %gather3A_513 = tpu.vector_load_idx %arg6[%add3A_512] : memref<24272xi32, #tpu.memory_space<vmem>>[vector<16xi32>], vector<16xi32>,
        %add3A_514 = arith.constant 7 : i32
        %add3A_515 = vector.broadcast %add3A_514 : i32 to vector<16xi32>
        %add3A_516 = arith.addi %broadcast_in_dim3A_486, %add3A_515 : vector<16xi32>
        %gather3A_517 = tpu.vector_load_idx %arg6[%add3A_516] : memref<24272xi32, #tpu.memory_space<vmem>>[vector<16xi32>], vector<16xi32>,
        %add3A_518 = arith.constant 8 : i32
        %add3A_519 = vector.broadcast %add3A_518 : i32 to vector<16xi32>
        %add3A_520 = arith.addi %broadcast_in_dim3A_486, %add3A_519 : vector<16xi32>
        %gather3A_521 = tpu.vector_load_idx %arg6[%add3A_520] : memref<24272xi32, #tpu.memory_space<vmem>>[vector<16xi32>], vector<16xi32>,
        %add3A_522 = arith.constant 9 : i32
        %add3A_523 = vector.broadcast %add3A_522 : i32 to vector<16xi32>
        %add3A_524 = arith.addi %broadcast_in_dim3A_486, %add3A_523 : vector<16xi32>
        %gather3A_525 = tpu.vector_load_idx %arg6[%add3A_524] : memref<24272xi32, #tpu.memory_space<vmem>>[vector<16xi32>], vector<16xi32>,
        %add3A_526 = arith.constant 10 : i32
        %add3A_527 = vector.broadcast %add3A_526 : i32 to vector<16xi32>
        %add3A_528 = arith.addi %broadcast_in_dim3A_486, %add3A_527 : vector<16xi32>
        %gather3A_529 = tpu.vector_load_idx %arg6[%add3A_528] : memref<24272xi32, #tpu.memory_space<vmem>>[vector<16xi32>], vector<16xi32>,
        %add3A_530 = arith.constant 11 : i32
        %add3A_531 = vector.broadcast %add3A_530 : i32 to vector<16xi32>
        %add3A_532 = arith.addi %broadcast_in_dim3A_486, %add3A_531 : vector<16xi32>
        %gather3A_533 = tpu.vector_load_idx %arg6[%add3A_532] : memref<24272xi32, #tpu.memory_space<vmem>>[vector<16xi32>], vector<16xi32>,
        %add3A_534 = arith.constant 12 : i32
        %add3A_535 = vector.broadcast %add3A_534 : i32 to vector<16xi32>
        %add3A_536 = arith.addi %broadcast_in_dim3A_486, %add3A_535 : vector<16xi32>
        %gather3A_537 = tpu.vector_load_idx %arg6[%add3A_536] : memref<24272xi32, #tpu.memory_space<vmem>>[vector<16xi32>], vector<16xi32>,
        %add3A_538 = arith.constant 13 : i32
        %add3A_539 = vector.broadcast %add3A_538 : i32 to vector<16xi32>
        %add3A_540 = arith.addi %broadcast_in_dim3A_486, %add3A_539 : vector<16xi32>
        %gather3A_541 = tpu.vector_load_idx %arg6[%add3A_540] : memref<24272xi32, #tpu.memory_space<vmem>>[vector<16xi32>], vector<16xi32>,
        %add3A_542 = arith.constant 14 : i32
        %add3A_543 = vector.broadcast %add3A_542 : i32 to vector<16xi32>
        %add3A_544 = arith.addi %broadcast_in_dim3A_486, %add3A_543 : vector<16xi32>
        %gather3A_545 = tpu.vector_load_idx %arg6[%add3A_544] : memref<24272xi32, #tpu.memory_space<vmem>>[vector<16xi32>], vector<16xi32>,
        %add3A_546 = arith.constant 15 : i32
        %add3A_547 = vector.broadcast %add3A_546 : i32 to vector<16xi32>
        %add3A_548 = arith.addi %broadcast_in_dim3A_486, %add3A_547 : vector<16xi32>
        %gather3A_549 = tpu.vector_load_idx %arg6[%add3A_548] : memref<24272xi32, #tpu.memory_space<vmem>>[vector<16xi32>], vector<16xi32>,
        %and3A_550 = arith.constant 511 : i32
        %and3A_551 = vector.broadcast %and3A_550 : i32 to vector<16xi32>
        %and3A_552 = arith.andi %gather3A, %and3A_551 : vector<16xi32>
        %sub3A_553 = arith.constant 96 : i32
        %sub3A_554 = vector.broadcast %sub3A_553 : i32 to vector<16xi32>
        %sub3A_555 = arith.subi %and3A_552, %sub3A_554 : vector<16xi32>
        %add3A_556 = arith.addi %sub3A_147, %sub3A_555 : vector<16xi32>
        %shift_right_arithmetic3A_557 = arith.constant 9 : i32
        %shift_right_arithmetic3A_558 = vector.broadcast %shift_right_arithmetic3A_557 : i32 to vector<16xi32>
        %shift_right_arithmetic3A_559 = arith.shrsi %gather3A, %shift_right_arithmetic3A_558 : vector<16xi32>
        %sub3A_560 = arith.constant 64 : i32
        %sub3A_561 = vector.broadcast %sub3A_560 : i32 to vector<16xi32>
        %sub3A_562 = arith.subi %shift_right_arithmetic3A_559, %sub3A_561 : vector<16xi32>
        %add3A_563 = arith.addi %shift_right_arithmetic3A_143, %sub3A_562 : vector<16xi32>
        %lt3A_564 = arith.constant 96 : i32
        %lt3A_565 = vector.broadcast %lt3A_564 : i32 to vector<16xi32>
        %lt3A_566 = arith.cmpi ult, %add3A_556, %lt3A_565 : vector<16xi32>
        %lt3A_567 = arith.constant 64 : i32
        %lt3A_568 = vector.broadcast %lt3A_567 : i32 to vector<16xi32>
        %lt3A_569 = arith.cmpi ult, %add3A_563, %lt3A_568 : vector<16xi32>
        %and3A_570 = arith.andi %lt3A_566, %lt3A_569 : vector<16xi1>
        %mul3A_571 = arith.constant 96 : i32
        %mul3A_572 = vector.broadcast %mul3A_571 : i32 to vector<16xi32>
        %mul3A_573 = arith.muli %add3A_563, %mul3A_572 : vector<16xi32>
        %add3A_574 = arith.addi %mul3A_573, %add3A_556 : vector<16xi32>
        %jit3A_575 = arith.constant 6144 : i32
        %broadcast_in_dim3A_576 = vector.broadcast %jit3A_575 : i32 to vector<16xi32>
        %select_n3A_577 = arith.select %and3A_570, %add3A_574, %broadcast_in_dim3A_576 : vector<16xi1>, vector<16xi32>
        %gather3A_578 = tpu.vector_load_idx %arg7[%select_n3A_577] : memref<6160xf32, #tpu.memory_space<vmem>>[vector<16xi32>], vector<16xf32>,
        %gt3A_579 = arith.constant 1.000000e-03 : f32
        %gt3A_580 = vector.broadcast %gt3A_579 : f32 to vector<16xf32>
        %gt3A_581 = arith.cmpf ogt, %gather3A_578, %gt3A_580 : vector<16xf32>
        %and3A_582 = arith.constant 511 : i32
        %and3A_583 = vector.broadcast %and3A_582 : i32 to vector<16xi32>
        %and3A_584 = arith.andi %gather3A_493, %and3A_583 : vector<16xi32>
        %sub3A_585 = arith.constant 96 : i32
        %sub3A_586 = vector.broadcast %sub3A_585 : i32 to vector<16xi32>
        %sub3A_587 = arith.subi %and3A_584, %sub3A_586 : vector<16xi32>
        %add3A_588 = arith.addi %sub3A_147, %sub3A_587 : vector<16xi32>
        %shift_right_arithmetic3A_589 = arith.constant 9 : i32
        %shift_right_arithmetic3A_590 = vector.broadcast %shift_right_arithmetic3A_589 : i32 to vector<16xi32>
        %shift_right_arithmetic3A_591 = arith.shrsi %gather3A_493, %shift_right_arithmetic3A_590 : vector<16xi32>
        %sub3A_592 = arith.constant 64 : i32
        %sub3A_593 = vector.broadcast %sub3A_592 : i32 to vector<16xi32>
        %sub3A_594 = arith.subi %shift_right_arithmetic3A_591, %sub3A_593 : vector<16xi32>
        %add3A_595 = arith.addi %shift_right_arithmetic3A_143, %sub3A_594 : vector<16xi32>
        %lt3A_596 = arith.constant 96 : i32
        %lt3A_597 = vector.broadcast %lt3A_596 : i32 to vector<16xi32>
        %lt3A_598 = arith.cmpi ult, %add3A_588, %lt3A_597 : vector<16xi32>
        %lt3A_599 = arith.constant 64 : i32
        %lt3A_600 = vector.broadcast %lt3A_599 : i32 to vector<16xi32>
        %lt3A_601 = arith.cmpi ult, %add3A_595, %lt3A_600 : vector<16xi32>
        %and3A_602 = arith.andi %lt3A_598, %lt3A_601 : vector<16xi1>
        %mul3A_603 = arith.constant 96 : i32
        %mul3A_604 = vector.broadcast %mul3A_603 : i32 to vector<16xi32>
        %mul3A_605 = arith.muli %add3A_595, %mul3A_604 : vector<16xi32>
        %add3A_606 = arith.addi %mul3A_605, %add3A_588 : vector<16xi32>
        %jit3A_607 = arith.constant 6144 : i32
        %broadcast_in_dim3A_608 = vector.broadcast %jit3A_607 : i32 to vector<16xi32>
        %select_n3A_609 = arith.select %and3A_602, %add3A_606, %broadcast_in_dim3A_608 : vector<16xi1>, vector<16xi32>
        %gather3A_610 = tpu.vector_load_idx %arg7[%select_n3A_609] : memref<6160xf32, #tpu.memory_space<vmem>>[vector<16xi32>], vector<16xf32>,
        %gt3A_611 = arith.constant 1.000000e-03 : f32
        %gt3A_612 = vector.broadcast %gt3A_611 : f32 to vector<16xf32>
        %gt3A_613 = arith.cmpf ogt, %gather3A_610, %gt3A_612 : vector<16xf32>
        %and3A_614 = arith.constant 511 : i32
        %and3A_615 = vector.broadcast %and3A_614 : i32 to vector<16xi32>
        %and3A_616 = arith.andi %gather3A_497, %and3A_615 : vector<16xi32>
        %sub3A_617 = arith.constant 96 : i32
        %sub3A_618 = vector.broadcast %sub3A_617 : i32 to vector<16xi32>
        %sub3A_619 = arith.subi %and3A_616, %sub3A_618 : vector<16xi32>
        %add3A_620 = arith.addi %sub3A_147, %sub3A_619 : vector<16xi32>
        %shift_right_arithmetic3A_621 = arith.constant 9 : i32
        %shift_right_arithmetic3A_622 = vector.broadcast %shift_right_arithmetic3A_621 : i32 to vector<16xi32>
        %shift_right_arithmetic3A_623 = arith.shrsi %gather3A_497, %shift_right_arithmetic3A_622 : vector<16xi32>
        %sub3A_624 = arith.constant 64 : i32
        %sub3A_625 = vector.broadcast %sub3A_624 : i32 to vector<16xi32>
        %sub3A_626 = arith.subi %shift_right_arithmetic3A_623, %sub3A_625 : vector<16xi32>
        %add3A_627 = arith.addi %shift_right_arithmetic3A_143, %sub3A_626 : vector<16xi32>
        %lt3A_628 = arith.constant 96 : i32
        %lt3A_629 = vector.broadcast %lt3A_628 : i32 to vector<16xi32>
        %lt3A_630 = arith.cmpi ult, %add3A_620, %lt3A_629 : vector<16xi32>
        %lt3A_631 = arith.constant 64 : i32
        %lt3A_632 = vector.broadcast %lt3A_631 : i32 to vector<16xi32>
        %lt3A_633 = arith.cmpi ult, %add3A_627, %lt3A_632 : vector<16xi32>
        %and3A_634 = arith.andi %lt3A_630, %lt3A_633 : vector<16xi1>
        %mul3A_635 = arith.constant 96 : i32
        %mul3A_636 = vector.broadcast %mul3A_635 : i32 to vector<16xi32>
        %mul3A_637 = arith.muli %add3A_627, %mul3A_636 : vector<16xi32>
        %add3A_638 = arith.addi %mul3A_637, %add3A_620 : vector<16xi32>
        %jit3A_639 = arith.constant 6144 : i32
        %broadcast_in_dim3A_640 = vector.broadcast %jit3A_639 : i32 to vector<16xi32>
        %select_n3A_641 = arith.select %and3A_634, %add3A_638, %broadcast_in_dim3A_640 : vector<16xi1>, vector<16xi32>
        %gather3A_642 = tpu.vector_load_idx %arg7[%select_n3A_641] : memref<6160xf32, #tpu.memory_space<vmem>>[vector<16xi32>], vector<16xf32>,
        %gt3A_643 = arith.constant 1.000000e-03 : f32
        %gt3A_644 = vector.broadcast %gt3A_643 : f32 to vector<16xf32>
        %gt3A_645 = arith.cmpf ogt, %gather3A_642, %gt3A_644 : vector<16xf32>
        %and3A_646 = arith.constant 511 : i32
        %and3A_647 = vector.broadcast %and3A_646 : i32 to vector<16xi32>
        %and3A_648 = arith.andi %gather3A_501, %and3A_647 : vector<16xi32>
        %sub3A_649 = arith.constant 96 : i32
        %sub3A_650 = vector.broadcast %sub3A_649 : i32 to vector<16xi32>
        %sub3A_651 = arith.subi %and3A_648, %sub3A_650 : vector<16xi32>
        %add3A_652 = arith.addi %sub3A_147, %sub3A_651 : vector<16xi32>
        %shift_right_arithmetic3A_653 = arith.constant 9 : i32
        %shift_right_arithmetic3A_654 = vector.broadcast %shift_right_arithmetic3A_653 : i32 to vector<16xi32>
        %shift_right_arithmetic3A_655 = arith.shrsi %gather3A_501, %shift_right_arithmetic3A_654 : vector<16xi32>
        %sub3A_656 = arith.constant 64 : i32
        %sub3A_657 = vector.broadcast %sub3A_656 : i32 to vector<16xi32>
        %sub3A_658 = arith.subi %shift_right_arithmetic3A_655, %sub3A_657 : vector<16xi32>
        %add3A_659 = arith.addi %shift_right_arithmetic3A_143, %sub3A_658 : vector<16xi32>
        %lt3A_660 = arith.constant 96 : i32
        %lt3A_661 = vector.broadcast %lt3A_660 : i32 to vector<16xi32>
        %lt3A_662 = arith.cmpi ult, %add3A_652, %lt3A_661 : vector<16xi32>
        %lt3A_663 = arith.constant 64 : i32
        %lt3A_664 = vector.broadcast %lt3A_663 : i32 to vector<16xi32>
        %lt3A_665 = arith.cmpi ult, %add3A_659, %lt3A_664 : vector<16xi32>
        %and3A_666 = arith.andi %lt3A_662, %lt3A_665 : vector<16xi1>
        %mul3A_667 = arith.constant 96 : i32
        %mul3A_668 = vector.broadcast %mul3A_667 : i32 to vector<16xi32>
        %mul3A_669 = arith.muli %add3A_659, %mul3A_668 : vector<16xi32>
        %add3A_670 = arith.addi %mul3A_669, %add3A_652 : vector<16xi32>
        %jit3A_671 = arith.constant 6144 : i32
        %broadcast_in_dim3A_672 = vector.broadcast %jit3A_671 : i32 to vector<16xi32>
        %select_n3A_673 = arith.select %and3A_666, %add3A_670, %broadcast_in_dim3A_672 : vector<16xi1>, vector<16xi32>
        %gather3A_674 = tpu.vector_load_idx %arg7[%select_n3A_673] : memref<6160xf32, #tpu.memory_space<vmem>>[vector<16xi32>], vector<16xf32>,
        %gt3A_675 = arith.constant 1.000000e-03 : f32
        %gt3A_676 = vector.broadcast %gt3A_675 : f32 to vector<16xf32>
        %gt3A_677 = arith.cmpf ogt, %gather3A_674, %gt3A_676 : vector<16xf32>
        %and3A_678 = arith.constant 511 : i32
        %and3A_679 = vector.broadcast %and3A_678 : i32 to vector<16xi32>
        %and3A_680 = arith.andi %gather3A_505, %and3A_679 : vector<16xi32>
        %sub3A_681 = arith.constant 96 : i32
        %sub3A_682 = vector.broadcast %sub3A_681 : i32 to vector<16xi32>
        %sub3A_683 = arith.subi %and3A_680, %sub3A_682 : vector<16xi32>
        %add3A_684 = arith.addi %sub3A_147, %sub3A_683 : vector<16xi32>
        %shift_right_arithmetic3A_685 = arith.constant 9 : i32
        %shift_right_arithmetic3A_686 = vector.broadcast %shift_right_arithmetic3A_685 : i32 to vector<16xi32>
        %shift_right_arithmetic3A_687 = arith.shrsi %gather3A_505, %shift_right_arithmetic3A_686 : vector<16xi32>
        %sub3A_688 = arith.constant 64 : i32
        %sub3A_689 = vector.broadcast %sub3A_688 : i32 to vector<16xi32>
        %sub3A_690 = arith.subi %shift_right_arithmetic3A_687, %sub3A_689 : vector<16xi32>
        %add3A_691 = arith.addi %shift_right_arithmetic3A_143, %sub3A_690 : vector<16xi32>
        %lt3A_692 = arith.constant 96 : i32
        %lt3A_693 = vector.broadcast %lt3A_692 : i32 to vector<16xi32>
        %lt3A_694 = arith.cmpi ult, %add3A_684, %lt3A_693 : vector<16xi32>
        %lt3A_695 = arith.constant 64 : i32
        %lt3A_696 = vector.broadcast %lt3A_695 : i32 to vector<16xi32>
        %lt3A_697 = arith.cmpi ult, %add3A_691, %lt3A_696 : vector<16xi32>
        %and3A_698 = arith.andi %lt3A_694, %lt3A_697 : vector<16xi1>
        %mul3A_699 = arith.constant 96 : i32
        %mul3A_700 = vector.broadcast %mul3A_699 : i32 to vector<16xi32>
        %mul3A_701 = arith.muli %add3A_691, %mul3A_700 : vector<16xi32>
        %add3A_702 = arith.addi %mul3A_701, %add3A_684 : vector<16xi32>
        %jit3A_703 = arith.constant 6144 : i32
        %broadcast_in_dim3A_704 = vector.broadcast %jit3A_703 : i32 to vector<16xi32>
        %select_n3A_705 = arith.select %and3A_698, %add3A_702, %broadcast_in_dim3A_704 : vector<16xi1>, vector<16xi32>
        %gather3A_706 = tpu.vector_load_idx %arg7[%select_n3A_705] : memref<6160xf32, #tpu.memory_space<vmem>>[vector<16xi32>], vector<16xf32>,
        %gt3A_707 = arith.constant 1.000000e-03 : f32
        %gt3A_708 = vector.broadcast %gt3A_707 : f32 to vector<16xf32>
        %gt3A_709 = arith.cmpf ogt, %gather3A_706, %gt3A_708 : vector<16xf32>
        %and3A_710 = arith.constant 511 : i32
        %and3A_711 = vector.broadcast %and3A_710 : i32 to vector<16xi32>
        %and3A_712 = arith.andi %gather3A_509, %and3A_711 : vector<16xi32>
        %sub3A_713 = arith.constant 96 : i32
        %sub3A_714 = vector.broadcast %sub3A_713 : i32 to vector<16xi32>
        %sub3A_715 = arith.subi %and3A_712, %sub3A_714 : vector<16xi32>
        %add3A_716 = arith.addi %sub3A_147, %sub3A_715 : vector<16xi32>
        %shift_right_arithmetic3A_717 = arith.constant 9 : i32
        %shift_right_arithmetic3A_718 = vector.broadcast %shift_right_arithmetic3A_717 : i32 to vector<16xi32>
        %shift_right_arithmetic3A_719 = arith.shrsi %gather3A_509, %shift_right_arithmetic3A_718 : vector<16xi32>
        %sub3A_720 = arith.constant 64 : i32
        %sub3A_721 = vector.broadcast %sub3A_720 : i32 to vector<16xi32>
        %sub3A_722 = arith.subi %shift_right_arithmetic3A_719, %sub3A_721 : vector<16xi32>
        %add3A_723 = arith.addi %shift_right_arithmetic3A_143, %sub3A_722 : vector<16xi32>
        %lt3A_724 = arith.constant 96 : i32
        %lt3A_725 = vector.broadcast %lt3A_724 : i32 to vector<16xi32>
        %lt3A_726 = arith.cmpi ult, %add3A_716, %lt3A_725 : vector<16xi32>
        %lt3A_727 = arith.constant 64 : i32
        %lt3A_728 = vector.broadcast %lt3A_727 : i32 to vector<16xi32>
        %lt3A_729 = arith.cmpi ult, %add3A_723, %lt3A_728 : vector<16xi32>
        %and3A_730 = arith.andi %lt3A_726, %lt3A_729 : vector<16xi1>
        %mul3A_731 = arith.constant 96 : i32
        %mul3A_732 = vector.broadcast %mul3A_731 : i32 to vector<16xi32>
        %mul3A_733 = arith.muli %add3A_723, %mul3A_732 : vector<16xi32>
        %add3A_734 = arith.addi %mul3A_733, %add3A_716 : vector<16xi32>
        %jit3A_735 = arith.constant 6144 : i32
        %broadcast_in_dim3A_736 = vector.broadcast %jit3A_735 : i32 to vector<16xi32>
        %select_n3A_737 = arith.select %and3A_730, %add3A_734, %broadcast_in_dim3A_736 : vector<16xi1>, vector<16xi32>
        %gather3A_738 = tpu.vector_load_idx %arg7[%select_n3A_737] : memref<6160xf32, #tpu.memory_space<vmem>>[vector<16xi32>], vector<16xf32>,
        %gt3A_739 = arith.constant 1.000000e-03 : f32
        %gt3A_740 = vector.broadcast %gt3A_739 : f32 to vector<16xf32>
        %gt3A_741 = arith.cmpf ogt, %gather3A_738, %gt3A_740 : vector<16xf32>
        %and3A_742 = arith.constant 511 : i32
        %and3A_743 = vector.broadcast %and3A_742 : i32 to vector<16xi32>
        %and3A_744 = arith.andi %gather3A_513, %and3A_743 : vector<16xi32>
        %sub3A_745 = arith.constant 96 : i32
        %sub3A_746 = vector.broadcast %sub3A_745 : i32 to vector<16xi32>
        %sub3A_747 = arith.subi %and3A_744, %sub3A_746 : vector<16xi32>
        %add3A_748 = arith.addi %sub3A_147, %sub3A_747 : vector<16xi32>
        %shift_right_arithmetic3A_749 = arith.constant 9 : i32
        %shift_right_arithmetic3A_750 = vector.broadcast %shift_right_arithmetic3A_749 : i32 to vector<16xi32>
        %shift_right_arithmetic3A_751 = arith.shrsi %gather3A_513, %shift_right_arithmetic3A_750 : vector<16xi32>
        %sub3A_752 = arith.constant 64 : i32
        %sub3A_753 = vector.broadcast %sub3A_752 : i32 to vector<16xi32>
        %sub3A_754 = arith.subi %shift_right_arithmetic3A_751, %sub3A_753 : vector<16xi32>
        %add3A_755 = arith.addi %shift_right_arithmetic3A_143, %sub3A_754 : vector<16xi32>
        %lt3A_756 = arith.constant 96 : i32
        %lt3A_757 = vector.broadcast %lt3A_756 : i32 to vector<16xi32>
        %lt3A_758 = arith.cmpi ult, %add3A_748, %lt3A_757 : vector<16xi32>
        %lt3A_759 = arith.constant 64 : i32
        %lt3A_760 = vector.broadcast %lt3A_759 : i32 to vector<16xi32>
        %lt3A_761 = arith.cmpi ult, %add3A_755, %lt3A_760 : vector<16xi32>
        %and3A_762 = arith.andi %lt3A_758, %lt3A_761 : vector<16xi1>
        %mul3A_763 = arith.constant 96 : i32
        %mul3A_764 = vector.broadcast %mul3A_763 : i32 to vector<16xi32>
        %mul3A_765 = arith.muli %add3A_755, %mul3A_764 : vector<16xi32>
        %add3A_766 = arith.addi %mul3A_765, %add3A_748 : vector<16xi32>
        %jit3A_767 = arith.constant 6144 : i32
        %broadcast_in_dim3A_768 = vector.broadcast %jit3A_767 : i32 to vector<16xi32>
        %select_n3A_769 = arith.select %and3A_762, %add3A_766, %broadcast_in_dim3A_768 : vector<16xi1>, vector<16xi32>
        %gather3A_770 = tpu.vector_load_idx %arg7[%select_n3A_769] : memref<6160xf32, #tpu.memory_space<vmem>>[vector<16xi32>], vector<16xf32>,
        %gt3A_771 = arith.constant 1.000000e-03 : f32
        %gt3A_772 = vector.broadcast %gt3A_771 : f32 to vector<16xf32>
        %gt3A_773 = arith.cmpf ogt, %gather3A_770, %gt3A_772 : vector<16xf32>
        %and3A_774 = arith.constant 511 : i32
        %and3A_775 = vector.broadcast %and3A_774 : i32 to vector<16xi32>
        %and3A_776 = arith.andi %gather3A_517, %and3A_775 : vector<16xi32>
        %sub3A_777 = arith.constant 96 : i32
        %sub3A_778 = vector.broadcast %sub3A_777 : i32 to vector<16xi32>
        %sub3A_779 = arith.subi %and3A_776, %sub3A_778 : vector<16xi32>
        %add3A_780 = arith.addi %sub3A_147, %sub3A_779 : vector<16xi32>
        %shift_right_arithmetic3A_781 = arith.constant 9 : i32
        %shift_right_arithmetic3A_782 = vector.broadcast %shift_right_arithmetic3A_781 : i32 to vector<16xi32>
        %shift_right_arithmetic3A_783 = arith.shrsi %gather3A_517, %shift_right_arithmetic3A_782 : vector<16xi32>
        %sub3A_784 = arith.constant 64 : i32
        %sub3A_785 = vector.broadcast %sub3A_784 : i32 to vector<16xi32>
        %sub3A_786 = arith.subi %shift_right_arithmetic3A_783, %sub3A_785 : vector<16xi32>
        %add3A_787 = arith.addi %shift_right_arithmetic3A_143, %sub3A_786 : vector<16xi32>
        %lt3A_788 = arith.constant 96 : i32
        %lt3A_789 = vector.broadcast %lt3A_788 : i32 to vector<16xi32>
        %lt3A_790 = arith.cmpi ult, %add3A_780, %lt3A_789 : vector<16xi32>
        %lt3A_791 = arith.constant 64 : i32
        %lt3A_792 = vector.broadcast %lt3A_791 : i32 to vector<16xi32>
        %lt3A_793 = arith.cmpi ult, %add3A_787, %lt3A_792 : vector<16xi32>
        %and3A_794 = arith.andi %lt3A_790, %lt3A_793 : vector<16xi1>
        %mul3A_795 = arith.constant 96 : i32
        %mul3A_796 = vector.broadcast %mul3A_795 : i32 to vector<16xi32>
        %mul3A_797 = arith.muli %add3A_787, %mul3A_796 : vector<16xi32>
        %add3A_798 = arith.addi %mul3A_797, %add3A_780 : vector<16xi32>
        %jit3A_799 = arith.constant 6144 : i32
        %broadcast_in_dim3A_800 = vector.broadcast %jit3A_799 : i32 to vector<16xi32>
        %select_n3A_801 = arith.select %and3A_794, %add3A_798, %broadcast_in_dim3A_800 : vector<16xi1>, vector<16xi32>
        %gather3A_802 = tpu.vector_load_idx %arg7[%select_n3A_801] : memref<6160xf32, #tpu.memory_space<vmem>>[vector<16xi32>], vector<16xf32>,
        %gt3A_803 = arith.constant 1.000000e-03 : f32
        %gt3A_804 = vector.broadcast %gt3A_803 : f32 to vector<16xf32>
        %gt3A_805 = arith.cmpf ogt, %gather3A_802, %gt3A_804 : vector<16xf32>
        %and3A_806 = arith.constant 511 : i32
        %and3A_807 = vector.broadcast %and3A_806 : i32 to vector<16xi32>
        %and3A_808 = arith.andi %gather3A_521, %and3A_807 : vector<16xi32>
        %sub3A_809 = arith.constant 96 : i32
        %sub3A_810 = vector.broadcast %sub3A_809 : i32 to vector<16xi32>
        %sub3A_811 = arith.subi %and3A_808, %sub3A_810 : vector<16xi32>
        %add3A_812 = arith.addi %sub3A_147, %sub3A_811 : vector<16xi32>
        %shift_right_arithmetic3A_813 = arith.constant 9 : i32
        %shift_right_arithmetic3A_814 = vector.broadcast %shift_right_arithmetic3A_813 : i32 to vector<16xi32>
        %shift_right_arithmetic3A_815 = arith.shrsi %gather3A_521, %shift_right_arithmetic3A_814 : vector<16xi32>
        %sub3A_816 = arith.constant 64 : i32
        %sub3A_817 = vector.broadcast %sub3A_816 : i32 to vector<16xi32>
        %sub3A_818 = arith.subi %shift_right_arithmetic3A_815, %sub3A_817 : vector<16xi32>
        %add3A_819 = arith.addi %shift_right_arithmetic3A_143, %sub3A_818 : vector<16xi32>
        %lt3A_820 = arith.constant 96 : i32
        %lt3A_821 = vector.broadcast %lt3A_820 : i32 to vector<16xi32>
        %lt3A_822 = arith.cmpi ult, %add3A_812, %lt3A_821 : vector<16xi32>
        %lt3A_823 = arith.constant 64 : i32
        %lt3A_824 = vector.broadcast %lt3A_823 : i32 to vector<16xi32>
        %lt3A_825 = arith.cmpi ult, %add3A_819, %lt3A_824 : vector<16xi32>
        %and3A_826 = arith.andi %lt3A_822, %lt3A_825 : vector<16xi1>
        %mul3A_827 = arith.constant 96 : i32
        %mul3A_828 = vector.broadcast %mul3A_827 : i32 to vector<16xi32>
        %mul3A_829 = arith.muli %add3A_819, %mul3A_828 : vector<16xi32>
        %add3A_830 = arith.addi %mul3A_829, %add3A_812 : vector<16xi32>
        %jit3A_831 = arith.constant 6144 : i32
        %broadcast_in_dim3A_832 = vector.broadcast %jit3A_831 : i32 to vector<16xi32>
        %select_n3A_833 = arith.select %and3A_826, %add3A_830, %broadcast_in_dim3A_832 : vector<16xi1>, vector<16xi32>
        %gather3A_834 = tpu.vector_load_idx %arg7[%select_n3A_833] : memref<6160xf32, #tpu.memory_space<vmem>>[vector<16xi32>], vector<16xf32>,
        %gt3A_835 = arith.constant 1.000000e-03 : f32
        %gt3A_836 = vector.broadcast %gt3A_835 : f32 to vector<16xf32>
        %gt3A_837 = arith.cmpf ogt, %gather3A_834, %gt3A_836 : vector<16xf32>
        %and3A_838 = arith.constant 511 : i32
        %and3A_839 = vector.broadcast %and3A_838 : i32 to vector<16xi32>
        %and3A_840 = arith.andi %gather3A_525, %and3A_839 : vector<16xi32>
        %sub3A_841 = arith.constant 96 : i32
        %sub3A_842 = vector.broadcast %sub3A_841 : i32 to vector<16xi32>
        %sub3A_843 = arith.subi %and3A_840, %sub3A_842 : vector<16xi32>
        %add3A_844 = arith.addi %sub3A_147, %sub3A_843 : vector<16xi32>
        %shift_right_arithmetic3A_845 = arith.constant 9 : i32
        %shift_right_arithmetic3A_846 = vector.broadcast %shift_right_arithmetic3A_845 : i32 to vector<16xi32>
        %shift_right_arithmetic3A_847 = arith.shrsi %gather3A_525, %shift_right_arithmetic3A_846 : vector<16xi32>
        %sub3A_848 = arith.constant 64 : i32
        %sub3A_849 = vector.broadcast %sub3A_848 : i32 to vector<16xi32>
        %sub3A_850 = arith.subi %shift_right_arithmetic3A_847, %sub3A_849 : vector<16xi32>
        %add3A_851 = arith.addi %shift_right_arithmetic3A_143, %sub3A_850 : vector<16xi32>
        %lt3A_852 = arith.constant 96 : i32
        %lt3A_853 = vector.broadcast %lt3A_852 : i32 to vector<16xi32>
        %lt3A_854 = arith.cmpi ult, %add3A_844, %lt3A_853 : vector<16xi32>
        %lt3A_855 = arith.constant 64 : i32
        %lt3A_856 = vector.broadcast %lt3A_855 : i32 to vector<16xi32>
        %lt3A_857 = arith.cmpi ult, %add3A_851, %lt3A_856 : vector<16xi32>
        %and3A_858 = arith.andi %lt3A_854, %lt3A_857 : vector<16xi1>
        %mul3A_859 = arith.constant 96 : i32
        %mul3A_860 = vector.broadcast %mul3A_859 : i32 to vector<16xi32>
        %mul3A_861 = arith.muli %add3A_851, %mul3A_860 : vector<16xi32>
        %add3A_862 = arith.addi %mul3A_861, %add3A_844 : vector<16xi32>
        %jit3A_863 = arith.constant 6144 : i32
        %broadcast_in_dim3A_864 = vector.broadcast %jit3A_863 : i32 to vector<16xi32>
        %select_n3A_865 = arith.select %and3A_858, %add3A_862, %broadcast_in_dim3A_864 : vector<16xi1>, vector<16xi32>
        %gather3A_866 = tpu.vector_load_idx %arg7[%select_n3A_865] : memref<6160xf32, #tpu.memory_space<vmem>>[vector<16xi32>], vector<16xf32>,
        %gt3A_867 = arith.constant 1.000000e-03 : f32
        %gt3A_868 = vector.broadcast %gt3A_867 : f32 to vector<16xf32>
        %gt3A_869 = arith.cmpf ogt, %gather3A_866, %gt3A_868 : vector<16xf32>
        %and3A_870 = arith.constant 511 : i32
        %and3A_871 = vector.broadcast %and3A_870 : i32 to vector<16xi32>
        %and3A_872 = arith.andi %gather3A_529, %and3A_871 : vector<16xi32>
        %sub3A_873 = arith.constant 96 : i32
        %sub3A_874 = vector.broadcast %sub3A_873 : i32 to vector<16xi32>
        %sub3A_875 = arith.subi %and3A_872, %sub3A_874 : vector<16xi32>
        %add3A_876 = arith.addi %sub3A_147, %sub3A_875 : vector<16xi32>
        %shift_right_arithmetic3A_877 = arith.constant 9 : i32
        %shift_right_arithmetic3A_878 = vector.broadcast %shift_right_arithmetic3A_877 : i32 to vector<16xi32>
        %shift_right_arithmetic3A_879 = arith.shrsi %gather3A_529, %shift_right_arithmetic3A_878 : vector<16xi32>
        %sub3A_880 = arith.constant 64 : i32
        %sub3A_881 = vector.broadcast %sub3A_880 : i32 to vector<16xi32>
        %sub3A_882 = arith.subi %shift_right_arithmetic3A_879, %sub3A_881 : vector<16xi32>
        %add3A_883 = arith.addi %shift_right_arithmetic3A_143, %sub3A_882 : vector<16xi32>
        %lt3A_884 = arith.constant 96 : i32
        %lt3A_885 = vector.broadcast %lt3A_884 : i32 to vector<16xi32>
        %lt3A_886 = arith.cmpi ult, %add3A_876, %lt3A_885 : vector<16xi32>
        %lt3A_887 = arith.constant 64 : i32
        %lt3A_888 = vector.broadcast %lt3A_887 : i32 to vector<16xi32>
        %lt3A_889 = arith.cmpi ult, %add3A_883, %lt3A_888 : vector<16xi32>
        %and3A_890 = arith.andi %lt3A_886, %lt3A_889 : vector<16xi1>
        %mul3A_891 = arith.constant 96 : i32
        %mul3A_892 = vector.broadcast %mul3A_891 : i32 to vector<16xi32>
        %mul3A_893 = arith.muli %add3A_883, %mul3A_892 : vector<16xi32>
        %add3A_894 = arith.addi %mul3A_893, %add3A_876 : vector<16xi32>
        %jit3A_895 = arith.constant 6144 : i32
        %broadcast_in_dim3A_896 = vector.broadcast %jit3A_895 : i32 to vector<16xi32>
        %select_n3A_897 = arith.select %and3A_890, %add3A_894, %broadcast_in_dim3A_896 : vector<16xi1>, vector<16xi32>
        %gather3A_898 = tpu.vector_load_idx %arg7[%select_n3A_897] : memref<6160xf32, #tpu.memory_space<vmem>>[vector<16xi32>], vector<16xf32>,
        %gt3A_899 = arith.constant 1.000000e-03 : f32
        %gt3A_900 = vector.broadcast %gt3A_899 : f32 to vector<16xf32>
        %gt3A_901 = arith.cmpf ogt, %gather3A_898, %gt3A_900 : vector<16xf32>
        %and3A_902 = arith.constant 511 : i32
        %and3A_903 = vector.broadcast %and3A_902 : i32 to vector<16xi32>
        %and3A_904 = arith.andi %gather3A_533, %and3A_903 : vector<16xi32>
        %sub3A_905 = arith.constant 96 : i32
        %sub3A_906 = vector.broadcast %sub3A_905 : i32 to vector<16xi32>
        %sub3A_907 = arith.subi %and3A_904, %sub3A_906 : vector<16xi32>
        %add3A_908 = arith.addi %sub3A_147, %sub3A_907 : vector<16xi32>
        %shift_right_arithmetic3A_909 = arith.constant 9 : i32
        %shift_right_arithmetic3A_910 = vector.broadcast %shift_right_arithmetic3A_909 : i32 to vector<16xi32>
        %shift_right_arithmetic3A_911 = arith.shrsi %gather3A_533, %shift_right_arithmetic3A_910 : vector<16xi32>
        %sub3A_912 = arith.constant 64 : i32
        %sub3A_913 = vector.broadcast %sub3A_912 : i32 to vector<16xi32>
        %sub3A_914 = arith.subi %shift_right_arithmetic3A_911, %sub3A_913 : vector<16xi32>
        %add3A_915 = arith.addi %shift_right_arithmetic3A_143, %sub3A_914 : vector<16xi32>
        %lt3A_916 = arith.constant 96 : i32
        %lt3A_917 = vector.broadcast %lt3A_916 : i32 to vector<16xi32>
        %lt3A_918 = arith.cmpi ult, %add3A_908, %lt3A_917 : vector<16xi32>
        %lt3A_919 = arith.constant 64 : i32
        %lt3A_920 = vector.broadcast %lt3A_919 : i32 to vector<16xi32>
        %lt3A_921 = arith.cmpi ult, %add3A_915, %lt3A_920 : vector<16xi32>
        %and3A_922 = arith.andi %lt3A_918, %lt3A_921 : vector<16xi1>
        %mul3A_923 = arith.constant 96 : i32
        %mul3A_924 = vector.broadcast %mul3A_923 : i32 to vector<16xi32>
        %mul3A_925 = arith.muli %add3A_915, %mul3A_924 : vector<16xi32>
        %add3A_926 = arith.addi %mul3A_925, %add3A_908 : vector<16xi32>
        %jit3A_927 = arith.constant 6144 : i32
        %broadcast_in_dim3A_928 = vector.broadcast %jit3A_927 : i32 to vector<16xi32>
        %select_n3A_929 = arith.select %and3A_922, %add3A_926, %broadcast_in_dim3A_928 : vector<16xi1>, vector<16xi32>
        %gather3A_930 = tpu.vector_load_idx %arg7[%select_n3A_929] : memref<6160xf32, #tpu.memory_space<vmem>>[vector<16xi32>], vector<16xf32>,
        %gt3A_931 = arith.constant 1.000000e-03 : f32
        %gt3A_932 = vector.broadcast %gt3A_931 : f32 to vector<16xf32>
        %gt3A_933 = arith.cmpf ogt, %gather3A_930, %gt3A_932 : vector<16xf32>
        %and3A_934 = arith.constant 511 : i32
        %and3A_935 = vector.broadcast %and3A_934 : i32 to vector<16xi32>
        %and3A_936 = arith.andi %gather3A_537, %and3A_935 : vector<16xi32>
        %sub3A_937 = arith.constant 96 : i32
        %sub3A_938 = vector.broadcast %sub3A_937 : i32 to vector<16xi32>
        %sub3A_939 = arith.subi %and3A_936, %sub3A_938 : vector<16xi32>
        %add3A_940 = arith.addi %sub3A_147, %sub3A_939 : vector<16xi32>
        %shift_right_arithmetic3A_941 = arith.constant 9 : i32
        %shift_right_arithmetic3A_942 = vector.broadcast %shift_right_arithmetic3A_941 : i32 to vector<16xi32>
        %shift_right_arithmetic3A_943 = arith.shrsi %gather3A_537, %shift_right_arithmetic3A_942 : vector<16xi32>
        %sub3A_944 = arith.constant 64 : i32
        %sub3A_945 = vector.broadcast %sub3A_944 : i32 to vector<16xi32>
        %sub3A_946 = arith.subi %shift_right_arithmetic3A_943, %sub3A_945 : vector<16xi32>
        %add3A_947 = arith.addi %shift_right_arithmetic3A_143, %sub3A_946 : vector<16xi32>
        %lt3A_948 = arith.constant 96 : i32
        %lt3A_949 = vector.broadcast %lt3A_948 : i32 to vector<16xi32>
        %lt3A_950 = arith.cmpi ult, %add3A_940, %lt3A_949 : vector<16xi32>
        %lt3A_951 = arith.constant 64 : i32
        %lt3A_952 = vector.broadcast %lt3A_951 : i32 to vector<16xi32>
        %lt3A_953 = arith.cmpi ult, %add3A_947, %lt3A_952 : vector<16xi32>
        %and3A_954 = arith.andi %lt3A_950, %lt3A_953 : vector<16xi1>
        %mul3A_955 = arith.constant 96 : i32
        %mul3A_956 = vector.broadcast %mul3A_955 : i32 to vector<16xi32>
        %mul3A_957 = arith.muli %add3A_947, %mul3A_956 : vector<16xi32>
        %add3A_958 = arith.addi %mul3A_957, %add3A_940 : vector<16xi32>
        %jit3A_959 = arith.constant 6144 : i32
        %broadcast_in_dim3A_960 = vector.broadcast %jit3A_959 : i32 to vector<16xi32>
        %select_n3A_961 = arith.select %and3A_954, %add3A_958, %broadcast_in_dim3A_960 : vector<16xi1>, vector<16xi32>
        %gather3A_962 = tpu.vector_load_idx %arg7[%select_n3A_961] : memref<6160xf32, #tpu.memory_space<vmem>>[vector<16xi32>], vector<16xf32>,
        %gt3A_963 = arith.constant 1.000000e-03 : f32
        %gt3A_964 = vector.broadcast %gt3A_963 : f32 to vector<16xf32>
        %gt3A_965 = arith.cmpf ogt, %gather3A_962, %gt3A_964 : vector<16xf32>
        %and3A_966 = arith.constant 511 : i32
        %and3A_967 = vector.broadcast %and3A_966 : i32 to vector<16xi32>
        %and3A_968 = arith.andi %gather3A_541, %and3A_967 : vector<16xi32>
        %sub3A_969 = arith.constant 96 : i32
        %sub3A_970 = vector.broadcast %sub3A_969 : i32 to vector<16xi32>
        %sub3A_971 = arith.subi %and3A_968, %sub3A_970 : vector<16xi32>
        %add3A_972 = arith.addi %sub3A_147, %sub3A_971 : vector<16xi32>
        %shift_right_arithmetic3A_973 = arith.constant 9 : i32
        %shift_right_arithmetic3A_974 = vector.broadcast %shift_right_arithmetic3A_973 : i32 to vector<16xi32>
        %shift_right_arithmetic3A_975 = arith.shrsi %gather3A_541, %shift_right_arithmetic3A_974 : vector<16xi32>
        %sub3A_976 = arith.constant 64 : i32
        %sub3A_977 = vector.broadcast %sub3A_976 : i32 to vector<16xi32>
        %sub3A_978 = arith.subi %shift_right_arithmetic3A_975, %sub3A_977 : vector<16xi32>
        %add3A_979 = arith.addi %shift_right_arithmetic3A_143, %sub3A_978 : vector<16xi32>
        %lt3A_980 = arith.constant 96 : i32
        %lt3A_981 = vector.broadcast %lt3A_980 : i32 to vector<16xi32>
        %lt3A_982 = arith.cmpi ult, %add3A_972, %lt3A_981 : vector<16xi32>
        %lt3A_983 = arith.constant 64 : i32
        %lt3A_984 = vector.broadcast %lt3A_983 : i32 to vector<16xi32>
        %lt3A_985 = arith.cmpi ult, %add3A_979, %lt3A_984 : vector<16xi32>
        %and3A_986 = arith.andi %lt3A_982, %lt3A_985 : vector<16xi1>
        %mul3A_987 = arith.constant 96 : i32
        %mul3A_988 = vector.broadcast %mul3A_987 : i32 to vector<16xi32>
        %mul3A_989 = arith.muli %add3A_979, %mul3A_988 : vector<16xi32>
        %add3A_990 = arith.addi %mul3A_989, %add3A_972 : vector<16xi32>
        %jit3A_991 = arith.constant 6144 : i32
        %broadcast_in_dim3A_992 = vector.broadcast %jit3A_991 : i32 to vector<16xi32>
        %select_n3A_993 = arith.select %and3A_986, %add3A_990, %broadcast_in_dim3A_992 : vector<16xi1>, vector<16xi32>
        %gather3A_994 = tpu.vector_load_idx %arg7[%select_n3A_993] : memref<6160xf32, #tpu.memory_space<vmem>>[vector<16xi32>], vector<16xf32>,
        %gt3A_995 = arith.constant 1.000000e-03 : f32
        %gt3A_996 = vector.broadcast %gt3A_995 : f32 to vector<16xf32>
        %gt3A_997 = arith.cmpf ogt, %gather3A_994, %gt3A_996 : vector<16xf32>
        %and3A_998 = arith.constant 511 : i32
        %and3A_999 = vector.broadcast %and3A_998 : i32 to vector<16xi32>
        %and3A_1000 = arith.andi %gather3A_545, %and3A_999 : vector<16xi32>
        %sub3A_1001 = arith.constant 96 : i32
        %sub3A_1002 = vector.broadcast %sub3A_1001 : i32 to vector<16xi32>
        %sub3A_1003 = arith.subi %and3A_1000, %sub3A_1002 : vector<16xi32>
        %add3A_1004 = arith.addi %sub3A_147, %sub3A_1003 : vector<16xi32>
        %shift_right_arithmetic3A_1005 = arith.constant 9 : i32
        %shift_right_arithmetic3A_1006 = vector.broadcast %shift_right_arithmetic3A_1005 : i32 to vector<16xi32>
        %shift_right_arithmetic3A_1007 = arith.shrsi %gather3A_545, %shift_right_arithmetic3A_1006 : vector<16xi32>
        %sub3A_1008 = arith.constant 64 : i32
        %sub3A_1009 = vector.broadcast %sub3A_1008 : i32 to vector<16xi32>
        %sub3A_1010 = arith.subi %shift_right_arithmetic3A_1007, %sub3A_1009 : vector<16xi32>
        %add3A_1011 = arith.addi %shift_right_arithmetic3A_143, %sub3A_1010 : vector<16xi32>
        %lt3A_1012 = arith.constant 96 : i32
        %lt3A_1013 = vector.broadcast %lt3A_1012 : i32 to vector<16xi32>
        %lt3A_1014 = arith.cmpi ult, %add3A_1004, %lt3A_1013 : vector<16xi32>
        %lt3A_1015 = arith.constant 64 : i32
        %lt3A_1016 = vector.broadcast %lt3A_1015 : i32 to vector<16xi32>
        %lt3A_1017 = arith.cmpi ult, %add3A_1011, %lt3A_1016 : vector<16xi32>
        %and3A_1018 = arith.andi %lt3A_1014, %lt3A_1017 : vector<16xi1>
        %mul3A_1019 = arith.constant 96 : i32
        %mul3A_1020 = vector.broadcast %mul3A_1019 : i32 to vector<16xi32>
        %mul3A_1021 = arith.muli %add3A_1011, %mul3A_1020 : vector<16xi32>
        %add3A_1022 = arith.addi %mul3A_1021, %add3A_1004 : vector<16xi32>
        %jit3A_1023 = arith.constant 6144 : i32
        %broadcast_in_dim3A_1024 = vector.broadcast %jit3A_1023 : i32 to vector<16xi32>
        %select_n3A_1025 = arith.select %and3A_1018, %add3A_1022, %broadcast_in_dim3A_1024 : vector<16xi1>, vector<16xi32>
        %gather3A_1026 = tpu.vector_load_idx %arg7[%select_n3A_1025] : memref<6160xf32, #tpu.memory_space<vmem>>[vector<16xi32>], vector<16xf32>,
        %gt3A_1027 = arith.constant 1.000000e-03 : f32
        %gt3A_1028 = vector.broadcast %gt3A_1027 : f32 to vector<16xf32>
        %gt3A_1029 = arith.cmpf ogt, %gather3A_1026, %gt3A_1028 : vector<16xf32>
        %and3A_1030 = arith.constant 511 : i32
        %and3A_1031 = vector.broadcast %and3A_1030 : i32 to vector<16xi32>
        %and3A_1032 = arith.andi %gather3A_549, %and3A_1031 : vector<16xi32>
        %sub3A_1033 = arith.constant 96 : i32
        %sub3A_1034 = vector.broadcast %sub3A_1033 : i32 to vector<16xi32>
        %sub3A_1035 = arith.subi %and3A_1032, %sub3A_1034 : vector<16xi32>
        %add3A_1036 = arith.addi %sub3A_147, %sub3A_1035 : vector<16xi32>
        %shift_right_arithmetic3A_1037 = arith.constant 9 : i32
        %shift_right_arithmetic3A_1038 = vector.broadcast %shift_right_arithmetic3A_1037 : i32 to vector<16xi32>
        %shift_right_arithmetic3A_1039 = arith.shrsi %gather3A_549, %shift_right_arithmetic3A_1038 : vector<16xi32>
        %sub3A_1040 = arith.constant 64 : i32
        %sub3A_1041 = vector.broadcast %sub3A_1040 : i32 to vector<16xi32>
        %sub3A_1042 = arith.subi %shift_right_arithmetic3A_1039, %sub3A_1041 : vector<16xi32>
        %add3A_1043 = arith.addi %shift_right_arithmetic3A_143, %sub3A_1042 : vector<16xi32>
        %lt3A_1044 = arith.constant 96 : i32
        %lt3A_1045 = vector.broadcast %lt3A_1044 : i32 to vector<16xi32>
        %lt3A_1046 = arith.cmpi ult, %add3A_1036, %lt3A_1045 : vector<16xi32>
        %lt3A_1047 = arith.constant 64 : i32
        %lt3A_1048 = vector.broadcast %lt3A_1047 : i32 to vector<16xi32>
        %lt3A_1049 = arith.cmpi ult, %add3A_1043, %lt3A_1048 : vector<16xi32>
        %and3A_1050 = arith.andi %lt3A_1046, %lt3A_1049 : vector<16xi1>
        %mul3A_1051 = arith.constant 96 : i32
        %mul3A_1052 = vector.broadcast %mul3A_1051 : i32 to vector<16xi32>
        %mul3A_1053 = arith.muli %add3A_1043, %mul3A_1052 : vector<16xi32>
        %add3A_1054 = arith.addi %mul3A_1053, %add3A_1036 : vector<16xi32>
        %jit3A_1055 = arith.constant 6144 : i32
        %broadcast_in_dim3A_1056 = vector.broadcast %jit3A_1055 : i32 to vector<16xi32>
        %select_n3A_1057 = arith.select %and3A_1050, %add3A_1054, %broadcast_in_dim3A_1056 : vector<16xi1>, vector<16xi32>
        %gather3A_1058 = tpu.vector_load_idx %arg7[%select_n3A_1057] : memref<6160xf32, #tpu.memory_space<vmem>>[vector<16xi32>], vector<16xf32>,
        %gt3A_1059 = arith.constant 1.000000e-03 : f32
        %gt3A_1060 = vector.broadcast %gt3A_1059 : f32 to vector<16xf32>
        %gt3A_1061 = arith.cmpf ogt, %gather3A_1058, %gt3A_1060 : vector<16xf32>
        tpu.vector_store_idx %arg8[%while3A_483, %add3A_136], %add3A_574 masked %gt3A_581 : memref<9x768xi32, #tpu.memory_space<vmem>>[vector<16xi32>, vector<16xi32>], vector<16xi32>, vector<16xi1>
        %jit3A_1062 = arith.constant 1 : i32
        %jit3A_1063 = arith.constant 0 : i32
        %broadcast_in_dim3A_1064 = vector.broadcast %jit3A_1062 : i32 to vector<16xi32>
        %broadcast_in_dim3A_1065 = vector.broadcast %jit3A_1063 : i32 to vector<16xi32>
        %select_n3A_1066 = arith.select %gt3A_581, %broadcast_in_dim3A_1064, %broadcast_in_dim3A_1065 : vector<16xi1>, vector<16xi32>
        %add3A_1067 = arith.addi %while3A_483, %select_n3A_1066 : vector<16xi32>
        %min3A = arith.constant 8 : i32
        %min3A_1068 = vector.broadcast %min3A : i32 to vector<16xi32>
        %min3A_1069 = arith.minsi %add3A_1067, %min3A_1068 : vector<16xi32>
        tpu.vector_store_idx %arg8[%min3A_1069, %add3A_136], %add3A_606 masked %gt3A_613 : memref<9x768xi32, #tpu.memory_space<vmem>>[vector<16xi32>, vector<16xi32>], vector<16xi32>, vector<16xi1>
        %jit3A_1070 = arith.constant 1 : i32
        %jit3A_1071 = arith.constant 0 : i32
        %broadcast_in_dim3A_1072 = vector.broadcast %jit3A_1070 : i32 to vector<16xi32>
        %broadcast_in_dim3A_1073 = vector.broadcast %jit3A_1071 : i32 to vector<16xi32>
        %select_n3A_1074 = arith.select %gt3A_613, %broadcast_in_dim3A_1072, %broadcast_in_dim3A_1073 : vector<16xi1>, vector<16xi32>
        %add3A_1075 = arith.addi %min3A_1069, %select_n3A_1074 : vector<16xi32>
        %min3A_1076 = arith.constant 8 : i32
        %min3A_1077 = vector.broadcast %min3A_1076 : i32 to vector<16xi32>
        %min3A_1078 = arith.minsi %add3A_1075, %min3A_1077 : vector<16xi32>
        tpu.vector_store_idx %arg8[%min3A_1078, %add3A_136], %add3A_638 masked %gt3A_645 : memref<9x768xi32, #tpu.memory_space<vmem>>[vector<16xi32>, vector<16xi32>], vector<16xi32>, vector<16xi1>
        %jit3A_1079 = arith.constant 1 : i32
        %jit3A_1080 = arith.constant 0 : i32
        %broadcast_in_dim3A_1081 = vector.broadcast %jit3A_1079 : i32 to vector<16xi32>
        %broadcast_in_dim3A_1082 = vector.broadcast %jit3A_1080 : i32 to vector<16xi32>
        %select_n3A_1083 = arith.select %gt3A_645, %broadcast_in_dim3A_1081, %broadcast_in_dim3A_1082 : vector<16xi1>, vector<16xi32>
        %add3A_1084 = arith.addi %min3A_1078, %select_n3A_1083 : vector<16xi32>
        %min3A_1085 = arith.constant 8 : i32
        %min3A_1086 = vector.broadcast %min3A_1085 : i32 to vector<16xi32>
        %min3A_1087 = arith.minsi %add3A_1084, %min3A_1086 : vector<16xi32>
        tpu.vector_store_idx %arg8[%min3A_1087, %add3A_136], %add3A_670 masked %gt3A_677 : memref<9x768xi32, #tpu.memory_space<vmem>>[vector<16xi32>, vector<16xi32>], vector<16xi32>, vector<16xi1>
        %jit3A_1088 = arith.constant 1 : i32
        %jit3A_1089 = arith.constant 0 : i32
        %broadcast_in_dim3A_1090 = vector.broadcast %jit3A_1088 : i32 to vector<16xi32>
        %broadcast_in_dim3A_1091 = vector.broadcast %jit3A_1089 : i32 to vector<16xi32>
        %select_n3A_1092 = arith.select %gt3A_677, %broadcast_in_dim3A_1090, %broadcast_in_dim3A_1091 : vector<16xi1>, vector<16xi32>
        %add3A_1093 = arith.addi %min3A_1087, %select_n3A_1092 : vector<16xi32>
        %min3A_1094 = arith.constant 8 : i32
        %min3A_1095 = vector.broadcast %min3A_1094 : i32 to vector<16xi32>
        %min3A_1096 = arith.minsi %add3A_1093, %min3A_1095 : vector<16xi32>
        tpu.vector_store_idx %arg8[%min3A_1096, %add3A_136], %add3A_702 masked %gt3A_709 : memref<9x768xi32, #tpu.memory_space<vmem>>[vector<16xi32>, vector<16xi32>], vector<16xi32>, vector<16xi1>
        %jit3A_1097 = arith.constant 1 : i32
        %jit3A_1098 = arith.constant 0 : i32
        %broadcast_in_dim3A_1099 = vector.broadcast %jit3A_1097 : i32 to vector<16xi32>
        %broadcast_in_dim3A_1100 = vector.broadcast %jit3A_1098 : i32 to vector<16xi32>
        %select_n3A_1101 = arith.select %gt3A_709, %broadcast_in_dim3A_1099, %broadcast_in_dim3A_1100 : vector<16xi1>, vector<16xi32>
        %add3A_1102 = arith.addi %min3A_1096, %select_n3A_1101 : vector<16xi32>
        %min3A_1103 = arith.constant 8 : i32
        %min3A_1104 = vector.broadcast %min3A_1103 : i32 to vector<16xi32>
        %min3A_1105 = arith.minsi %add3A_1102, %min3A_1104 : vector<16xi32>
        tpu.vector_store_idx %arg8[%min3A_1105, %add3A_136], %add3A_734 masked %gt3A_741 : memref<9x768xi32, #tpu.memory_space<vmem>>[vector<16xi32>, vector<16xi32>], vector<16xi32>, vector<16xi1>
        %jit3A_1106 = arith.constant 1 : i32
        %jit3A_1107 = arith.constant 0 : i32
        %broadcast_in_dim3A_1108 = vector.broadcast %jit3A_1106 : i32 to vector<16xi32>
        %broadcast_in_dim3A_1109 = vector.broadcast %jit3A_1107 : i32 to vector<16xi32>
        %select_n3A_1110 = arith.select %gt3A_741, %broadcast_in_dim3A_1108, %broadcast_in_dim3A_1109 : vector<16xi1>, vector<16xi32>
        %add3A_1111 = arith.addi %min3A_1105, %select_n3A_1110 : vector<16xi32>
        %min3A_1112 = arith.constant 8 : i32
        %min3A_1113 = vector.broadcast %min3A_1112 : i32 to vector<16xi32>
        %min3A_1114 = arith.minsi %add3A_1111, %min3A_1113 : vector<16xi32>
        tpu.vector_store_idx %arg8[%min3A_1114, %add3A_136], %add3A_766 masked %gt3A_773 : memref<9x768xi32, #tpu.memory_space<vmem>>[vector<16xi32>, vector<16xi32>], vector<16xi32>, vector<16xi1>
        %jit3A_1115 = arith.constant 1 : i32
        %jit3A_1116 = arith.constant 0 : i32
        %broadcast_in_dim3A_1117 = vector.broadcast %jit3A_1115 : i32 to vector<16xi32>
        %broadcast_in_dim3A_1118 = vector.broadcast %jit3A_1116 : i32 to vector<16xi32>
        %select_n3A_1119 = arith.select %gt3A_773, %broadcast_in_dim3A_1117, %broadcast_in_dim3A_1118 : vector<16xi1>, vector<16xi32>
        %add3A_1120 = arith.addi %min3A_1114, %select_n3A_1119 : vector<16xi32>
        %min3A_1121 = arith.constant 8 : i32
        %min3A_1122 = vector.broadcast %min3A_1121 : i32 to vector<16xi32>
        %min3A_1123 = arith.minsi %add3A_1120, %min3A_1122 : vector<16xi32>
        tpu.vector_store_idx %arg8[%min3A_1123, %add3A_136], %add3A_798 masked %gt3A_805 : memref<9x768xi32, #tpu.memory_space<vmem>>[vector<16xi32>, vector<16xi32>], vector<16xi32>, vector<16xi1>
        %jit3A_1124 = arith.constant 1 : i32
        %jit3A_1125 = arith.constant 0 : i32
        %broadcast_in_dim3A_1126 = vector.broadcast %jit3A_1124 : i32 to vector<16xi32>
        %broadcast_in_dim3A_1127 = vector.broadcast %jit3A_1125 : i32 to vector<16xi32>
        %select_n3A_1128 = arith.select %gt3A_805, %broadcast_in_dim3A_1126, %broadcast_in_dim3A_1127 : vector<16xi1>, vector<16xi32>
        %add3A_1129 = arith.addi %min3A_1123, %select_n3A_1128 : vector<16xi32>
        %min3A_1130 = arith.constant 8 : i32
        %min3A_1131 = vector.broadcast %min3A_1130 : i32 to vector<16xi32>
        %min3A_1132 = arith.minsi %add3A_1129, %min3A_1131 : vector<16xi32>
        tpu.vector_store_idx %arg8[%min3A_1132, %add3A_136], %add3A_830 masked %gt3A_837 : memref<9x768xi32, #tpu.memory_space<vmem>>[vector<16xi32>, vector<16xi32>], vector<16xi32>, vector<16xi1>
        %jit3A_1133 = arith.constant 1 : i32
        %jit3A_1134 = arith.constant 0 : i32
        %broadcast_in_dim3A_1135 = vector.broadcast %jit3A_1133 : i32 to vector<16xi32>
        %broadcast_in_dim3A_1136 = vector.broadcast %jit3A_1134 : i32 to vector<16xi32>
        %select_n3A_1137 = arith.select %gt3A_837, %broadcast_in_dim3A_1135, %broadcast_in_dim3A_1136 : vector<16xi1>, vector<16xi32>
        %add3A_1138 = arith.addi %min3A_1132, %select_n3A_1137 : vector<16xi32>
        %min3A_1139 = arith.constant 8 : i32
        %min3A_1140 = vector.broadcast %min3A_1139 : i32 to vector<16xi32>
        %min3A_1141 = arith.minsi %add3A_1138, %min3A_1140 : vector<16xi32>
        tpu.vector_store_idx %arg8[%min3A_1141, %add3A_136], %add3A_862 masked %gt3A_869 : memref<9x768xi32, #tpu.memory_space<vmem>>[vector<16xi32>, vector<16xi32>], vector<16xi32>, vector<16xi1>
        %jit3A_1142 = arith.constant 1 : i32
        %jit3A_1143 = arith.constant 0 : i32
        %broadcast_in_dim3A_1144 = vector.broadcast %jit3A_1142 : i32 to vector<16xi32>
        %broadcast_in_dim3A_1145 = vector.broadcast %jit3A_1143 : i32 to vector<16xi32>
        %select_n3A_1146 = arith.select %gt3A_869, %broadcast_in_dim3A_1144, %broadcast_in_dim3A_1145 : vector<16xi1>, vector<16xi32>
        %add3A_1147 = arith.addi %min3A_1141, %select_n3A_1146 : vector<16xi32>
        %min3A_1148 = arith.constant 8 : i32
        %min3A_1149 = vector.broadcast %min3A_1148 : i32 to vector<16xi32>
        %min3A_1150 = arith.minsi %add3A_1147, %min3A_1149 : vector<16xi32>
        tpu.vector_store_idx %arg8[%min3A_1150, %add3A_136], %add3A_894 masked %gt3A_901 : memref<9x768xi32, #tpu.memory_space<vmem>>[vector<16xi32>, vector<16xi32>], vector<16xi32>, vector<16xi1>
        %jit3A_1151 = arith.constant 1 : i32
        %jit3A_1152 = arith.constant 0 : i32
        %broadcast_in_dim3A_1153 = vector.broadcast %jit3A_1151 : i32 to vector<16xi32>
        %broadcast_in_dim3A_1154 = vector.broadcast %jit3A_1152 : i32 to vector<16xi32>
        %select_n3A_1155 = arith.select %gt3A_901, %broadcast_in_dim3A_1153, %broadcast_in_dim3A_1154 : vector<16xi1>, vector<16xi32>
        %add3A_1156 = arith.addi %min3A_1150, %select_n3A_1155 : vector<16xi32>
        %min3A_1157 = arith.constant 8 : i32
        %min3A_1158 = vector.broadcast %min3A_1157 : i32 to vector<16xi32>
        %min3A_1159 = arith.minsi %add3A_1156, %min3A_1158 : vector<16xi32>
        tpu.vector_store_idx %arg8[%min3A_1159, %add3A_136], %add3A_926 masked %gt3A_933 : memref<9x768xi32, #tpu.memory_space<vmem>>[vector<16xi32>, vector<16xi32>], vector<16xi32>, vector<16xi1>
        %jit3A_1160 = arith.constant 1 : i32
        %jit3A_1161 = arith.constant 0 : i32
        %broadcast_in_dim3A_1162 = vector.broadcast %jit3A_1160 : i32 to vector<16xi32>
        %broadcast_in_dim3A_1163 = vector.broadcast %jit3A_1161 : i32 to vector<16xi32>
        %select_n3A_1164 = arith.select %gt3A_933, %broadcast_in_dim3A_1162, %broadcast_in_dim3A_1163 : vector<16xi1>, vector<16xi32>
        %add3A_1165 = arith.addi %min3A_1159, %select_n3A_1164 : vector<16xi32>
        %min3A_1166 = arith.constant 8 : i32
        %min3A_1167 = vector.broadcast %min3A_1166 : i32 to vector<16xi32>
        %min3A_1168 = arith.minsi %add3A_1165, %min3A_1167 : vector<16xi32>
        tpu.vector_store_idx %arg8[%min3A_1168, %add3A_136], %add3A_958 masked %gt3A_965 : memref<9x768xi32, #tpu.memory_space<vmem>>[vector<16xi32>, vector<16xi32>], vector<16xi32>, vector<16xi1>
        %jit3A_1169 = arith.constant 1 : i32
        %jit3A_1170 = arith.constant 0 : i32
        %broadcast_in_dim3A_1171 = vector.broadcast %jit3A_1169 : i32 to vector<16xi32>
        %broadcast_in_dim3A_1172 = vector.broadcast %jit3A_1170 : i32 to vector<16xi32>
        %select_n3A_1173 = arith.select %gt3A_965, %broadcast_in_dim3A_1171, %broadcast_in_dim3A_1172 : vector<16xi1>, vector<16xi32>
        %add3A_1174 = arith.addi %min3A_1168, %select_n3A_1173 : vector<16xi32>
        %min3A_1175 = arith.constant 8 : i32
        %min3A_1176 = vector.broadcast %min3A_1175 : i32 to vector<16xi32>
        %min3A_1177 = arith.minsi %add3A_1174, %min3A_1176 : vector<16xi32>
        tpu.vector_store_idx %arg8[%min3A_1177, %add3A_136], %add3A_990 masked %gt3A_997 : memref<9x768xi32, #tpu.memory_space<vmem>>[vector<16xi32>, vector<16xi32>], vector<16xi32>, vector<16xi1>
        %jit3A_1178 = arith.constant 1 : i32
        %jit3A_1179 = arith.constant 0 : i32
        %broadcast_in_dim3A_1180 = vector.broadcast %jit3A_1178 : i32 to vector<16xi32>
        %broadcast_in_dim3A_1181 = vector.broadcast %jit3A_1179 : i32 to vector<16xi32>
        %select_n3A_1182 = arith.select %gt3A_997, %broadcast_in_dim3A_1180, %broadcast_in_dim3A_1181 : vector<16xi1>, vector<16xi32>
        %add3A_1183 = arith.addi %min3A_1177, %select_n3A_1182 : vector<16xi32>
        %min3A_1184 = arith.constant 8 : i32
        %min3A_1185 = vector.broadcast %min3A_1184 : i32 to vector<16xi32>
        %min3A_1186 = arith.minsi %add3A_1183, %min3A_1185 : vector<16xi32>
        tpu.vector_store_idx %arg8[%min3A_1186, %add3A_136], %add3A_1022 masked %gt3A_1029 : memref<9x768xi32, #tpu.memory_space<vmem>>[vector<16xi32>, vector<16xi32>], vector<16xi32>, vector<16xi1>
        %jit3A_1187 = arith.constant 1 : i32
        %jit3A_1188 = arith.constant 0 : i32
        %broadcast_in_dim3A_1189 = vector.broadcast %jit3A_1187 : i32 to vector<16xi32>
        %broadcast_in_dim3A_1190 = vector.broadcast %jit3A_1188 : i32 to vector<16xi32>
        %select_n3A_1191 = arith.select %gt3A_1029, %broadcast_in_dim3A_1189, %broadcast_in_dim3A_1190 : vector<16xi1>, vector<16xi32>
        %add3A_1192 = arith.addi %min3A_1186, %select_n3A_1191 : vector<16xi32>
        %min3A_1193 = arith.constant 8 : i32
        %min3A_1194 = vector.broadcast %min3A_1193 : i32 to vector<16xi32>
        %min3A_1195 = arith.minsi %add3A_1192, %min3A_1194 : vector<16xi32>
        tpu.vector_store_idx %arg8[%min3A_1195, %add3A_136], %add3A_1054 masked %gt3A_1061 : memref<9x768xi32, #tpu.memory_space<vmem>>[vector<16xi32>, vector<16xi32>], vector<16xi32>, vector<16xi1>
        %jit3A_1196 = arith.constant 1 : i32
        %jit3A_1197 = arith.constant 0 : i32
        %broadcast_in_dim3A_1198 = vector.broadcast %jit3A_1196 : i32 to vector<16xi32>
        %broadcast_in_dim3A_1199 = vector.broadcast %jit3A_1197 : i32 to vector<16xi32>
        %select_n3A_1200 = arith.select %gt3A_1061, %broadcast_in_dim3A_1198, %broadcast_in_dim3A_1199 : vector<16xi1>, vector<16xi32>
        %add3A_1201 = arith.addi %min3A_1195, %select_n3A_1200 : vector<16xi32>
        %min3A_1202 = arith.constant 8 : i32
        %min3A_1203 = vector.broadcast %min3A_1202 : i32 to vector<16xi32>
        %min3A_1204 = arith.minsi %add3A_1201, %min3A_1203 : vector<16xi32>
        scf.yield %min3A_1204 : vector<16xi32>
      }
      %while3A_193 = arith.constant 1 : i32
      %while3A_194 = scf.for %while3A_482 = %while3A_190 to %while3A_186 step %while3A_193 iter_args(%while3A_483 = %while3A_192) -> (vector<16xi32>)  : i32 {
        %mul3A_484 = arith.constant 16 : i32
        %mul3A_485 = arith.muli %while3A_482, %mul3A_484 : i32
        %broadcast_in_dim3A_486 = vector.broadcast %mul3A_485 : i32 to vector<16xi32>
        %add3A_487 = arith.constant 0 : i32
        %add3A_488 = vector.broadcast %add3A_487 : i32 to vector<16xi32>
        %add3A_489 = arith.addi %broadcast_in_dim3A_486, %add3A_488 : vector<16xi32>
        %gather3A = tpu.vector_load_idx %arg6[%add3A_489] : memref<24272xi32, #tpu.memory_space<vmem>>[vector<16xi32>], vector<16xi32>,
        %add3A_490 = arith.constant 1 : i32
        %add3A_491 = vector.broadcast %add3A_490 : i32 to vector<16xi32>
        %add3A_492 = arith.addi %broadcast_in_dim3A_486, %add3A_491 : vector<16xi32>
        %gather3A_493 = tpu.vector_load_idx %arg6[%add3A_492] : memref<24272xi32, #tpu.memory_space<vmem>>[vector<16xi32>], vector<16xi32>,
        %add3A_494 = arith.constant 2 : i32
        %add3A_495 = vector.broadcast %add3A_494 : i32 to vector<16xi32>
        %add3A_496 = arith.addi %broadcast_in_dim3A_486, %add3A_495 : vector<16xi32>
        %gather3A_497 = tpu.vector_load_idx %arg6[%add3A_496] : memref<24272xi32, #tpu.memory_space<vmem>>[vector<16xi32>], vector<16xi32>,
        %add3A_498 = arith.constant 3 : i32
        %add3A_499 = vector.broadcast %add3A_498 : i32 to vector<16xi32>
        %add3A_500 = arith.addi %broadcast_in_dim3A_486, %add3A_499 : vector<16xi32>
        %gather3A_501 = tpu.vector_load_idx %arg6[%add3A_500] : memref<24272xi32, #tpu.memory_space<vmem>>[vector<16xi32>], vector<16xi32>,
        %add3A_502 = arith.constant 4 : i32
        %add3A_503 = vector.broadcast %add3A_502 : i32 to vector<16xi32>
        %add3A_504 = arith.addi %broadcast_in_dim3A_486, %add3A_503 : vector<16xi32>
        %gather3A_505 = tpu.vector_load_idx %arg6[%add3A_504] : memref<24272xi32, #tpu.memory_space<vmem>>[vector<16xi32>], vector<16xi32>,
        %add3A_506 = arith.constant 5 : i32
        %add3A_507 = vector.broadcast %add3A_506 : i32 to vector<16xi32>
        %add3A_508 = arith.addi %broadcast_in_dim3A_486, %add3A_507 : vector<16xi32>
        %gather3A_509 = tpu.vector_load_idx %arg6[%add3A_508] : memref<24272xi32, #tpu.memory_space<vmem>>[vector<16xi32>], vector<16xi32>,
        %add3A_510 = arith.constant 6 : i32
        %add3A_511 = vector.broadcast %add3A_510 : i32 to vector<16xi32>
        %add3A_512 = arith.addi %broadcast_in_dim3A_486, %add3A_511 : vector<16xi32>
        %gather3A_513 = tpu.vector_load_idx %arg6[%add3A_512] : memref<24272xi32, #tpu.memory_space<vmem>>[vector<16xi32>], vector<16xi32>,
        %add3A_514 = arith.constant 7 : i32
        %add3A_515 = vector.broadcast %add3A_514 : i32 to vector<16xi32>
        %add3A_516 = arith.addi %broadcast_in_dim3A_486, %add3A_515 : vector<16xi32>
        %gather3A_517 = tpu.vector_load_idx %arg6[%add3A_516] : memref<24272xi32, #tpu.memory_space<vmem>>[vector<16xi32>], vector<16xi32>,
        %add3A_518 = arith.constant 8 : i32
        %add3A_519 = vector.broadcast %add3A_518 : i32 to vector<16xi32>
        %add3A_520 = arith.addi %broadcast_in_dim3A_486, %add3A_519 : vector<16xi32>
        %gather3A_521 = tpu.vector_load_idx %arg6[%add3A_520] : memref<24272xi32, #tpu.memory_space<vmem>>[vector<16xi32>], vector<16xi32>,
        %add3A_522 = arith.constant 9 : i32
        %add3A_523 = vector.broadcast %add3A_522 : i32 to vector<16xi32>
        %add3A_524 = arith.addi %broadcast_in_dim3A_486, %add3A_523 : vector<16xi32>
        %gather3A_525 = tpu.vector_load_idx %arg6[%add3A_524] : memref<24272xi32, #tpu.memory_space<vmem>>[vector<16xi32>], vector<16xi32>,
        %add3A_526 = arith.constant 10 : i32
        %add3A_527 = vector.broadcast %add3A_526 : i32 to vector<16xi32>
        %add3A_528 = arith.addi %broadcast_in_dim3A_486, %add3A_527 : vector<16xi32>
        %gather3A_529 = tpu.vector_load_idx %arg6[%add3A_528] : memref<24272xi32, #tpu.memory_space<vmem>>[vector<16xi32>], vector<16xi32>,
        %add3A_530 = arith.constant 11 : i32
        %add3A_531 = vector.broadcast %add3A_530 : i32 to vector<16xi32>
        %add3A_532 = arith.addi %broadcast_in_dim3A_486, %add3A_531 : vector<16xi32>
        %gather3A_533 = tpu.vector_load_idx %arg6[%add3A_532] : memref<24272xi32, #tpu.memory_space<vmem>>[vector<16xi32>], vector<16xi32>,
        %add3A_534 = arith.constant 12 : i32
        %add3A_535 = vector.broadcast %add3A_534 : i32 to vector<16xi32>
        %add3A_536 = arith.addi %broadcast_in_dim3A_486, %add3A_535 : vector<16xi32>
        %gather3A_537 = tpu.vector_load_idx %arg6[%add3A_536] : memref<24272xi32, #tpu.memory_space<vmem>>[vector<16xi32>], vector<16xi32>,
        %add3A_538 = arith.constant 13 : i32
        %add3A_539 = vector.broadcast %add3A_538 : i32 to vector<16xi32>
        %add3A_540 = arith.addi %broadcast_in_dim3A_486, %add3A_539 : vector<16xi32>
        %gather3A_541 = tpu.vector_load_idx %arg6[%add3A_540] : memref<24272xi32, #tpu.memory_space<vmem>>[vector<16xi32>], vector<16xi32>,
        %add3A_542 = arith.constant 14 : i32
        %add3A_543 = vector.broadcast %add3A_542 : i32 to vector<16xi32>
        %add3A_544 = arith.addi %broadcast_in_dim3A_486, %add3A_543 : vector<16xi32>
        %gather3A_545 = tpu.vector_load_idx %arg6[%add3A_544] : memref<24272xi32, #tpu.memory_space<vmem>>[vector<16xi32>], vector<16xi32>,
        %add3A_546 = arith.constant 15 : i32
        %add3A_547 = vector.broadcast %add3A_546 : i32 to vector<16xi32>
        %add3A_548 = arith.addi %broadcast_in_dim3A_486, %add3A_547 : vector<16xi32>
        %gather3A_549 = tpu.vector_load_idx %arg6[%add3A_548] : memref<24272xi32, #tpu.memory_space<vmem>>[vector<16xi32>], vector<16xi32>,
        %and3A_550 = arith.constant 511 : i32
        %and3A_551 = vector.broadcast %and3A_550 : i32 to vector<16xi32>
        %and3A_552 = arith.andi %gather3A, %and3A_551 : vector<16xi32>
        %sub3A_553 = arith.constant 96 : i32
        %sub3A_554 = vector.broadcast %sub3A_553 : i32 to vector<16xi32>
        %sub3A_555 = arith.subi %and3A_552, %sub3A_554 : vector<16xi32>
        %add3A_556 = arith.addi %sub3A_147, %sub3A_555 : vector<16xi32>
        %shift_right_arithmetic3A_557 = arith.constant 9 : i32
        %shift_right_arithmetic3A_558 = vector.broadcast %shift_right_arithmetic3A_557 : i32 to vector<16xi32>
        %shift_right_arithmetic3A_559 = arith.shrsi %gather3A, %shift_right_arithmetic3A_558 : vector<16xi32>
        %sub3A_560 = arith.constant 64 : i32
        %sub3A_561 = vector.broadcast %sub3A_560 : i32 to vector<16xi32>
        %sub3A_562 = arith.subi %shift_right_arithmetic3A_559, %sub3A_561 : vector<16xi32>
        %add3A_563 = arith.addi %shift_right_arithmetic3A_143, %sub3A_562 : vector<16xi32>
        %lt3A_564 = arith.constant 96 : i32
        %lt3A_565 = vector.broadcast %lt3A_564 : i32 to vector<16xi32>
        %lt3A_566 = arith.cmpi ult, %add3A_556, %lt3A_565 : vector<16xi32>
        %lt3A_567 = arith.constant 64 : i32
        %lt3A_568 = vector.broadcast %lt3A_567 : i32 to vector<16xi32>
        %lt3A_569 = arith.cmpi ult, %add3A_563, %lt3A_568 : vector<16xi32>
        %and3A_570 = arith.andi %lt3A_566, %lt3A_569 : vector<16xi1>
        %mul3A_571 = arith.constant 96 : i32
        %mul3A_572 = vector.broadcast %mul3A_571 : i32 to vector<16xi32>
        %mul3A_573 = arith.muli %add3A_563, %mul3A_572 : vector<16xi32>
        %add3A_574 = arith.addi %mul3A_573, %add3A_556 : vector<16xi32>
        %jit3A_575 = arith.constant 6144 : i32
        %broadcast_in_dim3A_576 = vector.broadcast %jit3A_575 : i32 to vector<16xi32>
        %select_n3A_577 = arith.select %and3A_570, %add3A_574, %broadcast_in_dim3A_576 : vector<16xi1>, vector<16xi32>
        %gather3A_578 = tpu.vector_load_idx %arg7[%select_n3A_577] : memref<6160xf32, #tpu.memory_space<vmem>>[vector<16xi32>], vector<16xf32>,
        %gt3A_579 = arith.constant 1.000000e-03 : f32
        %gt3A_580 = vector.broadcast %gt3A_579 : f32 to vector<16xf32>
        %gt3A_581 = arith.cmpf ogt, %gather3A_578, %gt3A_580 : vector<16xf32>
        %and3A_582 = arith.constant 511 : i32
        %and3A_583 = vector.broadcast %and3A_582 : i32 to vector<16xi32>
        %and3A_584 = arith.andi %gather3A_493, %and3A_583 : vector<16xi32>
        %sub3A_585 = arith.constant 96 : i32
        %sub3A_586 = vector.broadcast %sub3A_585 : i32 to vector<16xi32>
        %sub3A_587 = arith.subi %and3A_584, %sub3A_586 : vector<16xi32>
        %add3A_588 = arith.addi %sub3A_147, %sub3A_587 : vector<16xi32>
        %shift_right_arithmetic3A_589 = arith.constant 9 : i32
        %shift_right_arithmetic3A_590 = vector.broadcast %shift_right_arithmetic3A_589 : i32 to vector<16xi32>
        %shift_right_arithmetic3A_591 = arith.shrsi %gather3A_493, %shift_right_arithmetic3A_590 : vector<16xi32>
        %sub3A_592 = arith.constant 64 : i32
        %sub3A_593 = vector.broadcast %sub3A_592 : i32 to vector<16xi32>
        %sub3A_594 = arith.subi %shift_right_arithmetic3A_591, %sub3A_593 : vector<16xi32>
        %add3A_595 = arith.addi %shift_right_arithmetic3A_143, %sub3A_594 : vector<16xi32>
        %lt3A_596 = arith.constant 96 : i32
        %lt3A_597 = vector.broadcast %lt3A_596 : i32 to vector<16xi32>
        %lt3A_598 = arith.cmpi ult, %add3A_588, %lt3A_597 : vector<16xi32>
        %lt3A_599 = arith.constant 64 : i32
        %lt3A_600 = vector.broadcast %lt3A_599 : i32 to vector<16xi32>
        %lt3A_601 = arith.cmpi ult, %add3A_595, %lt3A_600 : vector<16xi32>
        %and3A_602 = arith.andi %lt3A_598, %lt3A_601 : vector<16xi1>
        %mul3A_603 = arith.constant 96 : i32
        %mul3A_604 = vector.broadcast %mul3A_603 : i32 to vector<16xi32>
        %mul3A_605 = arith.muli %add3A_595, %mul3A_604 : vector<16xi32>
        %add3A_606 = arith.addi %mul3A_605, %add3A_588 : vector<16xi32>
        %jit3A_607 = arith.constant 6144 : i32
        %broadcast_in_dim3A_608 = vector.broadcast %jit3A_607 : i32 to vector<16xi32>
        %select_n3A_609 = arith.select %and3A_602, %add3A_606, %broadcast_in_dim3A_608 : vector<16xi1>, vector<16xi32>
        %gather3A_610 = tpu.vector_load_idx %arg7[%select_n3A_609] : memref<6160xf32, #tpu.memory_space<vmem>>[vector<16xi32>], vector<16xf32>,
        %gt3A_611 = arith.constant 1.000000e-03 : f32
        %gt3A_612 = vector.broadcast %gt3A_611 : f32 to vector<16xf32>
        %gt3A_613 = arith.cmpf ogt, %gather3A_610, %gt3A_612 : vector<16xf32>
        %and3A_614 = arith.constant 511 : i32
        %and3A_615 = vector.broadcast %and3A_614 : i32 to vector<16xi32>
        %and3A_616 = arith.andi %gather3A_497, %and3A_615 : vector<16xi32>
        %sub3A_617 = arith.constant 96 : i32
        %sub3A_618 = vector.broadcast %sub3A_617 : i32 to vector<16xi32>
        %sub3A_619 = arith.subi %and3A_616, %sub3A_618 : vector<16xi32>
        %add3A_620 = arith.addi %sub3A_147, %sub3A_619 : vector<16xi32>
        %shift_right_arithmetic3A_621 = arith.constant 9 : i32
        %shift_right_arithmetic3A_622 = vector.broadcast %shift_right_arithmetic3A_621 : i32 to vector<16xi32>
        %shift_right_arithmetic3A_623 = arith.shrsi %gather3A_497, %shift_right_arithmetic3A_622 : vector<16xi32>
        %sub3A_624 = arith.constant 64 : i32
        %sub3A_625 = vector.broadcast %sub3A_624 : i32 to vector<16xi32>
        %sub3A_626 = arith.subi %shift_right_arithmetic3A_623, %sub3A_625 : vector<16xi32>
        %add3A_627 = arith.addi %shift_right_arithmetic3A_143, %sub3A_626 : vector<16xi32>
        %lt3A_628 = arith.constant 96 : i32
        %lt3A_629 = vector.broadcast %lt3A_628 : i32 to vector<16xi32>
        %lt3A_630 = arith.cmpi ult, %add3A_620, %lt3A_629 : vector<16xi32>
        %lt3A_631 = arith.constant 64 : i32
        %lt3A_632 = vector.broadcast %lt3A_631 : i32 to vector<16xi32>
        %lt3A_633 = arith.cmpi ult, %add3A_627, %lt3A_632 : vector<16xi32>
        %and3A_634 = arith.andi %lt3A_630, %lt3A_633 : vector<16xi1>
        %mul3A_635 = arith.constant 96 : i32
        %mul3A_636 = vector.broadcast %mul3A_635 : i32 to vector<16xi32>
        %mul3A_637 = arith.muli %add3A_627, %mul3A_636 : vector<16xi32>
        %add3A_638 = arith.addi %mul3A_637, %add3A_620 : vector<16xi32>
        %jit3A_639 = arith.constant 6144 : i32
        %broadcast_in_dim3A_640 = vector.broadcast %jit3A_639 : i32 to vector<16xi32>
        %select_n3A_641 = arith.select %and3A_634, %add3A_638, %broadcast_in_dim3A_640 : vector<16xi1>, vector<16xi32>
        %gather3A_642 = tpu.vector_load_idx %arg7[%select_n3A_641] : memref<6160xf32, #tpu.memory_space<vmem>>[vector<16xi32>], vector<16xf32>,
        %gt3A_643 = arith.constant 1.000000e-03 : f32
        %gt3A_644 = vector.broadcast %gt3A_643 : f32 to vector<16xf32>
        %gt3A_645 = arith.cmpf ogt, %gather3A_642, %gt3A_644 : vector<16xf32>
        %and3A_646 = arith.constant 511 : i32
        %and3A_647 = vector.broadcast %and3A_646 : i32 to vector<16xi32>
        %and3A_648 = arith.andi %gather3A_501, %and3A_647 : vector<16xi32>
        %sub3A_649 = arith.constant 96 : i32
        %sub3A_650 = vector.broadcast %sub3A_649 : i32 to vector<16xi32>
        %sub3A_651 = arith.subi %and3A_648, %sub3A_650 : vector<16xi32>
        %add3A_652 = arith.addi %sub3A_147, %sub3A_651 : vector<16xi32>
        %shift_right_arithmetic3A_653 = arith.constant 9 : i32
        %shift_right_arithmetic3A_654 = vector.broadcast %shift_right_arithmetic3A_653 : i32 to vector<16xi32>
        %shift_right_arithmetic3A_655 = arith.shrsi %gather3A_501, %shift_right_arithmetic3A_654 : vector<16xi32>
        %sub3A_656 = arith.constant 64 : i32
        %sub3A_657 = vector.broadcast %sub3A_656 : i32 to vector<16xi32>
        %sub3A_658 = arith.subi %shift_right_arithmetic3A_655, %sub3A_657 : vector<16xi32>
        %add3A_659 = arith.addi %shift_right_arithmetic3A_143, %sub3A_658 : vector<16xi32>
        %lt3A_660 = arith.constant 96 : i32
        %lt3A_661 = vector.broadcast %lt3A_660 : i32 to vector<16xi32>
        %lt3A_662 = arith.cmpi ult, %add3A_652, %lt3A_661 : vector<16xi32>
        %lt3A_663 = arith.constant 64 : i32
        %lt3A_664 = vector.broadcast %lt3A_663 : i32 to vector<16xi32>
        %lt3A_665 = arith.cmpi ult, %add3A_659, %lt3A_664 : vector<16xi32>
        %and3A_666 = arith.andi %lt3A_662, %lt3A_665 : vector<16xi1>
        %mul3A_667 = arith.constant 96 : i32
        %mul3A_668 = vector.broadcast %mul3A_667 : i32 to vector<16xi32>
        %mul3A_669 = arith.muli %add3A_659, %mul3A_668 : vector<16xi32>
        %add3A_670 = arith.addi %mul3A_669, %add3A_652 : vector<16xi32>
        %jit3A_671 = arith.constant 6144 : i32
        %broadcast_in_dim3A_672 = vector.broadcast %jit3A_671 : i32 to vector<16xi32>
        %select_n3A_673 = arith.select %and3A_666, %add3A_670, %broadcast_in_dim3A_672 : vector<16xi1>, vector<16xi32>
        %gather3A_674 = tpu.vector_load_idx %arg7[%select_n3A_673] : memref<6160xf32, #tpu.memory_space<vmem>>[vector<16xi32>], vector<16xf32>,
        %gt3A_675 = arith.constant 1.000000e-03 : f32
        %gt3A_676 = vector.broadcast %gt3A_675 : f32 to vector<16xf32>
        %gt3A_677 = arith.cmpf ogt, %gather3A_674, %gt3A_676 : vector<16xf32>
        %and3A_678 = arith.constant 511 : i32
        %and3A_679 = vector.broadcast %and3A_678 : i32 to vector<16xi32>
        %and3A_680 = arith.andi %gather3A_505, %and3A_679 : vector<16xi32>
        %sub3A_681 = arith.constant 96 : i32
        %sub3A_682 = vector.broadcast %sub3A_681 : i32 to vector<16xi32>
        %sub3A_683 = arith.subi %and3A_680, %sub3A_682 : vector<16xi32>
        %add3A_684 = arith.addi %sub3A_147, %sub3A_683 : vector<16xi32>
        %shift_right_arithmetic3A_685 = arith.constant 9 : i32
        %shift_right_arithmetic3A_686 = vector.broadcast %shift_right_arithmetic3A_685 : i32 to vector<16xi32>
        %shift_right_arithmetic3A_687 = arith.shrsi %gather3A_505, %shift_right_arithmetic3A_686 : vector<16xi32>
        %sub3A_688 = arith.constant 64 : i32
        %sub3A_689 = vector.broadcast %sub3A_688 : i32 to vector<16xi32>
        %sub3A_690 = arith.subi %shift_right_arithmetic3A_687, %sub3A_689 : vector<16xi32>
        %add3A_691 = arith.addi %shift_right_arithmetic3A_143, %sub3A_690 : vector<16xi32>
        %lt3A_692 = arith.constant 96 : i32
        %lt3A_693 = vector.broadcast %lt3A_692 : i32 to vector<16xi32>
        %lt3A_694 = arith.cmpi ult, %add3A_684, %lt3A_693 : vector<16xi32>
        %lt3A_695 = arith.constant 64 : i32
        %lt3A_696 = vector.broadcast %lt3A_695 : i32 to vector<16xi32>
        %lt3A_697 = arith.cmpi ult, %add3A_691, %lt3A_696 : vector<16xi32>
        %and3A_698 = arith.andi %lt3A_694, %lt3A_697 : vector<16xi1>
        %mul3A_699 = arith.constant 96 : i32
        %mul3A_700 = vector.broadcast %mul3A_699 : i32 to vector<16xi32>
        %mul3A_701 = arith.muli %add3A_691, %mul3A_700 : vector<16xi32>
        %add3A_702 = arith.addi %mul3A_701, %add3A_684 : vector<16xi32>
        %jit3A_703 = arith.constant 6144 : i32
        %broadcast_in_dim3A_704 = vector.broadcast %jit3A_703 : i32 to vector<16xi32>
        %select_n3A_705 = arith.select %and3A_698, %add3A_702, %broadcast_in_dim3A_704 : vector<16xi1>, vector<16xi32>
        %gather3A_706 = tpu.vector_load_idx %arg7[%select_n3A_705] : memref<6160xf32, #tpu.memory_space<vmem>>[vector<16xi32>], vector<16xf32>,
        %gt3A_707 = arith.constant 1.000000e-03 : f32
        %gt3A_708 = vector.broadcast %gt3A_707 : f32 to vector<16xf32>
        %gt3A_709 = arith.cmpf ogt, %gather3A_706, %gt3A_708 : vector<16xf32>
        %and3A_710 = arith.constant 511 : i32
        %and3A_711 = vector.broadcast %and3A_710 : i32 to vector<16xi32>
        %and3A_712 = arith.andi %gather3A_509, %and3A_711 : vector<16xi32>
        %sub3A_713 = arith.constant 96 : i32
        %sub3A_714 = vector.broadcast %sub3A_713 : i32 to vector<16xi32>
        %sub3A_715 = arith.subi %and3A_712, %sub3A_714 : vector<16xi32>
        %add3A_716 = arith.addi %sub3A_147, %sub3A_715 : vector<16xi32>
        %shift_right_arithmetic3A_717 = arith.constant 9 : i32
        %shift_right_arithmetic3A_718 = vector.broadcast %shift_right_arithmetic3A_717 : i32 to vector<16xi32>
        %shift_right_arithmetic3A_719 = arith.shrsi %gather3A_509, %shift_right_arithmetic3A_718 : vector<16xi32>
        %sub3A_720 = arith.constant 64 : i32
        %sub3A_721 = vector.broadcast %sub3A_720 : i32 to vector<16xi32>
        %sub3A_722 = arith.subi %shift_right_arithmetic3A_719, %sub3A_721 : vector<16xi32>
        %add3A_723 = arith.addi %shift_right_arithmetic3A_143, %sub3A_722 : vector<16xi32>
        %lt3A_724 = arith.constant 96 : i32
        %lt3A_725 = vector.broadcast %lt3A_724 : i32 to vector<16xi32>
        %lt3A_726 = arith.cmpi ult, %add3A_716, %lt3A_725 : vector<16xi32>
        %lt3A_727 = arith.constant 64 : i32
        %lt3A_728 = vector.broadcast %lt3A_727 : i32 to vector<16xi32>
        %lt3A_729 = arith.cmpi ult, %add3A_723, %lt3A_728 : vector<16xi32>
        %and3A_730 = arith.andi %lt3A_726, %lt3A_729 : vector<16xi1>
        %mul3A_731 = arith.constant 96 : i32
        %mul3A_732 = vector.broadcast %mul3A_731 : i32 to vector<16xi32>
        %mul3A_733 = arith.muli %add3A_723, %mul3A_732 : vector<16xi32>
        %add3A_734 = arith.addi %mul3A_733, %add3A_716 : vector<16xi32>
        %jit3A_735 = arith.constant 6144 : i32
        %broadcast_in_dim3A_736 = vector.broadcast %jit3A_735 : i32 to vector<16xi32>
        %select_n3A_737 = arith.select %and3A_730, %add3A_734, %broadcast_in_dim3A_736 : vector<16xi1>, vector<16xi32>
        %gather3A_738 = tpu.vector_load_idx %arg7[%select_n3A_737] : memref<6160xf32, #tpu.memory_space<vmem>>[vector<16xi32>], vector<16xf32>,
        %gt3A_739 = arith.constant 1.000000e-03 : f32
        %gt3A_740 = vector.broadcast %gt3A_739 : f32 to vector<16xf32>
        %gt3A_741 = arith.cmpf ogt, %gather3A_738, %gt3A_740 : vector<16xf32>
        %and3A_742 = arith.constant 511 : i32
        %and3A_743 = vector.broadcast %and3A_742 : i32 to vector<16xi32>
        %and3A_744 = arith.andi %gather3A_513, %and3A_743 : vector<16xi32>
        %sub3A_745 = arith.constant 96 : i32
        %sub3A_746 = vector.broadcast %sub3A_745 : i32 to vector<16xi32>
        %sub3A_747 = arith.subi %and3A_744, %sub3A_746 : vector<16xi32>
        %add3A_748 = arith.addi %sub3A_147, %sub3A_747 : vector<16xi32>
        %shift_right_arithmetic3A_749 = arith.constant 9 : i32
        %shift_right_arithmetic3A_750 = vector.broadcast %shift_right_arithmetic3A_749 : i32 to vector<16xi32>
        %shift_right_arithmetic3A_751 = arith.shrsi %gather3A_513, %shift_right_arithmetic3A_750 : vector<16xi32>
        %sub3A_752 = arith.constant 64 : i32
        %sub3A_753 = vector.broadcast %sub3A_752 : i32 to vector<16xi32>
        %sub3A_754 = arith.subi %shift_right_arithmetic3A_751, %sub3A_753 : vector<16xi32>
        %add3A_755 = arith.addi %shift_right_arithmetic3A_143, %sub3A_754 : vector<16xi32>
        %lt3A_756 = arith.constant 96 : i32
        %lt3A_757 = vector.broadcast %lt3A_756 : i32 to vector<16xi32>
        %lt3A_758 = arith.cmpi ult, %add3A_748, %lt3A_757 : vector<16xi32>
        %lt3A_759 = arith.constant 64 : i32
        %lt3A_760 = vector.broadcast %lt3A_759 : i32 to vector<16xi32>
        %lt3A_761 = arith.cmpi ult, %add3A_755, %lt3A_760 : vector<16xi32>
        %and3A_762 = arith.andi %lt3A_758, %lt3A_761 : vector<16xi1>
        %mul3A_763 = arith.constant 96 : i32
        %mul3A_764 = vector.broadcast %mul3A_763 : i32 to vector<16xi32>
        %mul3A_765 = arith.muli %add3A_755, %mul3A_764 : vector<16xi32>
        %add3A_766 = arith.addi %mul3A_765, %add3A_748 : vector<16xi32>
        %jit3A_767 = arith.constant 6144 : i32
        %broadcast_in_dim3A_768 = vector.broadcast %jit3A_767 : i32 to vector<16xi32>
        %select_n3A_769 = arith.select %and3A_762, %add3A_766, %broadcast_in_dim3A_768 : vector<16xi1>, vector<16xi32>
        %gather3A_770 = tpu.vector_load_idx %arg7[%select_n3A_769] : memref<6160xf32, #tpu.memory_space<vmem>>[vector<16xi32>], vector<16xf32>,
        %gt3A_771 = arith.constant 1.000000e-03 : f32
        %gt3A_772 = vector.broadcast %gt3A_771 : f32 to vector<16xf32>
        %gt3A_773 = arith.cmpf ogt, %gather3A_770, %gt3A_772 : vector<16xf32>
        %and3A_774 = arith.constant 511 : i32
        %and3A_775 = vector.broadcast %and3A_774 : i32 to vector<16xi32>
        %and3A_776 = arith.andi %gather3A_517, %and3A_775 : vector<16xi32>
        %sub3A_777 = arith.constant 96 : i32
        %sub3A_778 = vector.broadcast %sub3A_777 : i32 to vector<16xi32>
        %sub3A_779 = arith.subi %and3A_776, %sub3A_778 : vector<16xi32>
        %add3A_780 = arith.addi %sub3A_147, %sub3A_779 : vector<16xi32>
        %shift_right_arithmetic3A_781 = arith.constant 9 : i32
        %shift_right_arithmetic3A_782 = vector.broadcast %shift_right_arithmetic3A_781 : i32 to vector<16xi32>
        %shift_right_arithmetic3A_783 = arith.shrsi %gather3A_517, %shift_right_arithmetic3A_782 : vector<16xi32>
        %sub3A_784 = arith.constant 64 : i32
        %sub3A_785 = vector.broadcast %sub3A_784 : i32 to vector<16xi32>
        %sub3A_786 = arith.subi %shift_right_arithmetic3A_783, %sub3A_785 : vector<16xi32>
        %add3A_787 = arith.addi %shift_right_arithmetic3A_143, %sub3A_786 : vector<16xi32>
        %lt3A_788 = arith.constant 96 : i32
        %lt3A_789 = vector.broadcast %lt3A_788 : i32 to vector<16xi32>
        %lt3A_790 = arith.cmpi ult, %add3A_780, %lt3A_789 : vector<16xi32>
        %lt3A_791 = arith.constant 64 : i32
        %lt3A_792 = vector.broadcast %lt3A_791 : i32 to vector<16xi32>
        %lt3A_793 = arith.cmpi ult, %add3A_787, %lt3A_792 : vector<16xi32>
        %and3A_794 = arith.andi %lt3A_790, %lt3A_793 : vector<16xi1>
        %mul3A_795 = arith.constant 96 : i32
        %mul3A_796 = vector.broadcast %mul3A_795 : i32 to vector<16xi32>
        %mul3A_797 = arith.muli %add3A_787, %mul3A_796 : vector<16xi32>
        %add3A_798 = arith.addi %mul3A_797, %add3A_780 : vector<16xi32>
        %jit3A_799 = arith.constant 6144 : i32
        %broadcast_in_dim3A_800 = vector.broadcast %jit3A_799 : i32 to vector<16xi32>
        %select_n3A_801 = arith.select %and3A_794, %add3A_798, %broadcast_in_dim3A_800 : vector<16xi1>, vector<16xi32>
        %gather3A_802 = tpu.vector_load_idx %arg7[%select_n3A_801] : memref<6160xf32, #tpu.memory_space<vmem>>[vector<16xi32>], vector<16xf32>,
        %gt3A_803 = arith.constant 1.000000e-03 : f32
        %gt3A_804 = vector.broadcast %gt3A_803 : f32 to vector<16xf32>
        %gt3A_805 = arith.cmpf ogt, %gather3A_802, %gt3A_804 : vector<16xf32>
        %and3A_806 = arith.constant 511 : i32
        %and3A_807 = vector.broadcast %and3A_806 : i32 to vector<16xi32>
        %and3A_808 = arith.andi %gather3A_521, %and3A_807 : vector<16xi32>
        %sub3A_809 = arith.constant 96 : i32
        %sub3A_810 = vector.broadcast %sub3A_809 : i32 to vector<16xi32>
        %sub3A_811 = arith.subi %and3A_808, %sub3A_810 : vector<16xi32>
        %add3A_812 = arith.addi %sub3A_147, %sub3A_811 : vector<16xi32>
        %shift_right_arithmetic3A_813 = arith.constant 9 : i32
        %shift_right_arithmetic3A_814 = vector.broadcast %shift_right_arithmetic3A_813 : i32 to vector<16xi32>
        %shift_right_arithmetic3A_815 = arith.shrsi %gather3A_521, %shift_right_arithmetic3A_814 : vector<16xi32>
        %sub3A_816 = arith.constant 64 : i32
        %sub3A_817 = vector.broadcast %sub3A_816 : i32 to vector<16xi32>
        %sub3A_818 = arith.subi %shift_right_arithmetic3A_815, %sub3A_817 : vector<16xi32>
        %add3A_819 = arith.addi %shift_right_arithmetic3A_143, %sub3A_818 : vector<16xi32>
        %lt3A_820 = arith.constant 96 : i32
        %lt3A_821 = vector.broadcast %lt3A_820 : i32 to vector<16xi32>
        %lt3A_822 = arith.cmpi ult, %add3A_812, %lt3A_821 : vector<16xi32>
        %lt3A_823 = arith.constant 64 : i32
        %lt3A_824 = vector.broadcast %lt3A_823 : i32 to vector<16xi32>
        %lt3A_825 = arith.cmpi ult, %add3A_819, %lt3A_824 : vector<16xi32>
        %and3A_826 = arith.andi %lt3A_822, %lt3A_825 : vector<16xi1>
        %mul3A_827 = arith.constant 96 : i32
        %mul3A_828 = vector.broadcast %mul3A_827 : i32 to vector<16xi32>
        %mul3A_829 = arith.muli %add3A_819, %mul3A_828 : vector<16xi32>
        %add3A_830 = arith.addi %mul3A_829, %add3A_812 : vector<16xi32>
        %jit3A_831 = arith.constant 6144 : i32
        %broadcast_in_dim3A_832 = vector.broadcast %jit3A_831 : i32 to vector<16xi32>
        %select_n3A_833 = arith.select %and3A_826, %add3A_830, %broadcast_in_dim3A_832 : vector<16xi1>, vector<16xi32>
        %gather3A_834 = tpu.vector_load_idx %arg7[%select_n3A_833] : memref<6160xf32, #tpu.memory_space<vmem>>[vector<16xi32>], vector<16xf32>,
        %gt3A_835 = arith.constant 1.000000e-03 : f32
        %gt3A_836 = vector.broadcast %gt3A_835 : f32 to vector<16xf32>
        %gt3A_837 = arith.cmpf ogt, %gather3A_834, %gt3A_836 : vector<16xf32>
        %and3A_838 = arith.constant 511 : i32
        %and3A_839 = vector.broadcast %and3A_838 : i32 to vector<16xi32>
        %and3A_840 = arith.andi %gather3A_525, %and3A_839 : vector<16xi32>
        %sub3A_841 = arith.constant 96 : i32
        %sub3A_842 = vector.broadcast %sub3A_841 : i32 to vector<16xi32>
        %sub3A_843 = arith.subi %and3A_840, %sub3A_842 : vector<16xi32>
        %add3A_844 = arith.addi %sub3A_147, %sub3A_843 : vector<16xi32>
        %shift_right_arithmetic3A_845 = arith.constant 9 : i32
        %shift_right_arithmetic3A_846 = vector.broadcast %shift_right_arithmetic3A_845 : i32 to vector<16xi32>
        %shift_right_arithmetic3A_847 = arith.shrsi %gather3A_525, %shift_right_arithmetic3A_846 : vector<16xi32>
        %sub3A_848 = arith.constant 64 : i32
        %sub3A_849 = vector.broadcast %sub3A_848 : i32 to vector<16xi32>
        %sub3A_850 = arith.subi %shift_right_arithmetic3A_847, %sub3A_849 : vector<16xi32>
        %add3A_851 = arith.addi %shift_right_arithmetic3A_143, %sub3A_850 : vector<16xi32>
        %lt3A_852 = arith.constant 96 : i32
        %lt3A_853 = vector.broadcast %lt3A_852 : i32 to vector<16xi32>
        %lt3A_854 = arith.cmpi ult, %add3A_844, %lt3A_853 : vector<16xi32>
        %lt3A_855 = arith.constant 64 : i32
        %lt3A_856 = vector.broadcast %lt3A_855 : i32 to vector<16xi32>
        %lt3A_857 = arith.cmpi ult, %add3A_851, %lt3A_856 : vector<16xi32>
        %and3A_858 = arith.andi %lt3A_854, %lt3A_857 : vector<16xi1>
        %mul3A_859 = arith.constant 96 : i32
        %mul3A_860 = vector.broadcast %mul3A_859 : i32 to vector<16xi32>
        %mul3A_861 = arith.muli %add3A_851, %mul3A_860 : vector<16xi32>
        %add3A_862 = arith.addi %mul3A_861, %add3A_844 : vector<16xi32>
        %jit3A_863 = arith.constant 6144 : i32
        %broadcast_in_dim3A_864 = vector.broadcast %jit3A_863 : i32 to vector<16xi32>
        %select_n3A_865 = arith.select %and3A_858, %add3A_862, %broadcast_in_dim3A_864 : vector<16xi1>, vector<16xi32>
        %gather3A_866 = tpu.vector_load_idx %arg7[%select_n3A_865] : memref<6160xf32, #tpu.memory_space<vmem>>[vector<16xi32>], vector<16xf32>,
        %gt3A_867 = arith.constant 1.000000e-03 : f32
        %gt3A_868 = vector.broadcast %gt3A_867 : f32 to vector<16xf32>
        %gt3A_869 = arith.cmpf ogt, %gather3A_866, %gt3A_868 : vector<16xf32>
        %and3A_870 = arith.constant 511 : i32
        %and3A_871 = vector.broadcast %and3A_870 : i32 to vector<16xi32>
        %and3A_872 = arith.andi %gather3A_529, %and3A_871 : vector<16xi32>
        %sub3A_873 = arith.constant 96 : i32
        %sub3A_874 = vector.broadcast %sub3A_873 : i32 to vector<16xi32>
        %sub3A_875 = arith.subi %and3A_872, %sub3A_874 : vector<16xi32>
        %add3A_876 = arith.addi %sub3A_147, %sub3A_875 : vector<16xi32>
        %shift_right_arithmetic3A_877 = arith.constant 9 : i32
        %shift_right_arithmetic3A_878 = vector.broadcast %shift_right_arithmetic3A_877 : i32 to vector<16xi32>
        %shift_right_arithmetic3A_879 = arith.shrsi %gather3A_529, %shift_right_arithmetic3A_878 : vector<16xi32>
        %sub3A_880 = arith.constant 64 : i32
        %sub3A_881 = vector.broadcast %sub3A_880 : i32 to vector<16xi32>
        %sub3A_882 = arith.subi %shift_right_arithmetic3A_879, %sub3A_881 : vector<16xi32>
        %add3A_883 = arith.addi %shift_right_arithmetic3A_143, %sub3A_882 : vector<16xi32>
        %lt3A_884 = arith.constant 96 : i32
        %lt3A_885 = vector.broadcast %lt3A_884 : i32 to vector<16xi32>
        %lt3A_886 = arith.cmpi ult, %add3A_876, %lt3A_885 : vector<16xi32>
        %lt3A_887 = arith.constant 64 : i32
        %lt3A_888 = vector.broadcast %lt3A_887 : i32 to vector<16xi32>
        %lt3A_889 = arith.cmpi ult, %add3A_883, %lt3A_888 : vector<16xi32>
        %and3A_890 = arith.andi %lt3A_886, %lt3A_889 : vector<16xi1>
        %mul3A_891 = arith.constant 96 : i32
        %mul3A_892 = vector.broadcast %mul3A_891 : i32 to vector<16xi32>
        %mul3A_893 = arith.muli %add3A_883, %mul3A_892 : vector<16xi32>
        %add3A_894 = arith.addi %mul3A_893, %add3A_876 : vector<16xi32>
        %jit3A_895 = arith.constant 6144 : i32
        %broadcast_in_dim3A_896 = vector.broadcast %jit3A_895 : i32 to vector<16xi32>
        %select_n3A_897 = arith.select %and3A_890, %add3A_894, %broadcast_in_dim3A_896 : vector<16xi1>, vector<16xi32>
        %gather3A_898 = tpu.vector_load_idx %arg7[%select_n3A_897] : memref<6160xf32, #tpu.memory_space<vmem>>[vector<16xi32>], vector<16xf32>,
        %gt3A_899 = arith.constant 1.000000e-03 : f32
        %gt3A_900 = vector.broadcast %gt3A_899 : f32 to vector<16xf32>
        %gt3A_901 = arith.cmpf ogt, %gather3A_898, %gt3A_900 : vector<16xf32>
        %and3A_902 = arith.constant 511 : i32
        %and3A_903 = vector.broadcast %and3A_902 : i32 to vector<16xi32>
        %and3A_904 = arith.andi %gather3A_533, %and3A_903 : vector<16xi32>
        %sub3A_905 = arith.constant 96 : i32
        %sub3A_906 = vector.broadcast %sub3A_905 : i32 to vector<16xi32>
        %sub3A_907 = arith.subi %and3A_904, %sub3A_906 : vector<16xi32>
        %add3A_908 = arith.addi %sub3A_147, %sub3A_907 : vector<16xi32>
        %shift_right_arithmetic3A_909 = arith.constant 9 : i32
        %shift_right_arithmetic3A_910 = vector.broadcast %shift_right_arithmetic3A_909 : i32 to vector<16xi32>
        %shift_right_arithmetic3A_911 = arith.shrsi %gather3A_533, %shift_right_arithmetic3A_910 : vector<16xi32>
        %sub3A_912 = arith.constant 64 : i32
        %sub3A_913 = vector.broadcast %sub3A_912 : i32 to vector<16xi32>
        %sub3A_914 = arith.subi %shift_right_arithmetic3A_911, %sub3A_913 : vector<16xi32>
        %add3A_915 = arith.addi %shift_right_arithmetic3A_143, %sub3A_914 : vector<16xi32>
        %lt3A_916 = arith.constant 96 : i32
        %lt3A_917 = vector.broadcast %lt3A_916 : i32 to vector<16xi32>
        %lt3A_918 = arith.cmpi ult, %add3A_908, %lt3A_917 : vector<16xi32>
        %lt3A_919 = arith.constant 64 : i32
        %lt3A_920 = vector.broadcast %lt3A_919 : i32 to vector<16xi32>
        %lt3A_921 = arith.cmpi ult, %add3A_915, %lt3A_920 : vector<16xi32>
        %and3A_922 = arith.andi %lt3A_918, %lt3A_921 : vector<16xi1>
        %mul3A_923 = arith.constant 96 : i32
        %mul3A_924 = vector.broadcast %mul3A_923 : i32 to vector<16xi32>
        %mul3A_925 = arith.muli %add3A_915, %mul3A_924 : vector<16xi32>
        %add3A_926 = arith.addi %mul3A_925, %add3A_908 : vector<16xi32>
        %jit3A_927 = arith.constant 6144 : i32
        %broadcast_in_dim3A_928 = vector.broadcast %jit3A_927 : i32 to vector<16xi32>
        %select_n3A_929 = arith.select %and3A_922, %add3A_926, %broadcast_in_dim3A_928 : vector<16xi1>, vector<16xi32>
        %gather3A_930 = tpu.vector_load_idx %arg7[%select_n3A_929] : memref<6160xf32, #tpu.memory_space<vmem>>[vector<16xi32>], vector<16xf32>,
        %gt3A_931 = arith.constant 1.000000e-03 : f32
        %gt3A_932 = vector.broadcast %gt3A_931 : f32 to vector<16xf32>
        %gt3A_933 = arith.cmpf ogt, %gather3A_930, %gt3A_932 : vector<16xf32>
        %and3A_934 = arith.constant 511 : i32
        %and3A_935 = vector.broadcast %and3A_934 : i32 to vector<16xi32>
        %and3A_936 = arith.andi %gather3A_537, %and3A_935 : vector<16xi32>
        %sub3A_937 = arith.constant 96 : i32
        %sub3A_938 = vector.broadcast %sub3A_937 : i32 to vector<16xi32>
        %sub3A_939 = arith.subi %and3A_936, %sub3A_938 : vector<16xi32>
        %add3A_940 = arith.addi %sub3A_147, %sub3A_939 : vector<16xi32>
        %shift_right_arithmetic3A_941 = arith.constant 9 : i32
        %shift_right_arithmetic3A_942 = vector.broadcast %shift_right_arithmetic3A_941 : i32 to vector<16xi32>
        %shift_right_arithmetic3A_943 = arith.shrsi %gather3A_537, %shift_right_arithmetic3A_942 : vector<16xi32>
        %sub3A_944 = arith.constant 64 : i32
        %sub3A_945 = vector.broadcast %sub3A_944 : i32 to vector<16xi32>
        %sub3A_946 = arith.subi %shift_right_arithmetic3A_943, %sub3A_945 : vector<16xi32>
        %add3A_947 = arith.addi %shift_right_arithmetic3A_143, %sub3A_946 : vector<16xi32>
        %lt3A_948 = arith.constant 96 : i32
        %lt3A_949 = vector.broadcast %lt3A_948 : i32 to vector<16xi32>
        %lt3A_950 = arith.cmpi ult, %add3A_940, %lt3A_949 : vector<16xi32>
        %lt3A_951 = arith.constant 64 : i32
        %lt3A_952 = vector.broadcast %lt3A_951 : i32 to vector<16xi32>
        %lt3A_953 = arith.cmpi ult, %add3A_947, %lt3A_952 : vector<16xi32>
        %and3A_954 = arith.andi %lt3A_950, %lt3A_953 : vector<16xi1>
        %mul3A_955 = arith.constant 96 : i32
        %mul3A_956 = vector.broadcast %mul3A_955 : i32 to vector<16xi32>
        %mul3A_957 = arith.muli %add3A_947, %mul3A_956 : vector<16xi32>
        %add3A_958 = arith.addi %mul3A_957, %add3A_940 : vector<16xi32>
        %jit3A_959 = arith.constant 6144 : i32
        %broadcast_in_dim3A_960 = vector.broadcast %jit3A_959 : i32 to vector<16xi32>
        %select_n3A_961 = arith.select %and3A_954, %add3A_958, %broadcast_in_dim3A_960 : vector<16xi1>, vector<16xi32>
        %gather3A_962 = tpu.vector_load_idx %arg7[%select_n3A_961] : memref<6160xf32, #tpu.memory_space<vmem>>[vector<16xi32>], vector<16xf32>,
        %gt3A_963 = arith.constant 1.000000e-03 : f32
        %gt3A_964 = vector.broadcast %gt3A_963 : f32 to vector<16xf32>
        %gt3A_965 = arith.cmpf ogt, %gather3A_962, %gt3A_964 : vector<16xf32>
        %and3A_966 = arith.constant 511 : i32
        %and3A_967 = vector.broadcast %and3A_966 : i32 to vector<16xi32>
        %and3A_968 = arith.andi %gather3A_541, %and3A_967 : vector<16xi32>
        %sub3A_969 = arith.constant 96 : i32
        %sub3A_970 = vector.broadcast %sub3A_969 : i32 to vector<16xi32>
        %sub3A_971 = arith.subi %and3A_968, %sub3A_970 : vector<16xi32>
        %add3A_972 = arith.addi %sub3A_147, %sub3A_971 : vector<16xi32>
        %shift_right_arithmetic3A_973 = arith.constant 9 : i32
        %shift_right_arithmetic3A_974 = vector.broadcast %shift_right_arithmetic3A_973 : i32 to vector<16xi32>
        %shift_right_arithmetic3A_975 = arith.shrsi %gather3A_541, %shift_right_arithmetic3A_974 : vector<16xi32>
        %sub3A_976 = arith.constant 64 : i32
        %sub3A_977 = vector.broadcast %sub3A_976 : i32 to vector<16xi32>
        %sub3A_978 = arith.subi %shift_right_arithmetic3A_975, %sub3A_977 : vector<16xi32>
        %add3A_979 = arith.addi %shift_right_arithmetic3A_143, %sub3A_978 : vector<16xi32>
        %lt3A_980 = arith.constant 96 : i32
        %lt3A_981 = vector.broadcast %lt3A_980 : i32 to vector<16xi32>
        %lt3A_982 = arith.cmpi ult, %add3A_972, %lt3A_981 : vector<16xi32>
        %lt3A_983 = arith.constant 64 : i32
        %lt3A_984 = vector.broadcast %lt3A_983 : i32 to vector<16xi32>
        %lt3A_985 = arith.cmpi ult, %add3A_979, %lt3A_984 : vector<16xi32>
        %and3A_986 = arith.andi %lt3A_982, %lt3A_985 : vector<16xi1>
        %mul3A_987 = arith.constant 96 : i32
        %mul3A_988 = vector.broadcast %mul3A_987 : i32 to vector<16xi32>
        %mul3A_989 = arith.muli %add3A_979, %mul3A_988 : vector<16xi32>
        %add3A_990 = arith.addi %mul3A_989, %add3A_972 : vector<16xi32>
        %jit3A_991 = arith.constant 6144 : i32
        %broadcast_in_dim3A_992 = vector.broadcast %jit3A_991 : i32 to vector<16xi32>
        %select_n3A_993 = arith.select %and3A_986, %add3A_990, %broadcast_in_dim3A_992 : vector<16xi1>, vector<16xi32>
        %gather3A_994 = tpu.vector_load_idx %arg7[%select_n3A_993] : memref<6160xf32, #tpu.memory_space<vmem>>[vector<16xi32>], vector<16xf32>,
        %gt3A_995 = arith.constant 1.000000e-03 : f32
        %gt3A_996 = vector.broadcast %gt3A_995 : f32 to vector<16xf32>
        %gt3A_997 = arith.cmpf ogt, %gather3A_994, %gt3A_996 : vector<16xf32>
        %and3A_998 = arith.constant 511 : i32
        %and3A_999 = vector.broadcast %and3A_998 : i32 to vector<16xi32>
        %and3A_1000 = arith.andi %gather3A_545, %and3A_999 : vector<16xi32>
        %sub3A_1001 = arith.constant 96 : i32
        %sub3A_1002 = vector.broadcast %sub3A_1001 : i32 to vector<16xi32>
        %sub3A_1003 = arith.subi %and3A_1000, %sub3A_1002 : vector<16xi32>
        %add3A_1004 = arith.addi %sub3A_147, %sub3A_1003 : vector<16xi32>
        %shift_right_arithmetic3A_1005 = arith.constant 9 : i32
        %shift_right_arithmetic3A_1006 = vector.broadcast %shift_right_arithmetic3A_1005 : i32 to vector<16xi32>
        %shift_right_arithmetic3A_1007 = arith.shrsi %gather3A_545, %shift_right_arithmetic3A_1006 : vector<16xi32>
        %sub3A_1008 = arith.constant 64 : i32
        %sub3A_1009 = vector.broadcast %sub3A_1008 : i32 to vector<16xi32>
        %sub3A_1010 = arith.subi %shift_right_arithmetic3A_1007, %sub3A_1009 : vector<16xi32>
        %add3A_1011 = arith.addi %shift_right_arithmetic3A_143, %sub3A_1010 : vector<16xi32>
        %lt3A_1012 = arith.constant 96 : i32
        %lt3A_1013 = vector.broadcast %lt3A_1012 : i32 to vector<16xi32>
        %lt3A_1014 = arith.cmpi ult, %add3A_1004, %lt3A_1013 : vector<16xi32>
        %lt3A_1015 = arith.constant 64 : i32
        %lt3A_1016 = vector.broadcast %lt3A_1015 : i32 to vector<16xi32>
        %lt3A_1017 = arith.cmpi ult, %add3A_1011, %lt3A_1016 : vector<16xi32>
        %and3A_1018 = arith.andi %lt3A_1014, %lt3A_1017 : vector<16xi1>
        %mul3A_1019 = arith.constant 96 : i32
        %mul3A_1020 = vector.broadcast %mul3A_1019 : i32 to vector<16xi32>
        %mul3A_1021 = arith.muli %add3A_1011, %mul3A_1020 : vector<16xi32>
        %add3A_1022 = arith.addi %mul3A_1021, %add3A_1004 : vector<16xi32>
        %jit3A_1023 = arith.constant 6144 : i32
        %broadcast_in_dim3A_1024 = vector.broadcast %jit3A_1023 : i32 to vector<16xi32>
        %select_n3A_1025 = arith.select %and3A_1018, %add3A_1022, %broadcast_in_dim3A_1024 : vector<16xi1>, vector<16xi32>
        %gather3A_1026 = tpu.vector_load_idx %arg7[%select_n3A_1025] : memref<6160xf32, #tpu.memory_space<vmem>>[vector<16xi32>], vector<16xf32>,
        %gt3A_1027 = arith.constant 1.000000e-03 : f32
        %gt3A_1028 = vector.broadcast %gt3A_1027 : f32 to vector<16xf32>
        %gt3A_1029 = arith.cmpf ogt, %gather3A_1026, %gt3A_1028 : vector<16xf32>
        %and3A_1030 = arith.constant 511 : i32
        %and3A_1031 = vector.broadcast %and3A_1030 : i32 to vector<16xi32>
        %and3A_1032 = arith.andi %gather3A_549, %and3A_1031 : vector<16xi32>
        %sub3A_1033 = arith.constant 96 : i32
        %sub3A_1034 = vector.broadcast %sub3A_1033 : i32 to vector<16xi32>
        %sub3A_1035 = arith.subi %and3A_1032, %sub3A_1034 : vector<16xi32>
        %add3A_1036 = arith.addi %sub3A_147, %sub3A_1035 : vector<16xi32>
        %shift_right_arithmetic3A_1037 = arith.constant 9 : i32
        %shift_right_arithmetic3A_1038 = vector.broadcast %shift_right_arithmetic3A_1037 : i32 to vector<16xi32>
        %shift_right_arithmetic3A_1039 = arith.shrsi %gather3A_549, %shift_right_arithmetic3A_1038 : vector<16xi32>
        %sub3A_1040 = arith.constant 64 : i32
        %sub3A_1041 = vector.broadcast %sub3A_1040 : i32 to vector<16xi32>
        %sub3A_1042 = arith.subi %shift_right_arithmetic3A_1039, %sub3A_1041 : vector<16xi32>
        %add3A_1043 = arith.addi %shift_right_arithmetic3A_143, %sub3A_1042 : vector<16xi32>
        %lt3A_1044 = arith.constant 96 : i32
        %lt3A_1045 = vector.broadcast %lt3A_1044 : i32 to vector<16xi32>
        %lt3A_1046 = arith.cmpi ult, %add3A_1036, %lt3A_1045 : vector<16xi32>
        %lt3A_1047 = arith.constant 64 : i32
        %lt3A_1048 = vector.broadcast %lt3A_1047 : i32 to vector<16xi32>
        %lt3A_1049 = arith.cmpi ult, %add3A_1043, %lt3A_1048 : vector<16xi32>
        %and3A_1050 = arith.andi %lt3A_1046, %lt3A_1049 : vector<16xi1>
        %mul3A_1051 = arith.constant 96 : i32
        %mul3A_1052 = vector.broadcast %mul3A_1051 : i32 to vector<16xi32>
        %mul3A_1053 = arith.muli %add3A_1043, %mul3A_1052 : vector<16xi32>
        %add3A_1054 = arith.addi %mul3A_1053, %add3A_1036 : vector<16xi32>
        %jit3A_1055 = arith.constant 6144 : i32
        %broadcast_in_dim3A_1056 = vector.broadcast %jit3A_1055 : i32 to vector<16xi32>
        %select_n3A_1057 = arith.select %and3A_1050, %add3A_1054, %broadcast_in_dim3A_1056 : vector<16xi1>, vector<16xi32>
        %gather3A_1058 = tpu.vector_load_idx %arg7[%select_n3A_1057] : memref<6160xf32, #tpu.memory_space<vmem>>[vector<16xi32>], vector<16xf32>,
        %gt3A_1059 = arith.constant 1.000000e-03 : f32
        %gt3A_1060 = vector.broadcast %gt3A_1059 : f32 to vector<16xf32>
        %gt3A_1061 = arith.cmpf ogt, %gather3A_1058, %gt3A_1060 : vector<16xf32>
        tpu.vector_store_idx %arg8[%while3A_483, %add3A_136], %add3A_574 masked %gt3A_581 : memref<9x768xi32, #tpu.memory_space<vmem>>[vector<16xi32>, vector<16xi32>], vector<16xi32>, vector<16xi1>
        %jit3A_1062 = arith.constant 1 : i32
        %jit3A_1063 = arith.constant 0 : i32
        %broadcast_in_dim3A_1064 = vector.broadcast %jit3A_1062 : i32 to vector<16xi32>
        %broadcast_in_dim3A_1065 = vector.broadcast %jit3A_1063 : i32 to vector<16xi32>
        %select_n3A_1066 = arith.select %gt3A_581, %broadcast_in_dim3A_1064, %broadcast_in_dim3A_1065 : vector<16xi1>, vector<16xi32>
        %add3A_1067 = arith.addi %while3A_483, %select_n3A_1066 : vector<16xi32>
        %min3A = arith.constant 8 : i32
        %min3A_1068 = vector.broadcast %min3A : i32 to vector<16xi32>
        %min3A_1069 = arith.minsi %add3A_1067, %min3A_1068 : vector<16xi32>
        tpu.vector_store_idx %arg8[%min3A_1069, %add3A_136], %add3A_606 masked %gt3A_613 : memref<9x768xi32, #tpu.memory_space<vmem>>[vector<16xi32>, vector<16xi32>], vector<16xi32>, vector<16xi1>
        %jit3A_1070 = arith.constant 1 : i32
        %jit3A_1071 = arith.constant 0 : i32
        %broadcast_in_dim3A_1072 = vector.broadcast %jit3A_1070 : i32 to vector<16xi32>
        %broadcast_in_dim3A_1073 = vector.broadcast %jit3A_1071 : i32 to vector<16xi32>
        %select_n3A_1074 = arith.select %gt3A_613, %broadcast_in_dim3A_1072, %broadcast_in_dim3A_1073 : vector<16xi1>, vector<16xi32>
        %add3A_1075 = arith.addi %min3A_1069, %select_n3A_1074 : vector<16xi32>
        %min3A_1076 = arith.constant 8 : i32
        %min3A_1077 = vector.broadcast %min3A_1076 : i32 to vector<16xi32>
        %min3A_1078 = arith.minsi %add3A_1075, %min3A_1077 : vector<16xi32>
        tpu.vector_store_idx %arg8[%min3A_1078, %add3A_136], %add3A_638 masked %gt3A_645 : memref<9x768xi32, #tpu.memory_space<vmem>>[vector<16xi32>, vector<16xi32>], vector<16xi32>, vector<16xi1>
        %jit3A_1079 = arith.constant 1 : i32
        %jit3A_1080 = arith.constant 0 : i32
        %broadcast_in_dim3A_1081 = vector.broadcast %jit3A_1079 : i32 to vector<16xi32>
        %broadcast_in_dim3A_1082 = vector.broadcast %jit3A_1080 : i32 to vector<16xi32>
        %select_n3A_1083 = arith.select %gt3A_645, %broadcast_in_dim3A_1081, %broadcast_in_dim3A_1082 : vector<16xi1>, vector<16xi32>
        %add3A_1084 = arith.addi %min3A_1078, %select_n3A_1083 : vector<16xi32>
        %min3A_1085 = arith.constant 8 : i32
        %min3A_1086 = vector.broadcast %min3A_1085 : i32 to vector<16xi32>
        %min3A_1087 = arith.minsi %add3A_1084, %min3A_1086 : vector<16xi32>
        tpu.vector_store_idx %arg8[%min3A_1087, %add3A_136], %add3A_670 masked %gt3A_677 : memref<9x768xi32, #tpu.memory_space<vmem>>[vector<16xi32>, vector<16xi32>], vector<16xi32>, vector<16xi1>
        %jit3A_1088 = arith.constant 1 : i32
        %jit3A_1089 = arith.constant 0 : i32
        %broadcast_in_dim3A_1090 = vector.broadcast %jit3A_1088 : i32 to vector<16xi32>
        %broadcast_in_dim3A_1091 = vector.broadcast %jit3A_1089 : i32 to vector<16xi32>
        %select_n3A_1092 = arith.select %gt3A_677, %broadcast_in_dim3A_1090, %broadcast_in_dim3A_1091 : vector<16xi1>, vector<16xi32>
        %add3A_1093 = arith.addi %min3A_1087, %select_n3A_1092 : vector<16xi32>
        %min3A_1094 = arith.constant 8 : i32
        %min3A_1095 = vector.broadcast %min3A_1094 : i32 to vector<16xi32>
        %min3A_1096 = arith.minsi %add3A_1093, %min3A_1095 : vector<16xi32>
        tpu.vector_store_idx %arg8[%min3A_1096, %add3A_136], %add3A_702 masked %gt3A_709 : memref<9x768xi32, #tpu.memory_space<vmem>>[vector<16xi32>, vector<16xi32>], vector<16xi32>, vector<16xi1>
        %jit3A_1097 = arith.constant 1 : i32
        %jit3A_1098 = arith.constant 0 : i32
        %broadcast_in_dim3A_1099 = vector.broadcast %jit3A_1097 : i32 to vector<16xi32>
        %broadcast_in_dim3A_1100 = vector.broadcast %jit3A_1098 : i32 to vector<16xi32>
        %select_n3A_1101 = arith.select %gt3A_709, %broadcast_in_dim3A_1099, %broadcast_in_dim3A_1100 : vector<16xi1>, vector<16xi32>
        %add3A_1102 = arith.addi %min3A_1096, %select_n3A_1101 : vector<16xi32>
        %min3A_1103 = arith.constant 8 : i32
        %min3A_1104 = vector.broadcast %min3A_1103 : i32 to vector<16xi32>
        %min3A_1105 = arith.minsi %add3A_1102, %min3A_1104 : vector<16xi32>
        tpu.vector_store_idx %arg8[%min3A_1105, %add3A_136], %add3A_734 masked %gt3A_741 : memref<9x768xi32, #tpu.memory_space<vmem>>[vector<16xi32>, vector<16xi32>], vector<16xi32>, vector<16xi1>
        %jit3A_1106 = arith.constant 1 : i32
        %jit3A_1107 = arith.constant 0 : i32
        %broadcast_in_dim3A_1108 = vector.broadcast %jit3A_1106 : i32 to vector<16xi32>
        %broadcast_in_dim3A_1109 = vector.broadcast %jit3A_1107 : i32 to vector<16xi32>
        %select_n3A_1110 = arith.select %gt3A_741, %broadcast_in_dim3A_1108, %broadcast_in_dim3A_1109 : vector<16xi1>, vector<16xi32>
        %add3A_1111 = arith.addi %min3A_1105, %select_n3A_1110 : vector<16xi32>
        %min3A_1112 = arith.constant 8 : i32
        %min3A_1113 = vector.broadcast %min3A_1112 : i32 to vector<16xi32>
        %min3A_1114 = arith.minsi %add3A_1111, %min3A_1113 : vector<16xi32>
        tpu.vector_store_idx %arg8[%min3A_1114, %add3A_136], %add3A_766 masked %gt3A_773 : memref<9x768xi32, #tpu.memory_space<vmem>>[vector<16xi32>, vector<16xi32>], vector<16xi32>, vector<16xi1>
        %jit3A_1115 = arith.constant 1 : i32
        %jit3A_1116 = arith.constant 0 : i32
        %broadcast_in_dim3A_1117 = vector.broadcast %jit3A_1115 : i32 to vector<16xi32>
        %broadcast_in_dim3A_1118 = vector.broadcast %jit3A_1116 : i32 to vector<16xi32>
        %select_n3A_1119 = arith.select %gt3A_773, %broadcast_in_dim3A_1117, %broadcast_in_dim3A_1118 : vector<16xi1>, vector<16xi32>
        %add3A_1120 = arith.addi %min3A_1114, %select_n3A_1119 : vector<16xi32>
        %min3A_1121 = arith.constant 8 : i32
        %min3A_1122 = vector.broadcast %min3A_1121 : i32 to vector<16xi32>
        %min3A_1123 = arith.minsi %add3A_1120, %min3A_1122 : vector<16xi32>
        tpu.vector_store_idx %arg8[%min3A_1123, %add3A_136], %add3A_798 masked %gt3A_805 : memref<9x768xi32, #tpu.memory_space<vmem>>[vector<16xi32>, vector<16xi32>], vector<16xi32>, vector<16xi1>
        %jit3A_1124 = arith.constant 1 : i32
        %jit3A_1125 = arith.constant 0 : i32
        %broadcast_in_dim3A_1126 = vector.broadcast %jit3A_1124 : i32 to vector<16xi32>
        %broadcast_in_dim3A_1127 = vector.broadcast %jit3A_1125 : i32 to vector<16xi32>
        %select_n3A_1128 = arith.select %gt3A_805, %broadcast_in_dim3A_1126, %broadcast_in_dim3A_1127 : vector<16xi1>, vector<16xi32>
        %add3A_1129 = arith.addi %min3A_1123, %select_n3A_1128 : vector<16xi32>
        %min3A_1130 = arith.constant 8 : i32
        %min3A_1131 = vector.broadcast %min3A_1130 : i32 to vector<16xi32>
        %min3A_1132 = arith.minsi %add3A_1129, %min3A_1131 : vector<16xi32>
        tpu.vector_store_idx %arg8[%min3A_1132, %add3A_136], %add3A_830 masked %gt3A_837 : memref<9x768xi32, #tpu.memory_space<vmem>>[vector<16xi32>, vector<16xi32>], vector<16xi32>, vector<16xi1>
        %jit3A_1133 = arith.constant 1 : i32
        %jit3A_1134 = arith.constant 0 : i32
        %broadcast_in_dim3A_1135 = vector.broadcast %jit3A_1133 : i32 to vector<16xi32>
        %broadcast_in_dim3A_1136 = vector.broadcast %jit3A_1134 : i32 to vector<16xi32>
        %select_n3A_1137 = arith.select %gt3A_837, %broadcast_in_dim3A_1135, %broadcast_in_dim3A_1136 : vector<16xi1>, vector<16xi32>
        %add3A_1138 = arith.addi %min3A_1132, %select_n3A_1137 : vector<16xi32>
        %min3A_1139 = arith.constant 8 : i32
        %min3A_1140 = vector.broadcast %min3A_1139 : i32 to vector<16xi32>
        %min3A_1141 = arith.minsi %add3A_1138, %min3A_1140 : vector<16xi32>
        tpu.vector_store_idx %arg8[%min3A_1141, %add3A_136], %add3A_862 masked %gt3A_869 : memref<9x768xi32, #tpu.memory_space<vmem>>[vector<16xi32>, vector<16xi32>], vector<16xi32>, vector<16xi1>
        %jit3A_1142 = arith.constant 1 : i32
        %jit3A_1143 = arith.constant 0 : i32
        %broadcast_in_dim3A_1144 = vector.broadcast %jit3A_1142 : i32 to vector<16xi32>
        %broadcast_in_dim3A_1145 = vector.broadcast %jit3A_1143 : i32 to vector<16xi32>
        %select_n3A_1146 = arith.select %gt3A_869, %broadcast_in_dim3A_1144, %broadcast_in_dim3A_1145 : vector<16xi1>, vector<16xi32>
        %add3A_1147 = arith.addi %min3A_1141, %select_n3A_1146 : vector<16xi32>
        %min3A_1148 = arith.constant 8 : i32
        %min3A_1149 = vector.broadcast %min3A_1148 : i32 to vector<16xi32>
        %min3A_1150 = arith.minsi %add3A_1147, %min3A_1149 : vector<16xi32>
        tpu.vector_store_idx %arg8[%min3A_1150, %add3A_136], %add3A_894 masked %gt3A_901 : memref<9x768xi32, #tpu.memory_space<vmem>>[vector<16xi32>, vector<16xi32>], vector<16xi32>, vector<16xi1>
        %jit3A_1151 = arith.constant 1 : i32
        %jit3A_1152 = arith.constant 0 : i32
        %broadcast_in_dim3A_1153 = vector.broadcast %jit3A_1151 : i32 to vector<16xi32>
        %broadcast_in_dim3A_1154 = vector.broadcast %jit3A_1152 : i32 to vector<16xi32>
        %select_n3A_1155 = arith.select %gt3A_901, %broadcast_in_dim3A_1153, %broadcast_in_dim3A_1154 : vector<16xi1>, vector<16xi32>
        %add3A_1156 = arith.addi %min3A_1150, %select_n3A_1155 : vector<16xi32>
        %min3A_1157 = arith.constant 8 : i32
        %min3A_1158 = vector.broadcast %min3A_1157 : i32 to vector<16xi32>
        %min3A_1159 = arith.minsi %add3A_1156, %min3A_1158 : vector<16xi32>
        tpu.vector_store_idx %arg8[%min3A_1159, %add3A_136], %add3A_926 masked %gt3A_933 : memref<9x768xi32, #tpu.memory_space<vmem>>[vector<16xi32>, vector<16xi32>], vector<16xi32>, vector<16xi1>
        %jit3A_1160 = arith.constant 1 : i32
        %jit3A_1161 = arith.constant 0 : i32
        %broadcast_in_dim3A_1162 = vector.broadcast %jit3A_1160 : i32 to vector<16xi32>
        %broadcast_in_dim3A_1163 = vector.broadcast %jit3A_1161 : i32 to vector<16xi32>
        %select_n3A_1164 = arith.select %gt3A_933, %broadcast_in_dim3A_1162, %broadcast_in_dim3A_1163 : vector<16xi1>, vector<16xi32>
        %add3A_1165 = arith.addi %min3A_1159, %select_n3A_1164 : vector<16xi32>
        %min3A_1166 = arith.constant 8 : i32
        %min3A_1167 = vector.broadcast %min3A_1166 : i32 to vector<16xi32>
        %min3A_1168 = arith.minsi %add3A_1165, %min3A_1167 : vector<16xi32>
        tpu.vector_store_idx %arg8[%min3A_1168, %add3A_136], %add3A_958 masked %gt3A_965 : memref<9x768xi32, #tpu.memory_space<vmem>>[vector<16xi32>, vector<16xi32>], vector<16xi32>, vector<16xi1>
        %jit3A_1169 = arith.constant 1 : i32
        %jit3A_1170 = arith.constant 0 : i32
        %broadcast_in_dim3A_1171 = vector.broadcast %jit3A_1169 : i32 to vector<16xi32>
        %broadcast_in_dim3A_1172 = vector.broadcast %jit3A_1170 : i32 to vector<16xi32>
        %select_n3A_1173 = arith.select %gt3A_965, %broadcast_in_dim3A_1171, %broadcast_in_dim3A_1172 : vector<16xi1>, vector<16xi32>
        %add3A_1174 = arith.addi %min3A_1168, %select_n3A_1173 : vector<16xi32>
        %min3A_1175 = arith.constant 8 : i32
        %min3A_1176 = vector.broadcast %min3A_1175 : i32 to vector<16xi32>
        %min3A_1177 = arith.minsi %add3A_1174, %min3A_1176 : vector<16xi32>
        tpu.vector_store_idx %arg8[%min3A_1177, %add3A_136], %add3A_990 masked %gt3A_997 : memref<9x768xi32, #tpu.memory_space<vmem>>[vector<16xi32>, vector<16xi32>], vector<16xi32>, vector<16xi1>
        %jit3A_1178 = arith.constant 1 : i32
        %jit3A_1179 = arith.constant 0 : i32
        %broadcast_in_dim3A_1180 = vector.broadcast %jit3A_1178 : i32 to vector<16xi32>
        %broadcast_in_dim3A_1181 = vector.broadcast %jit3A_1179 : i32 to vector<16xi32>
        %select_n3A_1182 = arith.select %gt3A_997, %broadcast_in_dim3A_1180, %broadcast_in_dim3A_1181 : vector<16xi1>, vector<16xi32>
        %add3A_1183 = arith.addi %min3A_1177, %select_n3A_1182 : vector<16xi32>
        %min3A_1184 = arith.constant 8 : i32
        %min3A_1185 = vector.broadcast %min3A_1184 : i32 to vector<16xi32>
        %min3A_1186 = arith.minsi %add3A_1183, %min3A_1185 : vector<16xi32>
        tpu.vector_store_idx %arg8[%min3A_1186, %add3A_136], %add3A_1022 masked %gt3A_1029 : memref<9x768xi32, #tpu.memory_space<vmem>>[vector<16xi32>, vector<16xi32>], vector<16xi32>, vector<16xi1>
        %jit3A_1187 = arith.constant 1 : i32
        %jit3A_1188 = arith.constant 0 : i32
        %broadcast_in_dim3A_1189 = vector.broadcast %jit3A_1187 : i32 to vector<16xi32>
        %broadcast_in_dim3A_1190 = vector.broadcast %jit3A_1188 : i32 to vector<16xi32>
        %select_n3A_1191 = arith.select %gt3A_1029, %broadcast_in_dim3A_1189, %broadcast_in_dim3A_1190 : vector<16xi1>, vector<16xi32>
        %add3A_1192 = arith.addi %min3A_1186, %select_n3A_1191 : vector<16xi32>
        %min3A_1193 = arith.constant 8 : i32
        %min3A_1194 = vector.broadcast %min3A_1193 : i32 to vector<16xi32>
        %min3A_1195 = arith.minsi %add3A_1192, %min3A_1194 : vector<16xi32>
        tpu.vector_store_idx %arg8[%min3A_1195, %add3A_136], %add3A_1054 masked %gt3A_1061 : memref<9x768xi32, #tpu.memory_space<vmem>>[vector<16xi32>, vector<16xi32>], vector<16xi32>, vector<16xi1>
        %jit3A_1196 = arith.constant 1 : i32
        %jit3A_1197 = arith.constant 0 : i32
        %broadcast_in_dim3A_1198 = vector.broadcast %jit3A_1196 : i32 to vector<16xi32>
        %broadcast_in_dim3A_1199 = vector.broadcast %jit3A_1197 : i32 to vector<16xi32>
        %select_n3A_1200 = arith.select %gt3A_1061, %broadcast_in_dim3A_1198, %broadcast_in_dim3A_1199 : vector<16xi1>, vector<16xi32>
        %add3A_1201 = arith.addi %min3A_1195, %select_n3A_1200 : vector<16xi32>
        %min3A_1202 = arith.constant 8 : i32
        %min3A_1203 = vector.broadcast %min3A_1202 : i32 to vector<16xi32>
        %min3A_1204 = arith.minsi %add3A_1201, %min3A_1203 : vector<16xi32>
        scf.yield %min3A_1204 : vector<16xi32>
      }
      %lt3A_195 = arith.constant 8 : i32
      %lt3A_196 = vector.broadcast %lt3A_195 : i32 to vector<16xi32>
      %lt3A_197 = arith.cmpi slt, %while3A_194, %lt3A_196 : vector<16xi32>
      %all_reduce_population_count3A_198 = tpu.all_reduce %lt3A_197 {dim = 0 : i64, kind = #tpu.reduction_kind<sum>} : vector<16xi1> -> vector<16xi32>
      %slice3A_199 = vector.extract_strided_slice %all_reduce_population_count3A_198 {offsets = [0], sizes = [1], strides = [1]} : vector<16xi32> to vector<1xi32>
      %squeeze3A_200 = vector.extract %slice3A_199[0] : i32 from vector<1xi32>
      %gt3A_201 = arith.constant 0 : i32
      %gt3A_202 = arith.cmpi sgt, %squeeze3A_200, %gt3A_201 : i32
      %get3A = arith.constant 0 : i32
      %get3A_203 = arith.index_cast %get3A : i32 to index
      %get3A_204 = memref.load %arg11[%get3A_203] : memref<1xi32, #tpu.memory_space<smem>>
      %eq3A_205 = arith.constant 0 : i32
      %eq3A_206 = arith.cmpi eq, %get3A_204, %eq3A_205 : i32
      %and3A_207 = arith.andi %gt3A_202, %eq3A_206 : i1
      %convert_element_type3A = arith.extui %and3A_207 : i1 to i32
      %cond3A = arith.constant 0 : i32
      %cond3A_208 = arith.cmpi ne, %convert_element_type3A, %cond3A : i32
      scf.if %cond3A_208 {
        "tpu.region"() ({
          %run_scoped3A = tpu.sem_alloc : memref<!tpu.dma_semaphore, #tpu.memory_space<semaphore_mem>>
          %dma_start3A_486 = arith.constant 480 : i32
          %dma_start3A_487 = tpu.memref_slice %arg6[%dma_start3A_486] : memref<24272xi32, #tpu.memory_space<vmem>> -> memref<23792xi32, #tpu.memory_space<vmem>>
          %dma_start3A_488 = arith.constant 480 : i32
          %dma_start3A_489 = tpu.memref_slice %arg3[%dma_start3A_488] : memref<24272xi32, #tpu.memory_space<hbm>> -> memref<23792xi32, #tpu.memory_space<hbm>>
          %dma_start3A_490 = arith.constant 480 : i32
          %dma_start3A_491 = tpu.memref_slice %arg6[%dma_start3A_490] : memref<24272xi32, #tpu.memory_space<vmem>> -> memref<23792xi32, #tpu.memory_space<vmem>>
          %dma_start3A_492 = arith.constant 480 : i32
          %dma_start3A_493 = tpu.memref_slice %arg3[%dma_start3A_492] : memref<24272xi32, #tpu.memory_space<hbm>> -> memref<23792xi32, #tpu.memory_space<hbm>>
          tpu.enqueue_dma source(%dma_start3A_493 : memref<23792xi32, #tpu.memory_space<hbm>>) target(%dma_start3A_491 : memref<23792xi32, #tpu.memory_space<vmem>>) target_semaphore(%run_scoped3A : memref<!tpu.dma_semaphore, #tpu.memory_space<semaphore_mem>>)
          %dma_wait3A_494 = arith.constant 480 : i32
          %dma_wait3A_495 = tpu.memref_slice %arg6[%dma_wait3A_494] : memref<24272xi32, #tpu.memory_space<vmem>> -> memref<23792xi32, #tpu.memory_space<vmem>>
          %dma_wait3A_496 = arith.constant 480 : i32
          %dma_wait3A_497 = tpu.memref_slice %arg3[%dma_wait3A_496] : memref<24272xi32, #tpu.memory_space<hbm>> -> memref<23792xi32, #tpu.memory_space<hbm>>
          %dma_wait3A_498 = arith.constant 480 : i32
          %dma_wait3A_499 = tpu.memref_slice %arg6[%dma_wait3A_498] : memref<24272xi32, #tpu.memory_space<vmem>> -> memref<23792xi32, #tpu.memory_space<vmem>>
          %dma_wait3A_500 = arith.constant 480 : i32
          %dma_wait3A_501 = tpu.memref_slice %arg3[%dma_wait3A_500] : memref<24272xi32, #tpu.memory_space<hbm>> -> memref<23792xi32, #tpu.memory_space<hbm>>
          tpu.wait_dma2 semaphore(%run_scoped3A : memref<!tpu.dma_semaphore, #tpu.memory_space<semaphore_mem>>) src(%dma_wait3A_501 : memref<23792xi32, #tpu.memory_space<hbm>>) dst(%dma_wait3A_499 : memref<23792xi32, #tpu.memory_space<vmem>>)
          tpu.yield
        }) : () -> ()
        %swap3A_482 = arith.constant 1 : i32
        %swap3A_483 = arith.constant 0 : i32
        %swap3A_484 = arith.index_cast %swap3A_483 : i32 to index
        %swap3A_485 = memref.load %arg11[%swap3A_484] : memref<1xi32, #tpu.memory_space<smem>>
        memref.store %swap3A_482, %arg11[%swap3A_484] : memref<1xi32, #tpu.memory_space<smem>>
      } else {
      }
      %gt3A_209 = arith.constant 0 : i32
      %gt3A_210 = arith.cmpi sgt, %squeeze3A_200, %gt3A_209 : i32
      %jit3A_211 = arith.constant 1517 : i32
      %jit3A_212 = arith.constant 30 : i32
      %select_n3A_213 = arith.select %gt3A_210, %jit3A_211, %jit3A_212 : i32
      %while3A_214 = arith.constant 30 : i32
      %while3A_215 = arith.subi %select_n3A_213, %while3A_214 : i32
      %while3A_216 = arith.addi %while3A_214, %while3A_215 : i32
      %while3A_217 = arith.constant 1 : i32
      %while3A_218 = arith.divsi %while3A_215, %while3A_217 : i32
      %while3A_219 = arith.muli %while3A_218, %while3A_217 : i32
      %while3A_220 = arith.addi %while3A_214, %while3A_219 : i32
      %while3A_221 = arith.constant 1 : i32
      %while3A_222 = scf.for %while3A_482 = %while3A_214 to %while3A_220 step %while3A_221 iter_args(%while3A_483 = %while3A_194) -> (vector<16xi32>)  : i32 {
        %mul3A_484 = arith.constant 16 : i32
        %mul3A_485 = arith.muli %while3A_482, %mul3A_484 : i32
        %broadcast_in_dim3A_486 = vector.broadcast %mul3A_485 : i32 to vector<16xi32>
        %add3A_487 = arith.constant 0 : i32
        %add3A_488 = vector.broadcast %add3A_487 : i32 to vector<16xi32>
        %add3A_489 = arith.addi %broadcast_in_dim3A_486, %add3A_488 : vector<16xi32>
        %gather3A = tpu.vector_load_idx %arg6[%add3A_489] : memref<24272xi32, #tpu.memory_space<vmem>>[vector<16xi32>], vector<16xi32>,
        %add3A_490 = arith.constant 1 : i32
        %add3A_491 = vector.broadcast %add3A_490 : i32 to vector<16xi32>
        %add3A_492 = arith.addi %broadcast_in_dim3A_486, %add3A_491 : vector<16xi32>
        %gather3A_493 = tpu.vector_load_idx %arg6[%add3A_492] : memref<24272xi32, #tpu.memory_space<vmem>>[vector<16xi32>], vector<16xi32>,
        %add3A_494 = arith.constant 2 : i32
        %add3A_495 = vector.broadcast %add3A_494 : i32 to vector<16xi32>
        %add3A_496 = arith.addi %broadcast_in_dim3A_486, %add3A_495 : vector<16xi32>
        %gather3A_497 = tpu.vector_load_idx %arg6[%add3A_496] : memref<24272xi32, #tpu.memory_space<vmem>>[vector<16xi32>], vector<16xi32>,
        %add3A_498 = arith.constant 3 : i32
        %add3A_499 = vector.broadcast %add3A_498 : i32 to vector<16xi32>
        %add3A_500 = arith.addi %broadcast_in_dim3A_486, %add3A_499 : vector<16xi32>
        %gather3A_501 = tpu.vector_load_idx %arg6[%add3A_500] : memref<24272xi32, #tpu.memory_space<vmem>>[vector<16xi32>], vector<16xi32>,
        %add3A_502 = arith.constant 4 : i32
        %add3A_503 = vector.broadcast %add3A_502 : i32 to vector<16xi32>
        %add3A_504 = arith.addi %broadcast_in_dim3A_486, %add3A_503 : vector<16xi32>
        %gather3A_505 = tpu.vector_load_idx %arg6[%add3A_504] : memref<24272xi32, #tpu.memory_space<vmem>>[vector<16xi32>], vector<16xi32>,
        %add3A_506 = arith.constant 5 : i32
        %add3A_507 = vector.broadcast %add3A_506 : i32 to vector<16xi32>
        %add3A_508 = arith.addi %broadcast_in_dim3A_486, %add3A_507 : vector<16xi32>
        %gather3A_509 = tpu.vector_load_idx %arg6[%add3A_508] : memref<24272xi32, #tpu.memory_space<vmem>>[vector<16xi32>], vector<16xi32>,
        %add3A_510 = arith.constant 6 : i32
        %add3A_511 = vector.broadcast %add3A_510 : i32 to vector<16xi32>
        %add3A_512 = arith.addi %broadcast_in_dim3A_486, %add3A_511 : vector<16xi32>
        %gather3A_513 = tpu.vector_load_idx %arg6[%add3A_512] : memref<24272xi32, #tpu.memory_space<vmem>>[vector<16xi32>], vector<16xi32>,
        %add3A_514 = arith.constant 7 : i32
        %add3A_515 = vector.broadcast %add3A_514 : i32 to vector<16xi32>
        %add3A_516 = arith.addi %broadcast_in_dim3A_486, %add3A_515 : vector<16xi32>
        %gather3A_517 = tpu.vector_load_idx %arg6[%add3A_516] : memref<24272xi32, #tpu.memory_space<vmem>>[vector<16xi32>], vector<16xi32>,
        %add3A_518 = arith.constant 8 : i32
        %add3A_519 = vector.broadcast %add3A_518 : i32 to vector<16xi32>
        %add3A_520 = arith.addi %broadcast_in_dim3A_486, %add3A_519 : vector<16xi32>
        %gather3A_521 = tpu.vector_load_idx %arg6[%add3A_520] : memref<24272xi32, #tpu.memory_space<vmem>>[vector<16xi32>], vector<16xi32>,
        %add3A_522 = arith.constant 9 : i32
        %add3A_523 = vector.broadcast %add3A_522 : i32 to vector<16xi32>
        %add3A_524 = arith.addi %broadcast_in_dim3A_486, %add3A_523 : vector<16xi32>
        %gather3A_525 = tpu.vector_load_idx %arg6[%add3A_524] : memref<24272xi32, #tpu.memory_space<vmem>>[vector<16xi32>], vector<16xi32>,
        %add3A_526 = arith.constant 10 : i32
        %add3A_527 = vector.broadcast %add3A_526 : i32 to vector<16xi32>
        %add3A_528 = arith.addi %broadcast_in_dim3A_486, %add3A_527 : vector<16xi32>
        %gather3A_529 = tpu.vector_load_idx %arg6[%add3A_528] : memref<24272xi32, #tpu.memory_space<vmem>>[vector<16xi32>], vector<16xi32>,
        %add3A_530 = arith.constant 11 : i32
        %add3A_531 = vector.broadcast %add3A_530 : i32 to vector<16xi32>
        %add3A_532 = arith.addi %broadcast_in_dim3A_486, %add3A_531 : vector<16xi32>
        %gather3A_533 = tpu.vector_load_idx %arg6[%add3A_532] : memref<24272xi32, #tpu.memory_space<vmem>>[vector<16xi32>], vector<16xi32>,
        %add3A_534 = arith.constant 12 : i32
        %add3A_535 = vector.broadcast %add3A_534 : i32 to vector<16xi32>
        %add3A_536 = arith.addi %broadcast_in_dim3A_486, %add3A_535 : vector<16xi32>
        %gather3A_537 = tpu.vector_load_idx %arg6[%add3A_536] : memref<24272xi32, #tpu.memory_space<vmem>>[vector<16xi32>], vector<16xi32>,
        %add3A_538 = arith.constant 13 : i32
        %add3A_539 = vector.broadcast %add3A_538 : i32 to vector<16xi32>
        %add3A_540 = arith.addi %broadcast_in_dim3A_486, %add3A_539 : vector<16xi32>
        %gather3A_541 = tpu.vector_load_idx %arg6[%add3A_540] : memref<24272xi32, #tpu.memory_space<vmem>>[vector<16xi32>], vector<16xi32>,
        %add3A_542 = arith.constant 14 : i32
        %add3A_543 = vector.broadcast %add3A_542 : i32 to vector<16xi32>
        %add3A_544 = arith.addi %broadcast_in_dim3A_486, %add3A_543 : vector<16xi32>
        %gather3A_545 = tpu.vector_load_idx %arg6[%add3A_544] : memref<24272xi32, #tpu.memory_space<vmem>>[vector<16xi32>], vector<16xi32>,
        %add3A_546 = arith.constant 15 : i32
        %add3A_547 = vector.broadcast %add3A_546 : i32 to vector<16xi32>
        %add3A_548 = arith.addi %broadcast_in_dim3A_486, %add3A_547 : vector<16xi32>
        %gather3A_549 = tpu.vector_load_idx %arg6[%add3A_548] : memref<24272xi32, #tpu.memory_space<vmem>>[vector<16xi32>], vector<16xi32>,
        %and3A_550 = arith.constant 511 : i32
        %and3A_551 = vector.broadcast %and3A_550 : i32 to vector<16xi32>
        %and3A_552 = arith.andi %gather3A, %and3A_551 : vector<16xi32>
        %sub3A_553 = arith.constant 96 : i32
        %sub3A_554 = vector.broadcast %sub3A_553 : i32 to vector<16xi32>
        %sub3A_555 = arith.subi %and3A_552, %sub3A_554 : vector<16xi32>
        %add3A_556 = arith.addi %sub3A_147, %sub3A_555 : vector<16xi32>
        %shift_right_arithmetic3A_557 = arith.constant 9 : i32
        %shift_right_arithmetic3A_558 = vector.broadcast %shift_right_arithmetic3A_557 : i32 to vector<16xi32>
        %shift_right_arithmetic3A_559 = arith.shrsi %gather3A, %shift_right_arithmetic3A_558 : vector<16xi32>
        %sub3A_560 = arith.constant 64 : i32
        %sub3A_561 = vector.broadcast %sub3A_560 : i32 to vector<16xi32>
        %sub3A_562 = arith.subi %shift_right_arithmetic3A_559, %sub3A_561 : vector<16xi32>
        %add3A_563 = arith.addi %shift_right_arithmetic3A_143, %sub3A_562 : vector<16xi32>
        %lt3A_564 = arith.constant 96 : i32
        %lt3A_565 = vector.broadcast %lt3A_564 : i32 to vector<16xi32>
        %lt3A_566 = arith.cmpi ult, %add3A_556, %lt3A_565 : vector<16xi32>
        %lt3A_567 = arith.constant 64 : i32
        %lt3A_568 = vector.broadcast %lt3A_567 : i32 to vector<16xi32>
        %lt3A_569 = arith.cmpi ult, %add3A_563, %lt3A_568 : vector<16xi32>
        %and3A_570 = arith.andi %lt3A_566, %lt3A_569 : vector<16xi1>
        %mul3A_571 = arith.constant 96 : i32
        %mul3A_572 = vector.broadcast %mul3A_571 : i32 to vector<16xi32>
        %mul3A_573 = arith.muli %add3A_563, %mul3A_572 : vector<16xi32>
        %add3A_574 = arith.addi %mul3A_573, %add3A_556 : vector<16xi32>
        %jit3A_575 = arith.constant 6144 : i32
        %broadcast_in_dim3A_576 = vector.broadcast %jit3A_575 : i32 to vector<16xi32>
        %select_n3A_577 = arith.select %and3A_570, %add3A_574, %broadcast_in_dim3A_576 : vector<16xi1>, vector<16xi32>
        %gather3A_578 = tpu.vector_load_idx %arg7[%select_n3A_577] : memref<6160xf32, #tpu.memory_space<vmem>>[vector<16xi32>], vector<16xf32>,
        %gt3A_579 = arith.constant 1.000000e-03 : f32
        %gt3A_580 = vector.broadcast %gt3A_579 : f32 to vector<16xf32>
        %gt3A_581 = arith.cmpf ogt, %gather3A_578, %gt3A_580 : vector<16xf32>
        %and3A_582 = arith.constant 511 : i32
        %and3A_583 = vector.broadcast %and3A_582 : i32 to vector<16xi32>
        %and3A_584 = arith.andi %gather3A_493, %and3A_583 : vector<16xi32>
        %sub3A_585 = arith.constant 96 : i32
        %sub3A_586 = vector.broadcast %sub3A_585 : i32 to vector<16xi32>
        %sub3A_587 = arith.subi %and3A_584, %sub3A_586 : vector<16xi32>
        %add3A_588 = arith.addi %sub3A_147, %sub3A_587 : vector<16xi32>
        %shift_right_arithmetic3A_589 = arith.constant 9 : i32
        %shift_right_arithmetic3A_590 = vector.broadcast %shift_right_arithmetic3A_589 : i32 to vector<16xi32>
        %shift_right_arithmetic3A_591 = arith.shrsi %gather3A_493, %shift_right_arithmetic3A_590 : vector<16xi32>
        %sub3A_592 = arith.constant 64 : i32
        %sub3A_593 = vector.broadcast %sub3A_592 : i32 to vector<16xi32>
        %sub3A_594 = arith.subi %shift_right_arithmetic3A_591, %sub3A_593 : vector<16xi32>
        %add3A_595 = arith.addi %shift_right_arithmetic3A_143, %sub3A_594 : vector<16xi32>
        %lt3A_596 = arith.constant 96 : i32
        %lt3A_597 = vector.broadcast %lt3A_596 : i32 to vector<16xi32>
        %lt3A_598 = arith.cmpi ult, %add3A_588, %lt3A_597 : vector<16xi32>
        %lt3A_599 = arith.constant 64 : i32
        %lt3A_600 = vector.broadcast %lt3A_599 : i32 to vector<16xi32>
        %lt3A_601 = arith.cmpi ult, %add3A_595, %lt3A_600 : vector<16xi32>
        %and3A_602 = arith.andi %lt3A_598, %lt3A_601 : vector<16xi1>
        %mul3A_603 = arith.constant 96 : i32
        %mul3A_604 = vector.broadcast %mul3A_603 : i32 to vector<16xi32>
        %mul3A_605 = arith.muli %add3A_595, %mul3A_604 : vector<16xi32>
        %add3A_606 = arith.addi %mul3A_605, %add3A_588 : vector<16xi32>
        %jit3A_607 = arith.constant 6144 : i32
        %broadcast_in_dim3A_608 = vector.broadcast %jit3A_607 : i32 to vector<16xi32>
        %select_n3A_609 = arith.select %and3A_602, %add3A_606, %broadcast_in_dim3A_608 : vector<16xi1>, vector<16xi32>
        %gather3A_610 = tpu.vector_load_idx %arg7[%select_n3A_609] : memref<6160xf32, #tpu.memory_space<vmem>>[vector<16xi32>], vector<16xf32>,
        %gt3A_611 = arith.constant 1.000000e-03 : f32
        %gt3A_612 = vector.broadcast %gt3A_611 : f32 to vector<16xf32>
        %gt3A_613 = arith.cmpf ogt, %gather3A_610, %gt3A_612 : vector<16xf32>
        %and3A_614 = arith.constant 511 : i32
        %and3A_615 = vector.broadcast %and3A_614 : i32 to vector<16xi32>
        %and3A_616 = arith.andi %gather3A_497, %and3A_615 : vector<16xi32>
        %sub3A_617 = arith.constant 96 : i32
        %sub3A_618 = vector.broadcast %sub3A_617 : i32 to vector<16xi32>
        %sub3A_619 = arith.subi %and3A_616, %sub3A_618 : vector<16xi32>
        %add3A_620 = arith.addi %sub3A_147, %sub3A_619 : vector<16xi32>
        %shift_right_arithmetic3A_621 = arith.constant 9 : i32
        %shift_right_arithmetic3A_622 = vector.broadcast %shift_right_arithmetic3A_621 : i32 to vector<16xi32>
        %shift_right_arithmetic3A_623 = arith.shrsi %gather3A_497, %shift_right_arithmetic3A_622 : vector<16xi32>
        %sub3A_624 = arith.constant 64 : i32
        %sub3A_625 = vector.broadcast %sub3A_624 : i32 to vector<16xi32>
        %sub3A_626 = arith.subi %shift_right_arithmetic3A_623, %sub3A_625 : vector<16xi32>
        %add3A_627 = arith.addi %shift_right_arithmetic3A_143, %sub3A_626 : vector<16xi32>
        %lt3A_628 = arith.constant 96 : i32
        %lt3A_629 = vector.broadcast %lt3A_628 : i32 to vector<16xi32>
        %lt3A_630 = arith.cmpi ult, %add3A_620, %lt3A_629 : vector<16xi32>
        %lt3A_631 = arith.constant 64 : i32
        %lt3A_632 = vector.broadcast %lt3A_631 : i32 to vector<16xi32>
        %lt3A_633 = arith.cmpi ult, %add3A_627, %lt3A_632 : vector<16xi32>
        %and3A_634 = arith.andi %lt3A_630, %lt3A_633 : vector<16xi1>
        %mul3A_635 = arith.constant 96 : i32
        %mul3A_636 = vector.broadcast %mul3A_635 : i32 to vector<16xi32>
        %mul3A_637 = arith.muli %add3A_627, %mul3A_636 : vector<16xi32>
        %add3A_638 = arith.addi %mul3A_637, %add3A_620 : vector<16xi32>
        %jit3A_639 = arith.constant 6144 : i32
        %broadcast_in_dim3A_640 = vector.broadcast %jit3A_639 : i32 to vector<16xi32>
        %select_n3A_641 = arith.select %and3A_634, %add3A_638, %broadcast_in_dim3A_640 : vector<16xi1>, vector<16xi32>
        %gather3A_642 = tpu.vector_load_idx %arg7[%select_n3A_641] : memref<6160xf32, #tpu.memory_space<vmem>>[vector<16xi32>], vector<16xf32>,
        %gt3A_643 = arith.constant 1.000000e-03 : f32
        %gt3A_644 = vector.broadcast %gt3A_643 : f32 to vector<16xf32>
        %gt3A_645 = arith.cmpf ogt, %gather3A_642, %gt3A_644 : vector<16xf32>
        %and3A_646 = arith.constant 511 : i32
        %and3A_647 = vector.broadcast %and3A_646 : i32 to vector<16xi32>
        %and3A_648 = arith.andi %gather3A_501, %and3A_647 : vector<16xi32>
        %sub3A_649 = arith.constant 96 : i32
        %sub3A_650 = vector.broadcast %sub3A_649 : i32 to vector<16xi32>
        %sub3A_651 = arith.subi %and3A_648, %sub3A_650 : vector<16xi32>
        %add3A_652 = arith.addi %sub3A_147, %sub3A_651 : vector<16xi32>
        %shift_right_arithmetic3A_653 = arith.constant 9 : i32
        %shift_right_arithmetic3A_654 = vector.broadcast %shift_right_arithmetic3A_653 : i32 to vector<16xi32>
        %shift_right_arithmetic3A_655 = arith.shrsi %gather3A_501, %shift_right_arithmetic3A_654 : vector<16xi32>
        %sub3A_656 = arith.constant 64 : i32
        %sub3A_657 = vector.broadcast %sub3A_656 : i32 to vector<16xi32>
        %sub3A_658 = arith.subi %shift_right_arithmetic3A_655, %sub3A_657 : vector<16xi32>
        %add3A_659 = arith.addi %shift_right_arithmetic3A_143, %sub3A_658 : vector<16xi32>
        %lt3A_660 = arith.constant 96 : i32
        %lt3A_661 = vector.broadcast %lt3A_660 : i32 to vector<16xi32>
        %lt3A_662 = arith.cmpi ult, %add3A_652, %lt3A_661 : vector<16xi32>
        %lt3A_663 = arith.constant 64 : i32
        %lt3A_664 = vector.broadcast %lt3A_663 : i32 to vector<16xi32>
        %lt3A_665 = arith.cmpi ult, %add3A_659, %lt3A_664 : vector<16xi32>
        %and3A_666 = arith.andi %lt3A_662, %lt3A_665 : vector<16xi1>
        %mul3A_667 = arith.constant 96 : i32
        %mul3A_668 = vector.broadcast %mul3A_667 : i32 to vector<16xi32>
        %mul3A_669 = arith.muli %add3A_659, %mul3A_668 : vector<16xi32>
        %add3A_670 = arith.addi %mul3A_669, %add3A_652 : vector<16xi32>
        %jit3A_671 = arith.constant 6144 : i32
        %broadcast_in_dim3A_672 = vector.broadcast %jit3A_671 : i32 to vector<16xi32>
        %select_n3A_673 = arith.select %and3A_666, %add3A_670, %broadcast_in_dim3A_672 : vector<16xi1>, vector<16xi32>
        %gather3A_674 = tpu.vector_load_idx %arg7[%select_n3A_673] : memref<6160xf32, #tpu.memory_space<vmem>>[vector<16xi32>], vector<16xf32>,
        %gt3A_675 = arith.constant 1.000000e-03 : f32
        %gt3A_676 = vector.broadcast %gt3A_675 : f32 to vector<16xf32>
        %gt3A_677 = arith.cmpf ogt, %gather3A_674, %gt3A_676 : vector<16xf32>
        %and3A_678 = arith.constant 511 : i32
        %and3A_679 = vector.broadcast %and3A_678 : i32 to vector<16xi32>
        %and3A_680 = arith.andi %gather3A_505, %and3A_679 : vector<16xi32>
        %sub3A_681 = arith.constant 96 : i32
        %sub3A_682 = vector.broadcast %sub3A_681 : i32 to vector<16xi32>
        %sub3A_683 = arith.subi %and3A_680, %sub3A_682 : vector<16xi32>
        %add3A_684 = arith.addi %sub3A_147, %sub3A_683 : vector<16xi32>
        %shift_right_arithmetic3A_685 = arith.constant 9 : i32
        %shift_right_arithmetic3A_686 = vector.broadcast %shift_right_arithmetic3A_685 : i32 to vector<16xi32>
        %shift_right_arithmetic3A_687 = arith.shrsi %gather3A_505, %shift_right_arithmetic3A_686 : vector<16xi32>
        %sub3A_688 = arith.constant 64 : i32
        %sub3A_689 = vector.broadcast %sub3A_688 : i32 to vector<16xi32>
        %sub3A_690 = arith.subi %shift_right_arithmetic3A_687, %sub3A_689 : vector<16xi32>
        %add3A_691 = arith.addi %shift_right_arithmetic3A_143, %sub3A_690 : vector<16xi32>
        %lt3A_692 = arith.constant 96 : i32
        %lt3A_693 = vector.broadcast %lt3A_692 : i32 to vector<16xi32>
        %lt3A_694 = arith.cmpi ult, %add3A_684, %lt3A_693 : vector<16xi32>
        %lt3A_695 = arith.constant 64 : i32
        %lt3A_696 = vector.broadcast %lt3A_695 : i32 to vector<16xi32>
        %lt3A_697 = arith.cmpi ult, %add3A_691, %lt3A_696 : vector<16xi32>
        %and3A_698 = arith.andi %lt3A_694, %lt3A_697 : vector<16xi1>
        %mul3A_699 = arith.constant 96 : i32
        %mul3A_700 = vector.broadcast %mul3A_699 : i32 to vector<16xi32>
        %mul3A_701 = arith.muli %add3A_691, %mul3A_700 : vector<16xi32>
        %add3A_702 = arith.addi %mul3A_701, %add3A_684 : vector<16xi32>
        %jit3A_703 = arith.constant 6144 : i32
        %broadcast_in_dim3A_704 = vector.broadcast %jit3A_703 : i32 to vector<16xi32>
        %select_n3A_705 = arith.select %and3A_698, %add3A_702, %broadcast_in_dim3A_704 : vector<16xi1>, vector<16xi32>
        %gather3A_706 = tpu.vector_load_idx %arg7[%select_n3A_705] : memref<6160xf32, #tpu.memory_space<vmem>>[vector<16xi32>], vector<16xf32>,
        %gt3A_707 = arith.constant 1.000000e-03 : f32
        %gt3A_708 = vector.broadcast %gt3A_707 : f32 to vector<16xf32>
        %gt3A_709 = arith.cmpf ogt, %gather3A_706, %gt3A_708 : vector<16xf32>
        %and3A_710 = arith.constant 511 : i32
        %and3A_711 = vector.broadcast %and3A_710 : i32 to vector<16xi32>
        %and3A_712 = arith.andi %gather3A_509, %and3A_711 : vector<16xi32>
        %sub3A_713 = arith.constant 96 : i32
        %sub3A_714 = vector.broadcast %sub3A_713 : i32 to vector<16xi32>
        %sub3A_715 = arith.subi %and3A_712, %sub3A_714 : vector<16xi32>
        %add3A_716 = arith.addi %sub3A_147, %sub3A_715 : vector<16xi32>
        %shift_right_arithmetic3A_717 = arith.constant 9 : i32
        %shift_right_arithmetic3A_718 = vector.broadcast %shift_right_arithmetic3A_717 : i32 to vector<16xi32>
        %shift_right_arithmetic3A_719 = arith.shrsi %gather3A_509, %shift_right_arithmetic3A_718 : vector<16xi32>
        %sub3A_720 = arith.constant 64 : i32
        %sub3A_721 = vector.broadcast %sub3A_720 : i32 to vector<16xi32>
        %sub3A_722 = arith.subi %shift_right_arithmetic3A_719, %sub3A_721 : vector<16xi32>
        %add3A_723 = arith.addi %shift_right_arithmetic3A_143, %sub3A_722 : vector<16xi32>
        %lt3A_724 = arith.constant 96 : i32
        %lt3A_725 = vector.broadcast %lt3A_724 : i32 to vector<16xi32>
        %lt3A_726 = arith.cmpi ult, %add3A_716, %lt3A_725 : vector<16xi32>
        %lt3A_727 = arith.constant 64 : i32
        %lt3A_728 = vector.broadcast %lt3A_727 : i32 to vector<16xi32>
        %lt3A_729 = arith.cmpi ult, %add3A_723, %lt3A_728 : vector<16xi32>
        %and3A_730 = arith.andi %lt3A_726, %lt3A_729 : vector<16xi1>
        %mul3A_731 = arith.constant 96 : i32
        %mul3A_732 = vector.broadcast %mul3A_731 : i32 to vector<16xi32>
        %mul3A_733 = arith.muli %add3A_723, %mul3A_732 : vector<16xi32>
        %add3A_734 = arith.addi %mul3A_733, %add3A_716 : vector<16xi32>
        %jit3A_735 = arith.constant 6144 : i32
        %broadcast_in_dim3A_736 = vector.broadcast %jit3A_735 : i32 to vector<16xi32>
        %select_n3A_737 = arith.select %and3A_730, %add3A_734, %broadcast_in_dim3A_736 : vector<16xi1>, vector<16xi32>
        %gather3A_738 = tpu.vector_load_idx %arg7[%select_n3A_737] : memref<6160xf32, #tpu.memory_space<vmem>>[vector<16xi32>], vector<16xf32>,
        %gt3A_739 = arith.constant 1.000000e-03 : f32
        %gt3A_740 = vector.broadcast %gt3A_739 : f32 to vector<16xf32>
        %gt3A_741 = arith.cmpf ogt, %gather3A_738, %gt3A_740 : vector<16xf32>
        %and3A_742 = arith.constant 511 : i32
        %and3A_743 = vector.broadcast %and3A_742 : i32 to vector<16xi32>
        %and3A_744 = arith.andi %gather3A_513, %and3A_743 : vector<16xi32>
        %sub3A_745 = arith.constant 96 : i32
        %sub3A_746 = vector.broadcast %sub3A_745 : i32 to vector<16xi32>
        %sub3A_747 = arith.subi %and3A_744, %sub3A_746 : vector<16xi32>
        %add3A_748 = arith.addi %sub3A_147, %sub3A_747 : vector<16xi32>
        %shift_right_arithmetic3A_749 = arith.constant 9 : i32
        %shift_right_arithmetic3A_750 = vector.broadcast %shift_right_arithmetic3A_749 : i32 to vector<16xi32>
        %shift_right_arithmetic3A_751 = arith.shrsi %gather3A_513, %shift_right_arithmetic3A_750 : vector<16xi32>
        %sub3A_752 = arith.constant 64 : i32
        %sub3A_753 = vector.broadcast %sub3A_752 : i32 to vector<16xi32>
        %sub3A_754 = arith.subi %shift_right_arithmetic3A_751, %sub3A_753 : vector<16xi32>
        %add3A_755 = arith.addi %shift_right_arithmetic3A_143, %sub3A_754 : vector<16xi32>
        %lt3A_756 = arith.constant 96 : i32
        %lt3A_757 = vector.broadcast %lt3A_756 : i32 to vector<16xi32>
        %lt3A_758 = arith.cmpi ult, %add3A_748, %lt3A_757 : vector<16xi32>
        %lt3A_759 = arith.constant 64 : i32
        %lt3A_760 = vector.broadcast %lt3A_759 : i32 to vector<16xi32>
        %lt3A_761 = arith.cmpi ult, %add3A_755, %lt3A_760 : vector<16xi32>
        %and3A_762 = arith.andi %lt3A_758, %lt3A_761 : vector<16xi1>
        %mul3A_763 = arith.constant 96 : i32
        %mul3A_764 = vector.broadcast %mul3A_763 : i32 to vector<16xi32>
        %mul3A_765 = arith.muli %add3A_755, %mul3A_764 : vector<16xi32>
        %add3A_766 = arith.addi %mul3A_765, %add3A_748 : vector<16xi32>
        %jit3A_767 = arith.constant 6144 : i32
        %broadcast_in_dim3A_768 = vector.broadcast %jit3A_767 : i32 to vector<16xi32>
        %select_n3A_769 = arith.select %and3A_762, %add3A_766, %broadcast_in_dim3A_768 : vector<16xi1>, vector<16xi32>
        %gather3A_770 = tpu.vector_load_idx %arg7[%select_n3A_769] : memref<6160xf32, #tpu.memory_space<vmem>>[vector<16xi32>], vector<16xf32>,
        %gt3A_771 = arith.constant 1.000000e-03 : f32
        %gt3A_772 = vector.broadcast %gt3A_771 : f32 to vector<16xf32>
        %gt3A_773 = arith.cmpf ogt, %gather3A_770, %gt3A_772 : vector<16xf32>
        %and3A_774 = arith.constant 511 : i32
        %and3A_775 = vector.broadcast %and3A_774 : i32 to vector<16xi32>
        %and3A_776 = arith.andi %gather3A_517, %and3A_775 : vector<16xi32>
        %sub3A_777 = arith.constant 96 : i32
        %sub3A_778 = vector.broadcast %sub3A_777 : i32 to vector<16xi32>
        %sub3A_779 = arith.subi %and3A_776, %sub3A_778 : vector<16xi32>
        %add3A_780 = arith.addi %sub3A_147, %sub3A_779 : vector<16xi32>
        %shift_right_arithmetic3A_781 = arith.constant 9 : i32
        %shift_right_arithmetic3A_782 = vector.broadcast %shift_right_arithmetic3A_781 : i32 to vector<16xi32>
        %shift_right_arithmetic3A_783 = arith.shrsi %gather3A_517, %shift_right_arithmetic3A_782 : vector<16xi32>
        %sub3A_784 = arith.constant 64 : i32
        %sub3A_785 = vector.broadcast %sub3A_784 : i32 to vector<16xi32>
        %sub3A_786 = arith.subi %shift_right_arithmetic3A_783, %sub3A_785 : vector<16xi32>
        %add3A_787 = arith.addi %shift_right_arithmetic3A_143, %sub3A_786 : vector<16xi32>
        %lt3A_788 = arith.constant 96 : i32
        %lt3A_789 = vector.broadcast %lt3A_788 : i32 to vector<16xi32>
        %lt3A_790 = arith.cmpi ult, %add3A_780, %lt3A_789 : vector<16xi32>
        %lt3A_791 = arith.constant 64 : i32
        %lt3A_792 = vector.broadcast %lt3A_791 : i32 to vector<16xi32>
        %lt3A_793 = arith.cmpi ult, %add3A_787, %lt3A_792 : vector<16xi32>
        %and3A_794 = arith.andi %lt3A_790, %lt3A_793 : vector<16xi1>
        %mul3A_795 = arith.constant 96 : i32
        %mul3A_796 = vector.broadcast %mul3A_795 : i32 to vector<16xi32>
        %mul3A_797 = arith.muli %add3A_787, %mul3A_796 : vector<16xi32>
        %add3A_798 = arith.addi %mul3A_797, %add3A_780 : vector<16xi32>
        %jit3A_799 = arith.constant 6144 : i32
        %broadcast_in_dim3A_800 = vector.broadcast %jit3A_799 : i32 to vector<16xi32>
        %select_n3A_801 = arith.select %and3A_794, %add3A_798, %broadcast_in_dim3A_800 : vector<16xi1>, vector<16xi32>
        %gather3A_802 = tpu.vector_load_idx %arg7[%select_n3A_801] : memref<6160xf32, #tpu.memory_space<vmem>>[vector<16xi32>], vector<16xf32>,
        %gt3A_803 = arith.constant 1.000000e-03 : f32
        %gt3A_804 = vector.broadcast %gt3A_803 : f32 to vector<16xf32>
        %gt3A_805 = arith.cmpf ogt, %gather3A_802, %gt3A_804 : vector<16xf32>
        %and3A_806 = arith.constant 511 : i32
        %and3A_807 = vector.broadcast %and3A_806 : i32 to vector<16xi32>
        %and3A_808 = arith.andi %gather3A_521, %and3A_807 : vector<16xi32>
        %sub3A_809 = arith.constant 96 : i32
        %sub3A_810 = vector.broadcast %sub3A_809 : i32 to vector<16xi32>
        %sub3A_811 = arith.subi %and3A_808, %sub3A_810 : vector<16xi32>
        %add3A_812 = arith.addi %sub3A_147, %sub3A_811 : vector<16xi32>
        %shift_right_arithmetic3A_813 = arith.constant 9 : i32
        %shift_right_arithmetic3A_814 = vector.broadcast %shift_right_arithmetic3A_813 : i32 to vector<16xi32>
        %shift_right_arithmetic3A_815 = arith.shrsi %gather3A_521, %shift_right_arithmetic3A_814 : vector<16xi32>
        %sub3A_816 = arith.constant 64 : i32
        %sub3A_817 = vector.broadcast %sub3A_816 : i32 to vector<16xi32>
        %sub3A_818 = arith.subi %shift_right_arithmetic3A_815, %sub3A_817 : vector<16xi32>
        %add3A_819 = arith.addi %shift_right_arithmetic3A_143, %sub3A_818 : vector<16xi32>
        %lt3A_820 = arith.constant 96 : i32
        %lt3A_821 = vector.broadcast %lt3A_820 : i32 to vector<16xi32>
        %lt3A_822 = arith.cmpi ult, %add3A_812, %lt3A_821 : vector<16xi32>
        %lt3A_823 = arith.constant 64 : i32
        %lt3A_824 = vector.broadcast %lt3A_823 : i32 to vector<16xi32>
        %lt3A_825 = arith.cmpi ult, %add3A_819, %lt3A_824 : vector<16xi32>
        %and3A_826 = arith.andi %lt3A_822, %lt3A_825 : vector<16xi1>
        %mul3A_827 = arith.constant 96 : i32
        %mul3A_828 = vector.broadcast %mul3A_827 : i32 to vector<16xi32>
        %mul3A_829 = arith.muli %add3A_819, %mul3A_828 : vector<16xi32>
        %add3A_830 = arith.addi %mul3A_829, %add3A_812 : vector<16xi32>
        %jit3A_831 = arith.constant 6144 : i32
        %broadcast_in_dim3A_832 = vector.broadcast %jit3A_831 : i32 to vector<16xi32>
        %select_n3A_833 = arith.select %and3A_826, %add3A_830, %broadcast_in_dim3A_832 : vector<16xi1>, vector<16xi32>
        %gather3A_834 = tpu.vector_load_idx %arg7[%select_n3A_833] : memref<6160xf32, #tpu.memory_space<vmem>>[vector<16xi32>], vector<16xf32>,
        %gt3A_835 = arith.constant 1.000000e-03 : f32
        %gt3A_836 = vector.broadcast %gt3A_835 : f32 to vector<16xf32>
        %gt3A_837 = arith.cmpf ogt, %gather3A_834, %gt3A_836 : vector<16xf32>
        %and3A_838 = arith.constant 511 : i32
        %and3A_839 = vector.broadcast %and3A_838 : i32 to vector<16xi32>
        %and3A_840 = arith.andi %gather3A_525, %and3A_839 : vector<16xi32>
        %sub3A_841 = arith.constant 96 : i32
        %sub3A_842 = vector.broadcast %sub3A_841 : i32 to vector<16xi32>
        %sub3A_843 = arith.subi %and3A_840, %sub3A_842 : vector<16xi32>
        %add3A_844 = arith.addi %sub3A_147, %sub3A_843 : vector<16xi32>
        %shift_right_arithmetic3A_845 = arith.constant 9 : i32
        %shift_right_arithmetic3A_846 = vector.broadcast %shift_right_arithmetic3A_845 : i32 to vector<16xi32>
        %shift_right_arithmetic3A_847 = arith.shrsi %gather3A_525, %shift_right_arithmetic3A_846 : vector<16xi32>
        %sub3A_848 = arith.constant 64 : i32
        %sub3A_849 = vector.broadcast %sub3A_848 : i32 to vector<16xi32>
        %sub3A_850 = arith.subi %shift_right_arithmetic3A_847, %sub3A_849 : vector<16xi32>
        %add3A_851 = arith.addi %shift_right_arithmetic3A_143, %sub3A_850 : vector<16xi32>
        %lt3A_852 = arith.constant 96 : i32
        %lt3A_853 = vector.broadcast %lt3A_852 : i32 to vector<16xi32>
        %lt3A_854 = arith.cmpi ult, %add3A_844, %lt3A_853 : vector<16xi32>
        %lt3A_855 = arith.constant 64 : i32
        %lt3A_856 = vector.broadcast %lt3A_855 : i32 to vector<16xi32>
        %lt3A_857 = arith.cmpi ult, %add3A_851, %lt3A_856 : vector<16xi32>
        %and3A_858 = arith.andi %lt3A_854, %lt3A_857 : vector<16xi1>
        %mul3A_859 = arith.constant 96 : i32
        %mul3A_860 = vector.broadcast %mul3A_859 : i32 to vector<16xi32>
        %mul3A_861 = arith.muli %add3A_851, %mul3A_860 : vector<16xi32>
        %add3A_862 = arith.addi %mul3A_861, %add3A_844 : vector<16xi32>
        %jit3A_863 = arith.constant 6144 : i32
        %broadcast_in_dim3A_864 = vector.broadcast %jit3A_863 : i32 to vector<16xi32>
        %select_n3A_865 = arith.select %and3A_858, %add3A_862, %broadcast_in_dim3A_864 : vector<16xi1>, vector<16xi32>
        %gather3A_866 = tpu.vector_load_idx %arg7[%select_n3A_865] : memref<6160xf32, #tpu.memory_space<vmem>>[vector<16xi32>], vector<16xf32>,
        %gt3A_867 = arith.constant 1.000000e-03 : f32
        %gt3A_868 = vector.broadcast %gt3A_867 : f32 to vector<16xf32>
        %gt3A_869 = arith.cmpf ogt, %gather3A_866, %gt3A_868 : vector<16xf32>
        %and3A_870 = arith.constant 511 : i32
        %and3A_871 = vector.broadcast %and3A_870 : i32 to vector<16xi32>
        %and3A_872 = arith.andi %gather3A_529, %and3A_871 : vector<16xi32>
        %sub3A_873 = arith.constant 96 : i32
        %sub3A_874 = vector.broadcast %sub3A_873 : i32 to vector<16xi32>
        %sub3A_875 = arith.subi %and3A_872, %sub3A_874 : vector<16xi32>
        %add3A_876 = arith.addi %sub3A_147, %sub3A_875 : vector<16xi32>
        %shift_right_arithmetic3A_877 = arith.constant 9 : i32
        %shift_right_arithmetic3A_878 = vector.broadcast %shift_right_arithmetic3A_877 : i32 to vector<16xi32>
        %shift_right_arithmetic3A_879 = arith.shrsi %gather3A_529, %shift_right_arithmetic3A_878 : vector<16xi32>
        %sub3A_880 = arith.constant 64 : i32
        %sub3A_881 = vector.broadcast %sub3A_880 : i32 to vector<16xi32>
        %sub3A_882 = arith.subi %shift_right_arithmetic3A_879, %sub3A_881 : vector<16xi32>
        %add3A_883 = arith.addi %shift_right_arithmetic3A_143, %sub3A_882 : vector<16xi32>
        %lt3A_884 = arith.constant 96 : i32
        %lt3A_885 = vector.broadcast %lt3A_884 : i32 to vector<16xi32>
        %lt3A_886 = arith.cmpi ult, %add3A_876, %lt3A_885 : vector<16xi32>
        %lt3A_887 = arith.constant 64 : i32
        %lt3A_888 = vector.broadcast %lt3A_887 : i32 to vector<16xi32>
        %lt3A_889 = arith.cmpi ult, %add3A_883, %lt3A_888 : vector<16xi32>
        %and3A_890 = arith.andi %lt3A_886, %lt3A_889 : vector<16xi1>
        %mul3A_891 = arith.constant 96 : i32
        %mul3A_892 = vector.broadcast %mul3A_891 : i32 to vector<16xi32>
        %mul3A_893 = arith.muli %add3A_883, %mul3A_892 : vector<16xi32>
        %add3A_894 = arith.addi %mul3A_893, %add3A_876 : vector<16xi32>
        %jit3A_895 = arith.constant 6144 : i32
        %broadcast_in_dim3A_896 = vector.broadcast %jit3A_895 : i32 to vector<16xi32>
        %select_n3A_897 = arith.select %and3A_890, %add3A_894, %broadcast_in_dim3A_896 : vector<16xi1>, vector<16xi32>
        %gather3A_898 = tpu.vector_load_idx %arg7[%select_n3A_897] : memref<6160xf32, #tpu.memory_space<vmem>>[vector<16xi32>], vector<16xf32>,
        %gt3A_899 = arith.constant 1.000000e-03 : f32
        %gt3A_900 = vector.broadcast %gt3A_899 : f32 to vector<16xf32>
        %gt3A_901 = arith.cmpf ogt, %gather3A_898, %gt3A_900 : vector<16xf32>
        %and3A_902 = arith.constant 511 : i32
        %and3A_903 = vector.broadcast %and3A_902 : i32 to vector<16xi32>
        %and3A_904 = arith.andi %gather3A_533, %and3A_903 : vector<16xi32>
        %sub3A_905 = arith.constant 96 : i32
        %sub3A_906 = vector.broadcast %sub3A_905 : i32 to vector<16xi32>
        %sub3A_907 = arith.subi %and3A_904, %sub3A_906 : vector<16xi32>
        %add3A_908 = arith.addi %sub3A_147, %sub3A_907 : vector<16xi32>
        %shift_right_arithmetic3A_909 = arith.constant 9 : i32
        %shift_right_arithmetic3A_910 = vector.broadcast %shift_right_arithmetic3A_909 : i32 to vector<16xi32>
        %shift_right_arithmetic3A_911 = arith.shrsi %gather3A_533, %shift_right_arithmetic3A_910 : vector<16xi32>
        %sub3A_912 = arith.constant 64 : i32
        %sub3A_913 = vector.broadcast %sub3A_912 : i32 to vector<16xi32>
        %sub3A_914 = arith.subi %shift_right_arithmetic3A_911, %sub3A_913 : vector<16xi32>
        %add3A_915 = arith.addi %shift_right_arithmetic3A_143, %sub3A_914 : vector<16xi32>
        %lt3A_916 = arith.constant 96 : i32
        %lt3A_917 = vector.broadcast %lt3A_916 : i32 to vector<16xi32>
        %lt3A_918 = arith.cmpi ult, %add3A_908, %lt3A_917 : vector<16xi32>
        %lt3A_919 = arith.constant 64 : i32
        %lt3A_920 = vector.broadcast %lt3A_919 : i32 to vector<16xi32>
        %lt3A_921 = arith.cmpi ult, %add3A_915, %lt3A_920 : vector<16xi32>
        %and3A_922 = arith.andi %lt3A_918, %lt3A_921 : vector<16xi1>
        %mul3A_923 = arith.constant 96 : i32
        %mul3A_924 = vector.broadcast %mul3A_923 : i32 to vector<16xi32>
        %mul3A_925 = arith.muli %add3A_915, %mul3A_924 : vector<16xi32>
        %add3A_926 = arith.addi %mul3A_925, %add3A_908 : vector<16xi32>
        %jit3A_927 = arith.constant 6144 : i32
        %broadcast_in_dim3A_928 = vector.broadcast %jit3A_927 : i32 to vector<16xi32>
        %select_n3A_929 = arith.select %and3A_922, %add3A_926, %broadcast_in_dim3A_928 : vector<16xi1>, vector<16xi32>
        %gather3A_930 = tpu.vector_load_idx %arg7[%select_n3A_929] : memref<6160xf32, #tpu.memory_space<vmem>>[vector<16xi32>], vector<16xf32>,
        %gt3A_931 = arith.constant 1.000000e-03 : f32
        %gt3A_932 = vector.broadcast %gt3A_931 : f32 to vector<16xf32>
        %gt3A_933 = arith.cmpf ogt, %gather3A_930, %gt3A_932 : vector<16xf32>
        %and3A_934 = arith.constant 511 : i32
        %and3A_935 = vector.broadcast %and3A_934 : i32 to vector<16xi32>
        %and3A_936 = arith.andi %gather3A_537, %and3A_935 : vector<16xi32>
        %sub3A_937 = arith.constant 96 : i32
        %sub3A_938 = vector.broadcast %sub3A_937 : i32 to vector<16xi32>
        %sub3A_939 = arith.subi %and3A_936, %sub3A_938 : vector<16xi32>
        %add3A_940 = arith.addi %sub3A_147, %sub3A_939 : vector<16xi32>
        %shift_right_arithmetic3A_941 = arith.constant 9 : i32
        %shift_right_arithmetic3A_942 = vector.broadcast %shift_right_arithmetic3A_941 : i32 to vector<16xi32>
        %shift_right_arithmetic3A_943 = arith.shrsi %gather3A_537, %shift_right_arithmetic3A_942 : vector<16xi32>
        %sub3A_944 = arith.constant 64 : i32
        %sub3A_945 = vector.broadcast %sub3A_944 : i32 to vector<16xi32>
        %sub3A_946 = arith.subi %shift_right_arithmetic3A_943, %sub3A_945 : vector<16xi32>
        %add3A_947 = arith.addi %shift_right_arithmetic3A_143, %sub3A_946 : vector<16xi32>
        %lt3A_948 = arith.constant 96 : i32
        %lt3A_949 = vector.broadcast %lt3A_948 : i32 to vector<16xi32>
        %lt3A_950 = arith.cmpi ult, %add3A_940, %lt3A_949 : vector<16xi32>
        %lt3A_951 = arith.constant 64 : i32
        %lt3A_952 = vector.broadcast %lt3A_951 : i32 to vector<16xi32>
        %lt3A_953 = arith.cmpi ult, %add3A_947, %lt3A_952 : vector<16xi32>
        %and3A_954 = arith.andi %lt3A_950, %lt3A_953 : vector<16xi1>
        %mul3A_955 = arith.constant 96 : i32
        %mul3A_956 = vector.broadcast %mul3A_955 : i32 to vector<16xi32>
        %mul3A_957 = arith.muli %add3A_947, %mul3A_956 : vector<16xi32>
        %add3A_958 = arith.addi %mul3A_957, %add3A_940 : vector<16xi32>
        %jit3A_959 = arith.constant 6144 : i32
        %broadcast_in_dim3A_960 = vector.broadcast %jit3A_959 : i32 to vector<16xi32>
        %select_n3A_961 = arith.select %and3A_954, %add3A_958, %broadcast_in_dim3A_960 : vector<16xi1>, vector<16xi32>
        %gather3A_962 = tpu.vector_load_idx %arg7[%select_n3A_961] : memref<6160xf32, #tpu.memory_space<vmem>>[vector<16xi32>], vector<16xf32>,
        %gt3A_963 = arith.constant 1.000000e-03 : f32
        %gt3A_964 = vector.broadcast %gt3A_963 : f32 to vector<16xf32>
        %gt3A_965 = arith.cmpf ogt, %gather3A_962, %gt3A_964 : vector<16xf32>
        %and3A_966 = arith.constant 511 : i32
        %and3A_967 = vector.broadcast %and3A_966 : i32 to vector<16xi32>
        %and3A_968 = arith.andi %gather3A_541, %and3A_967 : vector<16xi32>
        %sub3A_969 = arith.constant 96 : i32
        %sub3A_970 = vector.broadcast %sub3A_969 : i32 to vector<16xi32>
        %sub3A_971 = arith.subi %and3A_968, %sub3A_970 : vector<16xi32>
        %add3A_972 = arith.addi %sub3A_147, %sub3A_971 : vector<16xi32>
        %shift_right_arithmetic3A_973 = arith.constant 9 : i32
        %shift_right_arithmetic3A_974 = vector.broadcast %shift_right_arithmetic3A_973 : i32 to vector<16xi32>
        %shift_right_arithmetic3A_975 = arith.shrsi %gather3A_541, %shift_right_arithmetic3A_974 : vector<16xi32>
        %sub3A_976 = arith.constant 64 : i32
        %sub3A_977 = vector.broadcast %sub3A_976 : i32 to vector<16xi32>
        %sub3A_978 = arith.subi %shift_right_arithmetic3A_975, %sub3A_977 : vector<16xi32>
        %add3A_979 = arith.addi %shift_right_arithmetic3A_143, %sub3A_978 : vector<16xi32>
        %lt3A_980 = arith.constant 96 : i32
        %lt3A_981 = vector.broadcast %lt3A_980 : i32 to vector<16xi32>
        %lt3A_982 = arith.cmpi ult, %add3A_972, %lt3A_981 : vector<16xi32>
        %lt3A_983 = arith.constant 64 : i32
        %lt3A_984 = vector.broadcast %lt3A_983 : i32 to vector<16xi32>
        %lt3A_985 = arith.cmpi ult, %add3A_979, %lt3A_984 : vector<16xi32>
        %and3A_986 = arith.andi %lt3A_982, %lt3A_985 : vector<16xi1>
        %mul3A_987 = arith.constant 96 : i32
        %mul3A_988 = vector.broadcast %mul3A_987 : i32 to vector<16xi32>
        %mul3A_989 = arith.muli %add3A_979, %mul3A_988 : vector<16xi32>
        %add3A_990 = arith.addi %mul3A_989, %add3A_972 : vector<16xi32>
        %jit3A_991 = arith.constant 6144 : i32
        %broadcast_in_dim3A_992 = vector.broadcast %jit3A_991 : i32 to vector<16xi32>
        %select_n3A_993 = arith.select %and3A_986, %add3A_990, %broadcast_in_dim3A_992 : vector<16xi1>, vector<16xi32>
        %gather3A_994 = tpu.vector_load_idx %arg7[%select_n3A_993] : memref<6160xf32, #tpu.memory_space<vmem>>[vector<16xi32>], vector<16xf32>,
        %gt3A_995 = arith.constant 1.000000e-03 : f32
        %gt3A_996 = vector.broadcast %gt3A_995 : f32 to vector<16xf32>
        %gt3A_997 = arith.cmpf ogt, %gather3A_994, %gt3A_996 : vector<16xf32>
        %and3A_998 = arith.constant 511 : i32
        %and3A_999 = vector.broadcast %and3A_998 : i32 to vector<16xi32>
        %and3A_1000 = arith.andi %gather3A_545, %and3A_999 : vector<16xi32>
        %sub3A_1001 = arith.constant 96 : i32
        %sub3A_1002 = vector.broadcast %sub3A_1001 : i32 to vector<16xi32>
        %sub3A_1003 = arith.subi %and3A_1000, %sub3A_1002 : vector<16xi32>
        %add3A_1004 = arith.addi %sub3A_147, %sub3A_1003 : vector<16xi32>
        %shift_right_arithmetic3A_1005 = arith.constant 9 : i32
        %shift_right_arithmetic3A_1006 = vector.broadcast %shift_right_arithmetic3A_1005 : i32 to vector<16xi32>
        %shift_right_arithmetic3A_1007 = arith.shrsi %gather3A_545, %shift_right_arithmetic3A_1006 : vector<16xi32>
        %sub3A_1008 = arith.constant 64 : i32
        %sub3A_1009 = vector.broadcast %sub3A_1008 : i32 to vector<16xi32>
        %sub3A_1010 = arith.subi %shift_right_arithmetic3A_1007, %sub3A_1009 : vector<16xi32>
        %add3A_1011 = arith.addi %shift_right_arithmetic3A_143, %sub3A_1010 : vector<16xi32>
        %lt3A_1012 = arith.constant 96 : i32
        %lt3A_1013 = vector.broadcast %lt3A_1012 : i32 to vector<16xi32>
        %lt3A_1014 = arith.cmpi ult, %add3A_1004, %lt3A_1013 : vector<16xi32>
        %lt3A_1015 = arith.constant 64 : i32
        %lt3A_1016 = vector.broadcast %lt3A_1015 : i32 to vector<16xi32>
        %lt3A_1017 = arith.cmpi ult, %add3A_1011, %lt3A_1016 : vector<16xi32>
        %and3A_1018 = arith.andi %lt3A_1014, %lt3A_1017 : vector<16xi1>
        %mul3A_1019 = arith.constant 96 : i32
        %mul3A_1020 = vector.broadcast %mul3A_1019 : i32 to vector<16xi32>
        %mul3A_1021 = arith.muli %add3A_1011, %mul3A_1020 : vector<16xi32>
        %add3A_1022 = arith.addi %mul3A_1021, %add3A_1004 : vector<16xi32>
        %jit3A_1023 = arith.constant 6144 : i32
        %broadcast_in_dim3A_1024 = vector.broadcast %jit3A_1023 : i32 to vector<16xi32>
        %select_n3A_1025 = arith.select %and3A_1018, %add3A_1022, %broadcast_in_dim3A_1024 : vector<16xi1>, vector<16xi32>
        %gather3A_1026 = tpu.vector_load_idx %arg7[%select_n3A_1025] : memref<6160xf32, #tpu.memory_space<vmem>>[vector<16xi32>], vector<16xf32>,
        %gt3A_1027 = arith.constant 1.000000e-03 : f32
        %gt3A_1028 = vector.broadcast %gt3A_1027 : f32 to vector<16xf32>
        %gt3A_1029 = arith.cmpf ogt, %gather3A_1026, %gt3A_1028 : vector<16xf32>
        %and3A_1030 = arith.constant 511 : i32
        %and3A_1031 = vector.broadcast %and3A_1030 : i32 to vector<16xi32>
        %and3A_1032 = arith.andi %gather3A_549, %and3A_1031 : vector<16xi32>
        %sub3A_1033 = arith.constant 96 : i32
        %sub3A_1034 = vector.broadcast %sub3A_1033 : i32 to vector<16xi32>
        %sub3A_1035 = arith.subi %and3A_1032, %sub3A_1034 : vector<16xi32>
        %add3A_1036 = arith.addi %sub3A_147, %sub3A_1035 : vector<16xi32>
        %shift_right_arithmetic3A_1037 = arith.constant 9 : i32
        %shift_right_arithmetic3A_1038 = vector.broadcast %shift_right_arithmetic3A_1037 : i32 to vector<16xi32>
        %shift_right_arithmetic3A_1039 = arith.shrsi %gather3A_549, %shift_right_arithmetic3A_1038 : vector<16xi32>
        %sub3A_1040 = arith.constant 64 : i32
        %sub3A_1041 = vector.broadcast %sub3A_1040 : i32 to vector<16xi32>
        %sub3A_1042 = arith.subi %shift_right_arithmetic3A_1039, %sub3A_1041 : vector<16xi32>
        %add3A_1043 = arith.addi %shift_right_arithmetic3A_143, %sub3A_1042 : vector<16xi32>
        %lt3A_1044 = arith.constant 96 : i32
        %lt3A_1045 = vector.broadcast %lt3A_1044 : i32 to vector<16xi32>
        %lt3A_1046 = arith.cmpi ult, %add3A_1036, %lt3A_1045 : vector<16xi32>
        %lt3A_1047 = arith.constant 64 : i32
        %lt3A_1048 = vector.broadcast %lt3A_1047 : i32 to vector<16xi32>
        %lt3A_1049 = arith.cmpi ult, %add3A_1043, %lt3A_1048 : vector<16xi32>
        %and3A_1050 = arith.andi %lt3A_1046, %lt3A_1049 : vector<16xi1>
        %mul3A_1051 = arith.constant 96 : i32
        %mul3A_1052 = vector.broadcast %mul3A_1051 : i32 to vector<16xi32>
        %mul3A_1053 = arith.muli %add3A_1043, %mul3A_1052 : vector<16xi32>
        %add3A_1054 = arith.addi %mul3A_1053, %add3A_1036 : vector<16xi32>
        %jit3A_1055 = arith.constant 6144 : i32
        %broadcast_in_dim3A_1056 = vector.broadcast %jit3A_1055 : i32 to vector<16xi32>
        %select_n3A_1057 = arith.select %and3A_1050, %add3A_1054, %broadcast_in_dim3A_1056 : vector<16xi1>, vector<16xi32>
        %gather3A_1058 = tpu.vector_load_idx %arg7[%select_n3A_1057] : memref<6160xf32, #tpu.memory_space<vmem>>[vector<16xi32>], vector<16xf32>,
        %gt3A_1059 = arith.constant 1.000000e-03 : f32
        %gt3A_1060 = vector.broadcast %gt3A_1059 : f32 to vector<16xf32>
        %gt3A_1061 = arith.cmpf ogt, %gather3A_1058, %gt3A_1060 : vector<16xf32>
        tpu.vector_store_idx %arg8[%while3A_483, %add3A_136], %add3A_574 masked %gt3A_581 : memref<9x768xi32, #tpu.memory_space<vmem>>[vector<16xi32>, vector<16xi32>], vector<16xi32>, vector<16xi1>
        %jit3A_1062 = arith.constant 1 : i32
        %jit3A_1063 = arith.constant 0 : i32
        %broadcast_in_dim3A_1064 = vector.broadcast %jit3A_1062 : i32 to vector<16xi32>
        %broadcast_in_dim3A_1065 = vector.broadcast %jit3A_1063 : i32 to vector<16xi32>
        %select_n3A_1066 = arith.select %gt3A_581, %broadcast_in_dim3A_1064, %broadcast_in_dim3A_1065 : vector<16xi1>, vector<16xi32>
        %add3A_1067 = arith.addi %while3A_483, %select_n3A_1066 : vector<16xi32>
        %min3A = arith.constant 8 : i32
        %min3A_1068 = vector.broadcast %min3A : i32 to vector<16xi32>
        %min3A_1069 = arith.minsi %add3A_1067, %min3A_1068 : vector<16xi32>
        tpu.vector_store_idx %arg8[%min3A_1069, %add3A_136], %add3A_606 masked %gt3A_613 : memref<9x768xi32, #tpu.memory_space<vmem>>[vector<16xi32>, vector<16xi32>], vector<16xi32>, vector<16xi1>
        %jit3A_1070 = arith.constant 1 : i32
        %jit3A_1071 = arith.constant 0 : i32
        %broadcast_in_dim3A_1072 = vector.broadcast %jit3A_1070 : i32 to vector<16xi32>
        %broadcast_in_dim3A_1073 = vector.broadcast %jit3A_1071 : i32 to vector<16xi32>
        %select_n3A_1074 = arith.select %gt3A_613, %broadcast_in_dim3A_1072, %broadcast_in_dim3A_1073 : vector<16xi1>, vector<16xi32>
        %add3A_1075 = arith.addi %min3A_1069, %select_n3A_1074 : vector<16xi32>
        %min3A_1076 = arith.constant 8 : i32
        %min3A_1077 = vector.broadcast %min3A_1076 : i32 to vector<16xi32>
        %min3A_1078 = arith.minsi %add3A_1075, %min3A_1077 : vector<16xi32>
        tpu.vector_store_idx %arg8[%min3A_1078, %add3A_136], %add3A_638 masked %gt3A_645 : memref<9x768xi32, #tpu.memory_space<vmem>>[vector<16xi32>, vector<16xi32>], vector<16xi32>, vector<16xi1>
        %jit3A_1079 = arith.constant 1 : i32
        %jit3A_1080 = arith.constant 0 : i32
        %broadcast_in_dim3A_1081 = vector.broadcast %jit3A_1079 : i32 to vector<16xi32>
        %broadcast_in_dim3A_1082 = vector.broadcast %jit3A_1080 : i32 to vector<16xi32>
        %select_n3A_1083 = arith.select %gt3A_645, %broadcast_in_dim3A_1081, %broadcast_in_dim3A_1082 : vector<16xi1>, vector<16xi32>
        %add3A_1084 = arith.addi %min3A_1078, %select_n3A_1083 : vector<16xi32>
        %min3A_1085 = arith.constant 8 : i32
        %min3A_1086 = vector.broadcast %min3A_1085 : i32 to vector<16xi32>
        %min3A_1087 = arith.minsi %add3A_1084, %min3A_1086 : vector<16xi32>
        tpu.vector_store_idx %arg8[%min3A_1087, %add3A_136], %add3A_670 masked %gt3A_677 : memref<9x768xi32, #tpu.memory_space<vmem>>[vector<16xi32>, vector<16xi32>], vector<16xi32>, vector<16xi1>
        %jit3A_1088 = arith.constant 1 : i32
        %jit3A_1089 = arith.constant 0 : i32
        %broadcast_in_dim3A_1090 = vector.broadcast %jit3A_1088 : i32 to vector<16xi32>
        %broadcast_in_dim3A_1091 = vector.broadcast %jit3A_1089 : i32 to vector<16xi32>
        %select_n3A_1092 = arith.select %gt3A_677, %broadcast_in_dim3A_1090, %broadcast_in_dim3A_1091 : vector<16xi1>, vector<16xi32>
        %add3A_1093 = arith.addi %min3A_1087, %select_n3A_1092 : vector<16xi32>
        %min3A_1094 = arith.constant 8 : i32
        %min3A_1095 = vector.broadcast %min3A_1094 : i32 to vector<16xi32>
        %min3A_1096 = arith.minsi %add3A_1093, %min3A_1095 : vector<16xi32>
        tpu.vector_store_idx %arg8[%min3A_1096, %add3A_136], %add3A_702 masked %gt3A_709 : memref<9x768xi32, #tpu.memory_space<vmem>>[vector<16xi32>, vector<16xi32>], vector<16xi32>, vector<16xi1>
        %jit3A_1097 = arith.constant 1 : i32
        %jit3A_1098 = arith.constant 0 : i32
        %broadcast_in_dim3A_1099 = vector.broadcast %jit3A_1097 : i32 to vector<16xi32>
        %broadcast_in_dim3A_1100 = vector.broadcast %jit3A_1098 : i32 to vector<16xi32>
        %select_n3A_1101 = arith.select %gt3A_709, %broadcast_in_dim3A_1099, %broadcast_in_dim3A_1100 : vector<16xi1>, vector<16xi32>
        %add3A_1102 = arith.addi %min3A_1096, %select_n3A_1101 : vector<16xi32>
        %min3A_1103 = arith.constant 8 : i32
        %min3A_1104 = vector.broadcast %min3A_1103 : i32 to vector<16xi32>
        %min3A_1105 = arith.minsi %add3A_1102, %min3A_1104 : vector<16xi32>
        tpu.vector_store_idx %arg8[%min3A_1105, %add3A_136], %add3A_734 masked %gt3A_741 : memref<9x768xi32, #tpu.memory_space<vmem>>[vector<16xi32>, vector<16xi32>], vector<16xi32>, vector<16xi1>
        %jit3A_1106 = arith.constant 1 : i32
        %jit3A_1107 = arith.constant 0 : i32
        %broadcast_in_dim3A_1108 = vector.broadcast %jit3A_1106 : i32 to vector<16xi32>
        %broadcast_in_dim3A_1109 = vector.broadcast %jit3A_1107 : i32 to vector<16xi32>
        %select_n3A_1110 = arith.select %gt3A_741, %broadcast_in_dim3A_1108, %broadcast_in_dim3A_1109 : vector<16xi1>, vector<16xi32>
        %add3A_1111 = arith.addi %min3A_1105, %select_n3A_1110 : vector<16xi32>
        %min3A_1112 = arith.constant 8 : i32
        %min3A_1113 = vector.broadcast %min3A_1112 : i32 to vector<16xi32>
        %min3A_1114 = arith.minsi %add3A_1111, %min3A_1113 : vector<16xi32>
        tpu.vector_store_idx %arg8[%min3A_1114, %add3A_136], %add3A_766 masked %gt3A_773 : memref<9x768xi32, #tpu.memory_space<vmem>>[vector<16xi32>, vector<16xi32>], vector<16xi32>, vector<16xi1>
        %jit3A_1115 = arith.constant 1 : i32
        %jit3A_1116 = arith.constant 0 : i32
        %broadcast_in_dim3A_1117 = vector.broadcast %jit3A_1115 : i32 to vector<16xi32>
        %broadcast_in_dim3A_1118 = vector.broadcast %jit3A_1116 : i32 to vector<16xi32>
        %select_n3A_1119 = arith.select %gt3A_773, %broadcast_in_dim3A_1117, %broadcast_in_dim3A_1118 : vector<16xi1>, vector<16xi32>
        %add3A_1120 = arith.addi %min3A_1114, %select_n3A_1119 : vector<16xi32>
        %min3A_1121 = arith.constant 8 : i32
        %min3A_1122 = vector.broadcast %min3A_1121 : i32 to vector<16xi32>
        %min3A_1123 = arith.minsi %add3A_1120, %min3A_1122 : vector<16xi32>
        tpu.vector_store_idx %arg8[%min3A_1123, %add3A_136], %add3A_798 masked %gt3A_805 : memref<9x768xi32, #tpu.memory_space<vmem>>[vector<16xi32>, vector<16xi32>], vector<16xi32>, vector<16xi1>
        %jit3A_1124 = arith.constant 1 : i32
        %jit3A_1125 = arith.constant 0 : i32
        %broadcast_in_dim3A_1126 = vector.broadcast %jit3A_1124 : i32 to vector<16xi32>
        %broadcast_in_dim3A_1127 = vector.broadcast %jit3A_1125 : i32 to vector<16xi32>
        %select_n3A_1128 = arith.select %gt3A_805, %broadcast_in_dim3A_1126, %broadcast_in_dim3A_1127 : vector<16xi1>, vector<16xi32>
        %add3A_1129 = arith.addi %min3A_1123, %select_n3A_1128 : vector<16xi32>
        %min3A_1130 = arith.constant 8 : i32
        %min3A_1131 = vector.broadcast %min3A_1130 : i32 to vector<16xi32>
        %min3A_1132 = arith.minsi %add3A_1129, %min3A_1131 : vector<16xi32>
        tpu.vector_store_idx %arg8[%min3A_1132, %add3A_136], %add3A_830 masked %gt3A_837 : memref<9x768xi32, #tpu.memory_space<vmem>>[vector<16xi32>, vector<16xi32>], vector<16xi32>, vector<16xi1>
        %jit3A_1133 = arith.constant 1 : i32
        %jit3A_1134 = arith.constant 0 : i32
        %broadcast_in_dim3A_1135 = vector.broadcast %jit3A_1133 : i32 to vector<16xi32>
        %broadcast_in_dim3A_1136 = vector.broadcast %jit3A_1134 : i32 to vector<16xi32>
        %select_n3A_1137 = arith.select %gt3A_837, %broadcast_in_dim3A_1135, %broadcast_in_dim3A_1136 : vector<16xi1>, vector<16xi32>
        %add3A_1138 = arith.addi %min3A_1132, %select_n3A_1137 : vector<16xi32>
        %min3A_1139 = arith.constant 8 : i32
        %min3A_1140 = vector.broadcast %min3A_1139 : i32 to vector<16xi32>
        %min3A_1141 = arith.minsi %add3A_1138, %min3A_1140 : vector<16xi32>
        tpu.vector_store_idx %arg8[%min3A_1141, %add3A_136], %add3A_862 masked %gt3A_869 : memref<9x768xi32, #tpu.memory_space<vmem>>[vector<16xi32>, vector<16xi32>], vector<16xi32>, vector<16xi1>
        %jit3A_1142 = arith.constant 1 : i32
        %jit3A_1143 = arith.constant 0 : i32
        %broadcast_in_dim3A_1144 = vector.broadcast %jit3A_1142 : i32 to vector<16xi32>
        %broadcast_in_dim3A_1145 = vector.broadcast %jit3A_1143 : i32 to vector<16xi32>
        %select_n3A_1146 = arith.select %gt3A_869, %broadcast_in_dim3A_1144, %broadcast_in_dim3A_1145 : vector<16xi1>, vector<16xi32>
        %add3A_1147 = arith.addi %min3A_1141, %select_n3A_1146 : vector<16xi32>
        %min3A_1148 = arith.constant 8 : i32
        %min3A_1149 = vector.broadcast %min3A_1148 : i32 to vector<16xi32>
        %min3A_1150 = arith.minsi %add3A_1147, %min3A_1149 : vector<16xi32>
        tpu.vector_store_idx %arg8[%min3A_1150, %add3A_136], %add3A_894 masked %gt3A_901 : memref<9x768xi32, #tpu.memory_space<vmem>>[vector<16xi32>, vector<16xi32>], vector<16xi32>, vector<16xi1>
        %jit3A_1151 = arith.constant 1 : i32
        %jit3A_1152 = arith.constant 0 : i32
        %broadcast_in_dim3A_1153 = vector.broadcast %jit3A_1151 : i32 to vector<16xi32>
        %broadcast_in_dim3A_1154 = vector.broadcast %jit3A_1152 : i32 to vector<16xi32>
        %select_n3A_1155 = arith.select %gt3A_901, %broadcast_in_dim3A_1153, %broadcast_in_dim3A_1154 : vector<16xi1>, vector<16xi32>
        %add3A_1156 = arith.addi %min3A_1150, %select_n3A_1155 : vector<16xi32>
        %min3A_1157 = arith.constant 8 : i32
        %min3A_1158 = vector.broadcast %min3A_1157 : i32 to vector<16xi32>
        %min3A_1159 = arith.minsi %add3A_1156, %min3A_1158 : vector<16xi32>
        tpu.vector_store_idx %arg8[%min3A_1159, %add3A_136], %add3A_926 masked %gt3A_933 : memref<9x768xi32, #tpu.memory_space<vmem>>[vector<16xi32>, vector<16xi32>], vector<16xi32>, vector<16xi1>
        %jit3A_1160 = arith.constant 1 : i32
        %jit3A_1161 = arith.constant 0 : i32
        %broadcast_in_dim3A_1162 = vector.broadcast %jit3A_1160 : i32 to vector<16xi32>
        %broadcast_in_dim3A_1163 = vector.broadcast %jit3A_1161 : i32 to vector<16xi32>
        %select_n3A_1164 = arith.select %gt3A_933, %broadcast_in_dim3A_1162, %broadcast_in_dim3A_1163 : vector<16xi1>, vector<16xi32>
        %add3A_1165 = arith.addi %min3A_1159, %select_n3A_1164 : vector<16xi32>
        %min3A_1166 = arith.constant 8 : i32
        %min3A_1167 = vector.broadcast %min3A_1166 : i32 to vector<16xi32>
        %min3A_1168 = arith.minsi %add3A_1165, %min3A_1167 : vector<16xi32>
        tpu.vector_store_idx %arg8[%min3A_1168, %add3A_136], %add3A_958 masked %gt3A_965 : memref<9x768xi32, #tpu.memory_space<vmem>>[vector<16xi32>, vector<16xi32>], vector<16xi32>, vector<16xi1>
        %jit3A_1169 = arith.constant 1 : i32
        %jit3A_1170 = arith.constant 0 : i32
        %broadcast_in_dim3A_1171 = vector.broadcast %jit3A_1169 : i32 to vector<16xi32>
        %broadcast_in_dim3A_1172 = vector.broadcast %jit3A_1170 : i32 to vector<16xi32>
        %select_n3A_1173 = arith.select %gt3A_965, %broadcast_in_dim3A_1171, %broadcast_in_dim3A_1172 : vector<16xi1>, vector<16xi32>
        %add3A_1174 = arith.addi %min3A_1168, %select_n3A_1173 : vector<16xi32>
        %min3A_1175 = arith.constant 8 : i32
        %min3A_1176 = vector.broadcast %min3A_1175 : i32 to vector<16xi32>
        %min3A_1177 = arith.minsi %add3A_1174, %min3A_1176 : vector<16xi32>
        tpu.vector_store_idx %arg8[%min3A_1177, %add3A_136], %add3A_990 masked %gt3A_997 : memref<9x768xi32, #tpu.memory_space<vmem>>[vector<16xi32>, vector<16xi32>], vector<16xi32>, vector<16xi1>
        %jit3A_1178 = arith.constant 1 : i32
        %jit3A_1179 = arith.constant 0 : i32
        %broadcast_in_dim3A_1180 = vector.broadcast %jit3A_1178 : i32 to vector<16xi32>
        %broadcast_in_dim3A_1181 = vector.broadcast %jit3A_1179 : i32 to vector<16xi32>
        %select_n3A_1182 = arith.select %gt3A_997, %broadcast_in_dim3A_1180, %broadcast_in_dim3A_1181 : vector<16xi1>, vector<16xi32>
        %add3A_1183 = arith.addi %min3A_1177, %select_n3A_1182 : vector<16xi32>
        %min3A_1184 = arith.constant 8 : i32
        %min3A_1185 = vector.broadcast %min3A_1184 : i32 to vector<16xi32>
        %min3A_1186 = arith.minsi %add3A_1183, %min3A_1185 : vector<16xi32>
        tpu.vector_store_idx %arg8[%min3A_1186, %add3A_136], %add3A_1022 masked %gt3A_1029 : memref<9x768xi32, #tpu.memory_space<vmem>>[vector<16xi32>, vector<16xi32>], vector<16xi32>, vector<16xi1>
        %jit3A_1187 = arith.constant 1 : i32
        %jit3A_1188 = arith.constant 0 : i32
        %broadcast_in_dim3A_1189 = vector.broadcast %jit3A_1187 : i32 to vector<16xi32>
        %broadcast_in_dim3A_1190 = vector.broadcast %jit3A_1188 : i32 to vector<16xi32>
        %select_n3A_1191 = arith.select %gt3A_1029, %broadcast_in_dim3A_1189, %broadcast_in_dim3A_1190 : vector<16xi1>, vector<16xi32>
        %add3A_1192 = arith.addi %min3A_1186, %select_n3A_1191 : vector<16xi32>
        %min3A_1193 = arith.constant 8 : i32
        %min3A_1194 = vector.broadcast %min3A_1193 : i32 to vector<16xi32>
        %min3A_1195 = arith.minsi %add3A_1192, %min3A_1194 : vector<16xi32>
        tpu.vector_store_idx %arg8[%min3A_1195, %add3A_136], %add3A_1054 masked %gt3A_1061 : memref<9x768xi32, #tpu.memory_space<vmem>>[vector<16xi32>, vector<16xi32>], vector<16xi32>, vector<16xi1>
        %jit3A_1196 = arith.constant 1 : i32
        %jit3A_1197 = arith.constant 0 : i32
        %broadcast_in_dim3A_1198 = vector.broadcast %jit3A_1196 : i32 to vector<16xi32>
        %broadcast_in_dim3A_1199 = vector.broadcast %jit3A_1197 : i32 to vector<16xi32>
        %select_n3A_1200 = arith.select %gt3A_1061, %broadcast_in_dim3A_1198, %broadcast_in_dim3A_1199 : vector<16xi1>, vector<16xi32>
        %add3A_1201 = arith.addi %min3A_1195, %select_n3A_1200 : vector<16xi32>
        %min3A_1202 = arith.constant 8 : i32
        %min3A_1203 = vector.broadcast %min3A_1202 : i32 to vector<16xi32>
        %min3A_1204 = arith.minsi %add3A_1201, %min3A_1203 : vector<16xi32>
        scf.yield %min3A_1204 : vector<16xi32>
      }
      %while3A_223 = arith.constant 1 : i32
      %while3A_224 = scf.for %while3A_482 = %while3A_220 to %while3A_216 step %while3A_223 iter_args(%while3A_483 = %while3A_222) -> (vector<16xi32>)  : i32 {
        %mul3A_484 = arith.constant 16 : i32
        %mul3A_485 = arith.muli %while3A_482, %mul3A_484 : i32
        %broadcast_in_dim3A_486 = vector.broadcast %mul3A_485 : i32 to vector<16xi32>
        %add3A_487 = arith.constant 0 : i32
        %add3A_488 = vector.broadcast %add3A_487 : i32 to vector<16xi32>
        %add3A_489 = arith.addi %broadcast_in_dim3A_486, %add3A_488 : vector<16xi32>
        %gather3A = tpu.vector_load_idx %arg6[%add3A_489] : memref<24272xi32, #tpu.memory_space<vmem>>[vector<16xi32>], vector<16xi32>,
        %add3A_490 = arith.constant 1 : i32
        %add3A_491 = vector.broadcast %add3A_490 : i32 to vector<16xi32>
        %add3A_492 = arith.addi %broadcast_in_dim3A_486, %add3A_491 : vector<16xi32>
        %gather3A_493 = tpu.vector_load_idx %arg6[%add3A_492] : memref<24272xi32, #tpu.memory_space<vmem>>[vector<16xi32>], vector<16xi32>,
        %add3A_494 = arith.constant 2 : i32
        %add3A_495 = vector.broadcast %add3A_494 : i32 to vector<16xi32>
        %add3A_496 = arith.addi %broadcast_in_dim3A_486, %add3A_495 : vector<16xi32>
        %gather3A_497 = tpu.vector_load_idx %arg6[%add3A_496] : memref<24272xi32, #tpu.memory_space<vmem>>[vector<16xi32>], vector<16xi32>,
        %add3A_498 = arith.constant 3 : i32
        %add3A_499 = vector.broadcast %add3A_498 : i32 to vector<16xi32>
        %add3A_500 = arith.addi %broadcast_in_dim3A_486, %add3A_499 : vector<16xi32>
        %gather3A_501 = tpu.vector_load_idx %arg6[%add3A_500] : memref<24272xi32, #tpu.memory_space<vmem>>[vector<16xi32>], vector<16xi32>,
        %add3A_502 = arith.constant 4 : i32
        %add3A_503 = vector.broadcast %add3A_502 : i32 to vector<16xi32>
        %add3A_504 = arith.addi %broadcast_in_dim3A_486, %add3A_503 : vector<16xi32>
        %gather3A_505 = tpu.vector_load_idx %arg6[%add3A_504] : memref<24272xi32, #tpu.memory_space<vmem>>[vector<16xi32>], vector<16xi32>,
        %add3A_506 = arith.constant 5 : i32
        %add3A_507 = vector.broadcast %add3A_506 : i32 to vector<16xi32>
        %add3A_508 = arith.addi %broadcast_in_dim3A_486, %add3A_507 : vector<16xi32>
        %gather3A_509 = tpu.vector_load_idx %arg6[%add3A_508] : memref<24272xi32, #tpu.memory_space<vmem>>[vector<16xi32>], vector<16xi32>,
        %add3A_510 = arith.constant 6 : i32
        %add3A_511 = vector.broadcast %add3A_510 : i32 to vector<16xi32>
        %add3A_512 = arith.addi %broadcast_in_dim3A_486, %add3A_511 : vector<16xi32>
        %gather3A_513 = tpu.vector_load_idx %arg6[%add3A_512] : memref<24272xi32, #tpu.memory_space<vmem>>[vector<16xi32>], vector<16xi32>,
        %add3A_514 = arith.constant 7 : i32
        %add3A_515 = vector.broadcast %add3A_514 : i32 to vector<16xi32>
        %add3A_516 = arith.addi %broadcast_in_dim3A_486, %add3A_515 : vector<16xi32>
        %gather3A_517 = tpu.vector_load_idx %arg6[%add3A_516] : memref<24272xi32, #tpu.memory_space<vmem>>[vector<16xi32>], vector<16xi32>,
        %add3A_518 = arith.constant 8 : i32
        %add3A_519 = vector.broadcast %add3A_518 : i32 to vector<16xi32>
        %add3A_520 = arith.addi %broadcast_in_dim3A_486, %add3A_519 : vector<16xi32>
        %gather3A_521 = tpu.vector_load_idx %arg6[%add3A_520] : memref<24272xi32, #tpu.memory_space<vmem>>[vector<16xi32>], vector<16xi32>,
        %add3A_522 = arith.constant 9 : i32
        %add3A_523 = vector.broadcast %add3A_522 : i32 to vector<16xi32>
        %add3A_524 = arith.addi %broadcast_in_dim3A_486, %add3A_523 : vector<16xi32>
        %gather3A_525 = tpu.vector_load_idx %arg6[%add3A_524] : memref<24272xi32, #tpu.memory_space<vmem>>[vector<16xi32>], vector<16xi32>,
        %add3A_526 = arith.constant 10 : i32
        %add3A_527 = vector.broadcast %add3A_526 : i32 to vector<16xi32>
        %add3A_528 = arith.addi %broadcast_in_dim3A_486, %add3A_527 : vector<16xi32>
        %gather3A_529 = tpu.vector_load_idx %arg6[%add3A_528] : memref<24272xi32, #tpu.memory_space<vmem>>[vector<16xi32>], vector<16xi32>,
        %add3A_530 = arith.constant 11 : i32
        %add3A_531 = vector.broadcast %add3A_530 : i32 to vector<16xi32>
        %add3A_532 = arith.addi %broadcast_in_dim3A_486, %add3A_531 : vector<16xi32>
        %gather3A_533 = tpu.vector_load_idx %arg6[%add3A_532] : memref<24272xi32, #tpu.memory_space<vmem>>[vector<16xi32>], vector<16xi32>,
        %add3A_534 = arith.constant 12 : i32
        %add3A_535 = vector.broadcast %add3A_534 : i32 to vector<16xi32>
        %add3A_536 = arith.addi %broadcast_in_dim3A_486, %add3A_535 : vector<16xi32>
        %gather3A_537 = tpu.vector_load_idx %arg6[%add3A_536] : memref<24272xi32, #tpu.memory_space<vmem>>[vector<16xi32>], vector<16xi32>,
        %add3A_538 = arith.constant 13 : i32
        %add3A_539 = vector.broadcast %add3A_538 : i32 to vector<16xi32>
        %add3A_540 = arith.addi %broadcast_in_dim3A_486, %add3A_539 : vector<16xi32>
        %gather3A_541 = tpu.vector_load_idx %arg6[%add3A_540] : memref<24272xi32, #tpu.memory_space<vmem>>[vector<16xi32>], vector<16xi32>,
        %add3A_542 = arith.constant 14 : i32
        %add3A_543 = vector.broadcast %add3A_542 : i32 to vector<16xi32>
        %add3A_544 = arith.addi %broadcast_in_dim3A_486, %add3A_543 : vector<16xi32>
        %gather3A_545 = tpu.vector_load_idx %arg6[%add3A_544] : memref<24272xi32, #tpu.memory_space<vmem>>[vector<16xi32>], vector<16xi32>,
        %add3A_546 = arith.constant 15 : i32
        %add3A_547 = vector.broadcast %add3A_546 : i32 to vector<16xi32>
        %add3A_548 = arith.addi %broadcast_in_dim3A_486, %add3A_547 : vector<16xi32>
        %gather3A_549 = tpu.vector_load_idx %arg6[%add3A_548] : memref<24272xi32, #tpu.memory_space<vmem>>[vector<16xi32>], vector<16xi32>,
        %and3A_550 = arith.constant 511 : i32
        %and3A_551 = vector.broadcast %and3A_550 : i32 to vector<16xi32>
        %and3A_552 = arith.andi %gather3A, %and3A_551 : vector<16xi32>
        %sub3A_553 = arith.constant 96 : i32
        %sub3A_554 = vector.broadcast %sub3A_553 : i32 to vector<16xi32>
        %sub3A_555 = arith.subi %and3A_552, %sub3A_554 : vector<16xi32>
        %add3A_556 = arith.addi %sub3A_147, %sub3A_555 : vector<16xi32>
        %shift_right_arithmetic3A_557 = arith.constant 9 : i32
        %shift_right_arithmetic3A_558 = vector.broadcast %shift_right_arithmetic3A_557 : i32 to vector<16xi32>
        %shift_right_arithmetic3A_559 = arith.shrsi %gather3A, %shift_right_arithmetic3A_558 : vector<16xi32>
        %sub3A_560 = arith.constant 64 : i32
        %sub3A_561 = vector.broadcast %sub3A_560 : i32 to vector<16xi32>
        %sub3A_562 = arith.subi %shift_right_arithmetic3A_559, %sub3A_561 : vector<16xi32>
        %add3A_563 = arith.addi %shift_right_arithmetic3A_143, %sub3A_562 : vector<16xi32>
        %lt3A_564 = arith.constant 96 : i32
        %lt3A_565 = vector.broadcast %lt3A_564 : i32 to vector<16xi32>
        %lt3A_566 = arith.cmpi ult, %add3A_556, %lt3A_565 : vector<16xi32>
        %lt3A_567 = arith.constant 64 : i32
        %lt3A_568 = vector.broadcast %lt3A_567 : i32 to vector<16xi32>
        %lt3A_569 = arith.cmpi ult, %add3A_563, %lt3A_568 : vector<16xi32>
        %and3A_570 = arith.andi %lt3A_566, %lt3A_569 : vector<16xi1>
        %mul3A_571 = arith.constant 96 : i32
        %mul3A_572 = vector.broadcast %mul3A_571 : i32 to vector<16xi32>
        %mul3A_573 = arith.muli %add3A_563, %mul3A_572 : vector<16xi32>
        %add3A_574 = arith.addi %mul3A_573, %add3A_556 : vector<16xi32>
        %jit3A_575 = arith.constant 6144 : i32
        %broadcast_in_dim3A_576 = vector.broadcast %jit3A_575 : i32 to vector<16xi32>
        %select_n3A_577 = arith.select %and3A_570, %add3A_574, %broadcast_in_dim3A_576 : vector<16xi1>, vector<16xi32>
        %gather3A_578 = tpu.vector_load_idx %arg7[%select_n3A_577] : memref<6160xf32, #tpu.memory_space<vmem>>[vector<16xi32>], vector<16xf32>,
        %gt3A_579 = arith.constant 1.000000e-03 : f32
        %gt3A_580 = vector.broadcast %gt3A_579 : f32 to vector<16xf32>
        %gt3A_581 = arith.cmpf ogt, %gather3A_578, %gt3A_580 : vector<16xf32>
        %and3A_582 = arith.constant 511 : i32
        %and3A_583 = vector.broadcast %and3A_582 : i32 to vector<16xi32>
        %and3A_584 = arith.andi %gather3A_493, %and3A_583 : vector<16xi32>
        %sub3A_585 = arith.constant 96 : i32
        %sub3A_586 = vector.broadcast %sub3A_585 : i32 to vector<16xi32>
        %sub3A_587 = arith.subi %and3A_584, %sub3A_586 : vector<16xi32>
        %add3A_588 = arith.addi %sub3A_147, %sub3A_587 : vector<16xi32>
        %shift_right_arithmetic3A_589 = arith.constant 9 : i32
        %shift_right_arithmetic3A_590 = vector.broadcast %shift_right_arithmetic3A_589 : i32 to vector<16xi32>
        %shift_right_arithmetic3A_591 = arith.shrsi %gather3A_493, %shift_right_arithmetic3A_590 : vector<16xi32>
        %sub3A_592 = arith.constant 64 : i32
        %sub3A_593 = vector.broadcast %sub3A_592 : i32 to vector<16xi32>
        %sub3A_594 = arith.subi %shift_right_arithmetic3A_591, %sub3A_593 : vector<16xi32>
        %add3A_595 = arith.addi %shift_right_arithmetic3A_143, %sub3A_594 : vector<16xi32>
        %lt3A_596 = arith.constant 96 : i32
        %lt3A_597 = vector.broadcast %lt3A_596 : i32 to vector<16xi32>
        %lt3A_598 = arith.cmpi ult, %add3A_588, %lt3A_597 : vector<16xi32>
        %lt3A_599 = arith.constant 64 : i32
        %lt3A_600 = vector.broadcast %lt3A_599 : i32 to vector<16xi32>
        %lt3A_601 = arith.cmpi ult, %add3A_595, %lt3A_600 : vector<16xi32>
        %and3A_602 = arith.andi %lt3A_598, %lt3A_601 : vector<16xi1>
        %mul3A_603 = arith.constant 96 : i32
        %mul3A_604 = vector.broadcast %mul3A_603 : i32 to vector<16xi32>
        %mul3A_605 = arith.muli %add3A_595, %mul3A_604 : vector<16xi32>
        %add3A_606 = arith.addi %mul3A_605, %add3A_588 : vector<16xi32>
        %jit3A_607 = arith.constant 6144 : i32
        %broadcast_in_dim3A_608 = vector.broadcast %jit3A_607 : i32 to vector<16xi32>
        %select_n3A_609 = arith.select %and3A_602, %add3A_606, %broadcast_in_dim3A_608 : vector<16xi1>, vector<16xi32>
        %gather3A_610 = tpu.vector_load_idx %arg7[%select_n3A_609] : memref<6160xf32, #tpu.memory_space<vmem>>[vector<16xi32>], vector<16xf32>,
        %gt3A_611 = arith.constant 1.000000e-03 : f32
        %gt3A_612 = vector.broadcast %gt3A_611 : f32 to vector<16xf32>
        %gt3A_613 = arith.cmpf ogt, %gather3A_610, %gt3A_612 : vector<16xf32>
        %and3A_614 = arith.constant 511 : i32
        %and3A_615 = vector.broadcast %and3A_614 : i32 to vector<16xi32>
        %and3A_616 = arith.andi %gather3A_497, %and3A_615 : vector<16xi32>
        %sub3A_617 = arith.constant 96 : i32
        %sub3A_618 = vector.broadcast %sub3A_617 : i32 to vector<16xi32>
        %sub3A_619 = arith.subi %and3A_616, %sub3A_618 : vector<16xi32>
        %add3A_620 = arith.addi %sub3A_147, %sub3A_619 : vector<16xi32>
        %shift_right_arithmetic3A_621 = arith.constant 9 : i32
        %shift_right_arithmetic3A_622 = vector.broadcast %shift_right_arithmetic3A_621 : i32 to vector<16xi32>
        %shift_right_arithmetic3A_623 = arith.shrsi %gather3A_497, %shift_right_arithmetic3A_622 : vector<16xi32>
        %sub3A_624 = arith.constant 64 : i32
        %sub3A_625 = vector.broadcast %sub3A_624 : i32 to vector<16xi32>
        %sub3A_626 = arith.subi %shift_right_arithmetic3A_623, %sub3A_625 : vector<16xi32>
        %add3A_627 = arith.addi %shift_right_arithmetic3A_143, %sub3A_626 : vector<16xi32>
        %lt3A_628 = arith.constant 96 : i32
        %lt3A_629 = vector.broadcast %lt3A_628 : i32 to vector<16xi32>
        %lt3A_630 = arith.cmpi ult, %add3A_620, %lt3A_629 : vector<16xi32>
        %lt3A_631 = arith.constant 64 : i32
        %lt3A_632 = vector.broadcast %lt3A_631 : i32 to vector<16xi32>
        %lt3A_633 = arith.cmpi ult, %add3A_627, %lt3A_632 : vector<16xi32>
        %and3A_634 = arith.andi %lt3A_630, %lt3A_633 : vector<16xi1>
        %mul3A_635 = arith.constant 96 : i32
        %mul3A_636 = vector.broadcast %mul3A_635 : i32 to vector<16xi32>
        %mul3A_637 = arith.muli %add3A_627, %mul3A_636 : vector<16xi32>
        %add3A_638 = arith.addi %mul3A_637, %add3A_620 : vector<16xi32>
        %jit3A_639 = arith.constant 6144 : i32
        %broadcast_in_dim3A_640 = vector.broadcast %jit3A_639 : i32 to vector<16xi32>
        %select_n3A_641 = arith.select %and3A_634, %add3A_638, %broadcast_in_dim3A_640 : vector<16xi1>, vector<16xi32>
        %gather3A_642 = tpu.vector_load_idx %arg7[%select_n3A_641] : memref<6160xf32, #tpu.memory_space<vmem>>[vector<16xi32>], vector<16xf32>,
        %gt3A_643 = arith.constant 1.000000e-03 : f32
        %gt3A_644 = vector.broadcast %gt3A_643 : f32 to vector<16xf32>
        %gt3A_645 = arith.cmpf ogt, %gather3A_642, %gt3A_644 : vector<16xf32>
        %and3A_646 = arith.constant 511 : i32
        %and3A_647 = vector.broadcast %and3A_646 : i32 to vector<16xi32>
        %and3A_648 = arith.andi %gather3A_501, %and3A_647 : vector<16xi32>
        %sub3A_649 = arith.constant 96 : i32
        %sub3A_650 = vector.broadcast %sub3A_649 : i32 to vector<16xi32>
        %sub3A_651 = arith.subi %and3A_648, %sub3A_650 : vector<16xi32>
        %add3A_652 = arith.addi %sub3A_147, %sub3A_651 : vector<16xi32>
        %shift_right_arithmetic3A_653 = arith.constant 9 : i32
        %shift_right_arithmetic3A_654 = vector.broadcast %shift_right_arithmetic3A_653 : i32 to vector<16xi32>
        %shift_right_arithmetic3A_655 = arith.shrsi %gather3A_501, %shift_right_arithmetic3A_654 : vector<16xi32>
        %sub3A_656 = arith.constant 64 : i32
        %sub3A_657 = vector.broadcast %sub3A_656 : i32 to vector<16xi32>
        %sub3A_658 = arith.subi %shift_right_arithmetic3A_655, %sub3A_657 : vector<16xi32>
        %add3A_659 = arith.addi %shift_right_arithmetic3A_143, %sub3A_658 : vector<16xi32>
        %lt3A_660 = arith.constant 96 : i32
        %lt3A_661 = vector.broadcast %lt3A_660 : i32 to vector<16xi32>
        %lt3A_662 = arith.cmpi ult, %add3A_652, %lt3A_661 : vector<16xi32>
        %lt3A_663 = arith.constant 64 : i32
        %lt3A_664 = vector.broadcast %lt3A_663 : i32 to vector<16xi32>
        %lt3A_665 = arith.cmpi ult, %add3A_659, %lt3A_664 : vector<16xi32>
        %and3A_666 = arith.andi %lt3A_662, %lt3A_665 : vector<16xi1>
        %mul3A_667 = arith.constant 96 : i32
        %mul3A_668 = vector.broadcast %mul3A_667 : i32 to vector<16xi32>
        %mul3A_669 = arith.muli %add3A_659, %mul3A_668 : vector<16xi32>
        %add3A_670 = arith.addi %mul3A_669, %add3A_652 : vector<16xi32>
        %jit3A_671 = arith.constant 6144 : i32
        %broadcast_in_dim3A_672 = vector.broadcast %jit3A_671 : i32 to vector<16xi32>
        %select_n3A_673 = arith.select %and3A_666, %add3A_670, %broadcast_in_dim3A_672 : vector<16xi1>, vector<16xi32>
        %gather3A_674 = tpu.vector_load_idx %arg7[%select_n3A_673] : memref<6160xf32, #tpu.memory_space<vmem>>[vector<16xi32>], vector<16xf32>,
        %gt3A_675 = arith.constant 1.000000e-03 : f32
        %gt3A_676 = vector.broadcast %gt3A_675 : f32 to vector<16xf32>
        %gt3A_677 = arith.cmpf ogt, %gather3A_674, %gt3A_676 : vector<16xf32>
        %and3A_678 = arith.constant 511 : i32
        %and3A_679 = vector.broadcast %and3A_678 : i32 to vector<16xi32>
        %and3A_680 = arith.andi %gather3A_505, %and3A_679 : vector<16xi32>
        %sub3A_681 = arith.constant 96 : i32
        %sub3A_682 = vector.broadcast %sub3A_681 : i32 to vector<16xi32>
        %sub3A_683 = arith.subi %and3A_680, %sub3A_682 : vector<16xi32>
        %add3A_684 = arith.addi %sub3A_147, %sub3A_683 : vector<16xi32>
        %shift_right_arithmetic3A_685 = arith.constant 9 : i32
        %shift_right_arithmetic3A_686 = vector.broadcast %shift_right_arithmetic3A_685 : i32 to vector<16xi32>
        %shift_right_arithmetic3A_687 = arith.shrsi %gather3A_505, %shift_right_arithmetic3A_686 : vector<16xi32>
        %sub3A_688 = arith.constant 64 : i32
        %sub3A_689 = vector.broadcast %sub3A_688 : i32 to vector<16xi32>
        %sub3A_690 = arith.subi %shift_right_arithmetic3A_687, %sub3A_689 : vector<16xi32>
        %add3A_691 = arith.addi %shift_right_arithmetic3A_143, %sub3A_690 : vector<16xi32>
        %lt3A_692 = arith.constant 96 : i32
        %lt3A_693 = vector.broadcast %lt3A_692 : i32 to vector<16xi32>
        %lt3A_694 = arith.cmpi ult, %add3A_684, %lt3A_693 : vector<16xi32>
        %lt3A_695 = arith.constant 64 : i32
        %lt3A_696 = vector.broadcast %lt3A_695 : i32 to vector<16xi32>
        %lt3A_697 = arith.cmpi ult, %add3A_691, %lt3A_696 : vector<16xi32>
        %and3A_698 = arith.andi %lt3A_694, %lt3A_697 : vector<16xi1>
        %mul3A_699 = arith.constant 96 : i32
        %mul3A_700 = vector.broadcast %mul3A_699 : i32 to vector<16xi32>
        %mul3A_701 = arith.muli %add3A_691, %mul3A_700 : vector<16xi32>
        %add3A_702 = arith.addi %mul3A_701, %add3A_684 : vector<16xi32>
        %jit3A_703 = arith.constant 6144 : i32
        %broadcast_in_dim3A_704 = vector.broadcast %jit3A_703 : i32 to vector<16xi32>
        %select_n3A_705 = arith.select %and3A_698, %add3A_702, %broadcast_in_dim3A_704 : vector<16xi1>, vector<16xi32>
        %gather3A_706 = tpu.vector_load_idx %arg7[%select_n3A_705] : memref<6160xf32, #tpu.memory_space<vmem>>[vector<16xi32>], vector<16xf32>,
        %gt3A_707 = arith.constant 1.000000e-03 : f32
        %gt3A_708 = vector.broadcast %gt3A_707 : f32 to vector<16xf32>
        %gt3A_709 = arith.cmpf ogt, %gather3A_706, %gt3A_708 : vector<16xf32>
        %and3A_710 = arith.constant 511 : i32
        %and3A_711 = vector.broadcast %and3A_710 : i32 to vector<16xi32>
        %and3A_712 = arith.andi %gather3A_509, %and3A_711 : vector<16xi32>
        %sub3A_713 = arith.constant 96 : i32
        %sub3A_714 = vector.broadcast %sub3A_713 : i32 to vector<16xi32>
        %sub3A_715 = arith.subi %and3A_712, %sub3A_714 : vector<16xi32>
        %add3A_716 = arith.addi %sub3A_147, %sub3A_715 : vector<16xi32>
        %shift_right_arithmetic3A_717 = arith.constant 9 : i32
        %shift_right_arithmetic3A_718 = vector.broadcast %shift_right_arithmetic3A_717 : i32 to vector<16xi32>
        %shift_right_arithmetic3A_719 = arith.shrsi %gather3A_509, %shift_right_arithmetic3A_718 : vector<16xi32>
        %sub3A_720 = arith.constant 64 : i32
        %sub3A_721 = vector.broadcast %sub3A_720 : i32 to vector<16xi32>
        %sub3A_722 = arith.subi %shift_right_arithmetic3A_719, %sub3A_721 : vector<16xi32>
        %add3A_723 = arith.addi %shift_right_arithmetic3A_143, %sub3A_722 : vector<16xi32>
        %lt3A_724 = arith.constant 96 : i32
        %lt3A_725 = vector.broadcast %lt3A_724 : i32 to vector<16xi32>
        %lt3A_726 = arith.cmpi ult, %add3A_716, %lt3A_725 : vector<16xi32>
        %lt3A_727 = arith.constant 64 : i32
        %lt3A_728 = vector.broadcast %lt3A_727 : i32 to vector<16xi32>
        %lt3A_729 = arith.cmpi ult, %add3A_723, %lt3A_728 : vector<16xi32>
        %and3A_730 = arith.andi %lt3A_726, %lt3A_729 : vector<16xi1>
        %mul3A_731 = arith.constant 96 : i32
        %mul3A_732 = vector.broadcast %mul3A_731 : i32 to vector<16xi32>
        %mul3A_733 = arith.muli %add3A_723, %mul3A_732 : vector<16xi32>
        %add3A_734 = arith.addi %mul3A_733, %add3A_716 : vector<16xi32>
        %jit3A_735 = arith.constant 6144 : i32
        %broadcast_in_dim3A_736 = vector.broadcast %jit3A_735 : i32 to vector<16xi32>
        %select_n3A_737 = arith.select %and3A_730, %add3A_734, %broadcast_in_dim3A_736 : vector<16xi1>, vector<16xi32>
        %gather3A_738 = tpu.vector_load_idx %arg7[%select_n3A_737] : memref<6160xf32, #tpu.memory_space<vmem>>[vector<16xi32>], vector<16xf32>,
        %gt3A_739 = arith.constant 1.000000e-03 : f32
        %gt3A_740 = vector.broadcast %gt3A_739 : f32 to vector<16xf32>
        %gt3A_741 = arith.cmpf ogt, %gather3A_738, %gt3A_740 : vector<16xf32>
        %and3A_742 = arith.constant 511 : i32
        %and3A_743 = vector.broadcast %and3A_742 : i32 to vector<16xi32>
        %and3A_744 = arith.andi %gather3A_513, %and3A_743 : vector<16xi32>
        %sub3A_745 = arith.constant 96 : i32
        %sub3A_746 = vector.broadcast %sub3A_745 : i32 to vector<16xi32>
        %sub3A_747 = arith.subi %and3A_744, %sub3A_746 : vector<16xi32>
        %add3A_748 = arith.addi %sub3A_147, %sub3A_747 : vector<16xi32>
        %shift_right_arithmetic3A_749 = arith.constant 9 : i32
        %shift_right_arithmetic3A_750 = vector.broadcast %shift_right_arithmetic3A_749 : i32 to vector<16xi32>
        %shift_right_arithmetic3A_751 = arith.shrsi %gather3A_513, %shift_right_arithmetic3A_750 : vector<16xi32>
        %sub3A_752 = arith.constant 64 : i32
        %sub3A_753 = vector.broadcast %sub3A_752 : i32 to vector<16xi32>
        %sub3A_754 = arith.subi %shift_right_arithmetic3A_751, %sub3A_753 : vector<16xi32>
        %add3A_755 = arith.addi %shift_right_arithmetic3A_143, %sub3A_754 : vector<16xi32>
        %lt3A_756 = arith.constant 96 : i32
        %lt3A_757 = vector.broadcast %lt3A_756 : i32 to vector<16xi32>
        %lt3A_758 = arith.cmpi ult, %add3A_748, %lt3A_757 : vector<16xi32>
        %lt3A_759 = arith.constant 64 : i32
        %lt3A_760 = vector.broadcast %lt3A_759 : i32 to vector<16xi32>
        %lt3A_761 = arith.cmpi ult, %add3A_755, %lt3A_760 : vector<16xi32>
        %and3A_762 = arith.andi %lt3A_758, %lt3A_761 : vector<16xi1>
        %mul3A_763 = arith.constant 96 : i32
        %mul3A_764 = vector.broadcast %mul3A_763 : i32 to vector<16xi32>
        %mul3A_765 = arith.muli %add3A_755, %mul3A_764 : vector<16xi32>
        %add3A_766 = arith.addi %mul3A_765, %add3A_748 : vector<16xi32>
        %jit3A_767 = arith.constant 6144 : i32
        %broadcast_in_dim3A_768 = vector.broadcast %jit3A_767 : i32 to vector<16xi32>
        %select_n3A_769 = arith.select %and3A_762, %add3A_766, %broadcast_in_dim3A_768 : vector<16xi1>, vector<16xi32>
        %gather3A_770 = tpu.vector_load_idx %arg7[%select_n3A_769] : memref<6160xf32, #tpu.memory_space<vmem>>[vector<16xi32>], vector<16xf32>,
        %gt3A_771 = arith.constant 1.000000e-03 : f32
        %gt3A_772 = vector.broadcast %gt3A_771 : f32 to vector<16xf32>
        %gt3A_773 = arith.cmpf ogt, %gather3A_770, %gt3A_772 : vector<16xf32>
        %and3A_774 = arith.constant 511 : i32
        %and3A_775 = vector.broadcast %and3A_774 : i32 to vector<16xi32>
        %and3A_776 = arith.andi %gather3A_517, %and3A_775 : vector<16xi32>
        %sub3A_777 = arith.constant 96 : i32
        %sub3A_778 = vector.broadcast %sub3A_777 : i32 to vector<16xi32>
        %sub3A_779 = arith.subi %and3A_776, %sub3A_778 : vector<16xi32>
        %add3A_780 = arith.addi %sub3A_147, %sub3A_779 : vector<16xi32>
        %shift_right_arithmetic3A_781 = arith.constant 9 : i32
        %shift_right_arithmetic3A_782 = vector.broadcast %shift_right_arithmetic3A_781 : i32 to vector<16xi32>
        %shift_right_arithmetic3A_783 = arith.shrsi %gather3A_517, %shift_right_arithmetic3A_782 : vector<16xi32>
        %sub3A_784 = arith.constant 64 : i32
        %sub3A_785 = vector.broadcast %sub3A_784 : i32 to vector<16xi32>
        %sub3A_786 = arith.subi %shift_right_arithmetic3A_783, %sub3A_785 : vector<16xi32>
        %add3A_787 = arith.addi %shift_right_arithmetic3A_143, %sub3A_786 : vector<16xi32>
        %lt3A_788 = arith.constant 96 : i32
        %lt3A_789 = vector.broadcast %lt3A_788 : i32 to vector<16xi32>
        %lt3A_790 = arith.cmpi ult, %add3A_780, %lt3A_789 : vector<16xi32>
        %lt3A_791 = arith.constant 64 : i32
        %lt3A_792 = vector.broadcast %lt3A_791 : i32 to vector<16xi32>
        %lt3A_793 = arith.cmpi ult, %add3A_787, %lt3A_792 : vector<16xi32>
        %and3A_794 = arith.andi %lt3A_790, %lt3A_793 : vector<16xi1>
        %mul3A_795 = arith.constant 96 : i32
        %mul3A_796 = vector.broadcast %mul3A_795 : i32 to vector<16xi32>
        %mul3A_797 = arith.muli %add3A_787, %mul3A_796 : vector<16xi32>
        %add3A_798 = arith.addi %mul3A_797, %add3A_780 : vector<16xi32>
        %jit3A_799 = arith.constant 6144 : i32
        %broadcast_in_dim3A_800 = vector.broadcast %jit3A_799 : i32 to vector<16xi32>
        %select_n3A_801 = arith.select %and3A_794, %add3A_798, %broadcast_in_dim3A_800 : vector<16xi1>, vector<16xi32>
        %gather3A_802 = tpu.vector_load_idx %arg7[%select_n3A_801] : memref<6160xf32, #tpu.memory_space<vmem>>[vector<16xi32>], vector<16xf32>,
        %gt3A_803 = arith.constant 1.000000e-03 : f32
        %gt3A_804 = vector.broadcast %gt3A_803 : f32 to vector<16xf32>
        %gt3A_805 = arith.cmpf ogt, %gather3A_802, %gt3A_804 : vector<16xf32>
        %and3A_806 = arith.constant 511 : i32
        %and3A_807 = vector.broadcast %and3A_806 : i32 to vector<16xi32>
        %and3A_808 = arith.andi %gather3A_521, %and3A_807 : vector<16xi32>
        %sub3A_809 = arith.constant 96 : i32
        %sub3A_810 = vector.broadcast %sub3A_809 : i32 to vector<16xi32>
        %sub3A_811 = arith.subi %and3A_808, %sub3A_810 : vector<16xi32>
        %add3A_812 = arith.addi %sub3A_147, %sub3A_811 : vector<16xi32>
        %shift_right_arithmetic3A_813 = arith.constant 9 : i32
        %shift_right_arithmetic3A_814 = vector.broadcast %shift_right_arithmetic3A_813 : i32 to vector<16xi32>
        %shift_right_arithmetic3A_815 = arith.shrsi %gather3A_521, %shift_right_arithmetic3A_814 : vector<16xi32>
        %sub3A_816 = arith.constant 64 : i32
        %sub3A_817 = vector.broadcast %sub3A_816 : i32 to vector<16xi32>
        %sub3A_818 = arith.subi %shift_right_arithmetic3A_815, %sub3A_817 : vector<16xi32>
        %add3A_819 = arith.addi %shift_right_arithmetic3A_143, %sub3A_818 : vector<16xi32>
        %lt3A_820 = arith.constant 96 : i32
        %lt3A_821 = vector.broadcast %lt3A_820 : i32 to vector<16xi32>
        %lt3A_822 = arith.cmpi ult, %add3A_812, %lt3A_821 : vector<16xi32>
        %lt3A_823 = arith.constant 64 : i32
        %lt3A_824 = vector.broadcast %lt3A_823 : i32 to vector<16xi32>
        %lt3A_825 = arith.cmpi ult, %add3A_819, %lt3A_824 : vector<16xi32>
        %and3A_826 = arith.andi %lt3A_822, %lt3A_825 : vector<16xi1>
        %mul3A_827 = arith.constant 96 : i32
        %mul3A_828 = vector.broadcast %mul3A_827 : i32 to vector<16xi32>
        %mul3A_829 = arith.muli %add3A_819, %mul3A_828 : vector<16xi32>
        %add3A_830 = arith.addi %mul3A_829, %add3A_812 : vector<16xi32>
        %jit3A_831 = arith.constant 6144 : i32
        %broadcast_in_dim3A_832 = vector.broadcast %jit3A_831 : i32 to vector<16xi32>
        %select_n3A_833 = arith.select %and3A_826, %add3A_830, %broadcast_in_dim3A_832 : vector<16xi1>, vector<16xi32>
        %gather3A_834 = tpu.vector_load_idx %arg7[%select_n3A_833] : memref<6160xf32, #tpu.memory_space<vmem>>[vector<16xi32>], vector<16xf32>,
        %gt3A_835 = arith.constant 1.000000e-03 : f32
        %gt3A_836 = vector.broadcast %gt3A_835 : f32 to vector<16xf32>
        %gt3A_837 = arith.cmpf ogt, %gather3A_834, %gt3A_836 : vector<16xf32>
        %and3A_838 = arith.constant 511 : i32
        %and3A_839 = vector.broadcast %and3A_838 : i32 to vector<16xi32>
        %and3A_840 = arith.andi %gather3A_525, %and3A_839 : vector<16xi32>
        %sub3A_841 = arith.constant 96 : i32
        %sub3A_842 = vector.broadcast %sub3A_841 : i32 to vector<16xi32>
        %sub3A_843 = arith.subi %and3A_840, %sub3A_842 : vector<16xi32>
        %add3A_844 = arith.addi %sub3A_147, %sub3A_843 : vector<16xi32>
        %shift_right_arithmetic3A_845 = arith.constant 9 : i32
        %shift_right_arithmetic3A_846 = vector.broadcast %shift_right_arithmetic3A_845 : i32 to vector<16xi32>
        %shift_right_arithmetic3A_847 = arith.shrsi %gather3A_525, %shift_right_arithmetic3A_846 : vector<16xi32>
        %sub3A_848 = arith.constant 64 : i32
        %sub3A_849 = vector.broadcast %sub3A_848 : i32 to vector<16xi32>
        %sub3A_850 = arith.subi %shift_right_arithmetic3A_847, %sub3A_849 : vector<16xi32>
        %add3A_851 = arith.addi %shift_right_arithmetic3A_143, %sub3A_850 : vector<16xi32>
        %lt3A_852 = arith.constant 96 : i32
        %lt3A_853 = vector.broadcast %lt3A_852 : i32 to vector<16xi32>
        %lt3A_854 = arith.cmpi ult, %add3A_844, %lt3A_853 : vector<16xi32>
        %lt3A_855 = arith.constant 64 : i32
        %lt3A_856 = vector.broadcast %lt3A_855 : i32 to vector<16xi32>
        %lt3A_857 = arith.cmpi ult, %add3A_851, %lt3A_856 : vector<16xi32>
        %and3A_858 = arith.andi %lt3A_854, %lt3A_857 : vector<16xi1>
        %mul3A_859 = arith.constant 96 : i32
        %mul3A_860 = vector.broadcast %mul3A_859 : i32 to vector<16xi32>
        %mul3A_861 = arith.muli %add3A_851, %mul3A_860 : vector<16xi32>
        %add3A_862 = arith.addi %mul3A_861, %add3A_844 : vector<16xi32>
        %jit3A_863 = arith.constant 6144 : i32
        %broadcast_in_dim3A_864 = vector.broadcast %jit3A_863 : i32 to vector<16xi32>
        %select_n3A_865 = arith.select %and3A_858, %add3A_862, %broadcast_in_dim3A_864 : vector<16xi1>, vector<16xi32>
        %gather3A_866 = tpu.vector_load_idx %arg7[%select_n3A_865] : memref<6160xf32, #tpu.memory_space<vmem>>[vector<16xi32>], vector<16xf32>,
        %gt3A_867 = arith.constant 1.000000e-03 : f32
        %gt3A_868 = vector.broadcast %gt3A_867 : f32 to vector<16xf32>
        %gt3A_869 = arith.cmpf ogt, %gather3A_866, %gt3A_868 : vector<16xf32>
        %and3A_870 = arith.constant 511 : i32
        %and3A_871 = vector.broadcast %and3A_870 : i32 to vector<16xi32>
        %and3A_872 = arith.andi %gather3A_529, %and3A_871 : vector<16xi32>
        %sub3A_873 = arith.constant 96 : i32
        %sub3A_874 = vector.broadcast %sub3A_873 : i32 to vector<16xi32>
        %sub3A_875 = arith.subi %and3A_872, %sub3A_874 : vector<16xi32>
        %add3A_876 = arith.addi %sub3A_147, %sub3A_875 : vector<16xi32>
        %shift_right_arithmetic3A_877 = arith.constant 9 : i32
        %shift_right_arithmetic3A_878 = vector.broadcast %shift_right_arithmetic3A_877 : i32 to vector<16xi32>
        %shift_right_arithmetic3A_879 = arith.shrsi %gather3A_529, %shift_right_arithmetic3A_878 : vector<16xi32>
        %sub3A_880 = arith.constant 64 : i32
        %sub3A_881 = vector.broadcast %sub3A_880 : i32 to vector<16xi32>
        %sub3A_882 = arith.subi %shift_right_arithmetic3A_879, %sub3A_881 : vector<16xi32>
        %add3A_883 = arith.addi %shift_right_arithmetic3A_143, %sub3A_882 : vector<16xi32>
        %lt3A_884 = arith.constant 96 : i32
        %lt3A_885 = vector.broadcast %lt3A_884 : i32 to vector<16xi32>
        %lt3A_886 = arith.cmpi ult, %add3A_876, %lt3A_885 : vector<16xi32>
        %lt3A_887 = arith.constant 64 : i32
        %lt3A_888 = vector.broadcast %lt3A_887 : i32 to vector<16xi32>
        %lt3A_889 = arith.cmpi ult, %add3A_883, %lt3A_888 : vector<16xi32>
        %and3A_890 = arith.andi %lt3A_886, %lt3A_889 : vector<16xi1>
        %mul3A_891 = arith.constant 96 : i32
        %mul3A_892 = vector.broadcast %mul3A_891 : i32 to vector<16xi32>
        %mul3A_893 = arith.muli %add3A_883, %mul3A_892 : vector<16xi32>
        %add3A_894 = arith.addi %mul3A_893, %add3A_876 : vector<16xi32>
        %jit3A_895 = arith.constant 6144 : i32
        %broadcast_in_dim3A_896 = vector.broadcast %jit3A_895 : i32 to vector<16xi32>
        %select_n3A_897 = arith.select %and3A_890, %add3A_894, %broadcast_in_dim3A_896 : vector<16xi1>, vector<16xi32>
        %gather3A_898 = tpu.vector_load_idx %arg7[%select_n3A_897] : memref<6160xf32, #tpu.memory_space<vmem>>[vector<16xi32>], vector<16xf32>,
        %gt3A_899 = arith.constant 1.000000e-03 : f32
        %gt3A_900 = vector.broadcast %gt3A_899 : f32 to vector<16xf32>
        %gt3A_901 = arith.cmpf ogt, %gather3A_898, %gt3A_900 : vector<16xf32>
        %and3A_902 = arith.constant 511 : i32
        %and3A_903 = vector.broadcast %and3A_902 : i32 to vector<16xi32>
        %and3A_904 = arith.andi %gather3A_533, %and3A_903 : vector<16xi32>
        %sub3A_905 = arith.constant 96 : i32
        %sub3A_906 = vector.broadcast %sub3A_905 : i32 to vector<16xi32>
        %sub3A_907 = arith.subi %and3A_904, %sub3A_906 : vector<16xi32>
        %add3A_908 = arith.addi %sub3A_147, %sub3A_907 : vector<16xi32>
        %shift_right_arithmetic3A_909 = arith.constant 9 : i32
        %shift_right_arithmetic3A_910 = vector.broadcast %shift_right_arithmetic3A_909 : i32 to vector<16xi32>
        %shift_right_arithmetic3A_911 = arith.shrsi %gather3A_533, %shift_right_arithmetic3A_910 : vector<16xi32>
        %sub3A_912 = arith.constant 64 : i32
        %sub3A_913 = vector.broadcast %sub3A_912 : i32 to vector<16xi32>
        %sub3A_914 = arith.subi %shift_right_arithmetic3A_911, %sub3A_913 : vector<16xi32>
        %add3A_915 = arith.addi %shift_right_arithmetic3A_143, %sub3A_914 : vector<16xi32>
        %lt3A_916 = arith.constant 96 : i32
        %lt3A_917 = vector.broadcast %lt3A_916 : i32 to vector<16xi32>
        %lt3A_918 = arith.cmpi ult, %add3A_908, %lt3A_917 : vector<16xi32>
        %lt3A_919 = arith.constant 64 : i32
        %lt3A_920 = vector.broadcast %lt3A_919 : i32 to vector<16xi32>
        %lt3A_921 = arith.cmpi ult, %add3A_915, %lt3A_920 : vector<16xi32>
        %and3A_922 = arith.andi %lt3A_918, %lt3A_921 : vector<16xi1>
        %mul3A_923 = arith.constant 96 : i32
        %mul3A_924 = vector.broadcast %mul3A_923 : i32 to vector<16xi32>
        %mul3A_925 = arith.muli %add3A_915, %mul3A_924 : vector<16xi32>
        %add3A_926 = arith.addi %mul3A_925, %add3A_908 : vector<16xi32>
        %jit3A_927 = arith.constant 6144 : i32
        %broadcast_in_dim3A_928 = vector.broadcast %jit3A_927 : i32 to vector<16xi32>
        %select_n3A_929 = arith.select %and3A_922, %add3A_926, %broadcast_in_dim3A_928 : vector<16xi1>, vector<16xi32>
        %gather3A_930 = tpu.vector_load_idx %arg7[%select_n3A_929] : memref<6160xf32, #tpu.memory_space<vmem>>[vector<16xi32>], vector<16xf32>,
        %gt3A_931 = arith.constant 1.000000e-03 : f32
        %gt3A_932 = vector.broadcast %gt3A_931 : f32 to vector<16xf32>
        %gt3A_933 = arith.cmpf ogt, %gather3A_930, %gt3A_932 : vector<16xf32>
        %and3A_934 = arith.constant 511 : i32
        %and3A_935 = vector.broadcast %and3A_934 : i32 to vector<16xi32>
        %and3A_936 = arith.andi %gather3A_537, %and3A_935 : vector<16xi32>
        %sub3A_937 = arith.constant 96 : i32
        %sub3A_938 = vector.broadcast %sub3A_937 : i32 to vector<16xi32>
        %sub3A_939 = arith.subi %and3A_936, %sub3A_938 : vector<16xi32>
        %add3A_940 = arith.addi %sub3A_147, %sub3A_939 : vector<16xi32>
        %shift_right_arithmetic3A_941 = arith.constant 9 : i32
        %shift_right_arithmetic3A_942 = vector.broadcast %shift_right_arithmetic3A_941 : i32 to vector<16xi32>
        %shift_right_arithmetic3A_943 = arith.shrsi %gather3A_537, %shift_right_arithmetic3A_942 : vector<16xi32>
        %sub3A_944 = arith.constant 64 : i32
        %sub3A_945 = vector.broadcast %sub3A_944 : i32 to vector<16xi32>
        %sub3A_946 = arith.subi %shift_right_arithmetic3A_943, %sub3A_945 : vector<16xi32>
        %add3A_947 = arith.addi %shift_right_arithmetic3A_143, %sub3A_946 : vector<16xi32>
        %lt3A_948 = arith.constant 96 : i32
        %lt3A_949 = vector.broadcast %lt3A_948 : i32 to vector<16xi32>
        %lt3A_950 = arith.cmpi ult, %add3A_940, %lt3A_949 : vector<16xi32>
        %lt3A_951 = arith.constant 64 : i32
        %lt3A_952 = vector.broadcast %lt3A_951 : i32 to vector<16xi32>
        %lt3A_953 = arith.cmpi ult, %add3A_947, %lt3A_952 : vector<16xi32>
        %and3A_954 = arith.andi %lt3A_950, %lt3A_953 : vector<16xi1>
        %mul3A_955 = arith.constant 96 : i32
        %mul3A_956 = vector.broadcast %mul3A_955 : i32 to vector<16xi32>
        %mul3A_957 = arith.muli %add3A_947, %mul3A_956 : vector<16xi32>
        %add3A_958 = arith.addi %mul3A_957, %add3A_940 : vector<16xi32>
        %jit3A_959 = arith.constant 6144 : i32
        %broadcast_in_dim3A_960 = vector.broadcast %jit3A_959 : i32 to vector<16xi32>
        %select_n3A_961 = arith.select %and3A_954, %add3A_958, %broadcast_in_dim3A_960 : vector<16xi1>, vector<16xi32>
        %gather3A_962 = tpu.vector_load_idx %arg7[%select_n3A_961] : memref<6160xf32, #tpu.memory_space<vmem>>[vector<16xi32>], vector<16xf32>,
        %gt3A_963 = arith.constant 1.000000e-03 : f32
        %gt3A_964 = vector.broadcast %gt3A_963 : f32 to vector<16xf32>
        %gt3A_965 = arith.cmpf ogt, %gather3A_962, %gt3A_964 : vector<16xf32>
        %and3A_966 = arith.constant 511 : i32
        %and3A_967 = vector.broadcast %and3A_966 : i32 to vector<16xi32>
        %and3A_968 = arith.andi %gather3A_541, %and3A_967 : vector<16xi32>
        %sub3A_969 = arith.constant 96 : i32
        %sub3A_970 = vector.broadcast %sub3A_969 : i32 to vector<16xi32>
        %sub3A_971 = arith.subi %and3A_968, %sub3A_970 : vector<16xi32>
        %add3A_972 = arith.addi %sub3A_147, %sub3A_971 : vector<16xi32>
        %shift_right_arithmetic3A_973 = arith.constant 9 : i32
        %shift_right_arithmetic3A_974 = vector.broadcast %shift_right_arithmetic3A_973 : i32 to vector<16xi32>
        %shift_right_arithmetic3A_975 = arith.shrsi %gather3A_541, %shift_right_arithmetic3A_974 : vector<16xi32>
        %sub3A_976 = arith.constant 64 : i32
        %sub3A_977 = vector.broadcast %sub3A_976 : i32 to vector<16xi32>
        %sub3A_978 = arith.subi %shift_right_arithmetic3A_975, %sub3A_977 : vector<16xi32>
        %add3A_979 = arith.addi %shift_right_arithmetic3A_143, %sub3A_978 : vector<16xi32>
        %lt3A_980 = arith.constant 96 : i32
        %lt3A_981 = vector.broadcast %lt3A_980 : i32 to vector<16xi32>
        %lt3A_982 = arith.cmpi ult, %add3A_972, %lt3A_981 : vector<16xi32>
        %lt3A_983 = arith.constant 64 : i32
        %lt3A_984 = vector.broadcast %lt3A_983 : i32 to vector<16xi32>
        %lt3A_985 = arith.cmpi ult, %add3A_979, %lt3A_984 : vector<16xi32>
        %and3A_986 = arith.andi %lt3A_982, %lt3A_985 : vector<16xi1>
        %mul3A_987 = arith.constant 96 : i32
        %mul3A_988 = vector.broadcast %mul3A_987 : i32 to vector<16xi32>
        %mul3A_989 = arith.muli %add3A_979, %mul3A_988 : vector<16xi32>
        %add3A_990 = arith.addi %mul3A_989, %add3A_972 : vector<16xi32>
        %jit3A_991 = arith.constant 6144 : i32
        %broadcast_in_dim3A_992 = vector.broadcast %jit3A_991 : i32 to vector<16xi32>
        %select_n3A_993 = arith.select %and3A_986, %add3A_990, %broadcast_in_dim3A_992 : vector<16xi1>, vector<16xi32>
        %gather3A_994 = tpu.vector_load_idx %arg7[%select_n3A_993] : memref<6160xf32, #tpu.memory_space<vmem>>[vector<16xi32>], vector<16xf32>,
        %gt3A_995 = arith.constant 1.000000e-03 : f32
        %gt3A_996 = vector.broadcast %gt3A_995 : f32 to vector<16xf32>
        %gt3A_997 = arith.cmpf ogt, %gather3A_994, %gt3A_996 : vector<16xf32>
        %and3A_998 = arith.constant 511 : i32
        %and3A_999 = vector.broadcast %and3A_998 : i32 to vector<16xi32>
        %and3A_1000 = arith.andi %gather3A_545, %and3A_999 : vector<16xi32>
        %sub3A_1001 = arith.constant 96 : i32
        %sub3A_1002 = vector.broadcast %sub3A_1001 : i32 to vector<16xi32>
        %sub3A_1003 = arith.subi %and3A_1000, %sub3A_1002 : vector<16xi32>
        %add3A_1004 = arith.addi %sub3A_147, %sub3A_1003 : vector<16xi32>
        %shift_right_arithmetic3A_1005 = arith.constant 9 : i32
        %shift_right_arithmetic3A_1006 = vector.broadcast %shift_right_arithmetic3A_1005 : i32 to vector<16xi32>
        %shift_right_arithmetic3A_1007 = arith.shrsi %gather3A_545, %shift_right_arithmetic3A_1006 : vector<16xi32>
        %sub3A_1008 = arith.constant 64 : i32
        %sub3A_1009 = vector.broadcast %sub3A_1008 : i32 to vector<16xi32>
        %sub3A_1010 = arith.subi %shift_right_arithmetic3A_1007, %sub3A_1009 : vector<16xi32>
        %add3A_1011 = arith.addi %shift_right_arithmetic3A_143, %sub3A_1010 : vector<16xi32>
        %lt3A_1012 = arith.constant 96 : i32
        %lt3A_1013 = vector.broadcast %lt3A_1012 : i32 to vector<16xi32>
        %lt3A_1014 = arith.cmpi ult, %add3A_1004, %lt3A_1013 : vector<16xi32>
        %lt3A_1015 = arith.constant 64 : i32
        %lt3A_1016 = vector.broadcast %lt3A_1015 : i32 to vector<16xi32>
        %lt3A_1017 = arith.cmpi ult, %add3A_1011, %lt3A_1016 : vector<16xi32>
        %and3A_1018 = arith.andi %lt3A_1014, %lt3A_1017 : vector<16xi1>
        %mul3A_1019 = arith.constant 96 : i32
        %mul3A_1020 = vector.broadcast %mul3A_1019 : i32 to vector<16xi32>
        %mul3A_1021 = arith.muli %add3A_1011, %mul3A_1020 : vector<16xi32>
        %add3A_1022 = arith.addi %mul3A_1021, %add3A_1004 : vector<16xi32>
        %jit3A_1023 = arith.constant 6144 : i32
        %broadcast_in_dim3A_1024 = vector.broadcast %jit3A_1023 : i32 to vector<16xi32>
        %select_n3A_1025 = arith.select %and3A_1018, %add3A_1022, %broadcast_in_dim3A_1024 : vector<16xi1>, vector<16xi32>
        %gather3A_1026 = tpu.vector_load_idx %arg7[%select_n3A_1025] : memref<6160xf32, #tpu.memory_space<vmem>>[vector<16xi32>], vector<16xf32>,
        %gt3A_1027 = arith.constant 1.000000e-03 : f32
        %gt3A_1028 = vector.broadcast %gt3A_1027 : f32 to vector<16xf32>
        %gt3A_1029 = arith.cmpf ogt, %gather3A_1026, %gt3A_1028 : vector<16xf32>
        %and3A_1030 = arith.constant 511 : i32
        %and3A_1031 = vector.broadcast %and3A_1030 : i32 to vector<16xi32>
        %and3A_1032 = arith.andi %gather3A_549, %and3A_1031 : vector<16xi32>
        %sub3A_1033 = arith.constant 96 : i32
        %sub3A_1034 = vector.broadcast %sub3A_1033 : i32 to vector<16xi32>
        %sub3A_1035 = arith.subi %and3A_1032, %sub3A_1034 : vector<16xi32>
        %add3A_1036 = arith.addi %sub3A_147, %sub3A_1035 : vector<16xi32>
        %shift_right_arithmetic3A_1037 = arith.constant 9 : i32
        %shift_right_arithmetic3A_1038 = vector.broadcast %shift_right_arithmetic3A_1037 : i32 to vector<16xi32>
        %shift_right_arithmetic3A_1039 = arith.shrsi %gather3A_549, %shift_right_arithmetic3A_1038 : vector<16xi32>
        %sub3A_1040 = arith.constant 64 : i32
        %sub3A_1041 = vector.broadcast %sub3A_1040 : i32 to vector<16xi32>
        %sub3A_1042 = arith.subi %shift_right_arithmetic3A_1039, %sub3A_1041 : vector<16xi32>
        %add3A_1043 = arith.addi %shift_right_arithmetic3A_143, %sub3A_1042 : vector<16xi32>
        %lt3A_1044 = arith.constant 96 : i32
        %lt3A_1045 = vector.broadcast %lt3A_1044 : i32 to vector<16xi32>
        %lt3A_1046 = arith.cmpi ult, %add3A_1036, %lt3A_1045 : vector<16xi32>
        %lt3A_1047 = arith.constant 64 : i32
        %lt3A_1048 = vector.broadcast %lt3A_1047 : i32 to vector<16xi32>
        %lt3A_1049 = arith.cmpi ult, %add3A_1043, %lt3A_1048 : vector<16xi32>
        %and3A_1050 = arith.andi %lt3A_1046, %lt3A_1049 : vector<16xi1>
        %mul3A_1051 = arith.constant 96 : i32
        %mul3A_1052 = vector.broadcast %mul3A_1051 : i32 to vector<16xi32>
        %mul3A_1053 = arith.muli %add3A_1043, %mul3A_1052 : vector<16xi32>
        %add3A_1054 = arith.addi %mul3A_1053, %add3A_1036 : vector<16xi32>
        %jit3A_1055 = arith.constant 6144 : i32
        %broadcast_in_dim3A_1056 = vector.broadcast %jit3A_1055 : i32 to vector<16xi32>
        %select_n3A_1057 = arith.select %and3A_1050, %add3A_1054, %broadcast_in_dim3A_1056 : vector<16xi1>, vector<16xi32>
        %gather3A_1058 = tpu.vector_load_idx %arg7[%select_n3A_1057] : memref<6160xf32, #tpu.memory_space<vmem>>[vector<16xi32>], vector<16xf32>,
        %gt3A_1059 = arith.constant 1.000000e-03 : f32
        %gt3A_1060 = vector.broadcast %gt3A_1059 : f32 to vector<16xf32>
        %gt3A_1061 = arith.cmpf ogt, %gather3A_1058, %gt3A_1060 : vector<16xf32>
        tpu.vector_store_idx %arg8[%while3A_483, %add3A_136], %add3A_574 masked %gt3A_581 : memref<9x768xi32, #tpu.memory_space<vmem>>[vector<16xi32>, vector<16xi32>], vector<16xi32>, vector<16xi1>
        %jit3A_1062 = arith.constant 1 : i32
        %jit3A_1063 = arith.constant 0 : i32
        %broadcast_in_dim3A_1064 = vector.broadcast %jit3A_1062 : i32 to vector<16xi32>
        %broadcast_in_dim3A_1065 = vector.broadcast %jit3A_1063 : i32 to vector<16xi32>
        %select_n3A_1066 = arith.select %gt3A_581, %broadcast_in_dim3A_1064, %broadcast_in_dim3A_1065 : vector<16xi1>, vector<16xi32>
        %add3A_1067 = arith.addi %while3A_483, %select_n3A_1066 : vector<16xi32>
        %min3A = arith.constant 8 : i32
        %min3A_1068 = vector.broadcast %min3A : i32 to vector<16xi32>
        %min3A_1069 = arith.minsi %add3A_1067, %min3A_1068 : vector<16xi32>
        tpu.vector_store_idx %arg8[%min3A_1069, %add3A_136], %add3A_606 masked %gt3A_613 : memref<9x768xi32, #tpu.memory_space<vmem>>[vector<16xi32>, vector<16xi32>], vector<16xi32>, vector<16xi1>
        %jit3A_1070 = arith.constant 1 : i32
        %jit3A_1071 = arith.constant 0 : i32
        %broadcast_in_dim3A_1072 = vector.broadcast %jit3A_1070 : i32 to vector<16xi32>
        %broadcast_in_dim3A_1073 = vector.broadcast %jit3A_1071 : i32 to vector<16xi32>
        %select_n3A_1074 = arith.select %gt3A_613, %broadcast_in_dim3A_1072, %broadcast_in_dim3A_1073 : vector<16xi1>, vector<16xi32>
        %add3A_1075 = arith.addi %min3A_1069, %select_n3A_1074 : vector<16xi32>
        %min3A_1076 = arith.constant 8 : i32
        %min3A_1077 = vector.broadcast %min3A_1076 : i32 to vector<16xi32>
        %min3A_1078 = arith.minsi %add3A_1075, %min3A_1077 : vector<16xi32>
        tpu.vector_store_idx %arg8[%min3A_1078, %add3A_136], %add3A_638 masked %gt3A_645 : memref<9x768xi32, #tpu.memory_space<vmem>>[vector<16xi32>, vector<16xi32>], vector<16xi32>, vector<16xi1>
        %jit3A_1079 = arith.constant 1 : i32
        %jit3A_1080 = arith.constant 0 : i32
        %broadcast_in_dim3A_1081 = vector.broadcast %jit3A_1079 : i32 to vector<16xi32>
        %broadcast_in_dim3A_1082 = vector.broadcast %jit3A_1080 : i32 to vector<16xi32>
        %select_n3A_1083 = arith.select %gt3A_645, %broadcast_in_dim3A_1081, %broadcast_in_dim3A_1082 : vector<16xi1>, vector<16xi32>
        %add3A_1084 = arith.addi %min3A_1078, %select_n3A_1083 : vector<16xi32>
        %min3A_1085 = arith.constant 8 : i32
        %min3A_1086 = vector.broadcast %min3A_1085 : i32 to vector<16xi32>
        %min3A_1087 = arith.minsi %add3A_1084, %min3A_1086 : vector<16xi32>
        tpu.vector_store_idx %arg8[%min3A_1087, %add3A_136], %add3A_670 masked %gt3A_677 : memref<9x768xi32, #tpu.memory_space<vmem>>[vector<16xi32>, vector<16xi32>], vector<16xi32>, vector<16xi1>
        %jit3A_1088 = arith.constant 1 : i32
        %jit3A_1089 = arith.constant 0 : i32
        %broadcast_in_dim3A_1090 = vector.broadcast %jit3A_1088 : i32 to vector<16xi32>
        %broadcast_in_dim3A_1091 = vector.broadcast %jit3A_1089 : i32 to vector<16xi32>
        %select_n3A_1092 = arith.select %gt3A_677, %broadcast_in_dim3A_1090, %broadcast_in_dim3A_1091 : vector<16xi1>, vector<16xi32>
        %add3A_1093 = arith.addi %min3A_1087, %select_n3A_1092 : vector<16xi32>
        %min3A_1094 = arith.constant 8 : i32
        %min3A_1095 = vector.broadcast %min3A_1094 : i32 to vector<16xi32>
        %min3A_1096 = arith.minsi %add3A_1093, %min3A_1095 : vector<16xi32>
        tpu.vector_store_idx %arg8[%min3A_1096, %add3A_136], %add3A_702 masked %gt3A_709 : memref<9x768xi32, #tpu.memory_space<vmem>>[vector<16xi32>, vector<16xi32>], vector<16xi32>, vector<16xi1>
        %jit3A_1097 = arith.constant 1 : i32
        %jit3A_1098 = arith.constant 0 : i32
        %broadcast_in_dim3A_1099 = vector.broadcast %jit3A_1097 : i32 to vector<16xi32>
        %broadcast_in_dim3A_1100 = vector.broadcast %jit3A_1098 : i32 to vector<16xi32>
        %select_n3A_1101 = arith.select %gt3A_709, %broadcast_in_dim3A_1099, %broadcast_in_dim3A_1100 : vector<16xi1>, vector<16xi32>
        %add3A_1102 = arith.addi %min3A_1096, %select_n3A_1101 : vector<16xi32>
        %min3A_1103 = arith.constant 8 : i32
        %min3A_1104 = vector.broadcast %min3A_1103 : i32 to vector<16xi32>
        %min3A_1105 = arith.minsi %add3A_1102, %min3A_1104 : vector<16xi32>
        tpu.vector_store_idx %arg8[%min3A_1105, %add3A_136], %add3A_734 masked %gt3A_741 : memref<9x768xi32, #tpu.memory_space<vmem>>[vector<16xi32>, vector<16xi32>], vector<16xi32>, vector<16xi1>
        %jit3A_1106 = arith.constant 1 : i32
        %jit3A_1107 = arith.constant 0 : i32
        %broadcast_in_dim3A_1108 = vector.broadcast %jit3A_1106 : i32 to vector<16xi32>
        %broadcast_in_dim3A_1109 = vector.broadcast %jit3A_1107 : i32 to vector<16xi32>
        %select_n3A_1110 = arith.select %gt3A_741, %broadcast_in_dim3A_1108, %broadcast_in_dim3A_1109 : vector<16xi1>, vector<16xi32>
        %add3A_1111 = arith.addi %min3A_1105, %select_n3A_1110 : vector<16xi32>
        %min3A_1112 = arith.constant 8 : i32
        %min3A_1113 = vector.broadcast %min3A_1112 : i32 to vector<16xi32>
        %min3A_1114 = arith.minsi %add3A_1111, %min3A_1113 : vector<16xi32>
        tpu.vector_store_idx %arg8[%min3A_1114, %add3A_136], %add3A_766 masked %gt3A_773 : memref<9x768xi32, #tpu.memory_space<vmem>>[vector<16xi32>, vector<16xi32>], vector<16xi32>, vector<16xi1>
        %jit3A_1115 = arith.constant 1 : i32
        %jit3A_1116 = arith.constant 0 : i32
        %broadcast_in_dim3A_1117 = vector.broadcast %jit3A_1115 : i32 to vector<16xi32>
        %broadcast_in_dim3A_1118 = vector.broadcast %jit3A_1116 : i32 to vector<16xi32>
        %select_n3A_1119 = arith.select %gt3A_773, %broadcast_in_dim3A_1117, %broadcast_in_dim3A_1118 : vector<16xi1>, vector<16xi32>
        %add3A_1120 = arith.addi %min3A_1114, %select_n3A_1119 : vector<16xi32>
        %min3A_1121 = arith.constant 8 : i32
        %min3A_1122 = vector.broadcast %min3A_1121 : i32 to vector<16xi32>
        %min3A_1123 = arith.minsi %add3A_1120, %min3A_1122 : vector<16xi32>
        tpu.vector_store_idx %arg8[%min3A_1123, %add3A_136], %add3A_798 masked %gt3A_805 : memref<9x768xi32, #tpu.memory_space<vmem>>[vector<16xi32>, vector<16xi32>], vector<16xi32>, vector<16xi1>
        %jit3A_1124 = arith.constant 1 : i32
        %jit3A_1125 = arith.constant 0 : i32
        %broadcast_in_dim3A_1126 = vector.broadcast %jit3A_1124 : i32 to vector<16xi32>
        %broadcast_in_dim3A_1127 = vector.broadcast %jit3A_1125 : i32 to vector<16xi32>
        %select_n3A_1128 = arith.select %gt3A_805, %broadcast_in_dim3A_1126, %broadcast_in_dim3A_1127 : vector<16xi1>, vector<16xi32>
        %add3A_1129 = arith.addi %min3A_1123, %select_n3A_1128 : vector<16xi32>
        %min3A_1130 = arith.constant 8 : i32
        %min3A_1131 = vector.broadcast %min3A_1130 : i32 to vector<16xi32>
        %min3A_1132 = arith.minsi %add3A_1129, %min3A_1131 : vector<16xi32>
        tpu.vector_store_idx %arg8[%min3A_1132, %add3A_136], %add3A_830 masked %gt3A_837 : memref<9x768xi32, #tpu.memory_space<vmem>>[vector<16xi32>, vector<16xi32>], vector<16xi32>, vector<16xi1>
        %jit3A_1133 = arith.constant 1 : i32
        %jit3A_1134 = arith.constant 0 : i32
        %broadcast_in_dim3A_1135 = vector.broadcast %jit3A_1133 : i32 to vector<16xi32>
        %broadcast_in_dim3A_1136 = vector.broadcast %jit3A_1134 : i32 to vector<16xi32>
        %select_n3A_1137 = arith.select %gt3A_837, %broadcast_in_dim3A_1135, %broadcast_in_dim3A_1136 : vector<16xi1>, vector<16xi32>
        %add3A_1138 = arith.addi %min3A_1132, %select_n3A_1137 : vector<16xi32>
        %min3A_1139 = arith.constant 8 : i32
        %min3A_1140 = vector.broadcast %min3A_1139 : i32 to vector<16xi32>
        %min3A_1141 = arith.minsi %add3A_1138, %min3A_1140 : vector<16xi32>
        tpu.vector_store_idx %arg8[%min3A_1141, %add3A_136], %add3A_862 masked %gt3A_869 : memref<9x768xi32, #tpu.memory_space<vmem>>[vector<16xi32>, vector<16xi32>], vector<16xi32>, vector<16xi1>
        %jit3A_1142 = arith.constant 1 : i32
        %jit3A_1143 = arith.constant 0 : i32
        %broadcast_in_dim3A_1144 = vector.broadcast %jit3A_1142 : i32 to vector<16xi32>
        %broadcast_in_dim3A_1145 = vector.broadcast %jit3A_1143 : i32 to vector<16xi32>
        %select_n3A_1146 = arith.select %gt3A_869, %broadcast_in_dim3A_1144, %broadcast_in_dim3A_1145 : vector<16xi1>, vector<16xi32>
        %add3A_1147 = arith.addi %min3A_1141, %select_n3A_1146 : vector<16xi32>
        %min3A_1148 = arith.constant 8 : i32
        %min3A_1149 = vector.broadcast %min3A_1148 : i32 to vector<16xi32>
        %min3A_1150 = arith.minsi %add3A_1147, %min3A_1149 : vector<16xi32>
        tpu.vector_store_idx %arg8[%min3A_1150, %add3A_136], %add3A_894 masked %gt3A_901 : memref<9x768xi32, #tpu.memory_space<vmem>>[vector<16xi32>, vector<16xi32>], vector<16xi32>, vector<16xi1>
        %jit3A_1151 = arith.constant 1 : i32
        %jit3A_1152 = arith.constant 0 : i32
        %broadcast_in_dim3A_1153 = vector.broadcast %jit3A_1151 : i32 to vector<16xi32>
        %broadcast_in_dim3A_1154 = vector.broadcast %jit3A_1152 : i32 to vector<16xi32>
        %select_n3A_1155 = arith.select %gt3A_901, %broadcast_in_dim3A_1153, %broadcast_in_dim3A_1154 : vector<16xi1>, vector<16xi32>
        %add3A_1156 = arith.addi %min3A_1150, %select_n3A_1155 : vector<16xi32>
        %min3A_1157 = arith.constant 8 : i32
        %min3A_1158 = vector.broadcast %min3A_1157 : i32 to vector<16xi32>
        %min3A_1159 = arith.minsi %add3A_1156, %min3A_1158 : vector<16xi32>
        tpu.vector_store_idx %arg8[%min3A_1159, %add3A_136], %add3A_926 masked %gt3A_933 : memref<9x768xi32, #tpu.memory_space<vmem>>[vector<16xi32>, vector<16xi32>], vector<16xi32>, vector<16xi1>
        %jit3A_1160 = arith.constant 1 : i32
        %jit3A_1161 = arith.constant 0 : i32
        %broadcast_in_dim3A_1162 = vector.broadcast %jit3A_1160 : i32 to vector<16xi32>
        %broadcast_in_dim3A_1163 = vector.broadcast %jit3A_1161 : i32 to vector<16xi32>
        %select_n3A_1164 = arith.select %gt3A_933, %broadcast_in_dim3A_1162, %broadcast_in_dim3A_1163 : vector<16xi1>, vector<16xi32>
        %add3A_1165 = arith.addi %min3A_1159, %select_n3A_1164 : vector<16xi32>
        %min3A_1166 = arith.constant 8 : i32
        %min3A_1167 = vector.broadcast %min3A_1166 : i32 to vector<16xi32>
        %min3A_1168 = arith.minsi %add3A_1165, %min3A_1167 : vector<16xi32>
        tpu.vector_store_idx %arg8[%min3A_1168, %add3A_136], %add3A_958 masked %gt3A_965 : memref<9x768xi32, #tpu.memory_space<vmem>>[vector<16xi32>, vector<16xi32>], vector<16xi32>, vector<16xi1>
        %jit3A_1169 = arith.constant 1 : i32
        %jit3A_1170 = arith.constant 0 : i32
        %broadcast_in_dim3A_1171 = vector.broadcast %jit3A_1169 : i32 to vector<16xi32>
        %broadcast_in_dim3A_1172 = vector.broadcast %jit3A_1170 : i32 to vector<16xi32>
        %select_n3A_1173 = arith.select %gt3A_965, %broadcast_in_dim3A_1171, %broadcast_in_dim3A_1172 : vector<16xi1>, vector<16xi32>
        %add3A_1174 = arith.addi %min3A_1168, %select_n3A_1173 : vector<16xi32>
        %min3A_1175 = arith.constant 8 : i32
        %min3A_1176 = vector.broadcast %min3A_1175 : i32 to vector<16xi32>
        %min3A_1177 = arith.minsi %add3A_1174, %min3A_1176 : vector<16xi32>
        tpu.vector_store_idx %arg8[%min3A_1177, %add3A_136], %add3A_990 masked %gt3A_997 : memref<9x768xi32, #tpu.memory_space<vmem>>[vector<16xi32>, vector<16xi32>], vector<16xi32>, vector<16xi1>
        %jit3A_1178 = arith.constant 1 : i32
        %jit3A_1179 = arith.constant 0 : i32
        %broadcast_in_dim3A_1180 = vector.broadcast %jit3A_1178 : i32 to vector<16xi32>
        %broadcast_in_dim3A_1181 = vector.broadcast %jit3A_1179 : i32 to vector<16xi32>
        %select_n3A_1182 = arith.select %gt3A_997, %broadcast_in_dim3A_1180, %broadcast_in_dim3A_1181 : vector<16xi1>, vector<16xi32>
        %add3A_1183 = arith.addi %min3A_1177, %select_n3A_1182 : vector<16xi32>
        %min3A_1184 = arith.constant 8 : i32
        %min3A_1185 = vector.broadcast %min3A_1184 : i32 to vector<16xi32>
        %min3A_1186 = arith.minsi %add3A_1183, %min3A_1185 : vector<16xi32>
        tpu.vector_store_idx %arg8[%min3A_1186, %add3A_136], %add3A_1022 masked %gt3A_1029 : memref<9x768xi32, #tpu.memory_space<vmem>>[vector<16xi32>, vector<16xi32>], vector<16xi32>, vector<16xi1>
        %jit3A_1187 = arith.constant 1 : i32
        %jit3A_1188 = arith.constant 0 : i32
        %broadcast_in_dim3A_1189 = vector.broadcast %jit3A_1187 : i32 to vector<16xi32>
        %broadcast_in_dim3A_1190 = vector.broadcast %jit3A_1188 : i32 to vector<16xi32>
        %select_n3A_1191 = arith.select %gt3A_1029, %broadcast_in_dim3A_1189, %broadcast_in_dim3A_1190 : vector<16xi1>, vector<16xi32>
        %add3A_1192 = arith.addi %min3A_1186, %select_n3A_1191 : vector<16xi32>
        %min3A_1193 = arith.constant 8 : i32
        %min3A_1194 = vector.broadcast %min3A_1193 : i32 to vector<16xi32>
        %min3A_1195 = arith.minsi %add3A_1192, %min3A_1194 : vector<16xi32>
        tpu.vector_store_idx %arg8[%min3A_1195, %add3A_136], %add3A_1054 masked %gt3A_1061 : memref<9x768xi32, #tpu.memory_space<vmem>>[vector<16xi32>, vector<16xi32>], vector<16xi32>, vector<16xi1>
        %jit3A_1196 = arith.constant 1 : i32
        %jit3A_1197 = arith.constant 0 : i32
        %broadcast_in_dim3A_1198 = vector.broadcast %jit3A_1196 : i32 to vector<16xi32>
        %broadcast_in_dim3A_1199 = vector.broadcast %jit3A_1197 : i32 to vector<16xi32>
        %select_n3A_1200 = arith.select %gt3A_1061, %broadcast_in_dim3A_1198, %broadcast_in_dim3A_1199 : vector<16xi1>, vector<16xi32>
        %add3A_1201 = arith.addi %min3A_1195, %select_n3A_1200 : vector<16xi32>
        %min3A_1202 = arith.constant 8 : i32
        %min3A_1203 = vector.broadcast %min3A_1202 : i32 to vector<16xi32>
        %min3A_1204 = arith.minsi %add3A_1201, %min3A_1203 : vector<16xi32>
        scf.yield %min3A_1204 : vector<16xi32>
      }
      %mul3A_225 = arith.constant 16 : i32
      %mul3A_226 = arith.muli %scan3A_131, %mul3A_225 : i32
      %get3A_227 = arith.constant 0 : i32
      %get3A_228 = arith.index_cast %get3A_227 : i32 to index
      %get3A_229 = arith.index_cast %mul3A_226 : i32 to index
      %get3A_230 = tpu.vector_load %arg8[%get3A_228, %get3A_229] {strides = array<i32>} : memref<9x768xi32, #tpu.memory_space<vmem>>, vector<16xi32>,
      %mul3A_231 = arith.constant 2731 : i32
      %mul3A_232 = vector.broadcast %mul3A_231 : i32 to vector<16xi32>
      %mul3A_233 = arith.muli %get3A_230, %mul3A_232 : vector<16xi32>
      %shift_right_arithmetic3A_234 = arith.constant 18 : i32
      %shift_right_arithmetic3A_235 = vector.broadcast %shift_right_arithmetic3A_234 : i32 to vector<16xi32>
      %shift_right_arithmetic3A_236 = arith.shrsi %mul3A_233, %shift_right_arithmetic3A_235 : vector<16xi32>
      %mul3A_237 = arith.constant 96 : i32
      %mul3A_238 = vector.broadcast %mul3A_237 : i32 to vector<16xi32>
      %mul3A_239 = arith.muli %shift_right_arithmetic3A_236, %mul3A_238 : vector<16xi32>
      %sub3A_240 = arith.subi %get3A_230, %mul3A_239 : vector<16xi32>
      %sub3A_241 = arith.subi %sub3A_240, %sub3A_147 : vector<16xi32>
      %convert_element_type3A_242 = arith.sitofp %sub3A_241 : vector<16xi32> to vector<16xf32>
      %mul3A_243 = arith.constant 16 : i32
      %mul3A_244 = arith.muli %scan3A_131, %mul3A_243 : i32
      %swap3A_245 = arith.constant 0 : i32
      %swap3A_246 = arith.index_cast %swap3A_245 : i32 to index
      %swap3A_247 = arith.index_cast %mul3A_244 : i32 to index
      %swap3A_248 = tpu.vector_load %arg9[%swap3A_246, %swap3A_247] {strides = array<i32>} : memref<8x768xf32, #tpu.memory_space<vmem>>, vector<16xf32>,
      tpu.vector_store %arg9[%swap3A_246, %swap3A_247], %convert_element_type3A_242 {strides = array<i32>} : memref<8x768xf32, #tpu.memory_space<vmem>>, vector<16xf32>,
      %sub3A_249 = arith.subi %shift_right_arithmetic3A_236, %shift_right_arithmetic3A_143 : vector<16xi32>
      %convert_element_type3A_250 = arith.sitofp %sub3A_249 : vector<16xi32> to vector<16xf32>
      %mul3A_251 = arith.constant 16 : i32
      %mul3A_252 = arith.muli %scan3A_131, %mul3A_251 : i32
      %swap3A_253 = arith.constant 0 : i32
      %swap3A_254 = arith.index_cast %swap3A_253 : i32 to index
      %swap3A_255 = arith.index_cast %mul3A_252 : i32 to index
      %swap3A_256 = tpu.vector_load %arg10[%swap3A_254, %swap3A_255] {strides = array<i32>} : memref<8x768xf32, #tpu.memory_space<vmem>>, vector<16xf32>,
      tpu.vector_store %arg10[%swap3A_254, %swap3A_255], %convert_element_type3A_250 {strides = array<i32>} : memref<8x768xf32, #tpu.memory_space<vmem>>, vector<16xf32>,
      %mul3A_257 = arith.constant 16 : i32
      %mul3A_258 = arith.muli %scan3A_131, %mul3A_257 : i32
      %get3A_259 = arith.constant 1 : i32
      %get3A_260 = arith.index_cast %get3A_259 : i32 to index
      %get3A_261 = arith.index_cast %mul3A_258 : i32 to index
      %get3A_262 = tpu.vector_load %arg8[%get3A_260, %get3A_261] {strides = array<i32>} : memref<9x768xi32, #tpu.memory_space<vmem>>, vector<16xi32>,
      %mul3A_263 = arith.constant 2731 : i32
      %mul3A_264 = vector.broadcast %mul3A_263 : i32 to vector<16xi32>
      %mul3A_265 = arith.muli %get3A_262, %mul3A_264 : vector<16xi32>
      %shift_right_arithmetic3A_266 = arith.constant 18 : i32
      %shift_right_arithmetic3A_267 = vector.broadcast %shift_right_arithmetic3A_266 : i32 to vector<16xi32>
      %shift_right_arithmetic3A_268 = arith.shrsi %mul3A_265, %shift_right_arithmetic3A_267 : vector<16xi32>
      %mul3A_269 = arith.constant 96 : i32
      %mul3A_270 = vector.broadcast %mul3A_269 : i32 to vector<16xi32>
      %mul3A_271 = arith.muli %shift_right_arithmetic3A_268, %mul3A_270 : vector<16xi32>
      %sub3A_272 = arith.subi %get3A_262, %mul3A_271 : vector<16xi32>
      %sub3A_273 = arith.subi %sub3A_272, %sub3A_147 : vector<16xi32>
      %convert_element_type3A_274 = arith.sitofp %sub3A_273 : vector<16xi32> to vector<16xf32>
      %mul3A_275 = arith.constant 16 : i32
      %mul3A_276 = arith.muli %scan3A_131, %mul3A_275 : i32
      %swap3A_277 = arith.constant 1 : i32
      %swap3A_278 = arith.index_cast %swap3A_277 : i32 to index
      %swap3A_279 = arith.index_cast %mul3A_276 : i32 to index
      %swap3A_280 = tpu.vector_load %arg9[%swap3A_278, %swap3A_279] {strides = array<i32>} : memref<8x768xf32, #tpu.memory_space<vmem>>, vector<16xf32>,
      tpu.vector_store %arg9[%swap3A_278, %swap3A_279], %convert_element_type3A_274 {strides = array<i32>} : memref<8x768xf32, #tpu.memory_space<vmem>>, vector<16xf32>,
      %sub3A_281 = arith.subi %shift_right_arithmetic3A_268, %shift_right_arithmetic3A_143 : vector<16xi32>
      %convert_element_type3A_282 = arith.sitofp %sub3A_281 : vector<16xi32> to vector<16xf32>
      %mul3A_283 = arith.constant 16 : i32
      %mul3A_284 = arith.muli %scan3A_131, %mul3A_283 : i32
      %swap3A_285 = arith.constant 1 : i32
      %swap3A_286 = arith.index_cast %swap3A_285 : i32 to index
      %swap3A_287 = arith.index_cast %mul3A_284 : i32 to index
      %swap3A_288 = tpu.vector_load %arg10[%swap3A_286, %swap3A_287] {strides = array<i32>} : memref<8x768xf32, #tpu.memory_space<vmem>>, vector<16xf32>,
      tpu.vector_store %arg10[%swap3A_286, %swap3A_287], %convert_element_type3A_282 {strides = array<i32>} : memref<8x768xf32, #tpu.memory_space<vmem>>, vector<16xf32>,
      %mul3A_289 = arith.constant 16 : i32
      %mul3A_290 = arith.muli %scan3A_131, %mul3A_289 : i32
      %get3A_291 = arith.constant 2 : i32
      %get3A_292 = arith.index_cast %get3A_291 : i32 to index
      %get3A_293 = arith.index_cast %mul3A_290 : i32 to index
      %get3A_294 = tpu.vector_load %arg8[%get3A_292, %get3A_293] {strides = array<i32>} : memref<9x768xi32, #tpu.memory_space<vmem>>, vector<16xi32>,
      %mul3A_295 = arith.constant 2731 : i32
      %mul3A_296 = vector.broadcast %mul3A_295 : i32 to vector<16xi32>
      %mul3A_297 = arith.muli %get3A_294, %mul3A_296 : vector<16xi32>
      %shift_right_arithmetic3A_298 = arith.constant 18 : i32
      %shift_right_arithmetic3A_299 = vector.broadcast %shift_right_arithmetic3A_298 : i32 to vector<16xi32>
      %shift_right_arithmetic3A_300 = arith.shrsi %mul3A_297, %shift_right_arithmetic3A_299 : vector<16xi32>
      %mul3A_301 = arith.constant 96 : i32
      %mul3A_302 = vector.broadcast %mul3A_301 : i32 to vector<16xi32>
      %mul3A_303 = arith.muli %shift_right_arithmetic3A_300, %mul3A_302 : vector<16xi32>
      %sub3A_304 = arith.subi %get3A_294, %mul3A_303 : vector<16xi32>
      %sub3A_305 = arith.subi %sub3A_304, %sub3A_147 : vector<16xi32>
      %convert_element_type3A_306 = arith.sitofp %sub3A_305 : vector<16xi32> to vector<16xf32>
      %mul3A_307 = arith.constant 16 : i32
      %mul3A_308 = arith.muli %scan3A_131, %mul3A_307 : i32
      %swap3A_309 = arith.constant 2 : i32
      %swap3A_310 = arith.index_cast %swap3A_309 : i32 to index
      %swap3A_311 = arith.index_cast %mul3A_308 : i32 to index
      %swap3A_312 = tpu.vector_load %arg9[%swap3A_310, %swap3A_311] {strides = array<i32>} : memref<8x768xf32, #tpu.memory_space<vmem>>, vector<16xf32>,
      tpu.vector_store %arg9[%swap3A_310, %swap3A_311], %convert_element_type3A_306 {strides = array<i32>} : memref<8x768xf32, #tpu.memory_space<vmem>>, vector<16xf32>,
      %sub3A_313 = arith.subi %shift_right_arithmetic3A_300, %shift_right_arithmetic3A_143 : vector<16xi32>
      %convert_element_type3A_314 = arith.sitofp %sub3A_313 : vector<16xi32> to vector<16xf32>
      %mul3A_315 = arith.constant 16 : i32
      %mul3A_316 = arith.muli %scan3A_131, %mul3A_315 : i32
      %swap3A_317 = arith.constant 2 : i32
      %swap3A_318 = arith.index_cast %swap3A_317 : i32 to index
      %swap3A_319 = arith.index_cast %mul3A_316 : i32 to index
      %swap3A_320 = tpu.vector_load %arg10[%swap3A_318, %swap3A_319] {strides = array<i32>} : memref<8x768xf32, #tpu.memory_space<vmem>>, vector<16xf32>,
      tpu.vector_store %arg10[%swap3A_318, %swap3A_319], %convert_element_type3A_314 {strides = array<i32>} : memref<8x768xf32, #tpu.memory_space<vmem>>, vector<16xf32>,
      %mul3A_321 = arith.constant 16 : i32
      %mul3A_322 = arith.muli %scan3A_131, %mul3A_321 : i32
      %get3A_323 = arith.constant 3 : i32
      %get3A_324 = arith.index_cast %get3A_323 : i32 to index
      %get3A_325 = arith.index_cast %mul3A_322 : i32 to index
      %get3A_326 = tpu.vector_load %arg8[%get3A_324, %get3A_325] {strides = array<i32>} : memref<9x768xi32, #tpu.memory_space<vmem>>, vector<16xi32>,
      %mul3A_327 = arith.constant 2731 : i32
      %mul3A_328 = vector.broadcast %mul3A_327 : i32 to vector<16xi32>
      %mul3A_329 = arith.muli %get3A_326, %mul3A_328 : vector<16xi32>
      %shift_right_arithmetic3A_330 = arith.constant 18 : i32
      %shift_right_arithmetic3A_331 = vector.broadcast %shift_right_arithmetic3A_330 : i32 to vector<16xi32>
      %shift_right_arithmetic3A_332 = arith.shrsi %mul3A_329, %shift_right_arithmetic3A_331 : vector<16xi32>
      %mul3A_333 = arith.constant 96 : i32
      %mul3A_334 = vector.broadcast %mul3A_333 : i32 to vector<16xi32>
      %mul3A_335 = arith.muli %shift_right_arithmetic3A_332, %mul3A_334 : vector<16xi32>
      %sub3A_336 = arith.subi %get3A_326, %mul3A_335 : vector<16xi32>
      %sub3A_337 = arith.subi %sub3A_336, %sub3A_147 : vector<16xi32>
      %convert_element_type3A_338 = arith.sitofp %sub3A_337 : vector<16xi32> to vector<16xf32>
      %mul3A_339 = arith.constant 16 : i32
      %mul3A_340 = arith.muli %scan3A_131, %mul3A_339 : i32
      %swap3A_341 = arith.constant 3 : i32
      %swap3A_342 = arith.index_cast %swap3A_341 : i32 to index
      %swap3A_343 = arith.index_cast %mul3A_340 : i32 to index
      %swap3A_344 = tpu.vector_load %arg9[%swap3A_342, %swap3A_343] {strides = array<i32>} : memref<8x768xf32, #tpu.memory_space<vmem>>, vector<16xf32>,
      tpu.vector_store %arg9[%swap3A_342, %swap3A_343], %convert_element_type3A_338 {strides = array<i32>} : memref<8x768xf32, #tpu.memory_space<vmem>>, vector<16xf32>,
      %sub3A_345 = arith.subi %shift_right_arithmetic3A_332, %shift_right_arithmetic3A_143 : vector<16xi32>
      %convert_element_type3A_346 = arith.sitofp %sub3A_345 : vector<16xi32> to vector<16xf32>
      %mul3A_347 = arith.constant 16 : i32
      %mul3A_348 = arith.muli %scan3A_131, %mul3A_347 : i32
      %swap3A_349 = arith.constant 3 : i32
      %swap3A_350 = arith.index_cast %swap3A_349 : i32 to index
      %swap3A_351 = arith.index_cast %mul3A_348 : i32 to index
      %swap3A_352 = tpu.vector_load %arg10[%swap3A_350, %swap3A_351] {strides = array<i32>} : memref<8x768xf32, #tpu.memory_space<vmem>>, vector<16xf32>,
      tpu.vector_store %arg10[%swap3A_350, %swap3A_351], %convert_element_type3A_346 {strides = array<i32>} : memref<8x768xf32, #tpu.memory_space<vmem>>, vector<16xf32>,
      %mul3A_353 = arith.constant 16 : i32
      %mul3A_354 = arith.muli %scan3A_131, %mul3A_353 : i32
      %get3A_355 = arith.constant 4 : i32
      %get3A_356 = arith.index_cast %get3A_355 : i32 to index
      %get3A_357 = arith.index_cast %mul3A_354 : i32 to index
      %get3A_358 = tpu.vector_load %arg8[%get3A_356, %get3A_357] {strides = array<i32>} : memref<9x768xi32, #tpu.memory_space<vmem>>, vector<16xi32>,
      %mul3A_359 = arith.constant 2731 : i32
      %mul3A_360 = vector.broadcast %mul3A_359 : i32 to vector<16xi32>
      %mul3A_361 = arith.muli %get3A_358, %mul3A_360 : vector<16xi32>
      %shift_right_arithmetic3A_362 = arith.constant 18 : i32
      %shift_right_arithmetic3A_363 = vector.broadcast %shift_right_arithmetic3A_362 : i32 to vector<16xi32>
      %shift_right_arithmetic3A_364 = arith.shrsi %mul3A_361, %shift_right_arithmetic3A_363 : vector<16xi32>
      %mul3A_365 = arith.constant 96 : i32
      %mul3A_366 = vector.broadcast %mul3A_365 : i32 to vector<16xi32>
      %mul3A_367 = arith.muli %shift_right_arithmetic3A_364, %mul3A_366 : vector<16xi32>
      %sub3A_368 = arith.subi %get3A_358, %mul3A_367 : vector<16xi32>
      %sub3A_369 = arith.subi %sub3A_368, %sub3A_147 : vector<16xi32>
      %convert_element_type3A_370 = arith.sitofp %sub3A_369 : vector<16xi32> to vector<16xf32>
      %mul3A_371 = arith.constant 16 : i32
      %mul3A_372 = arith.muli %scan3A_131, %mul3A_371 : i32
      %swap3A_373 = arith.constant 4 : i32
      %swap3A_374 = arith.index_cast %swap3A_373 : i32 to index
      %swap3A_375 = arith.index_cast %mul3A_372 : i32 to index
      %swap3A_376 = tpu.vector_load %arg9[%swap3A_374, %swap3A_375] {strides = array<i32>} : memref<8x768xf32, #tpu.memory_space<vmem>>, vector<16xf32>,
      tpu.vector_store %arg9[%swap3A_374, %swap3A_375], %convert_element_type3A_370 {strides = array<i32>} : memref<8x768xf32, #tpu.memory_space<vmem>>, vector<16xf32>,
      %sub3A_377 = arith.subi %shift_right_arithmetic3A_364, %shift_right_arithmetic3A_143 : vector<16xi32>
      %convert_element_type3A_378 = arith.sitofp %sub3A_377 : vector<16xi32> to vector<16xf32>
      %mul3A_379 = arith.constant 16 : i32
      %mul3A_380 = arith.muli %scan3A_131, %mul3A_379 : i32
      %swap3A_381 = arith.constant 4 : i32
      %swap3A_382 = arith.index_cast %swap3A_381 : i32 to index
      %swap3A_383 = arith.index_cast %mul3A_380 : i32 to index
      %swap3A_384 = tpu.vector_load %arg10[%swap3A_382, %swap3A_383] {strides = array<i32>} : memref<8x768xf32, #tpu.memory_space<vmem>>, vector<16xf32>,
      tpu.vector_store %arg10[%swap3A_382, %swap3A_383], %convert_element_type3A_378 {strides = array<i32>} : memref<8x768xf32, #tpu.memory_space<vmem>>, vector<16xf32>,
      %mul3A_385 = arith.constant 16 : i32
      %mul3A_386 = arith.muli %scan3A_131, %mul3A_385 : i32
      %get3A_387 = arith.constant 5 : i32
      %get3A_388 = arith.index_cast %get3A_387 : i32 to index
      %get3A_389 = arith.index_cast %mul3A_386 : i32 to index
      %get3A_390 = tpu.vector_load %arg8[%get3A_388, %get3A_389] {strides = array<i32>} : memref<9x768xi32, #tpu.memory_space<vmem>>, vector<16xi32>,
      %mul3A_391 = arith.constant 2731 : i32
      %mul3A_392 = vector.broadcast %mul3A_391 : i32 to vector<16xi32>
      %mul3A_393 = arith.muli %get3A_390, %mul3A_392 : vector<16xi32>
      %shift_right_arithmetic3A_394 = arith.constant 18 : i32
      %shift_right_arithmetic3A_395 = vector.broadcast %shift_right_arithmetic3A_394 : i32 to vector<16xi32>
      %shift_right_arithmetic3A_396 = arith.shrsi %mul3A_393, %shift_right_arithmetic3A_395 : vector<16xi32>
      %mul3A_397 = arith.constant 96 : i32
      %mul3A_398 = vector.broadcast %mul3A_397 : i32 to vector<16xi32>
      %mul3A_399 = arith.muli %shift_right_arithmetic3A_396, %mul3A_398 : vector<16xi32>
      %sub3A_400 = arith.subi %get3A_390, %mul3A_399 : vector<16xi32>
      %sub3A_401 = arith.subi %sub3A_400, %sub3A_147 : vector<16xi32>
      %convert_element_type3A_402 = arith.sitofp %sub3A_401 : vector<16xi32> to vector<16xf32>
      %mul3A_403 = arith.constant 16 : i32
      %mul3A_404 = arith.muli %scan3A_131, %mul3A_403 : i32
      %swap3A_405 = arith.constant 5 : i32
      %swap3A_406 = arith.index_cast %swap3A_405 : i32 to index
      %swap3A_407 = arith.index_cast %mul3A_404 : i32 to index
      %swap3A_408 = tpu.vector_load %arg9[%swap3A_406, %swap3A_407] {strides = array<i32>} : memref<8x768xf32, #tpu.memory_space<vmem>>, vector<16xf32>,
      tpu.vector_store %arg9[%swap3A_406, %swap3A_407], %convert_element_type3A_402 {strides = array<i32>} : memref<8x768xf32, #tpu.memory_space<vmem>>, vector<16xf32>,
      %sub3A_409 = arith.subi %shift_right_arithmetic3A_396, %shift_right_arithmetic3A_143 : vector<16xi32>
      %convert_element_type3A_410 = arith.sitofp %sub3A_409 : vector<16xi32> to vector<16xf32>
      %mul3A_411 = arith.constant 16 : i32
      %mul3A_412 = arith.muli %scan3A_131, %mul3A_411 : i32
      %swap3A_413 = arith.constant 5 : i32
      %swap3A_414 = arith.index_cast %swap3A_413 : i32 to index
      %swap3A_415 = arith.index_cast %mul3A_412 : i32 to index
      %swap3A_416 = tpu.vector_load %arg10[%swap3A_414, %swap3A_415] {strides = array<i32>} : memref<8x768xf32, #tpu.memory_space<vmem>>, vector<16xf32>,
      tpu.vector_store %arg10[%swap3A_414, %swap3A_415], %convert_element_type3A_410 {strides = array<i32>} : memref<8x768xf32, #tpu.memory_space<vmem>>, vector<16xf32>,
      %mul3A_417 = arith.constant 16 : i32
      %mul3A_418 = arith.muli %scan3A_131, %mul3A_417 : i32
      %get3A_419 = arith.constant 6 : i32
      %get3A_420 = arith.index_cast %get3A_419 : i32 to index
      %get3A_421 = arith.index_cast %mul3A_418 : i32 to index
      %get3A_422 = tpu.vector_load %arg8[%get3A_420, %get3A_421] {strides = array<i32>} : memref<9x768xi32, #tpu.memory_space<vmem>>, vector<16xi32>,
      %mul3A_423 = arith.constant 2731 : i32
      %mul3A_424 = vector.broadcast %mul3A_423 : i32 to vector<16xi32>
      %mul3A_425 = arith.muli %get3A_422, %mul3A_424 : vector<16xi32>
      %shift_right_arithmetic3A_426 = arith.constant 18 : i32
      %shift_right_arithmetic3A_427 = vector.broadcast %shift_right_arithmetic3A_426 : i32 to vector<16xi32>
      %shift_right_arithmetic3A_428 = arith.shrsi %mul3A_425, %shift_right_arithmetic3A_427 : vector<16xi32>
      %mul3A_429 = arith.constant 96 : i32
      %mul3A_430 = vector.broadcast %mul3A_429 : i32 to vector<16xi32>
      %mul3A_431 = arith.muli %shift_right_arithmetic3A_428, %mul3A_430 : vector<16xi32>
      %sub3A_432 = arith.subi %get3A_422, %mul3A_431 : vector<16xi32>
      %sub3A_433 = arith.subi %sub3A_432, %sub3A_147 : vector<16xi32>
      %convert_element_type3A_434 = arith.sitofp %sub3A_433 : vector<16xi32> to vector<16xf32>
      %mul3A_435 = arith.constant 16 : i32
      %mul3A_436 = arith.muli %scan3A_131, %mul3A_435 : i32
      %swap3A_437 = arith.constant 6 : i32
      %swap3A_438 = arith.index_cast %swap3A_437 : i32 to index
      %swap3A_439 = arith.index_cast %mul3A_436 : i32 to index
      %swap3A_440 = tpu.vector_load %arg9[%swap3A_438, %swap3A_439] {strides = array<i32>} : memref<8x768xf32, #tpu.memory_space<vmem>>, vector<16xf32>,
      tpu.vector_store %arg9[%swap3A_438, %swap3A_439], %convert_element_type3A_434 {strides = array<i32>} : memref<8x768xf32, #tpu.memory_space<vmem>>, vector<16xf32>,
      %sub3A_441 = arith.subi %shift_right_arithmetic3A_428, %shift_right_arithmetic3A_143 : vector<16xi32>
      %convert_element_type3A_442 = arith.sitofp %sub3A_441 : vector<16xi32> to vector<16xf32>
      %mul3A_443 = arith.constant 16 : i32
      %mul3A_444 = arith.muli %scan3A_131, %mul3A_443 : i32
      %swap3A_445 = arith.constant 6 : i32
      %swap3A_446 = arith.index_cast %swap3A_445 : i32 to index
      %swap3A_447 = arith.index_cast %mul3A_444 : i32 to index
      %swap3A_448 = tpu.vector_load %arg10[%swap3A_446, %swap3A_447] {strides = array<i32>} : memref<8x768xf32, #tpu.memory_space<vmem>>, vector<16xf32>,
      tpu.vector_store %arg10[%swap3A_446, %swap3A_447], %convert_element_type3A_442 {strides = array<i32>} : memref<8x768xf32, #tpu.memory_space<vmem>>, vector<16xf32>,
      %mul3A_449 = arith.constant 16 : i32
      %mul3A_450 = arith.muli %scan3A_131, %mul3A_449 : i32
      %get3A_451 = arith.constant 7 : i32
      %get3A_452 = arith.index_cast %get3A_451 : i32 to index
      %get3A_453 = arith.index_cast %mul3A_450 : i32 to index
      %get3A_454 = tpu.vector_load %arg8[%get3A_452, %get3A_453] {strides = array<i32>} : memref<9x768xi32, #tpu.memory_space<vmem>>, vector<16xi32>,
      %mul3A_455 = arith.constant 2731 : i32
      %mul3A_456 = vector.broadcast %mul3A_455 : i32 to vector<16xi32>
      %mul3A_457 = arith.muli %get3A_454, %mul3A_456 : vector<16xi32>
      %shift_right_arithmetic3A_458 = arith.constant 18 : i32
      %shift_right_arithmetic3A_459 = vector.broadcast %shift_right_arithmetic3A_458 : i32 to vector<16xi32>
      %shift_right_arithmetic3A_460 = arith.shrsi %mul3A_457, %shift_right_arithmetic3A_459 : vector<16xi32>
      %mul3A_461 = arith.constant 96 : i32
      %mul3A_462 = vector.broadcast %mul3A_461 : i32 to vector<16xi32>
      %mul3A_463 = arith.muli %shift_right_arithmetic3A_460, %mul3A_462 : vector<16xi32>
      %sub3A_464 = arith.subi %get3A_454, %mul3A_463 : vector<16xi32>
      %sub3A_465 = arith.subi %sub3A_464, %sub3A_147 : vector<16xi32>
      %convert_element_type3A_466 = arith.sitofp %sub3A_465 : vector<16xi32> to vector<16xf32>
      %mul3A_467 = arith.constant 16 : i32
      %mul3A_468 = arith.muli %scan3A_131, %mul3A_467 : i32
      %swap3A_469 = arith.constant 7 : i32
      %swap3A_470 = arith.index_cast %swap3A_469 : i32 to index
      %swap3A_471 = arith.index_cast %mul3A_468 : i32 to index
      %swap3A_472 = tpu.vector_load %arg9[%swap3A_470, %swap3A_471] {strides = array<i32>} : memref<8x768xf32, #tpu.memory_space<vmem>>, vector<16xf32>,
      tpu.vector_store %arg9[%swap3A_470, %swap3A_471], %convert_element_type3A_466 {strides = array<i32>} : memref<8x768xf32, #tpu.memory_space<vmem>>, vector<16xf32>,
      %sub3A_473 = arith.subi %shift_right_arithmetic3A_460, %shift_right_arithmetic3A_143 : vector<16xi32>
      %convert_element_type3A_474 = arith.sitofp %sub3A_473 : vector<16xi32> to vector<16xf32>
      %mul3A_475 = arith.constant 16 : i32
      %mul3A_476 = arith.muli %scan3A_131, %mul3A_475 : i32
      %swap3A_477 = arith.constant 7 : i32
      %swap3A_478 = arith.index_cast %swap3A_477 : i32 to index
      %swap3A_479 = arith.index_cast %mul3A_476 : i32 to index
      %swap3A_480 = tpu.vector_load %arg10[%swap3A_478, %swap3A_479] {strides = array<i32>} : memref<8x768xf32, #tpu.memory_space<vmem>>, vector<16xf32>,
      tpu.vector_store %arg10[%swap3A_478, %swap3A_479], %convert_element_type3A_474 {strides = array<i32>} : memref<8x768xf32, #tpu.memory_space<vmem>>, vector<16xf32>,
      %scan3A_481 = arith.constant 0 : i32
      scf.yield %scan3A_481 : i32
    }
    %scan3A_78 = arith.constant 48 : i32
    %dma_start3A_79 = arith.constant 0 : i32
    %dma_start3A_80 = arith.constant 0 : i32
    %dma_start3A_81 = tpu.memref_slice %arg8[%dma_start3A_79, %dma_start3A_80] : memref<9x768xi32, #tpu.memory_space<vmem>> -> memref<8x768xi32, #tpu.memory_space<vmem>>
    %dma_start3A_82 = arith.constant 0 : i32
    %dma_start3A_83 = tpu.memref_slice %arg5[%select_n3A, %dma_start3A_82, %mul3A_32] : memref<4x8x6144xi32, #tpu.memory_space<hbm>> -> memref<1x8x768xi32, #tpu.memory_space<hbm>>
    %dma_start3A_84 = tpu.memref_squeeze %dma_start3A_83 : memref<1x8x768xi32, #tpu.memory_space<hbm>> -> memref<8x768xi32, #tpu.memory_space<hbm>>
    %dma_start3A_85 = arith.constant 0 : i32
    %dma_start3A_86 = tpu.memref_slice %arg5[%select_n3A, %dma_start3A_85, %mul3A_32] : memref<4x8x6144xi32, #tpu.memory_space<hbm>> -> memref<1x8x768xi32, #tpu.memory_space<hbm>>
    %dma_start3A_87 = tpu.memref_squeeze %dma_start3A_86 : memref<1x8x768xi32, #tpu.memory_space<hbm>> -> memref<8x768xi32, #tpu.memory_space<hbm>>
    %dma_start3A_88 = arith.constant 0 : i32
    %dma_start3A_89 = arith.constant 0 : i32
    %dma_start3A_90 = tpu.memref_slice %arg8[%dma_start3A_88, %dma_start3A_89] : memref<9x768xi32, #tpu.memory_space<vmem>> -> memref<8x768xi32, #tpu.memory_space<vmem>>
    tpu.enqueue_dma source(%dma_start3A_90 : memref<8x768xi32, #tpu.memory_space<vmem>>) target(%dma_start3A_87 : memref<8x768xi32, #tpu.memory_space<hbm>>) target_semaphore(%arg12 : memref<!tpu.dma_semaphore, #tpu.memory_space<semaphore_mem>>)
    %dma_start3A_91 = arith.constant 0 : i32
    %dma_start3A_92 = arith.constant 0 : i32
    %dma_start3A_93 = tpu.memref_slice %arg4[%select_n3A, %dma_start3A_91, %dma_start3A_92, %mul3A_32] : memref<4x2x8x6144xf32, #tpu.memory_space<hbm>> -> memref<1x1x8x768xf32, #tpu.memory_space<hbm>>
    %dma_start3A_94 = tpu.memref_squeeze %dma_start3A_93 : memref<1x1x8x768xf32, #tpu.memory_space<hbm>> -> memref<8x768xf32, #tpu.memory_space<hbm>>
    %dma_start3A_95 = arith.constant 0 : i32
    %dma_start3A_96 = tpu.memref_slice %arg4[%select_n3A, %dma_start3A_91, %dma_start3A_95, %mul3A_32] : memref<4x2x8x6144xf32, #tpu.memory_space<hbm>> -> memref<1x1x8x768xf32, #tpu.memory_space<hbm>>
    %dma_start3A_97 = tpu.memref_squeeze %dma_start3A_96 : memref<1x1x8x768xf32, #tpu.memory_space<hbm>> -> memref<8x768xf32, #tpu.memory_space<hbm>>
    tpu.enqueue_dma source(%arg9 : memref<8x768xf32, #tpu.memory_space<vmem>>) target(%dma_start3A_97 : memref<8x768xf32, #tpu.memory_space<hbm>>) target_semaphore(%arg13 : memref<!tpu.dma_semaphore, #tpu.memory_space<semaphore_mem>>)
    %dma_start3A_98 = arith.constant 1 : i32
    %dma_start3A_99 = arith.constant 0 : i32
    %dma_start3A_100 = tpu.memref_slice %arg4[%select_n3A, %dma_start3A_98, %dma_start3A_99, %mul3A_32] : memref<4x2x8x6144xf32, #tpu.memory_space<hbm>> -> memref<1x1x8x768xf32, #tpu.memory_space<hbm>>
    %dma_start3A_101 = tpu.memref_squeeze %dma_start3A_100 : memref<1x1x8x768xf32, #tpu.memory_space<hbm>> -> memref<8x768xf32, #tpu.memory_space<hbm>>
    %dma_start3A_102 = arith.constant 0 : i32
    %dma_start3A_103 = tpu.memref_slice %arg4[%select_n3A, %dma_start3A_98, %dma_start3A_102, %mul3A_32] : memref<4x2x8x6144xf32, #tpu.memory_space<hbm>> -> memref<1x1x8x768xf32, #tpu.memory_space<hbm>>
    %dma_start3A_104 = tpu.memref_squeeze %dma_start3A_103 : memref<1x1x8x768xf32, #tpu.memory_space<hbm>> -> memref<8x768xf32, #tpu.memory_space<hbm>>
    tpu.enqueue_dma source(%arg10 : memref<8x768xf32, #tpu.memory_space<vmem>>) target(%dma_start3A_104 : memref<8x768xf32, #tpu.memory_space<hbm>>) target_semaphore(%arg14 : memref<!tpu.dma_semaphore, #tpu.memory_space<semaphore_mem>>)
    %dma_wait3A_105 = arith.constant 0 : i32
    %dma_wait3A_106 = arith.constant 0 : i32
    %dma_wait3A_107 = tpu.memref_slice %arg8[%dma_wait3A_105, %dma_wait3A_106] : memref<9x768xi32, #tpu.memory_space<vmem>> -> memref<8x768xi32, #tpu.memory_space<vmem>>
    %dma_wait3A_108 = arith.constant 0 : i32
    %dma_wait3A_109 = tpu.memref_slice %arg5[%select_n3A, %dma_wait3A_108, %mul3A_32] : memref<4x8x6144xi32, #tpu.memory_space<hbm>> -> memref<1x8x768xi32, #tpu.memory_space<hbm>>
    %dma_wait3A_110 = tpu.memref_squeeze %dma_wait3A_109 : memref<1x8x768xi32, #tpu.memory_space<hbm>> -> memref<8x768xi32, #tpu.memory_space<hbm>>
    %dma_wait3A_111 = arith.constant 0 : i32
    %dma_wait3A_112 = tpu.memref_slice %arg5[%select_n3A, %dma_wait3A_111, %mul3A_32] : memref<4x8x6144xi32, #tpu.memory_space<hbm>> -> memref<1x8x768xi32, #tpu.memory_space<hbm>>
    %dma_wait3A_113 = tpu.memref_squeeze %dma_wait3A_112 : memref<1x8x768xi32, #tpu.memory_space<hbm>> -> memref<8x768xi32, #tpu.memory_space<hbm>>
    %dma_wait3A_114 = arith.constant 0 : i32
    %dma_wait3A_115 = arith.constant 0 : i32
    %dma_wait3A_116 = tpu.memref_slice %arg8[%dma_wait3A_114, %dma_wait3A_115] : memref<9x768xi32, #tpu.memory_space<vmem>> -> memref<8x768xi32, #tpu.memory_space<vmem>>
    tpu.wait_dma2 semaphore(%arg12 : memref<!tpu.dma_semaphore, #tpu.memory_space<semaphore_mem>>) src(%dma_wait3A_116 : memref<8x768xi32, #tpu.memory_space<vmem>>) dst(%dma_wait3A_113 : memref<8x768xi32, #tpu.memory_space<hbm>>)
    %dma_wait3A_117 = arith.constant 0 : i32
    %dma_wait3A_118 = arith.constant 0 : i32
    %dma_wait3A_119 = tpu.memref_slice %arg4[%select_n3A, %dma_wait3A_117, %dma_wait3A_118, %mul3A_32] : memref<4x2x8x6144xf32, #tpu.memory_space<hbm>> -> memref<1x1x8x768xf32, #tpu.memory_space<hbm>>
    %dma_wait3A_120 = tpu.memref_squeeze %dma_wait3A_119 : memref<1x1x8x768xf32, #tpu.memory_space<hbm>> -> memref<8x768xf32, #tpu.memory_space<hbm>>
    %dma_wait3A_121 = arith.constant 0 : i32
    %dma_wait3A_122 = tpu.memref_slice %arg4[%select_n3A, %dma_wait3A_117, %dma_wait3A_121, %mul3A_32] : memref<4x2x8x6144xf32, #tpu.memory_space<hbm>> -> memref<1x1x8x768xf32, #tpu.memory_space<hbm>>
    %dma_wait3A_123 = tpu.memref_squeeze %dma_wait3A_122 : memref<1x1x8x768xf32, #tpu.memory_space<hbm>> -> memref<8x768xf32, #tpu.memory_space<hbm>>
    tpu.wait_dma2 semaphore(%arg13 : memref<!tpu.dma_semaphore, #tpu.memory_space<semaphore_mem>>) src(%arg9 : memref<8x768xf32, #tpu.memory_space<vmem>>) dst(%dma_wait3A_123 : memref<8x768xf32, #tpu.memory_space<hbm>>)
    %dma_wait3A_124 = arith.constant 1 : i32
    %dma_wait3A_125 = arith.constant 0 : i32
    %dma_wait3A_126 = tpu.memref_slice %arg4[%select_n3A, %dma_wait3A_124, %dma_wait3A_125, %mul3A_32] : memref<4x2x8x6144xf32, #tpu.memory_space<hbm>> -> memref<1x1x8x768xf32, #tpu.memory_space<hbm>>
    %dma_wait3A_127 = tpu.memref_squeeze %dma_wait3A_126 : memref<1x1x8x768xf32, #tpu.memory_space<hbm>> -> memref<8x768xf32, #tpu.memory_space<hbm>>
    %dma_wait3A_128 = arith.constant 0 : i32
    %dma_wait3A_129 = tpu.memref_slice %arg4[%select_n3A, %dma_wait3A_124, %dma_wait3A_128, %mul3A_32] : memref<4x2x8x6144xf32, #tpu.memory_space<hbm>> -> memref<1x1x8x768xf32, #tpu.memory_space<hbm>>
    %dma_wait3A_130 = tpu.memref_squeeze %dma_wait3A_129 : memref<1x1x8x768xf32, #tpu.memory_space<hbm>> -> memref<8x768xf32, #tpu.memory_space<hbm>>
    tpu.wait_dma2 semaphore(%arg14 : memref<!tpu.dma_semaphore, #tpu.memory_space<semaphore_mem>>) src(%arg10 : memref<8x768xf32, #tpu.memory_space<vmem>>) dst(%dma_wait3A_130 : memref<8x768xf32, #tpu.memory_space<hbm>>)
    return
  }
}

</mosaic_0001>

<sc_bundles>
// kernel: kernel.3.cloned.1.call-start
scs
__scs_entry_jumppad:
0x0: {  	(pc) =	sbr.rel $0x88, $3  }
0x1: {  	(tag) =	ssettag $0x0;
	lr =	simm.s32 $0x1  }
0x2: {  	[smem:$0x3FA0] =	sst lr;
	_ =	strace $0xD0000000  }
0x3: {  	_ = 	snop  }
0x4: {  	_ = 	snop  }
0x5: {  	_ = 	snop  }
0x6: {  	_ = 	snop  }
0x7: {  	_ = 	snop  }
__scs_overlays_trampoline_lowered:
0x8: {  	[smem:$0x3FAF] =	sst s0  }
0x9: {  	[smem:$0x3FB0] =	sst s1  }
0xa: {  	[smem:$0x3FB1] =	sst s2  }
0xb: {  	[smem:$0x3FB2] =	sst s3  }
0xc: {  	[smem:$0x3FB3] =	sst s4  }
0xd: {  	[smem:$0x3FB4] =	sst s5  }
0xe: {  	[smem:$0x3FB5] =	sst s6  }
0xf: {  	[smem:$0x3FB6] =	sst s7  }
0x10: {  	[smem:$0x3FB7] =	sst s8  }
0x11: {  	[smem:$0x3FB8] =	sst s9;
	s0 =	simm.s32 @!p0 $0x0  }
0x12: {  	s1 =	sld [smem:$0x3F9E];
	s0 =	simm.s32 @p0 $0x1  }
0x13: {  	[smem:$0x3FB9] =	sst s0;
	s0 =	simm.s32 @!p1 $0x0  }
0x14: {  	s2 =	sld [smem:$0x3F9D];
	s0 =	simm.s32 @p1 $0x1  }
0x15: {  	[smem:$0x3FBA] =	sst s0;
	s0 =	simm.s32 @!p2 $0x0  }
0x16: {  	s3 =	sld [smem:$0x3FDB];
	s0 =	simm.s32 @p2 $0x1  }
0x17: {  	s4 =	simm.s32 $0x1BF5;
	[smem:$0x3FBC] =	sst s0  }
0x18: {  	s0 =	sld [smem:$0x3F9F];
	_ =	swait.ge [sflag:s4], $0x0  }
0x19: {  	s7 =	sld [smem:$0x3FA0]  }
0x1a: {  	s8 =	sadd.s32 $0xFFFFE003, lr  }
0x1b: {  	s9 =	sadd.s32 $0xFFFFFEF7, lr;
	s5 =	simm.s32 $0xFFFFFFFF;
	p2 =	slt.u32 s8, $0xFFFFF086  }
0x1c: {  	p1 =	slt.u32 s9, $0xF7A;
	s5 =	simm.s32 @!p2 $0x0  }
0x1d: {  	s5 =	simm.s32 @p1 $0x1;
	p0 =	seq.s32 s7, s2  }
0x1e: {  	s7 =	smul.u32 @!p0 $0xF7A, s2;
	p2 =	seq.s32 @!p0 s5, $0x0  }
0x1f: {  	s9 =	smul.u32 $0xF7A, s1;
	s8 =	simm.s32 @!p0 $0x1BF5;
	p2 =	por !p2, p0  }
0x20: {  	[sflag:s8] =	ssyncset.s32 @!p0 $0xFFFFF086;
	s6 =	sadd.s32 @!p0 s3, s7;
	s7 =	simm.s32 @!p0 $0x108  }
0x21: {  	s3 =	sadd.s32 s3, s9;
	s6 =	sadd.s32 @!p0 $0x88, s6;
	s7 =	simm.s32 @p2 $0x1082  }
0x22: {  	[simem:s7], [sflag:s8] =	dma.local @!p0 [hbm:s6], $0xF7A  }
0x23: {  	s9 =	sor.u32 $0xD0000000, s2;
	s6 =	simm.s32 $0x108;
	_ =	swait.ge @!p0 [sflag:s8], $0x0  }
0x24: {  	s3 =	sadd.s32 $0x88, s3;
	s6 =	simm.s32 @!p1 $0x1082;
	[sflag:s4] =	ssyncset.s32 $0xFFFFF086  }
0x25: {  	[simem:s6], [sflag:s4] =	dma.local [hbm:s3], $0xF7A  }
0x26: {  	[smem:$0x3FA0] =	sst s1;
	(tag) =	ssettag s2;
	_ =	strace s9  }
0x27: {  	s1 =	sld [smem:$0x3FB0]  }
0x28: {  	s2 =	sld [smem:$0x3FB1]  }
0x29: {  	s4 =	sld [smem:$0x3FB3]  }
0x2a: {  	p0 =	seq.s32 s5, $0x0;
	s5 =	sld [smem:$0x3FB4]  }
0x2b: {  	s6 =	sld [smem:$0x3FB5]  }
0x2c: {  	s7 =	sld [smem:$0x3FB6]  }
0x2d: {  	s3 =	simm.s32 $0x108;
	s8 =	sld [smem:$0x3FB7]  }
0x2e: {  	s3 =	simm.s32 @!p0 $0x1082;
	s9 =	sld [smem:$0x3FB8]  }
0x2f: {  	lr =	sadd.s32 s0, s3;
	s0 =	sld [smem:$0x3FAF]  }
0x30: {  	s3 =	sld [smem:$0x3FB2]  }
0x31: {  	[smem:$0x3FBB] =	sst s10  }
0x32: {  	s10 =	sld [smem:$0x3FB9];
	_ =	sdelay $0x3  }
0x33: {  	p0 =	seq.s32 s10, $0x1;
	s10 =	sld [smem:$0x3FBB];
	_ =	sdelay $0x3  }
0x34: {  	[smem:$0x3FBB] =	sst s10  }
0x35: {  	s10 =	sld [smem:$0x3FBA];
	_ =	sdelay $0x3  }
0x36: {  	p1 =	seq.s32 s10, $0x1;
	s10 =	sld [smem:$0x3FBB];
	_ =	sdelay $0x3  }
0x37: {  	[smem:$0x3FBB] =	sst s10  }
0x38: {  	s10 =	sld [smem:$0x3FBC]  }
0x39: {  	_ = 	snop;
	(pc) =	sbr.ind lr, $3  }
0x3a: {  	_ = 	snop  }
0x3b: {  	_ = 	snop  }
0x3c: {  	p2 =	seq.s32 s10, $0x1;
	s10 =	sld [smem:$0x3FBB]  }
0x3d: {  	_ =	shalt  }
0x3e: {  	_ =	shalt  }
0x3f: {  	_ =	shalt  }
0x40: {  	_ =	shalt  }
0x41: {  	_ =	shalt  }
0x42: {  	_ =	shalt  }
0x43: {  	_ =	shalt  }
0x44: {  	_ =	shalt  }
0x45: {  	_ =	shalt  }
0x46: {  	_ =	shalt  }
0x47: {  	_ =	shalt  }
0x48: {  	_ =	shalt  }
0x49: {  	_ =	shalt  }
0x4a: {  	_ =	shalt  }
0x4b: {  	_ =	shalt  }
0x4c: {  	_ =	shalt  }
0x4d: {  	_ =	shalt  }
0x4e: {  	_ =	shalt  }
0x4f: {  	_ =	shalt  }
0x50: {  	_ =	shalt  }
0x51: {  	_ =	shalt  }
0x52: {  	_ =	shalt  }
0x53: {  	_ =	shalt  }
0x54: {  	_ =	shalt  }
0x55: {  	_ =	shalt  }
0x56: {  	_ =	shalt  }
0x57: {  	_ =	shalt  }
0x58: {  	_ =	shalt  }
0x59: {  	_ =	shalt  }
0x5a: {  	_ =	shalt  }
0x5b: {  	_ =	shalt  }
0x5c: {  	_ =	shalt  }
0x5d: {  	_ =	shalt  }
0x5e: {  	_ =	shalt  }
0x5f: {  	_ =	shalt  }
0x60: {  	_ =	shalt  }
0x61: {  	_ =	shalt  }
0x62: {  	_ =	shalt  }
0x63: {  	_ =	shalt  }
0x64: {  	_ =	shalt  }
0x65: {  	_ =	shalt  }
0x66: {  	_ =	shalt  }
0x67: {  	_ =	shalt  }
0x68: {  	_ =	shalt  }
0x69: {  	_ =	shalt  }
0x6a: {  	_ =	shalt  }
0x6b: {  	_ =	shalt  }
0x6c: {  	_ =	shalt  }
0x6d: {  	_ =	shalt  }
0x6e: {  	_ =	shalt  }
0x6f: {  	_ =	shalt  }
0x70: {  	_ =	shalt  }
0x71: {  	_ =	shalt  }
0x72: {  	_ =	shalt  }
0x73: {  	_ =	shalt  }
0x74: {  	_ =	shalt  }
0x75: {  	_ =	shalt  }
0x76: {  	_ =	shalt  }
0x77: {  	_ =	shalt  }
0x78: {  	_ =	shalt  }
0x79: {  	_ =	shalt  }
0x7a: {  	_ =	shalt  }
0x7b: {  	_ =	shalt  }
0x7c: {  	_ =	shalt  }
0x7d: {  	_ =	shalt  }
0x7e: {  	_ =	shalt  }
0x7f: {  	_ =	shalt  }
0x80: {  	_ =	shalt  }
0x81: {  	_ =	shalt  }
0x82: {  	_ =	shalt  }
0x83: {  	_ =	shalt  }
0x84: {  	_ =	shalt  }
0x85: {  	_ =	shalt  }
0x86: {  	_ =	shalt  }
0x87: {  	_ =	shalt  }
.Lfunc_end0:
.L_simem_size_0:
called_computation_lowered:
.L_overlay_start_0:
0x88: {  	s2 =	sld [smem:$0x3FD9]  }
0x89: {  	s3 =	sld [smem:$0x3FFE];
	_ =	sdelay $0x1  }
0x8a: {  	s1 =	srdreg.scid  }
0x8b: {  	s0 =	sand.u32 $0x1, s1  }
0x8c: {  	s14 =	sshll.u32 s0, $0xA;
	s2 =	sadd.s32 s3, s2  }
0x8d: {  	s2 =	sadd.s32 s2, s14  }
0x8e: {  	[smem:$0x3FC7] =	sst s2  }
0x8f: {  	_ = 	snop  }
0x90: {  	s2 =	sld [smem:$0x3FD0];
	_ =	sdelay $0x2  }
0x91: {  	s15 =	simm.s32 $0xA;
	s4 =	simm.s32 $0x10  }
0x92: {  	[smem:s4], [sflag:s15] =	dma.local [hbm:s2], $0x1  }
0x93: {  	_ =	swait.eq [sflag:s15], $0x1  }
0x94: {  	[sflag:s15] =	ssyncset.done $0x0  }
0x95: {  	s16 =	sld [smem:$0x10];
	[sflag:s15] =	ssyncadd.s32 $0xFFFFFFFF  }
0x96: {  	s17 =	sld [smem:$0x11];
	(tm) =	ssettm $0x1  }
0x97: {  	s18 =	sld [smem:$0x3FFB];
	_ =	sdelay $0x3  }
0x98: {  	_ =	strace s18  }
0x99: {  	s4 =	sld [smem:$0x3FFC];
	_ =	sdelay $0x3  }
0x9a: {  	_ =	strace s4  }
0x9b: {  	s4 =	sld [smem:$0x3FFD];
	_ =	sdelay $0x3  }
0x9c: {  	_ =	strace s4  }
0x9d: {  	_ =	strace $0x8FFFFFFF  }
0x9e: {  	s19 =	sld [smem:$0x3FDB];
	_ =	sdelay $0x1  }
0x9f: {  	s5 =	simm.s32 $_scs_section_size  }
0xa0: {  	s6 =	simm.s32 $_size__tile_overlayer_lowered;
	s7 =	simm.s32 $_tile_overlayer_lowered  }
0xa1: {  	s22 =	simm.s32 $0x1BFF;
	s21 =	sshll.u32 s7, $0x1;
	s4 =	sadd.s32 s5, s19  }
0xa2: {  	s8 =	simm.s32 $0x0;
	s20 =	sshll.u32 s6, $0x1;
	s6 =	sadd.s32 s21, s4  }
0xa3: {  	[timem:s8], [sflag:s22] =	dma.local [hbm:s6], s20  }
0xa4: {  	_ =	swait.ge [sflag:s22], s20  }
0xa5: {  	s5 =	ssub.s32 $0x0, s20;
	[sflag:s22] =	ssyncset.done $0x0  }
0xa6: {  	[sflag:s22] =	ssyncadd.s32 s5;
	_ =	sdelay $0x1  }
0xa7: {  	s23 =	simm.s32 $0x1B8B  }
0xa8: {  	_ =	swait.ge [sflag:s23], $0x1  }
0xa9: {  	[sflag:s23] =	ssyncset.done $0x0  }
0xaa: {  	s25 =	simm.s32 $0x1B8E;
	s24 =	sld [smem:$0x3FFE];
	[sflag:s23] =	ssyncadd.s32 $0xFFFFFFFF  }
0xab: {  	s26 =	simm.s32 $execute0_lowered;
	[smem:$0x3FD2] =	sst s25  }
0xac: {  	s6 =	sshll.u32 s26, $0x1;
	_ =	strace $0x80000046;
	[dreg:$0x1] =	wrdreg $0xFFFFFFFF  }
0xad: {  	s28 =	simm.s32 $_size_execute0_lowered;
	s4 =	sadd.s32 s4, s6;
	[dreg:$0x0] =	wrdreg $0x0  }
0xae: {  	s6 =	sshll.u32 s28, $0x1;
	[dreg:$0x2] =	wrdreg s4  }
0xaf: {  	[dreg:$0x3] =	wrdreg s6  }
0xb0: {  	[dreg:$0x4] =	wrdreg $0xC0  }
0xb1: {  	_ =	task [dreg:s8], $0x5FFFF  }
0xb2: {  	[dreg:$0x1] =	wrdreg $0xFFFFFFFF  }
0xb3: {  	[dreg:$0x0] =	wrdreg $0x60  }
0xb4: {  	[dreg:$0x2] =	wrdreg s24  }
0xb5: {  	[dreg:$0x3] =	wrdreg s16  }
0xb6: {  	[dreg:$0x4] =	wrdreg s17  }
0xb7: {  	[dreg:$0x5] =	wrdreg $0x9  }
0xb8: {  	_ =	task.clear_ibuf [dreg:s8], $0x6FFFF;
	_ =	strace $0x90000046  }
0xb9: {  	s29 =	simm.s32 $0x9;
	_ =	strace $0x80000048  }
0xba: {  	_ =	swait.ge [sflag:s29], $0x1  }
0xbb: {  	[sflag:s29] =	ssyncadd.s32 $0xFFFFFFFF  }
0xbc: {  	_ =	strace $0x90000048  }
0xbd: {  	_ =	sfence  }
0xbe: {  	s30 =	sld [smem:$0x0];
	_ =	sdelay $0x2  }
0xbf: {  	s31 =	sshll.u32 s1, $0xD;
	s1 =	sshrl.u32 s1, $0x2  }
0xc0: {  	s3 =	sand.u32 $0x4000, s31;
	s1 =	sadd.s32 s1, s30  }
0xc1: {  	s0 =	sor.u32 s3, s0;
	s1 =	sshll.u32 s1, $0x11  }
0xc2: {  	s0 =	sor.u32 s1, s0  }
0xc3: {  	s0 =	sadd.s32 $0x8F2B, s0  }
0xc4: {  	[sflag:s0] =	ssyncadd.remote.s32 $0x1  }
0xc5: {  	_ =	sfence.sel $0xFFFF  }
0xc6: {  	[dreg:$0x0] =	wrdreg $0xFFFFFFFF;
	(pc) =	sbr.abs _section_cstart, $3  }
0xc7: {  	[dreg:$0x1] =	wrdreg $0xFFFFFFFF  }
0xc8: {  	_ =	task.clear_ibuf [dreg:s8], $0x2FFFF;
	_ =	strace $0x9FFFFFFF  }
0xc9: {  	(tm) =	ssettm $0x7FFFFFFF  }
tec
execute0_lowered:
.L_overlay_start_1:
0x0: {  	(tag) =	ssettag $0x1  }
0x1: {  	s5 =	rddreg [dreg:$0x0]  }
0x2: {  	s6 =	rddreg [dreg:$0x1]  }
0x3: {  	s7 =	rddreg [dreg:$0x2]  }
0x4: {  	s1 =	stileid.u32;
	s0 =	rddreg [dreg:$0x3]  }
0x5: {  	s3 =	srdreg.scid;
	s2 =	simm.s32 $0x0;
	s14 =	simm.s32 $0x2  }
0x6: {  	s15 =	simm.s32 $0x7780;
	s17 =	simm.s32 $0x4;
	s18 =	simm.s32 $0xA780  }
0x7: {  	s19 =	simm.s32 $0xBF80;
	s20 =	simm.s32 $0x3;
	s21 =	simm.s32 $0x0  }
0x8: {  	s4 =	sshll.u32 s1, $0x1;
	s3 =	sand.u32 $0x1, s3;
	[smem:$0x7FF] =	sst s2  }
0x9: {  	s8 =	sshrl.u32 s1, $0x2;
	s4 =	sand.u32 $0x6, s4;
	_ =	strace $0x80000047  }
0xa: {  	s9 =	sshll.u32 s8, $0x4;
	s11 =	ssub.s32 $0x2, s3;
	s12 =	smul.u32 $0x18000, s8  }
0xb: {  	s8 =	smul.u32 $0xC000, s8;
	s4 =	sor.u32 s3, s4;
	s9 =	sadd.s32 s9, s5  }
0xc: {  	s3 =	sadd.s32 $0x1200, s5;
	s13 =	sshrl.u32 s11, $0x1;
	s10 =	smul.u32 $0x1800, s4  }
0xd: {  	s5 =	sadd.s32 $0x123C, s5;
	s11 =	ssub.s32 s11, s13;
	s16 =	smul.u32 $0x300, s4  }
.Ltmp0:
0xe: {  	s4 =	sadd.s32 $0x600, s9;
	s13 =	simm.s32 $0x1;
	(pc) =	sbr.rel .LBB2_1-.Ltmp0, $4  }
0xf: {  	s9 =	smax.u32 s11, $0x1;
	s11 =	simm.s32 $0x200;
	s12 =	sadd.s32 s12, s10  }
0x10: {  	s8 =	sadd.s32 s8, s10;
	s10 =	simm.s32 $0x80;
	s31 =	sshrl.u32 s12, $0x3  }
0x11: {  	v0 =	vmov s16;
	s16 =	simm.s32 $0x1E0;
	s8 =	sshrl.u32 s8, $0x3;
	s6 =	sadd.s32 s6, s31  }
0x12: {  	v1 =	vimm.f32 $0.0e+00;
	v2 =	vlaneseq.u32;
	v3 =	vimm.s32 $0x0;
	s12 =	simm.s32 $0x5F00;
	s7 =	sadd.s32 s7, s8;
	s8 =	sadd.s32 $0x1800, s6  }
.LBB2_14:
0x13: {  	[hbm4b:s7+s2] =	stream.linear.scatter [tilespmem:s15], [sflag:$0x1], $0x1800, $0x38;
	[tilespmem:$0xD780] =	vst v63  }
0x14: {  	_ = 	snop  }
0x15: {  	[hbm4b:s6+s2] =	stream.linear.scatter [tilespmem:s18], [sflag:$0x2], $0x1800, $0x38;
	[tilespmem:$0xD780] =	vst v63  }
0x16: {  	_ = 	snop  }
0x17: {  	[hbm4b:s8+s2] =	stream.linear.scatter [tilespmem:s19], [sflag:$0x3], $0x1800, $0x38;
	[tilespmem:$0xD780] =	vst v63  }
0x18: {  	_ =	swait.ge [sflag:s13], $0x1800  }
0x19: {  	[sflag:s13] =	ssyncset.done $0x0  }
0x1a: {  	s21 =	sadd.s32 $0x1, s21;
	[sflag:s13] =	ssyncadd.s32 $0xFFFFE800  }
0x1b: {  	p0 =	sne.s32 s21, s9;
	_ =	swait.ge [sflag:s14], $0x1800  }
.Ltmp1:
0x1c: {  	[sflag:s14] =	ssyncset.done $0x0;
	(pc) =	sbr.rel @!p0 .LBB2_15-.Ltmp1, $4  }
0x1d: {  	[sflag:s14] =	ssyncadd.s32 $0xFFFFE800  }
0x1e: {  	_ =	swait.ge [sflag:s20], $0x1800  }
0x1f: {  	[sflag:s20] =	ssyncset.done $0x0  }
0x20: {  	[sflag:s20] =	ssyncadd.s32 $0xFFFFE800  }
.LBB2_1:
0x21: {  	[tilespmem:s2], [sflag:$0x1] =	stream.linear.gather [hbm4b:s3+s2], $0x1E0, $0x38;
	[tilespmem:$0xD780] =	vst v63  }
0x22: {  	_ = 	snop  }
0x23: {  	[tilespmem:s12], [sflag:$0x2] =	stream.strided.gather [hbm4b:s4+s10], $0x1800, s11, s10, $0x38;
	[tilespmem:$0xD780] =	vst v63  }
0x24: {  	_ =	swait.ge [sflag:s13], $0x1E0  }
0x25: {  	[sflag:s13] =	ssyncset.done $0x0  }
.Ltmp2:
0x26: {  	[sflag:s13] =	ssyncadd.s32 $0xFFFFFE20;
	(pc) =	sbr.rel .LBB2_2-.Ltmp2, $4  }
0x27: {  	_ =	swait.ge [sflag:s14], $0x1800  }
0x28: {  	[sflag:s14] =	ssyncset.done $0x0  }
0x29: {  	[sflag:s14] =	ssyncadd.s32 $0xFFFFE800  }
0x2a: {  	s22 =	simm.s32 $0x0;
	[tilespmem:$0x7700] =	vst v1;
	[smem:$0x0] =	sst s2  }
.LBB2_13:
0x2b: {  	s24 =	sshll.u32 s22, $0x7  }
0x2c: {  	s25 =	sand.u32 $0x70, s23;
	s26 =	sand.u32 $0x1C00, s24  }
0x2d: {  	s25 =	sor.u32 s25, s26  }
0x2e: {  	v6 =	vld [tilespmem:s25+$0x7780]  }
0x2f: {  	v7 =	vld [tilespmem:s25+$0x7800]  }
0x30: {  	v9 =	vld [tilespmem:s25+$0x7880]  }
0x31: {  	v12 =	vld [tilespmem:s25+$0x7900]  }
0x32: {  	v14 =	vld [tilespmem:s25+$0x7980]  }
0x33: {  	v16 =	vld [tilespmem:s25+$0x7A00]  }
0x34: {  	v17 =	vld [tilespmem:s25+$0x7A80];
	_ =	sdelay $0x1  }
0x35: {  	v8 =	vmul.u32 $0xAAB, v6;
	v10 =	vmul.u32 $0xAAB, v7;
	v6 =	vsub.s32 v6, v5  }
0x36: {  	v13 =	vmul.u32 $0xAAB, v9;
	v7 =	vsub.s32 v7, v5;
	v15 =	vmul.u32 $0xAAB, v12  }
0x37: {  	v9 =	vsub.s32 v9, v5;
	v35 =	vmul.u32 $0xAAB, v14;
	v40 =	vsub.s32 v12, v5  }
0x38: {  	v44 =	vmul.u32 $0xAAB, v16;
	v46 =	vsub.s32 v14, v5;
	v49 =	vmul.u32 $0xAAB, v17  }
0x39: {  	v53 =	vsub.s32 v16, v5;
	v8 =	vshra.s32 v8, $0x12;
	v10 =	vshra.s32 v10, $0x12  }
0x3a: {  	v33 =	vshra.s32 v13, $0x12;
	v11 =	vmul.u32 $0xFFFFFFA0, v8;
	v8 =	vsub.s32 v8, v4  }
0x3b: {  	v32 =	vmul.u32 $0xFFFFFFA0, v10;
	v10 =	vsub.s32 v10, v4;
	v8 =	vcvt.s32.f32 v8  }
0x3c: {  	v34 =	vshra.s32 v15, $0x12;
	v37 =	vsub.s32 v33, v4;
	v10 =	vcvt.s32.f32 v10  }
0x3d: {  	v48 =	vshra.s32 v44, $0x12;
	v45 =	vsub.s32 v34, v4;
	v39 =	vcvt.s32.f32 v37;
	[tilespmem:s25+$0xBF80] =	vst v8  }
0x3e: {  	v13 =	vmul.u32 $0xFFFFFFA0, v33;
	v50 =	vcvt.s32.f32 v45;
	v6 =	vadd.s32 v11, v6;
	[tilespmem:s25+$0xC000] =	vst v10  }
0x3f: {  	v51 =	vmul.u32 $0xFFFFFFA0, v48;
	v7 =	vadd.s32 v32, v7;
	v6 =	vcvt.s32.f32 v6;
	[tilespmem:s25+$0xC080] =	vst v39  }
0x40: {  	v41 =	vshra.s32 v35, $0x12;
	v9 =	vadd.s32 v13, v9;
	v7 =	vcvt.s32.f32 v7;
	[tilespmem:s25+$0xC100] =	vst v50  }
0x41: {  	v38 =	vmul.u32 $0xFFFFFFA0, v34;
	v54 =	vadd.s32 v51, v53;
	v36 =	vcvt.s32.f32 v9;
	[tilespmem:s25+$0xA780] =	vst v6  }
0x42: {  	v43 =	vmul.u32 $0xFFFFFFA0, v41;
	v57 =	vsub.s32 v48, v4;
	v56 =	vcvt.s32.f32 v54;
	[tilespmem:s25+$0xA800] =	vst v7  }
0x43: {  	v42 =	vadd.s32 v38, v40;
	v11 =	vshra.s32 v49, $0x12;
	v8 =	vcvt.s32.f32 v57;
	[tilespmem:s25+$0xA880] =	vst v36  }
0x44: {  	v47 =	vadd.s32 v43, v46;
	v55 =	vmul.u32 $0xFFFFFFA0, v11;
	v7 =	vcvt.s32.f32 v42;
	[tilespmem:s25+$0xAA00] =	vst v56  }
0x45: {  	v58 =	vsub.s32 v17, v5;
	v52 =	vsub.s32 v41, v4;
	v6 =	vcvt.s32.f32 v47;
	[tilespmem:s25+$0xC200] =	vst v8  }
0x46: {  	v59 =	vadd.s32 v55, v58;
	[tilespmem:s25+$0xA900] =	vst v7;
	v7 =	vcvt.s32.f32 v52  }
0x47: {  	v61 =	vsub.s32 v11, v4;
	v60 =	vcvt.s32.f32 v59;
	[tilespmem:s25+$0xA980] =	vst v6  }
0x48: {  	[tilespmem:s25+$0xC180] =	vst v7;
	v7 =	vcvt.s32.f32 v61  }
0x49: {  	s31 =	sor.u32 s24, s23;
	[tilespmem:s25+$0xAA80] =	vst v60  }
0x4a: {  	s23 =	sor.u32 $0x380, s31;
	[tilespmem:s25+$0xC280] =	vst v7  }
0x4b: {  	v6 =	vld [tilespmem:s23+$0x7780];
	_ =	sdelay $0x4  }
0x4c: {  	v62 =	vmul.u32 $0xAAB, v6;
	_ =	sdelay $0x1  }
0x4d: {  	s22 =	sadd.s32 $0x1, s22;
	v7 =	vshra.s32 v62, $0x12  }
0x4e: {  	p0 =	sne.s32 s22, $0x30;
	v63 =	vmul.u32 $0xFFFFFFA0, v7  }
.Ltmp3:
0x4f: {  	v5 =	vsub.s32 v6, v5;
	v4 =	vsub.s32 v7, v4;
	(pc) =	sbr.rel @!p0 .LBB2_14-.Ltmp3, $4  }
0x50: {  	v4 =	vcvt.s32.f32 v4;
	v5 =	vadd.s32 v63, v5  }
0x51: {  	v5 =	vcvt.s32.f32 v5  }
0x52: {  	[tilespmem:s23+$0xBF80] =	vst v4  }
0x53: {  	[tilespmem:s23+$0xA780] =	vst v5  }
.LBB2_2:
0x54: {  	s23 =	sshll.u32 s22, $0x4  }
0x55: {  	v8 =	vor.u32 s23, v2  }
0x56: {  	v5 =	vadd.s32 v0, v8  }
0x57: {  	v4 =	vmul.u32 $0xAAB, v5;
	_ =	sdelay $0x1  }
0x58: {  	v4 =	vshrl.u32 v4, $0x12  }
0x59: {  	v6 =	vmul.u32 $0xFFFFFFA0, v4  }
0x5a: {  	v10 =	vimm.s32 $0x0;
	v9 =	vmov s23  }
0x5b: {  	v9 =	vshll.u32 v9, $0x3;
	v8 =	vand.u32 $0x7F, v8;
	v5 =	vadd.s32 v5, v6  }
0x5c: {  	s24 =	simm.s32 $0x0;
	p0 =	por $0x1, $0x1;
	v9 =	vand.u32 $0x1C00, v9;
	v7 =	vadd.s32 $0xFFFFFFC0, v4;
	v6 =	vadd.s32 $0xFFFFFFA0, v5  }
.LBB2_3:
0x5d: {  	v21 =	vmov s24  }
0x5e: {  	v11 =	vor.u32 $0x1, v21  }
0x5f: {  	v13 =	vor.u32 $0x2, v21  }
0x60: {  	v14 =	vor.u32 $0x3, v21  }
0x61: {  	v16 =	vor.u32 $0x4, v21  }
0x62: {  	v17 =	vor.u32 $0x5, v21;
	v12 =	vld.idx.msk [tilespmem:v21+s2+$0x0], $0xffff  }
0x63: {  	v18 =	vor.u32 $0x6, v21;
	v15 =	vld.idx.msk [tilespmem:v11+s2+$0x0], $0xffff  }
0x64: {  	v19 =	vor.u32 $0x7, v21;
	v13 =	vld.idx.msk [tilespmem:v13+s2+$0x0], $0xffff  }
0x65: {  	v20 =	vor.u32 $0x8, v21;
	v14 =	vld.idx.msk [tilespmem:v14+s2+$0x0], $0xffff  }
0x66: {  	v22 =	vor.u32 $0x9, v21;
	v16 =	vld.idx.msk [tilespmem:v16+s2+$0x0], $0xffff  }
0x67: {  	v23 =	vor.u32 $0xA, v21;
	v63 =	vor.u32 $0xB, v21;
	v17 =	vld.idx.msk [tilespmem:v17+s2+$0x0], $0xffff  }
0x68: {  	v34 =	vor.u32 $0xC, v21;
	v35 =	vor.u32 $0xD, v21;
	v36 =	vor.u32 $0xE, v21;
	v18 =	vld.idx.msk [tilespmem:v18+s2+$0x0], $0xffff  }
0x69: {  	v37 =	vor.u32 $0xF, v21;
	v19 =	vld.idx.msk [tilespmem:v19+s2+$0x0], $0xffff;
	v11 =	vand.u32 $0x1FF, v12;
	v12 =	vshra.s32 v12, $0x9  }
0x6a: {  	v20 =	vld.idx.msk [tilespmem:v20+s2+$0x0], $0xffff;
	v11 =	vadd.s32 v11, v6;
	v12 =	vadd.s32 v12, v7;
	v44 =	vand.u32 $0x1FF, v15  }
0x6b: {  	v22 =	vld.idx.msk [tilespmem:v22+s2+$0x0], $0xffff;
	v15 =	vshra.s32 v15, $0x9;
	v25 =	vand.u32 $0x1FF, v13;
	v13 =	vshra.s32 v13, $0x9  }
0x6c: {  	v46 =	vand.u32 $0x1FF, v14;
	v14 =	vshra.s32 v14, $0x9;
	v49 =	vand.u32 $0x1FF, v16  }
0x6d: {  	v16 =	vshra.s32 v16, $0x9;
	v28 =	vand.u32 $0x1FF, v17;
	v17 =	vshra.s32 v17, $0x9  }
0x6e: {  	v51 =	vand.u32 $0x1FF, v18;
	v18 =	vshra.s32 v18, $0x9;
	v54 =	vand.u32 $0x1FF, v19  }
0x6f: {  	v19 =	vshra.s32 v19, $0x9;
	v31 =	vand.u32 $0x1FF, v20;
	v20 =	vshra.s32 v20, $0x9  }
0x70: {  	v32 =	vshra.s32 v22, $0x9;
	v57 =	vand.u32 $0x1FF, v22;
	vm0 =	vlt.u32 v11, $0x60  }
0x71: {  	vm1 =	vlt.u32 v12, $0x40;
	v12 =	vmul.u32 $0x60, v12;
	v15 =	vadd.s32 v15, v7  }
0x72: {  	v45 =	vadd.s32 v25, v6;
	v13 =	vadd.s32 v13, v7;
	v47 =	vadd.s32 v46, v6  }
0x73: {  	v14 =	vadd.s32 v14, v7;
	v16 =	vadd.s32 v16, v7;
	v50 =	vadd.s32 v28, v6  }
0x74: {  	v17 =	vadd.s32 v17, v7;
	v52 =	vadd.s32 v51, v6;
	v18 =	vadd.s32 v18, v7  }
0x75: {  	v19 =	vadd.s32 v19, v7;
	v55 =	vadd.s32 v31, v6;
	v20 =	vadd.s32 v20, v7  }
0x76: {  	v58 =	vadd.s32 v32, v7;
	vm0 =	vmand vm0, vm1;
	vm1 =	vlt.u32 v15, $0x40  }
0x77: {  	v40 =	vld.idx.msk [tilespmem:v34+s2+$0x0], $0xffff;
	v15 =	vmul.u32 $0x60, v15;
	vm2 =	vlt.u32 v13, $0x40;
	v13 =	vmul.u32 $0x60, v13  }
0x78: {  	vm3 =	vlt.u32 v14, $0x40;
	v14 =	vmul.u32 $0x60, v14;
	v11 =	vadd.s32 v11, v12  }
0x79: {  	v33 =	vmul.u32 $0x60, v58;
	v12 =	vadd.s32 v44, v6;
	v24 =	vnsel vm0, $0x1800, v11  }
0x7a: {  	vm0 =	vlt.u32 v12, $0x60;
	v12 =	vadd.s32 v12, v15;
	v13 =	vadd.s32 v45, v13  }
0x7b: {  	v14 =	vadd.s32 v47, v14;
	vm0 =	vmand vm0, vm1;
	vm1 =	vlt.u32 v45, $0x60  }
0x7c: {  	v46 =	vld.idx.msk [tilespmem:v35+s2+$0x0], $0xffff;
	v15 =	vadd.s32 v49, v6;
	v45 =	vand.u32 $0x1FF, v40;
	vm1 =	vmand vm1, vm2  }
0x7d: {  	vm2 =	vlt.u32 v47, $0x60;
	v48 =	vnsel vm0, $0x1800, v12;
	v26 =	vnsel vm1, $0x1800, v13  }
0x7e: {  	vm0 =	vmand vm2, vm3;
	vm1 =	vlt.u32 v16, $0x40;
	v16 =	vmul.u32 $0x60, v16  }
0x7f: {  	vm2 =	vlt.u32 v17, $0x40;
	v17 =	vmul.u32 $0x60, v17;
	vm3 =	vlt.u32 v18, $0x40  }
0x80: {  	v18 =	vmul.u32 $0x60, v18;
	v27 =	vnsel vm0, $0x1800, v14;
	vm0 =	vlt.u32 v15, $0x60  }
0x81: {  	v51 =	vand.u32 $0x1FF, v46;
	vm0 =	vmand vm0, vm1;
	v15 =	vadd.s32 v15, v16  }
0x82: {  	vm1 =	vlt.u32 v50, $0x60;
	v16 =	vadd.s32 v50, v17;
	v17 =	vadd.s32 v52, v18  }
0x83: {  	v18 =	vadd.s32 v54, v6;
	vm1 =	vmand vm1, vm2;
	vm2 =	vlt.u32 v52, $0x60  }
0x84: {  	v24 =	vld.idx.msk [tilespmem:v24+s12+$0x0], $0xffff;
	v53 =	vnsel vm0, $0x1800, v15;
	v29 =	vnsel vm1, $0x1800, v16;
	vm0 =	vmand vm2, vm3  }
0x85: {  	v23 =	vld.idx.msk [tilespmem:v23+s2+$0x0], $0xffff;
	vm1 =	vlt.u32 v19, $0x40;
	v19 =	vmul.u32 $0x60, v19;
	vm2 =	vlt.u32 v20, $0x40  }
0x86: {  	v52 =	vld.idx.msk [tilespmem:v36+s2+$0x0], $0xffff;
	v20 =	vmul.u32 $0x60, v20;
	v30 =	vnsel vm0, $0x1800, v17;
	vm0 =	vlt.u32 v18, $0x60  }
0x87: {  	v25 =	vld.idx.msk [tilespmem:v48+s12+$0x0], $0xffff;
	vm0 =	vmand vm0, vm1;
	v18 =	vadd.s32 v18, v19;
	vm1 =	vlt.u32 v55, $0x60  }
0x88: {  	v26 =	vld.idx.msk [tilespmem:v26+s12+$0x0], $0xffff;
	v19 =	vadd.s32 v55, v20;
	v20 =	vadd.s32 v57, v6;
	v56 =	vnsel vm0, $0x1800, v18  }
0x89: {  	vm0 =	vmand vm1, vm2;
	vm1 =	vlt.u32 v58, $0x40;
	vm9 =	vgt.f32 v24, $1.000000050e-03  }
0x8a: {  	v27 =	vld.idx.msk [tilespmem:v27+s12+$0x0], $0xffff;
	v59 =	vnsel vm0, $0x1800, v19;
	vm0 =	vlt.u32 v20, $0x60;
	v20 =	vadd.s32 v20, v33  }
0x8b: {  	v28 =	vld.idx.msk [tilespmem:v53+s12+$0x0], $0xffff;
	v33 =	vsel vm9, $0x1, v3;
	v34 =	vshra.s32 v52, $0x9;
	vm0 =	vmand vm0, vm1  }
0x8c: {  	v60 =	vld.idx.msk [tilespmem:v29+s12+$0x0], $0xffff;
	vm8 =	vgt.f32 v25, $1.000000050e-03;
	v29 =	vimm.s32 $0x0;
	v34 =	vadd.s32 v34, v7  }
0x8d: {  	v61 =	vld.idx.msk [tilespmem:v30+s12+$0x0], $0xffff;
	v62 =	vnsel vm0, $0x1800, v20;
	vm7 =	vgt.f32 v26, $1.000000050e-03;
	v30 =	vand.u32 $0x1FF, v23  }
0x8e: {  	v23 =	vshra.s32 v23, $0x9;
	v38 =	vsel vm8, $0x1, v3;
	v26 =	vshra.s32 v46, $0x9;
	v31 =	vld.idx.msk [tilespmem:v56+s12+$0x0], $0xffff  }
0x8f: {  	vm6 =	vgt.f32 v27, $1.000000050e-03;
	v23 =	vadd.s32 v23, v7;
	v41 =	vsel vm7, $0x1, v3;
	v32 =	vld.idx.msk [tilespmem:v59+s12+$0x0], $0xffff  }
0x90: {  	v26 =	vadd.s32 v26, v7;
	vm11 =	vlt.u32 v23, $0x40;
	v23 =	vmul.u32 $0x60, v23  }
0x91: {  	v44 =	vsel vm6, $0x1, v3;
	v56 =	vand.u32 $0x1FF, v52;
	vm5 =	vgt.f32 v28, $1.000000050e-03  }
0x92: {  	vm4 =	vgt.f32 v60, $1.000000050e-03;
	v47 =	vsel vm5, $0x1, v3;
	v28 =	vld.idx.msk [tilespmem:v62+s12+$0x0], $0xffff;
	vm2 =	vgt.f32 v61, $1.000000050e-03  }
0x93: {  	v50 =	vsel vm4, $0x1, v3;
	v53 =	vsel vm2, $0x1, v3;
	vm1 =	vgt.f32 v31, $1.000000050e-03  }
0x94: {  	v31 =	vld.idx.msk [tilespmem:v63+s2+$0x0], $0xffff;
	v22 =	vsel vm1, $0xFFFFFFFF, v29;
	vm0 =	vgt.f32 v32, $1.000000050e-03;
	v32 =	vimm.s32 $0x0  }
0x95: {  	v55 =	vsel vm1, $0x1, v3;
	[tilespmem:$0x1FFE0] =	vst v22;
	v25 =	vsel vm0, $0xFFFFFFFF, v32;
	v22 =	vadd.s32 v30, v6  }
0x96: {  	v57 =	vsel vm0, $0x1, v3;
	[tilespmem:$0x1FFF0] =	vst v25;
	vm10 =	vlt.u32 v22, $0x60;
	v25 =	vadd.s32 v33, v10  }
0x97: {  	vm3 =	vgt.f32 v28, $1.000000050e-03;
	v21 =	vadd.s32 v22, v23;
	vm12 =	vlt.s32 v25, $0x8  }
0x98: {  	vm10 =	vmand vm10, vm11;
	v58 =	vsel vm3, $0x1, v3;
	v27 =	vnsel vm12, $0x8, v25  }
0x99: {  	v39 =	vand.u32 $0x1FF, v31;
	v24 =	vshra.s32 v31, $0x9;
	v43 =	vnsel vm10, $0x1800, v21  }
0x9a: {  	v25 =	vshra.s32 v40, $0x9;
	v22 =	vadd.s32 v38, v27;
	v23 =	vadd.s32 v39, v6  }
0x9b: {  	v24 =	vadd.s32 v24, v7;
	v25 =	vadd.s32 v25, v7;
	vm11 =	vlt.s32 v22, $0x8  }
0x9c: {  	vm12 =	vlt.u32 v23, $0x60;
	vm13 =	vlt.u32 v24, $0x40;
	v28 =	vnsel vm11, $0x8, v22  }
0x9d: {  	v24 =	vmul.u32 $0x60, v24;
	vm15 =	vlt.u32 v25, $0x40;
	v42 =	vadd.s32 v41, v28  }
0x9e: {  	v25 =	vmul.u32 $0x60, v25;
	vm10 =	vmand vm12, vm13;
	vm14 =	vlt.s32 v42, $0x8  }
0x9f: {  	vm13 =	vlt.u32 v26, $0x40;
	v26 =	vmul.u32 $0x60, v26;
	v30 =	vnsel vm14, $0x8, v42  }
0xa0: {  	v22 =	vadd.s32 v23, v24;
	v24 =	vadd.s32 v45, v6;
	v23 =	vadd.s32 v44, v30  }
0xa1: {  	v52 =	vshrl.u32 v28, $0x3;
	v28 =	vshll.u32 v28, $0x7;
	vm11 =	vlt.s32 v23, $0x8  }
0xa2: {  	vm12 =	vlt.u32 v24, $0x60;
	v49 =	vnsel vm10, $0x1800, v22;
	v31 =	vnsel vm11, $0x8, v23  }
0xa3: {  	v37 =	vld.idx.msk [tilespmem:v37+s2+$0x0], $0xffff;
	v28 =	vand.u32 $0x380, v28;
	vm10 =	vmand vm12, vm15;
	v48 =	vadd.s32 v47, v31  }
0xa4: {  	vm15 =	vlt.u32 v34, $0x40;
	v34 =	vmul.u32 $0x60, v34;
	vm12 =	vlt.s32 v48, $0x8  }
0xa5: {  	v44 =	vshrl.u32 v27, $0x3;
	v27 =	vshll.u32 v27, $0x7;
	v32 =	vnsel vm12, $0x8, v48  }
0xa6: {  	v44 =	vmul.u32 $0x1800, v44;
	v23 =	vadd.s32 v24, v25;
	v24 =	vadd.s32 v50, v32  }
0xa7: {  	v27 =	vand.u32 $0x380, v27;
	v25 =	vadd.s32 v51, v6;
	vm11 =	vlt.s32 v24, $0x8  }
0xa8: {  	v38 =	vnsel vm10, $0x1800, v23;
	v47 =	vand.u32 $0x1FF, v37;
	v35 =	vnsel vm11, $0x8, v24  }
0xa9: {  	v33 =	vld.idx.msk [tilespmem:v49+s12+$0x0], $0xffff;
	v37 =	vshra.s32 v37, $0x9;
	v49 =	vshrl.u32 v10, $0x3;
	v54 =	vadd.s32 v53, v35  }
0xaa: {  	v10 =	vshll.u32 v10, $0x7;
	v44 =	vadd.s32 v9, v44;
	vm14 =	vlt.s32 v54, $0x8  }
0xab: {  	v37 =	vadd.s32 v37, v7;
	v10 =	vand.u32 $0x380, v10;
	v36 =	vnsel vm14, $0x8, v54  }
0xac: {  	v29 =	vld.idx.msk [tilespmem:v43+s12+$0x0], $0xffff;
	vm12 =	vlt.u32 v25, $0x60;
	v24 =	vadd.s32 v25, v26;
	v25 =	vadd.s32 v55, v36  }
0xad: {  	v27 =	vor.u32 v27, v44;
	v42 =	vmul.u32 $0x60, v37;
	vm11 =	vlt.s32 v25, $0x8  }
0xae: {  	vm0 =	vlt.u32 v37, $0x40;
	v27 =	vor.u32 v8, v27;
	v39 =	vnsel vm11, $0x8, v25  }
0xaf: {  	vm10 =	vmand vm12, vm13;
	v26 =	vadd.s32 v56, v6;
	v40 =	vadd.s32 v57, v39  }
0xb0: {  	vm12 =	vlt.u32 v26, $0x60;
	v41 =	vnsel vm10, $0x1800, v24;
	vm14 =	vlt.s32 v40, $0x8  }
0xb1: {  	vm10 =	vgt.f32 v29, $1.000000050e-03;
	v25 =	vadd.s32 v26, v34;
	v34 =	vnsel vm14, $0x8, v40  }
0xb2: {  	v53 =	vshrl.u32 v30, $0x3;
	vm13 =	vmand vm12, vm15;
	v26 =	vadd.s32 v58, v34  }
0xb3: {  	v30 =	vshll.u32 v30, $0x7;
	v59 =	vnsel vm13, $0x1800, v25;
	vm15 =	vlt.s32 v26, $0x8  }
0xb4: {  	v60 =	vld.idx.msk [tilespmem:v38+s12+$0x0], $0xffff;
	v56 =	vshrl.u32 v35, $0x3;
	v61 =	vsel vm10, $0x1, v3;
	v38 =	vnsel vm15, $0x8, v26  }
0xb5: {  	v35 =	vshll.u32 v35, $0x7;
	v44 =	vmul.u32 $0x1800, v53;
	v26 =	vadd.s32 v61, v38  }
0xb6: {  	v30 =	vand.u32 $0x380, v30;
	vm11 =	vgt.f32 v33, $1.000000050e-03;
	vm12 =	vlt.s32 v26, $0x8  }
0xb7: {  	v35 =	vand.u32 $0x380, v35;
	v62 =	vld.idx.msk [tilespmem:v41+s12+$0x0], $0xffff;
	v45 =	vsel vm11, $0x1, v3;
	v63 =	vnsel vm12, $0x8, v26  }
0xb8: {  	v54 =	vshrl.u32 v31, $0x3;
	v31 =	vshll.u32 v31, $0x7;
	v40 =	vld.idx.msk [tilespmem:v59+s12+$0x0], $0xffff;
	v26 =	vadd.s32 v45, v63  }
0xb9: {  	v44 =	vadd.s32 v9, v44;
	vm12 =	vgt.f32 v60, $1.000000050e-03;
	vm13 =	vlt.s32 v26, $0x8  }
0xba: {  	v55 =	vshrl.u32 v32, $0x3;
	v46 =	vsel vm12, $0x1, v3;
	v29 =	vnsel vm13, $0x8, v26  }
0xbb: {  	v31 =	vand.u32 $0x380, v31;
	v32 =	vshll.u32 v32, $0x7;
	v26 =	vadd.s32 v46, v29  }
0xbc: {  	v30 =	vor.u32 v30, v44;
	vm13 =	vgt.f32 v62, $1.000000050e-03;
	vm15 =	vlt.s32 v26, $0x8  }
0xbd: {  	vm14 =	vgt.f32 v40, $1.000000050e-03;
	v48 =	vsel vm13, $0x1, v3;
	v40 =	vnsel vm15, $0x8, v26  }
0xbe: {  	v44 =	vmul.u32 $0x1800, v55;
	v33 =	vadd.s32 v47, v6;
	v26 =	vadd.s32 v48, v40  }
0xbf: {  	v32 =	vand.u32 $0x380, v32;
	vm15 =	vlt.u32 v33, $0x60;
	vm1 =	vlt.s32 v26, $0x8  }
0xc0: {  	v37 =	vnsel vm1, $0x8, v26;
	v26 =	vadd.s32 v33, v42;
	v33 =	vmul.u32 $0x1800, v49  }
0xc1: {  	v30 =	vor.u32 v8, v30;
	v44 =	vadd.s32 v9, v44;
	v57 =	vshrl.u32 v36, $0x3  }
0xc2: {  	v32 =	vor.u32 v32, v44;
	v44 =	vmul.u32 $0x1800, v57;
	v33 =	vadd.s32 v9, v33  }
0xc3: {  	v32 =	vor.u32 v8, v32;
	v10 =	vor.u32 v10, v33;
	v33 =	vmul.u32 $0x1800, v52  }
0xc4: {  	v58 =	vshll.u32 v36, $0x7;
	v59 =	vshrl.u32 v39, $0x3;
	v39 =	vshll.u32 v39, $0x7  }
0xc5: {  	v36 =	vmul.u32 $0x1800, v59;
	v61 =	vshrl.u32 v38, $0x3;
	v33 =	vadd.s32 v9, v33  }
0xc6: {  	v38 =	vshll.u32 v38, $0x7;
	v28 =	vor.u32 v28, v33;
	v33 =	vmul.u32 $0x1800, v54  }
0xc7: {  	v44 =	vadd.s32 v9, v44;
	v39 =	vand.u32 $0x380, v39;
	v38 =	vand.u32 $0x380, v38  }
0xc8: {  	v60 =	vshrl.u32 v34, $0x3;
	v36 =	vadd.s32 v9, v36;
	v33 =	vadd.s32 v9, v33  }
0xc9: {  	v34 =	vshll.u32 v34, $0x7;
	v31 =	vor.u32 v31, v33;
	v33 =	vmul.u32 $0x1800, v56  }
0xca: {  	v36 =	vor.u32 v39, v36;
	v34 =	vand.u32 $0x380, v34;
	vm0 =	vmand vm15, vm0  }
0xcb: {  	v51 =	vnsel vm0, $0x1800, v26;
	v10 =	vor.u32 v8, v10;
	v33 =	vadd.s32 v9, v33  }
0xcc: {  	v39 =	vmul.u32 $0x1800, v61;
	v33 =	vor.u32 v35, v33;
	v35 =	vand.u32 $0x380, v58;
	v58 =	vld [tilespmem:$0x1FFE0]  }
0xcd: {  	v43 =	vsel vm14, $0x1, v3;
	v62 =	vshrl.u32 v63, $0x3;
	v28 =	vor.u32 v8, v28  }
0xce: {  	v39 =	vadd.s32 v9, v39;
	v63 =	vshll.u32 v63, $0x7;
	v50 =	vadd.s32 v43, v37  }
0xcf: {  	v38 =	vor.u32 v38, v39;
	vm0 =	vlt.s32 v50, $0x8;
	v31 =	vor.u32 v8, v31  }
0xd0: {  	v39 =	vand.u32 $0x380, v63;
	v45 =	vshrl.u32 v29, $0x3;
	v42 =	vnsel vm0, $0x8, v50;
	v43 =	vld.idx.msk [tilespmem:v51+s12+$0x0], $0xffff;
	[tilespmem:v10+s15+$0x0] =	vst.idx.msk vm9, v11  }
0xd1: {  	[tilespmem:v27+s15+$0x0] =	vst.idx.msk vm8, v12;
	v35 =	vor.u32 v35, v44;
	v33 =	vor.u32 v8, v33;
	vm0 =	vnez.u8 v58  }
0xd2: {  	v61 =	vld [tilespmem:$0x1FFF0];
	v29 =	vshll.u32 v29, $0x7;
	v46 =	vor.u32 v8, v36;
	[tilespmem:v28+s15+$0x0] =	vst.idx.msk vm7, v13;
	v10 =	vor.u32 v8, v35  }
0xd3: {  	v41 =	vmul.u32 $0x1800, v45;
	v29 =	vand.u32 $0x380, v29;
	v47 =	vshrl.u32 v40, $0x3;
	[tilespmem:v30+s15+$0x0] =	vst.idx.msk vm6, v14  }
0xd4: {  	v49 =	vor.u32 v8, v38;
	v57 =	vshll.u32 v37, $0x7;
	v44 =	vmul.u32 $0x1800, v60;
	[tilespmem:v31+s15+$0x0] =	vst.idx.msk vm5, v15  }
0xd5: {  	v59 =	vand.u32 $0x380, v57;
	v51 =	vshll.u32 v40, $0x7;
	v54 =	vshrl.u32 v37, $0x3;
	[tilespmem:v32+s15+$0x0] =	vst.idx.msk vm4, v16  }
0xd6: {  	v53 =	vand.u32 $0x380, v51;
	v55 =	vmul.u32 $0x1800, v54;
	v44 =	vadd.s32 v9, v44;
	[tilespmem:v33+s15+$0x0] =	vst.idx.msk vm2, v17  }
0xd7: {  	v34 =	vor.u32 v34, v44;
	v44 =	vmul.u32 $0x1800, v62;
	[tilespmem:v10+s15+$0x0] =	vst.idx.msk vm0, v18;
	vm0 =	vnez.u8 v61  }
0xd8: {  	v11 =	vadd.s32 v9, v41;
	v56 =	vshrl.u32 v42, $0x3;
	v27 =	vmul.u32 $0x1800, v47  }
0xd9: {  	v11 =	vor.u32 v29, v11;
	v48 =	vor.u32 v8, v34;
	v44 =	vadd.s32 v9, v44  }
0xda: {  	v11 =	vor.u32 v8, v11;
	v52 =	vadd.s32 v9, v27;
	v39 =	vor.u32 v39, v44  }
0xdb: {  	v27 =	vmul.u32 $0x1800, v56;
	v15 =	vor.u32 v53, v52;
	v50 =	vor.u32 v8, v39  }
0xdc: {  	v60 =	vshll.u32 v42, $0x7;
	v15 =	vor.u32 v8, v15;
	v10 =	vadd.s32 v9, v55  }
0xdd: {  	v63 =	vand.u32 $0x380, v60;
	v62 =	vadd.s32 v9, v27;
	v10 =	vor.u32 v59, v10;
	[tilespmem:v46+s15+$0x0] =	vst.idx.msk vm0, v19  }
0xde: {  	vm1 =	vgt.f32 v43, $1.000000050e-03;
	v12 =	vor.u32 v63, v62;
	v10 =	vor.u32 v8, v10;
	[tilespmem:v48+s15+$0x0] =	vst.idx.msk vm3, v20  }
0xdf: {  	p1 =	por p0, p0;
	v12 =	vor.u32 v8, v12;
	[tilespmem:v49+s15+$0x0] =	vst.idx.msk vm10, v21  }
.Ltmp4:
0xe0: {  	[tilespmem:v50+s15+$0x0] =	vst.idx.msk vm11, v22;
	(pc) =	sbr.rel @p1 .LBB2_3-.Ltmp4, $4  }
0xe1: {  	[tilespmem:v11+s15+$0x0] =	vst.idx.msk vm12, v23;
	v11 =	vsel vm1, $0x1, v3  }
0xe2: {  	[tilespmem:v15+s15+$0x0] =	vst.idx.msk vm13, v24;
	v11 =	vadd.s32 v11, v42  }
0xe3: {  	[tilespmem:v10+s15+$0x0] =	vst.idx.msk vm14, v25;
	vm0 =	vlt.s32 v11, $0x8  }
0xe4: {  	s24 =	simm.s32 $0x10;
	p0 =	por $0x0, $0x0;
	[tilespmem:v12+s15+$0x0] =	vst.idx.msk vm1, v26;
	v10 =	vnsel vm0, $0x8, v11  }
0xe5: {  	v11 =	vmpcnt.ones.xlane vm0;
	_ =	sdelay $0x1  }
0xe6: {  	(v2sf) =	vpush v11, $0x0;
	_ =	sdelay $0xe  }
0xe7: {  	s24 =	spop (v2sf)  }
0xe8: {  	p0 =	slt.s32 s24, $0x1  }
.Ltmp5:
0xe9: {  	_ = 	snop;
	(pc) =	sbr.rel @p0 .LBB2_6-.Ltmp5, $2  }
0xea: {  	_ =	sdelay $0x2  }
0xeb: {  	s24 =	simm.s32 $0x20  }
.LBB2_5:
0xec: {  	v21 =	vmov s24  }
0xed: {  	v11 =	vor.u32 $0x1, v21  }
0xee: {  	v13 =	vor.u32 $0x2, v21  }
0xef: {  	v14 =	vor.u32 $0x3, v21  }
0xf0: {  	v16 =	vor.u32 $0x4, v21  }
0xf1: {  	v17 =	vor.u32 $0x5, v21;
	v12 =	vld.idx.msk [tilespmem:v21+s2+$0x0], $0xffff  }
0xf2: {  	v18 =	vor.u32 $0x6, v21;
	v15 =	vld.idx.msk [tilespmem:v11+s2+$0x0], $0xffff  }
0xf3: {  	v19 =	vor.u32 $0x7, v21;
	v13 =	vld.idx.msk [tilespmem:v13+s2+$0x0], $0xffff  }
0xf4: {  	v20 =	vor.u32 $0x8, v21;
	v14 =	vld.idx.msk [tilespmem:v14+s2+$0x0], $0xffff  }
0xf5: {  	v22 =	vor.u32 $0x9, v21;
	v16 =	vld.idx.msk [tilespmem:v16+s2+$0x0], $0xffff  }
0xf6: {  	v23 =	vor.u32 $0xA, v21;
	v63 =	vor.u32 $0xB, v21;
	v17 =	vld.idx.msk [tilespmem:v17+s2+$0x0], $0xffff  }
0xf7: {  	v34 =	vor.u32 $0xC, v21;
	v35 =	vor.u32 $0xD, v21;
	v36 =	vor.u32 $0xE, v21;
	v18 =	vld.idx.msk [tilespmem:v18+s2+$0x0], $0xffff  }
0xf8: {  	v37 =	vor.u32 $0xF, v21;
	v19 =	vld.idx.msk [tilespmem:v19+s2+$0x0], $0xffff;
	v11 =	vand.u32 $0x1FF, v12;
	v12 =	vshra.s32 v12, $0x9  }
0xf9: {  	v20 =	vld.idx.msk [tilespmem:v20+s2+$0x0], $0xffff;
	v11 =	vadd.s32 v11, v6;
	v12 =	vadd.s32 v12, v7;
	v44 =	vand.u32 $0x1FF, v15  }
0xfa: {  	v22 =	vld.idx.msk [tilespmem:v22+s2+$0x0], $0xffff;
	v15 =	vshra.s32 v15, $0x9;
	v25 =	vand.u32 $0x1FF, v13;
	v13 =	vshra.s32 v13, $0x9  }
0xfb: {  	v46 =	vand.u32 $0x1FF, v14;
	v14 =	vshra.s32 v14, $0x9;
	v49 =	vand.u32 $0x1FF, v16  }
0xfc: {  	v16 =	vshra.s32 v16, $0x9;
	v28 =	vand.u32 $0x1FF, v17;
	v17 =	vshra.s32 v17, $0x9  }
0xfd: {  	v51 =	vand.u32 $0x1FF, v18;
	v18 =	vshra.s32 v18, $0x9;
	v54 =	vand.u32 $0x1FF, v19  }
0xfe: {  	v19 =	vshra.s32 v19, $0x9;
	v31 =	vand.u32 $0x1FF, v20;
	v20 =	vshra.s32 v20, $0x9  }
0xff: {  	v32 =	vshra.s32 v22, $0x9;
	v57 =	vand.u32 $0x1FF, v22;
	vm0 =	vlt.u32 v11, $0x60  }
0x100: {  	vm1 =	vlt.u32 v12, $0x40;
	v12 =	vmul.u32 $0x60, v12;
	v15 =	vadd.s32 v15, v7  }
0x101: {  	v45 =	vadd.s32 v25, v6;
	v13 =	vadd.s32 v13, v7;
	v47 =	vadd.s32 v46, v6  }
0x102: {  	v14 =	vadd.s32 v14, v7;
	v16 =	vadd.s32 v16, v7;
	v50 =	vadd.s32 v28, v6  }
0x103: {  	v17 =	vadd.s32 v17, v7;
	v52 =	vadd.s32 v51, v6;
	v18 =	vadd.s32 v18, v7  }
0x104: {  	v19 =	vadd.s32 v19, v7;
	v55 =	vadd.s32 v31, v6;
	v20 =	vadd.s32 v20, v7  }
0x105: {  	v58 =	vadd.s32 v32, v7;
	vm0 =	vmand vm0, vm1;
	vm6 =	vlt.u32 v15, $0x40  }
0x106: {  	v15 =	vmul.u32 $0x60, v15;
	vm7 =	vlt.u32 v45, $0x60;
	vm2 =	vlt.u32 v13, $0x40  }
0x107: {  	v13 =	vmul.u32 $0x60, v13;
	vm8 =	vlt.u32 v47, $0x60;
	vm3 =	vlt.u32 v14, $0x40  }
0x108: {  	v14 =	vmul.u32 $0x60, v14;
	vm11 =	vlt.u32 v16, $0x40;
	v16 =	vmul.u32 $0x60, v16  }
0x109: {  	vm12 =	vlt.u32 v50, $0x60;
	vm13 =	vlt.u32 v17, $0x40;
	v17 =	vmul.u32 $0x60, v17  }
0x10a: {  	vm14 =	vlt.u32 v52, $0x60;
	vm15 =	vlt.u32 v18, $0x40;
	v18 =	vmul.u32 $0x60, v18  }
0x10b: {  	v40 =	vld.idx.msk [tilespmem:v34+s2+$0x0], $0xffff;
	v33 =	vmul.u32 $0x60, v58;
	v11 =	vadd.s32 v11, v12;
	v12 =	vadd.s32 v44, v6  }
0x10c: {  	vm1 =	vmand vm7, vm2;
	vm9 =	vmand vm8, vm3;
	vm4 =	vmand vm14, vm15  }
0x10d: {  	vm7 =	vlt.u32 v55, $0x60;
	vm8 =	vlt.u32 v20, $0x40;
	v20 =	vmul.u32 $0x60, v20  }
0x10e: {  	v24 =	vnsel vm0, $0x1800, v11;
	vm5 =	vlt.u32 v12, $0x60;
	v12 =	vadd.s32 v12, v15  }
0x10f: {  	v13 =	vadd.s32 v45, v13;
	v14 =	vadd.s32 v47, v14;
	v15 =	vadd.s32 v49, v6  }
0x110: {  	v45 =	vand.u32 $0x1FF, v40;
	vm0 =	vmand vm5, vm6;
	v26 =	vnsel vm1, $0x1800, v13  }
0x111: {  	v27 =	vnsel vm9, $0x1800, v14;
	vm10 =	vlt.u32 v15, $0x60;
	v15 =	vadd.s32 v15, v16  }
0x112: {  	v23 =	vld.idx.msk [tilespmem:v23+s2+$0x0], $0xffff;
	vm1 =	vmand vm12, vm13;
	v16 =	vadd.s32 v50, v17;
	v17 =	vadd.s32 v52, v18  }
0x113: {  	v46 =	vld.idx.msk [tilespmem:v35+s2+$0x0], $0xffff;
	v18 =	vadd.s32 v54, v6;
	vm6 =	vlt.u32 v19, $0x40;
	v48 =	vnsel vm0, $0x1800, v12  }
0x114: {  	v19 =	vmul.u32 $0x60, v19;
	vm9 =	vmand vm7, vm8;
	v52 =	vld.idx.msk [tilespmem:v36+s2+$0x0], $0xffff;
	v29 =	vnsel vm1, $0x1800, v16  }
0x115: {  	vm0 =	vmand vm10, vm11;
	v30 =	vnsel vm4, $0x1800, v17;
	vm5 =	vlt.u32 v18, $0x60;
	v24 =	vld.idx.msk [tilespmem:v24+s12+$0x0], $0xffff  }
0x116: {  	v53 =	vnsel vm0, $0x1800, v15;
	vm0 =	vmand vm5, vm6;
	v18 =	vadd.s32 v18, v19;
	v26 =	vld.idx.msk [tilespmem:v26+s12+$0x0], $0xffff  }
0x117: {  	v19 =	vadd.s32 v55, v20;
	v20 =	vadd.s32 v57, v6;
	v56 =	vnsel vm0, $0x1800, v18;
	v27 =	vld.idx.msk [tilespmem:v27+s12+$0x0], $0xffff  }
0x118: {  	vm11 =	vlt.u32 v58, $0x40;
	v59 =	vnsel vm9, $0x1800, v19;
	vm10 =	vlt.u32 v20, $0x60;
	v25 =	vld.idx.msk [tilespmem:v48+s12+$0x0], $0xffff  }
0x119: {  	v51 =	vand.u32 $0x1FF, v46;
	v20 =	vadd.s32 v20, v33;
	vm0 =	vmand vm10, vm11;
	v60 =	vld.idx.msk [tilespmem:v29+s12+$0x0], $0xffff  }
0x11a: {  	v62 =	vnsel vm0, $0x1800, v20;
	v61 =	vld.idx.msk [tilespmem:v30+s12+$0x0], $0xffff;
	v30 =	vand.u32 $0x1FF, v23;
	v23 =	vshra.s32 v23, $0x9  }
0x11b: {  	v34 =	vshra.s32 v52, $0x9;
	v29 =	vimm.s32 $0x0;
	v28 =	vld.idx.msk [tilespmem:v53+s12+$0x0], $0xffff;
	v23 =	vadd.s32 v23, v7  }
0x11c: {  	v34 =	vadd.s32 v34, v7;
	v31 =	vld.idx.msk [tilespmem:v56+s12+$0x0], $0xffff;
	vm11 =	vlt.u32 v23, $0x40;
	v23 =	vmul.u32 $0x60, v23  }
0x11d: {  	v32 =	vld.idx.msk [tilespmem:v59+s12+$0x0], $0xffff;
	v56 =	vand.u32 $0x1FF, v52;
	vm9 =	vgt.f32 v24, $1.000000050e-03;
	vm7 =	vgt.f32 v26, $1.000000050e-03  }
0x11e: {  	vm6 =	vgt.f32 v27, $1.000000050e-03;
	v33 =	vsel vm9, $0x1, v3;
	v26 =	vshra.s32 v46, $0x9  }
0x11f: {  	vm8 =	vgt.f32 v25, $1.000000050e-03;
	vm4 =	vgt.f32 v60, $1.000000050e-03;
	vm2 =	vgt.f32 v61, $1.000000050e-03  }
0x120: {  	v41 =	vsel vm7, $0x1, v3;
	v44 =	vsel vm6, $0x1, v3;
	v26 =	vadd.s32 v26, v7  }
0x121: {  	vm5 =	vgt.f32 v28, $1.000000050e-03;
	v28 =	vld.idx.msk [tilespmem:v62+s12+$0x0], $0xffff;
	v38 =	vsel vm8, $0x1, v3;
	v50 =	vsel vm4, $0x1, v3  }
0x122: {  	v53 =	vsel vm2, $0x1, v3;
	vm1 =	vgt.f32 v31, $1.000000050e-03;
	vm0 =	vgt.f32 v32, $1.000000050e-03  }
0x123: {  	v31 =	vld.idx.msk [tilespmem:v63+s2+$0x0], $0xffff;
	v32 =	vimm.s32 $0x0;
	v47 =	vsel vm5, $0x1, v3;
	v22 =	vsel vm1, $0xFFFFFFFF, v29  }
0x124: {  	v25 =	vsel vm0, $0xFFFFFFFF, v32;
	v55 =	vsel vm1, $0x1, v3;
	[tilespmem:$0x1FFC0] =	vst v22;
	v22 =	vadd.s32 v30, v6  }
0x125: {  	v57 =	vsel vm0, $0x1, v3;
	[tilespmem:$0x1FFD0] =	vst v25;
	v25 =	vadd.s32 v33, v10;
	vm10 =	vlt.u32 v22, $0x60  }
0x126: {  	vm12 =	vlt.s32 v25, $0x8;
	v21 =	vadd.s32 v22, v23;
	vm3 =	vgt.f32 v28, $1.000000050e-03  }
0x127: {  	vm10 =	vmand vm10, vm11;
	v27 =	vnsel vm12, $0x8, v25;
	v25 =	vshra.s32 v40, $0x9  }
0x128: {  	v39 =	vand.u32 $0x1FF, v31;
	v24 =	vshra.s32 v31, $0x9;
	v22 =	vadd.s32 v38, v27  }
0x129: {  	v43 =	vnsel vm10, $0x1800, v21;
	v25 =	vadd.s32 v25, v7;
	v58 =	vsel vm3, $0x1, v3  }
0x12a: {  	v23 =	vadd.s32 v39, v6;
	v24 =	vadd.s32 v24, v7;
	vm11 =	vlt.s32 v22, $0x8  }
0x12b: {  	vm15 =	vlt.u32 v25, $0x40;
	v25 =	vmul.u32 $0x60, v25;
	vm12 =	vlt.u32 v23, $0x60  }
0x12c: {  	v28 =	vnsel vm11, $0x8, v22;
	vm13 =	vlt.u32 v24, $0x40;
	v24 =	vmul.u32 $0x60, v24  }
0x12d: {  	v42 =	vadd.s32 v41, v28;
	vm10 =	vmand vm12, vm13;
	v52 =	vshrl.u32 v28, $0x3  }
0x12e: {  	v28 =	vshll.u32 v28, $0x7;
	vm14 =	vlt.s32 v42, $0x8;
	v22 =	vadd.s32 v23, v24  }
0x12f: {  	v24 =	vadd.s32 v45, v6;
	v28 =	vand.u32 $0x380, v28;
	v30 =	vnsel vm14, $0x8, v42  }
0x130: {  	v37 =	vld.idx.msk [tilespmem:v37+s2+$0x0], $0xffff;
	vm12 =	vlt.u32 v24, $0x60;
	v49 =	vnsel vm10, $0x1800, v22;
	vm14 =	vlt.u32 v26, $0x40  }
0x131: {  	v26 =	vmul.u32 $0x60, v26;
	v23 =	vadd.s32 v44, v30;
	vm10 =	vmand vm12, vm15  }
0x132: {  	v44 =	vshrl.u32 v27, $0x3;
	v27 =	vshll.u32 v27, $0x7;
	vm11 =	vlt.s32 v23, $0x8  }
0x133: {  	v44 =	vmul.u32 $0x1800, v44;
	v27 =	vand.u32 $0x380, v27;
	v31 =	vnsel vm11, $0x8, v23  }
0x134: {  	v23 =	vadd.s32 v24, v25;
	v25 =	vadd.s32 v51, v6;
	v48 =	vadd.s32 v47, v31  }
0x135: {  	vm12 =	vlt.u32 v25, $0x60;
	v38 =	vnsel vm10, $0x1800, v23;
	v47 =	vand.u32 $0x1FF, v37  }
0x136: {  	v37 =	vshra.s32 v37, $0x9;
	v44 =	vadd.s32 v9, v44;
	vm13 =	vlt.s32 v48, $0x8  }
0x137: {  	vm10 =	vmand vm12, vm14;
	v33 =	vld.idx.msk [tilespmem:v49+s12+$0x0], $0xffff;
	v37 =	vadd.s32 v37, v7;
	v49 =	vshrl.u32 v10, $0x3  }
0x138: {  	v29 =	vld.idx.msk [tilespmem:v43+s12+$0x0], $0xffff;
	v10 =	vshll.u32 v10, $0x7;
	v27 =	vor.u32 v27, v44;
	v32 =	vnsel vm13, $0x8, v48  }
0x139: {  	vm13 =	vlt.u32 v34, $0x40;
	v34 =	vmul.u32 $0x60, v34;
	v24 =	vadd.s32 v50, v32  }
0x13a: {  	v42 =	vmul.u32 $0x60, v37;
	v10 =	vand.u32 $0x380, v10;
	vm11 =	vlt.s32 v24, $0x8  }
0x13b: {  	v35 =	vnsel vm11, $0x8, v24;
	v24 =	vadd.s32 v25, v26;
	v26 =	vadd.s32 v56, v6  }
0x13c: {  	v27 =	vor.u32 v8, v27;
	v54 =	vadd.s32 v53, v35;
	vm1 =	vlt.u32 v26, $0x60  }
0x13d: {  	v41 =	vnsel vm10, $0x1800, v24;
	vm10 =	vgt.f32 v29, $1.000000050e-03;
	v53 =	vshrl.u32 v30, $0x3  }
0x13e: {  	v30 =	vshll.u32 v30, $0x7;
	v56 =	vshrl.u32 v35, $0x3;
	vm15 =	vlt.s32 v54, $0x8  }
0x13f: {  	v35 =	vshll.u32 v35, $0x7;
	vm14 =	vmand vm1, vm13;
	v36 =	vnsel vm15, $0x8, v54  }
0x140: {  	v60 =	vld.idx.msk [tilespmem:v38+s12+$0x0], $0xffff;
	v61 =	vsel vm10, $0x1, v3;
	v44 =	vmul.u32 $0x1800, v53;
	v25 =	vadd.s32 v55, v36  }
0x141: {  	v30 =	vand.u32 $0x380, v30;
	v35 =	vand.u32 $0x380, v35;
	vm11 =	vlt.s32 v25, $0x8  }
0x142: {  	v54 =	vshrl.u32 v31, $0x3;
	v31 =	vshll.u32 v31, $0x7;
	v39 =	vnsel vm11, $0x8, v25  }
0x143: {  	v44 =	vadd.s32 v9, v44;
	v55 =	vshrl.u32 v32, $0x3;
	v40 =	vadd.s32 v57, v39  }
0x144: {  	v31 =	vand.u32 $0x380, v31;
	v32 =	vshll.u32 v32, $0x7;
	vm15 =	vlt.s32 v40, $0x8  }
0x145: {  	vm12 =	vgt.f32 v60, $1.000000050e-03;
	v25 =	vadd.s32 v26, v34;
	v34 =	vnsel vm15, $0x8, v40  }
0x146: {  	v30 =	vor.u32 v30, v44;
	v44 =	vmul.u32 $0x1800, v55;
	v26 =	vadd.s32 v58, v34  }
0x147: {  	v32 =	vand.u32 $0x380, v32;
	v59 =	vnsel vm14, $0x1800, v25;
	vm0 =	vlt.s32 v26, $0x8  }
0x148: {  	vm11 =	vgt.f32 v33, $1.000000050e-03;
	v46 =	vsel vm12, $0x1, v3;
	v38 =	vnsel vm0, $0x8, v26  }
0x149: {  	v33 =	vadd.s32 v47, v6;
	v45 =	vsel vm11, $0x1, v3;
	v26 =	vadd.s32 v61, v38  }
0x14a: {  	v44 =	vadd.s32 v9, v44;
	v57 =	vshrl.u32 v36, $0x3;
	vm1 =	vlt.s32 v26, $0x8  }
0x14b: {  	v62 =	vld.idx.msk [tilespmem:v41+s12+$0x0], $0xffff;
	v32 =	vor.u32 v32, v44;
	v44 =	vmul.u32 $0x1800, v57;
	v63 =	vnsel vm1, $0x8, v26  }
0x14c: {  	v30 =	vor.u32 v8, v30;
	v32 =	vor.u32 v8, v32;
	v40 =	vld.idx.msk [tilespmem:v59+s12+$0x0], $0xffff;
	v26 =	vadd.s32 v45, v63  }
0x14d: {  	v58 =	vshll.u32 v36, $0x7;
	v44 =	vadd.s32 v9, v44;
	vm13 =	vlt.s32 v26, $0x8  }
0x14e: {  	v60 =	vshrl.u32 v34, $0x3;
	v34 =	vshll.u32 v34, $0x7;
	v29 =	vnsel vm13, $0x8, v26  }
0x14f: {  	v34 =	vand.u32 $0x380, v34;
	vm0 =	vlt.u32 v37, $0x40;
	v26 =	vadd.s32 v46, v29  }
0x150: {  	v59 =	vshrl.u32 v39, $0x3;
	vm13 =	vgt.f32 v62, $1.000000050e-03;
	vm15 =	vlt.s32 v26, $0x8  }
0x151: {  	vm14 =	vgt.f32 v40, $1.000000050e-03;
	v48 =	vsel vm13, $0x1, v3;
	v40 =	vnsel vm15, $0x8, v26  }
0x152: {  	v39 =	vshll.u32 v39, $0x7;
	v36 =	vmul.u32 $0x1800, v59;
	v26 =	vadd.s32 v48, v40  }
0x153: {  	v39 =	vand.u32 $0x380, v39;
	vm15 =	vlt.u32 v33, $0x60;
	vm1 =	vlt.s32 v26, $0x8  }
0x154: {  	v37 =	vnsel vm1, $0x8, v26;
	v26 =	vadd.s32 v33, v42;
	v33 =	vmul.u32 $0x1800, v49  }
0x155: {  	v61 =	vshrl.u32 v38, $0x3;
	v38 =	vshll.u32 v38, $0x7;
	v36 =	vadd.s32 v9, v36  }
0x156: {  	v36 =	vor.u32 v39, v36;
	v39 =	vmul.u32 $0x1800, v61;
	v33 =	vadd.s32 v9, v33  }
0x157: {  	v38 =	vand.u32 $0x380, v38;
	v10 =	vor.u32 v10, v33;
	v33 =	vmul.u32 $0x1800, v52  }
0x158: {  	v43 =	vsel vm14, $0x1, v3;
	v62 =	vshrl.u32 v63, $0x3;
	v39 =	vadd.s32 v9, v39  }
0x159: {  	v63 =	vshll.u32 v63, $0x7;
	v38 =	vor.u32 v38, v39;
	v33 =	vadd.s32 v9, v33  }
0x15a: {  	v39 =	vand.u32 $0x380, v63;
	v28 =	vor.u32 v28, v33;
	v33 =	vmul.u32 $0x1800, v54  }
0x15b: {  	v45 =	vshrl.u32 v29, $0x3;
	v29 =	vshll.u32 v29, $0x7;
	vm0 =	vmand vm15, vm0  }
0x15c: {  	v46 =	vor.u32 v8, v36;
	v51 =	vnsel vm0, $0x1800, v26;
	v33 =	vadd.s32 v9, v33  }
0x15d: {  	v10 =	vor.u32 v8, v10;
	v31 =	vor.u32 v31, v33;
	v33 =	vmul.u32 $0x1800, v56  }
0x15e: {  	v41 =	vmul.u32 $0x1800, v45;
	v29 =	vand.u32 $0x380, v29;
	v47 =	vshrl.u32 v40, $0x3  }
0x15f: {  	v61 =	vld [tilespmem:$0x1FFD0];
	v50 =	vadd.s32 v43, v37;
	v57 =	vshll.u32 v37, $0x7;
	v33 =	vadd.s32 v9, v33  }
0x160: {  	v28 =	vor.u32 v8, v28;
	v33 =	vor.u32 v35, v33;
	v35 =	vand.u32 $0x380, v58;
	v58 =	vld [tilespmem:$0x1FFC0]  }
0x161: {  	v49 =	vor.u32 v8, v38;
	vm15 =	vlt.s32 v50, $0x8;
	v59 =	vand.u32 $0x380, v57  }
0x162: {  	v42 =	vnsel vm15, $0x8, v50;
	v43 =	vld.idx.msk [tilespmem:v51+s12+$0x0], $0xffff;
	v51 =	vshll.u32 v40, $0x7;
	[tilespmem:v10+s15+$0x0] =	vst.idx.msk vm9, v11;
	v11 =	vadd.s32 v9, v41  }
0x163: {  	v31 =	vor.u32 v8, v31;
	v35 =	vor.u32 v35, v44;
	v44 =	vmul.u32 $0x1800, v60  }
0x164: {  	v54 =	vshrl.u32 v37, $0x3;
	[tilespmem:v27+s15+$0x0] =	vst.idx.msk vm8, v12;
	v11 =	vor.u32 v29, v11;
	vm8 =	vnez.u8 v61  }
0x165: {  	[tilespmem:v28+s15+$0x0] =	vst.idx.msk vm7, v13;
	v33 =	vor.u32 v8, v33;
	v44 =	vadd.s32 v9, v44;
	vm7 =	vnez.u8 v58  }
0x166: {  	v10 =	vor.u32 v8, v35;
	v34 =	vor.u32 v34, v44;
	v44 =	vmul.u32 $0x1800, v62  }
0x167: {  	v53 =	vand.u32 $0x380, v51;
	v27 =	vmul.u32 $0x1800, v47;
	v11 =	vor.u32 v8, v11;
	[tilespmem:v30+s15+$0x0] =	vst.idx.msk vm6, v14  }
0x168: {  	v55 =	vmul.u32 $0x1800, v54;
	[tilespmem:v31+s15+$0x0] =	vst.idx.msk vm5, v15;
	v48 =	vor.u32 v8, v34;
	v44 =	vadd.s32 v9, v44  }
0x169: {  	v56 =	vshrl.u32 v42, $0x3;
	v52 =	vadd.s32 v9, v27;
	[tilespmem:v32+s15+$0x0] =	vst.idx.msk vm4, v16;
	v39 =	vor.u32 v39, v44  }
0x16a: {  	v27 =	vmul.u32 $0x1800, v56;
	v15 =	vor.u32 v53, v52;
	[tilespmem:v33+s15+$0x0] =	vst.idx.msk vm2, v17;
	v50 =	vor.u32 v8, v39  }
0x16b: {  	v60 =	vshll.u32 v42, $0x7;
	v15 =	vor.u32 v8, v15;
	[tilespmem:v10+s15+$0x0] =	vst.idx.msk vm7, v18;
	v10 =	vadd.s32 v9, v55  }
0x16c: {  	v63 =	vand.u32 $0x380, v60;
	v62 =	vadd.s32 v9, v27;
	[tilespmem:v46+s15+$0x0] =	vst.idx.msk vm8, v19;
	v10 =	vor.u32 v59, v10  }
0x16d: {  	vm9 =	vgt.f32 v43, $1.000000050e-03;
	v12 =	vor.u32 v63, v62;
	[tilespmem:v48+s15+$0x0] =	vst.idx.msk vm3, v20;
	v10 =	vor.u32 v8, v10  }
0x16e: {  	p0 =	sne.s32 s24, $0x30;
	v12 =	vor.u32 v8, v12;
	[tilespmem:v49+s15+$0x0] =	vst.idx.msk vm10, v21  }
.Ltmp6:
0x16f: {  	[tilespmem:v50+s15+$0x0] =	vst.idx.msk vm11, v22;
	(pc) =	sbr.rel @p0 .LBB2_5-.Ltmp6, $4  }
0x170: {  	[tilespmem:v11+s15+$0x0] =	vst.idx.msk vm12, v23;
	v11 =	vsel vm9, $0x1, v3  }
0x171: {  	[tilespmem:v15+s15+$0x0] =	vst.idx.msk vm13, v24;
	v11 =	vadd.s32 v11, v42  }
0x172: {  	[tilespmem:v10+s15+$0x0] =	vst.idx.msk vm14, v25;
	vm15 =	vlt.s32 v11, $0x8  }
0x173: {  	s24 =	sadd.s32 $0x10, s24;
	[tilespmem:v12+s15+$0x0] =	vst.idx.msk vm9, v26;
	v10 =	vnsel vm15, $0x8, v11  }
.LBB2_6:
0x174: {  	vm0 =	vlt.s32 v10, $0x8  }
0x175: {  	v11 =	vmpcnt.ones.xlane vm0;
	_ =	sdelay $0x1  }
0x176: {  	(v2sf) =	vpush v11, $0x0;
	_ =	sdelay $0xe  }
0x177: {  	s24 =	spop (v2sf)  }
0x178: {  	p0 =	slt.s32 s24, $0x1  }
.Ltmp7:
0x179: {  	_ = 	snop;
	(pc) =	sbr.rel @p0 .LBB2_8-.Ltmp7, $2  }
0x17a: {  	_ =	sdelay $0x2  }
0x17b: {  	s24 =	simm.s32 $0x40  }
.LBB2_7:
0x17c: {  	v21 =	vmov s24  }
0x17d: {  	v11 =	vor.u32 $0x1, v21  }
0x17e: {  	v13 =	vor.u32 $0x2, v21  }
0x17f: {  	v14 =	vor.u32 $0x3, v21  }
0x180: {  	v16 =	vor.u32 $0x4, v21  }
0x181: {  	v17 =	vor.u32 $0x5, v21;
	v12 =	vld.idx.msk [tilespmem:v21+s2+$0x0], $0xffff  }
0x182: {  	v18 =	vor.u32 $0x6, v21;
	v15 =	vld.idx.msk [tilespmem:v11+s2+$0x0], $0xffff  }
0x183: {  	v19 =	vor.u32 $0x7, v21;
	v13 =	vld.idx.msk [tilespmem:v13+s2+$0x0], $0xffff  }
0x184: {  	v20 =	vor.u32 $0x8, v21;
	v14 =	vld.idx.msk [tilespmem:v14+s2+$0x0], $0xffff  }
0x185: {  	v22 =	vor.u32 $0x9, v21;
	v16 =	vld.idx.msk [tilespmem:v16+s2+$0x0], $0xffff  }
0x186: {  	v23 =	vor.u32 $0xA, v21;
	v63 =	vor.u32 $0xB, v21;
	v17 =	vld.idx.msk [tilespmem:v17+s2+$0x0], $0xffff  }
0x187: {  	v34 =	vor.u32 $0xC, v21;
	v35 =	vor.u32 $0xD, v21;
	v36 =	vor.u32 $0xE, v21;
	v18 =	vld.idx.msk [tilespmem:v18+s2+$0x0], $0xffff  }
0x188: {  	v37 =	vor.u32 $0xF, v21;
	v19 =	vld.idx.msk [tilespmem:v19+s2+$0x0], $0xffff;
	v11 =	vand.u32 $0x1FF, v12;
	v12 =	vshra.s32 v12, $0x9  }
0x189: {  	v20 =	vld.idx.msk [tilespmem:v20+s2+$0x0], $0xffff;
	v11 =	vadd.s32 v11, v6;
	v12 =	vadd.s32 v12, v7;
	v44 =	vand.u32 $0x1FF, v15  }
0x18a: {  	v22 =	vld.idx.msk [tilespmem:v22+s2+$0x0], $0xffff;
	v15 =	vshra.s32 v15, $0x9;
	v25 =	vand.u32 $0x1FF, v13;
	v13 =	vshra.s32 v13, $0x9  }
0x18b: {  	v46 =	vand.u32 $0x1FF, v14;
	v14 =	vshra.s32 v14, $0x9;
	v49 =	vand.u32 $0x1FF, v16  }
0x18c: {  	v16 =	vshra.s32 v16, $0x9;
	v28 =	vand.u32 $0x1FF, v17;
	v17 =	vshra.s32 v17, $0x9  }
0x18d: {  	v51 =	vand.u32 $0x1FF, v18;
	v18 =	vshra.s32 v18, $0x9;
	v54 =	vand.u32 $0x1FF, v19  }
0x18e: {  	v19 =	vshra.s32 v19, $0x9;
	v31 =	vand.u32 $0x1FF, v20;
	v20 =	vshra.s32 v20, $0x9  }
0x18f: {  	v32 =	vshra.s32 v22, $0x9;
	v57 =	vand.u32 $0x1FF, v22;
	vm0 =	vlt.u32 v11, $0x60  }
0x190: {  	vm1 =	vlt.u32 v12, $0x40;
	v12 =	vmul.u32 $0x60, v12;
	v15 =	vadd.s32 v15, v7  }
0x191: {  	v45 =	vadd.s32 v25, v6;
	v13 =	vadd.s32 v13, v7;
	v47 =	vadd.s32 v46, v6  }
0x192: {  	v14 =	vadd.s32 v14, v7;
	v16 =	vadd.s32 v16, v7;
	v50 =	vadd.s32 v28, v6  }
0x193: {  	v17 =	vadd.s32 v17, v7;
	v52 =	vadd.s32 v51, v6;
	v18 =	vadd.s32 v18, v7  }
0x194: {  	v19 =	vadd.s32 v19, v7;
	v55 =	vadd.s32 v31, v6;
	v20 =	vadd.s32 v20, v7  }
0x195: {  	v58 =	vadd.s32 v32, v7;
	vm0 =	vmand vm0, vm1;
	vm6 =	vlt.u32 v15, $0x40  }
0x196: {  	v15 =	vmul.u32 $0x60, v15;
	vm7 =	vlt.u32 v45, $0x60;
	vm2 =	vlt.u32 v13, $0x40  }
0x197: {  	v13 =	vmul.u32 $0x60, v13;
	vm8 =	vlt.u32 v47, $0x60;
	vm3 =	vlt.u32 v14, $0x40  }
0x198: {  	v14 =	vmul.u32 $0x60, v14;
	vm11 =	vlt.u32 v16, $0x40;
	v16 =	vmul.u32 $0x60, v16  }
0x199: {  	vm12 =	vlt.u32 v50, $0x60;
	vm13 =	vlt.u32 v17, $0x40;
	v17 =	vmul.u32 $0x60, v17  }
0x19a: {  	vm14 =	vlt.u32 v52, $0x60;
	vm15 =	vlt.u32 v18, $0x40;
	v18 =	vmul.u32 $0x60, v18  }
0x19b: {  	v40 =	vld.idx.msk [tilespmem:v34+s2+$0x0], $0xffff;
	v33 =	vmul.u32 $0x60, v58;
	v11 =	vadd.s32 v11, v12;
	v12 =	vadd.s32 v44, v6  }
0x19c: {  	vm1 =	vmand vm7, vm2;
	vm9 =	vmand vm8, vm3;
	vm4 =	vmand vm14, vm15  }
0x19d: {  	vm7 =	vlt.u32 v55, $0x60;
	vm8 =	vlt.u32 v20, $0x40;
	v20 =	vmul.u32 $0x60, v20  }
0x19e: {  	v24 =	vnsel vm0, $0x1800, v11;
	vm5 =	vlt.u32 v12, $0x60;
	v12 =	vadd.s32 v12, v15  }
0x19f: {  	v13 =	vadd.s32 v45, v13;
	v14 =	vadd.s32 v47, v14;
	v15 =	vadd.s32 v49, v6  }
0x1a0: {  	v45 =	vand.u32 $0x1FF, v40;
	vm0 =	vmand vm5, vm6;
	v26 =	vnsel vm1, $0x1800, v13  }
0x1a1: {  	v27 =	vnsel vm9, $0x1800, v14;
	vm10 =	vlt.u32 v15, $0x60;
	v15 =	vadd.s32 v15, v16  }
0x1a2: {  	v23 =	vld.idx.msk [tilespmem:v23+s2+$0x0], $0xffff;
	vm1 =	vmand vm12, vm13;
	v16 =	vadd.s32 v50, v17;
	v17 =	vadd.s32 v52, v18  }
0x1a3: {  	v46 =	vld.idx.msk [tilespmem:v35+s2+$0x0], $0xffff;
	v18 =	vadd.s32 v54, v6;
	vm6 =	vlt.u32 v19, $0x40;
	v48 =	vnsel vm0, $0x1800, v12  }
0x1a4: {  	v19 =	vmul.u32 $0x60, v19;
	vm9 =	vmand vm7, vm8;
	v52 =	vld.idx.msk [tilespmem:v36+s2+$0x0], $0xffff;
	v29 =	vnsel vm1, $0x1800, v16  }
0x1a5: {  	vm0 =	vmand vm10, vm11;
	v30 =	vnsel vm4, $0x1800, v17;
	vm5 =	vlt.u32 v18, $0x60;
	v24 =	vld.idx.msk [tilespmem:v24+s12+$0x0], $0xffff  }
0x1a6: {  	v53 =	vnsel vm0, $0x1800, v15;
	vm0 =	vmand vm5, vm6;
	v18 =	vadd.s32 v18, v19;
	v26 =	vld.idx.msk [tilespmem:v26+s12+$0x0], $0xffff  }
0x1a7: {  	v19 =	vadd.s32 v55, v20;
	v20 =	vadd.s32 v57, v6;
	v56 =	vnsel vm0, $0x1800, v18;
	v27 =	vld.idx.msk [tilespmem:v27+s12+$0x0], $0xffff  }
0x1a8: {  	vm11 =	vlt.u32 v58, $0x40;
	v59 =	vnsel vm9, $0x1800, v19;
	vm10 =	vlt.u32 v20, $0x60;
	v25 =	vld.idx.msk [tilespmem:v48+s12+$0x0], $0xffff  }
0x1a9: {  	v51 =	vand.u32 $0x1FF, v46;
	v20 =	vadd.s32 v20, v33;
	vm0 =	vmand vm10, vm11;
	v60 =	vld.idx.msk [tilespmem:v29+s12+$0x0], $0xffff  }
0x1aa: {  	v62 =	vnsel vm0, $0x1800, v20;
	v61 =	vld.idx.msk [tilespmem:v30+s12+$0x0], $0xffff;
	v30 =	vand.u32 $0x1FF, v23;
	v23 =	vshra.s32 v23, $0x9  }
0x1ab: {  	v34 =	vshra.s32 v52, $0x9;
	v29 =	vimm.s32 $0x0;
	v28 =	vld.idx.msk [tilespmem:v53+s12+$0x0], $0xffff;
	v23 =	vadd.s32 v23, v7  }
0x1ac: {  	v34 =	vadd.s32 v34, v7;
	v31 =	vld.idx.msk [tilespmem:v56+s12+$0x0], $0xffff;
	vm11 =	vlt.u32 v23, $0x40;
	v23 =	vmul.u32 $0x60, v23  }
0x1ad: {  	v32 =	vld.idx.msk [tilespmem:v59+s12+$0x0], $0xffff;
	v56 =	vand.u32 $0x1FF, v52;
	vm9 =	vgt.f32 v24, $1.000000050e-03;
	vm7 =	vgt.f32 v26, $1.000000050e-03  }
0x1ae: {  	vm6 =	vgt.f32 v27, $1.000000050e-03;
	v33 =	vsel vm9, $0x1, v3;
	v26 =	vshra.s32 v46, $0x9  }
0x1af: {  	vm8 =	vgt.f32 v25, $1.000000050e-03;
	vm4 =	vgt.f32 v60, $1.000000050e-03;
	vm2 =	vgt.f32 v61, $1.000000050e-03  }
0x1b0: {  	v41 =	vsel vm7, $0x1, v3;
	v44 =	vsel vm6, $0x1, v3;
	v26 =	vadd.s32 v26, v7  }
0x1b1: {  	vm5 =	vgt.f32 v28, $1.000000050e-03;
	v28 =	vld.idx.msk [tilespmem:v62+s12+$0x0], $0xffff;
	v38 =	vsel vm8, $0x1, v3;
	v50 =	vsel vm4, $0x1, v3  }
0x1b2: {  	v53 =	vsel vm2, $0x1, v3;
	vm1 =	vgt.f32 v31, $1.000000050e-03;
	vm0 =	vgt.f32 v32, $1.000000050e-03  }
0x1b3: {  	v31 =	vld.idx.msk [tilespmem:v63+s2+$0x0], $0xffff;
	v32 =	vimm.s32 $0x0;
	v47 =	vsel vm5, $0x1, v3;
	v22 =	vsel vm1, $0xFFFFFFFF, v29  }
0x1b4: {  	v25 =	vsel vm0, $0xFFFFFFFF, v32;
	v55 =	vsel vm1, $0x1, v3;
	[tilespmem:$0x1FFA0] =	vst v22;
	v22 =	vadd.s32 v30, v6  }
0x1b5: {  	v57 =	vsel vm0, $0x1, v3;
	[tilespmem:$0x1FFB0] =	vst v25;
	v25 =	vadd.s32 v33, v10;
	vm10 =	vlt.u32 v22, $0x60  }
0x1b6: {  	vm12 =	vlt.s32 v25, $0x8;
	v21 =	vadd.s32 v22, v23;
	vm3 =	vgt.f32 v28, $1.000000050e-03  }
0x1b7: {  	vm10 =	vmand vm10, vm11;
	v27 =	vnsel vm12, $0x8, v25;
	v25 =	vshra.s32 v40, $0x9  }
0x1b8: {  	v39 =	vand.u32 $0x1FF, v31;
	v24 =	vshra.s32 v31, $0x9;
	v22 =	vadd.s32 v38, v27  }
0x1b9: {  	v43 =	vnsel vm10, $0x1800, v21;
	v25 =	vadd.s32 v25, v7;
	v58 =	vsel vm3, $0x1, v3  }
0x1ba: {  	v23 =	vadd.s32 v39, v6;
	v24 =	vadd.s32 v24, v7;
	vm11 =	vlt.s32 v22, $0x8  }
0x1bb: {  	vm15 =	vlt.u32 v25, $0x40;
	v25 =	vmul.u32 $0x60, v25;
	vm12 =	vlt.u32 v23, $0x60  }
0x1bc: {  	v28 =	vnsel vm11, $0x8, v22;
	vm13 =	vlt.u32 v24, $0x40;
	v24 =	vmul.u32 $0x60, v24  }
0x1bd: {  	v42 =	vadd.s32 v41, v28;
	vm10 =	vmand vm12, vm13;
	v52 =	vshrl.u32 v28, $0x3  }
0x1be: {  	v28 =	vshll.u32 v28, $0x7;
	vm14 =	vlt.s32 v42, $0x8;
	v22 =	vadd.s32 v23, v24  }
0x1bf: {  	v24 =	vadd.s32 v45, v6;
	v28 =	vand.u32 $0x380, v28;
	v30 =	vnsel vm14, $0x8, v42  }
0x1c0: {  	v37 =	vld.idx.msk [tilespmem:v37+s2+$0x0], $0xffff;
	vm12 =	vlt.u32 v24, $0x60;
	v49 =	vnsel vm10, $0x1800, v22;
	vm14 =	vlt.u32 v26, $0x40  }
0x1c1: {  	v26 =	vmul.u32 $0x60, v26;
	v23 =	vadd.s32 v44, v30;
	vm10 =	vmand vm12, vm15  }
0x1c2: {  	v44 =	vshrl.u32 v27, $0x3;
	v27 =	vshll.u32 v27, $0x7;
	vm11 =	vlt.s32 v23, $0x8  }
0x1c3: {  	v44 =	vmul.u32 $0x1800, v44;
	v27 =	vand.u32 $0x380, v27;
	v31 =	vnsel vm11, $0x8, v23  }
0x1c4: {  	v23 =	vadd.s32 v24, v25;
	v25 =	vadd.s32 v51, v6;
	v48 =	vadd.s32 v47, v31  }
0x1c5: {  	vm12 =	vlt.u32 v25, $0x60;
	v38 =	vnsel vm10, $0x1800, v23;
	v47 =	vand.u32 $0x1FF, v37  }
0x1c6: {  	v37 =	vshra.s32 v37, $0x9;
	v44 =	vadd.s32 v9, v44;
	vm13 =	vlt.s32 v48, $0x8  }
0x1c7: {  	vm10 =	vmand vm12, vm14;
	v33 =	vld.idx.msk [tilespmem:v49+s12+$0x0], $0xffff;
	v37 =	vadd.s32 v37, v7;
	v49 =	vshrl.u32 v10, $0x3  }
0x1c8: {  	v29 =	vld.idx.msk [tilespmem:v43+s12+$0x0], $0xffff;
	v10 =	vshll.u32 v10, $0x7;
	v27 =	vor.u32 v27, v44;
	v32 =	vnsel vm13, $0x8, v48  }
0x1c9: {  	vm13 =	vlt.u32 v34, $0x40;
	v34 =	vmul.u32 $0x60, v34;
	v24 =	vadd.s32 v50, v32  }
0x1ca: {  	v42 =	vmul.u32 $0x60, v37;
	v10 =	vand.u32 $0x380, v10;
	vm11 =	vlt.s32 v24, $0x8  }
0x1cb: {  	v35 =	vnsel vm11, $0x8, v24;
	v24 =	vadd.s32 v25, v26;
	v26 =	vadd.s32 v56, v6  }
0x1cc: {  	v27 =	vor.u32 v8, v27;
	v54 =	vadd.s32 v53, v35;
	vm1 =	vlt.u32 v26, $0x60  }
0x1cd: {  	v41 =	vnsel vm10, $0x1800, v24;
	vm10 =	vgt.f32 v29, $1.000000050e-03;
	v53 =	vshrl.u32 v30, $0x3  }
0x1ce: {  	v30 =	vshll.u32 v30, $0x7;
	v56 =	vshrl.u32 v35, $0x3;
	vm15 =	vlt.s32 v54, $0x8  }
0x1cf: {  	v35 =	vshll.u32 v35, $0x7;
	vm14 =	vmand vm1, vm13;
	v36 =	vnsel vm15, $0x8, v54  }
0x1d0: {  	v60 =	vld.idx.msk [tilespmem:v38+s12+$0x0], $0xffff;
	v61 =	vsel vm10, $0x1, v3;
	v44 =	vmul.u32 $0x1800, v53;
	v25 =	vadd.s32 v55, v36  }
0x1d1: {  	v30 =	vand.u32 $0x380, v30;
	v35 =	vand.u32 $0x380, v35;
	vm11 =	vlt.s32 v25, $0x8  }
0x1d2: {  	v54 =	vshrl.u32 v31, $0x3;
	v31 =	vshll.u32 v31, $0x7;
	v39 =	vnsel vm11, $0x8, v25  }
0x1d3: {  	v44 =	vadd.s32 v9, v44;
	v55 =	vshrl.u32 v32, $0x3;
	v40 =	vadd.s32 v57, v39  }
0x1d4: {  	v31 =	vand.u32 $0x380, v31;
	v32 =	vshll.u32 v32, $0x7;
	vm15 =	vlt.s32 v40, $0x8  }
0x1d5: {  	vm12 =	vgt.f32 v60, $1.000000050e-03;
	v25 =	vadd.s32 v26, v34;
	v34 =	vnsel vm15, $0x8, v40  }
0x1d6: {  	v30 =	vor.u32 v30, v44;
	v44 =	vmul.u32 $0x1800, v55;
	v26 =	vadd.s32 v58, v34  }
0x1d7: {  	v32 =	vand.u32 $0x380, v32;
	v59 =	vnsel vm14, $0x1800, v25;
	vm0 =	vlt.s32 v26, $0x8  }
0x1d8: {  	vm11 =	vgt.f32 v33, $1.000000050e-03;
	v46 =	vsel vm12, $0x1, v3;
	v38 =	vnsel vm0, $0x8, v26  }
0x1d9: {  	v33 =	vadd.s32 v47, v6;
	v45 =	vsel vm11, $0x1, v3;
	v26 =	vadd.s32 v61, v38  }
0x1da: {  	v44 =	vadd.s32 v9, v44;
	v57 =	vshrl.u32 v36, $0x3;
	vm1 =	vlt.s32 v26, $0x8  }
0x1db: {  	v62 =	vld.idx.msk [tilespmem:v41+s12+$0x0], $0xffff;
	v32 =	vor.u32 v32, v44;
	v44 =	vmul.u32 $0x1800, v57;
	v63 =	vnsel vm1, $0x8, v26  }
0x1dc: {  	v30 =	vor.u32 v8, v30;
	v32 =	vor.u32 v8, v32;
	v40 =	vld.idx.msk [tilespmem:v59+s12+$0x0], $0xffff;
	v26 =	vadd.s32 v45, v63  }
0x1dd: {  	v58 =	vshll.u32 v36, $0x7;
	v44 =	vadd.s32 v9, v44;
	vm13 =	vlt.s32 v26, $0x8  }
0x1de: {  	v60 =	vshrl.u32 v34, $0x3;
	v34 =	vshll.u32 v34, $0x7;
	v29 =	vnsel vm13, $0x8, v26  }
0x1df: {  	v34 =	vand.u32 $0x380, v34;
	vm0 =	vlt.u32 v37, $0x40;
	v26 =	vadd.s32 v46, v29  }
0x1e0: {  	v59 =	vshrl.u32 v39, $0x3;
	vm13 =	vgt.f32 v62, $1.000000050e-03;
	vm15 =	vlt.s32 v26, $0x8  }
0x1e1: {  	vm14 =	vgt.f32 v40, $1.000000050e-03;
	v48 =	vsel vm13, $0x1, v3;
	v40 =	vnsel vm15, $0x8, v26  }
0x1e2: {  	v39 =	vshll.u32 v39, $0x7;
	v36 =	vmul.u32 $0x1800, v59;
	v26 =	vadd.s32 v48, v40  }
0x1e3: {  	v39 =	vand.u32 $0x380, v39;
	vm15 =	vlt.u32 v33, $0x60;
	vm1 =	vlt.s32 v26, $0x8  }
0x1e4: {  	v37 =	vnsel vm1, $0x8, v26;
	v26 =	vadd.s32 v33, v42;
	v33 =	vmul.u32 $0x1800, v49  }
0x1e5: {  	v61 =	vshrl.u32 v38, $0x3;
	v38 =	vshll.u32 v38, $0x7;
	v36 =	vadd.s32 v9, v36  }
0x1e6: {  	v36 =	vor.u32 v39, v36;
	v39 =	vmul.u32 $0x1800, v61;
	v33 =	vadd.s32 v9, v33  }
0x1e7: {  	v38 =	vand.u32 $0x380, v38;
	v10 =	vor.u32 v10, v33;
	v33 =	vmul.u32 $0x1800, v52  }
0x1e8: {  	v43 =	vsel vm14, $0x1, v3;
	v62 =	vshrl.u32 v63, $0x3;
	v39 =	vadd.s32 v9, v39  }
0x1e9: {  	v63 =	vshll.u32 v63, $0x7;
	v38 =	vor.u32 v38, v39;
	v33 =	vadd.s32 v9, v33  }
0x1ea: {  	v39 =	vand.u32 $0x380, v63;
	v28 =	vor.u32 v28, v33;
	v33 =	vmul.u32 $0x1800, v54  }
0x1eb: {  	v45 =	vshrl.u32 v29, $0x3;
	v29 =	vshll.u32 v29, $0x7;
	vm0 =	vmand vm15, vm0  }
0x1ec: {  	v46 =	vor.u32 v8, v36;
	v51 =	vnsel vm0, $0x1800, v26;
	v33 =	vadd.s32 v9, v33  }
0x1ed: {  	v10 =	vor.u32 v8, v10;
	v31 =	vor.u32 v31, v33;
	v33 =	vmul.u32 $0x1800, v56  }
0x1ee: {  	v41 =	vmul.u32 $0x1800, v45;
	v29 =	vand.u32 $0x380, v29;
	v47 =	vshrl.u32 v40, $0x3  }
0x1ef: {  	v61 =	vld [tilespmem:$0x1FFB0];
	v50 =	vadd.s32 v43, v37;
	v57 =	vshll.u32 v37, $0x7;
	v33 =	vadd.s32 v9, v33  }
0x1f0: {  	v28 =	vor.u32 v8, v28;
	v33 =	vor.u32 v35, v33;
	v35 =	vand.u32 $0x380, v58;
	v58 =	vld [tilespmem:$0x1FFA0]  }
0x1f1: {  	v49 =	vor.u32 v8, v38;
	vm15 =	vlt.s32 v50, $0x8;
	v59 =	vand.u32 $0x380, v57  }
0x1f2: {  	v42 =	vnsel vm15, $0x8, v50;
	v43 =	vld.idx.msk [tilespmem:v51+s12+$0x0], $0xffff;
	v51 =	vshll.u32 v40, $0x7;
	[tilespmem:v10+s15+$0x0] =	vst.idx.msk vm9, v11;
	v11 =	vadd.s32 v9, v41  }
0x1f3: {  	v31 =	vor.u32 v8, v31;
	v35 =	vor.u32 v35, v44;
	v44 =	vmul.u32 $0x1800, v60  }
0x1f4: {  	v54 =	vshrl.u32 v37, $0x3;
	[tilespmem:v27+s15+$0x0] =	vst.idx.msk vm8, v12;
	v11 =	vor.u32 v29, v11;
	vm8 =	vnez.u8 v61  }
0x1f5: {  	[tilespmem:v28+s15+$0x0] =	vst.idx.msk vm7, v13;
	v33 =	vor.u32 v8, v33;
	v44 =	vadd.s32 v9, v44;
	vm7 =	vnez.u8 v58  }
0x1f6: {  	v10 =	vor.u32 v8, v35;
	v34 =	vor.u32 v34, v44;
	v44 =	vmul.u32 $0x1800, v62  }
0x1f7: {  	v53 =	vand.u32 $0x380, v51;
	v27 =	vmul.u32 $0x1800, v47;
	v11 =	vor.u32 v8, v11;
	[tilespmem:v30+s15+$0x0] =	vst.idx.msk vm6, v14  }
0x1f8: {  	v55 =	vmul.u32 $0x1800, v54;
	[tilespmem:v31+s15+$0x0] =	vst.idx.msk vm5, v15;
	v48 =	vor.u32 v8, v34;
	v44 =	vadd.s32 v9, v44  }
0x1f9: {  	v56 =	vshrl.u32 v42, $0x3;
	v52 =	vadd.s32 v9, v27;
	[tilespmem:v32+s15+$0x0] =	vst.idx.msk vm4, v16;
	v39 =	vor.u32 v39, v44  }
0x1fa: {  	v27 =	vmul.u32 $0x1800, v56;
	v15 =	vor.u32 v53, v52;
	[tilespmem:v33+s15+$0x0] =	vst.idx.msk vm2, v17;
	v50 =	vor.u32 v8, v39  }
0x1fb: {  	v60 =	vshll.u32 v42, $0x7;
	v15 =	vor.u32 v8, v15;
	[tilespmem:v10+s15+$0x0] =	vst.idx.msk vm7, v18;
	v10 =	vadd.s32 v9, v55  }
0x1fc: {  	v63 =	vand.u32 $0x380, v60;
	v62 =	vadd.s32 v9, v27;
	[tilespmem:v46+s15+$0x0] =	vst.idx.msk vm8, v19;
	v10 =	vor.u32 v59, v10  }
0x1fd: {  	vm9 =	vgt.f32 v43, $1.000000050e-03;
	v12 =	vor.u32 v63, v62;
	[tilespmem:v48+s15+$0x0] =	vst.idx.msk vm3, v20;
	v10 =	vor.u32 v8, v10  }
0x1fe: {  	p0 =	sne.s32 s24, $0x1D0;
	v12 =	vor.u32 v8, v12;
	[tilespmem:v49+s15+$0x0] =	vst.idx.msk vm10, v21  }
.Ltmp8:
0x1ff: {  	[tilespmem:v50+s15+$0x0] =	vst.idx.msk vm11, v22;
	(pc) =	sbr.rel @p0 .LBB2_7-.Ltmp8, $4  }
0x200: {  	[tilespmem:v11+s15+$0x0] =	vst.idx.msk vm12, v23;
	v11 =	vsel vm9, $0x1, v3  }
0x201: {  	[tilespmem:v15+s15+$0x0] =	vst.idx.msk vm13, v24;
	v11 =	vadd.s32 v11, v42  }
0x202: {  	[tilespmem:v10+s15+$0x0] =	vst.idx.msk vm14, v25;
	vm15 =	vlt.s32 v11, $0x8  }
0x203: {  	s24 =	sadd.s32 $0x10, s24;
	[tilespmem:v12+s15+$0x0] =	vst.idx.msk vm9, v26;
	v10 =	vnsel vm15, $0x8, v11  }
.LBB2_8:
0x204: {  	vm0 =	vlt.s32 v10, $0x8  }
0x205: {  	v11 =	vmpcnt.ones.xlane vm0;
	_ =	sdelay $0x1  }
0x206: {  	(v2sf) =	vpush v11, $0x0;
	_ =	sdelay $0xd  }
0x207: {  	s24 =	sld [smem:$0x0]  }
0x208: {  	s25 =	spop (v2sf)  }
0x209: {  	p0 =	slt.s32 s25, $0x1  }
0x20a: {  	p1 =	sne.s32 @!p0 s24, $0x0  }
0x20b: {  	p1 =	por p0, p1  }
.Ltmp9:
0x20c: {  	_ = 	snop;
	(pc) =	sbr.rel @p1 .LBB2_10-.Ltmp9, $1  }
0x20d: {  	_ =	sdelay $0x3  }
0x20e: {  	[tilespmem:s16], [sflag:$0x4] =	stream.linear.gather [hbm4b:s5+s2], $0x5CF0, $0x38;
	[tilespmem:$0xD780] =	vst v63  }
.Ltmp10:
0x20f: {  	_ = 	snop;
	(pc) =	sbr.rel .LBB2_11-.Ltmp10, $4  }
0x210: {  	_ =	swait.ge [sflag:s17], $0x5CF0  }
0x211: {  	[sflag:s17] =	ssyncset.done $0x0  }
0x212: {  	[sflag:s17] =	ssyncadd.s32 $0xFFFFA310  }
0x213: {  	[smem:$0x0] =	sst s13  }
.LBB2_10:
.Ltmp11:
0x214: {  	(pc) =	sbr.rel @p0 .LBB2_13-.Ltmp11, $1  }
0x215: {  	_ =	sdelay $0x3  }
.LBB2_11:
0x216: {  	s24 =	simm.s32 $0x1E0  }
.LBB2_12:
0x217: {  	v21 =	vmov s24  }
0x218: {  	v11 =	vor.u32 $0x1, v21  }
0x219: {  	v13 =	vor.u32 $0x2, v21  }
0x21a: {  	v14 =	vor.u32 $0x3, v21  }
0x21b: {  	v16 =	vor.u32 $0x4, v21  }
0x21c: {  	v17 =	vor.u32 $0x5, v21;
	v12 =	vld.idx.msk [tilespmem:v21+s2+$0x0], $0xffff  }
0x21d: {  	v18 =	vor.u32 $0x6, v21;
	v15 =	vld.idx.msk [tilespmem:v11+s2+$0x0], $0xffff  }
0x21e: {  	v19 =	vor.u32 $0x7, v21;
	v13 =	vld.idx.msk [tilespmem:v13+s2+$0x0], $0xffff  }
0x21f: {  	v20 =	vor.u32 $0x8, v21;
	v14 =	vld.idx.msk [tilespmem:v14+s2+$0x0], $0xffff  }
0x220: {  	v22 =	vor.u32 $0x9, v21;
	v16 =	vld.idx.msk [tilespmem:v16+s2+$0x0], $0xffff  }
0x221: {  	v23 =	vor.u32 $0xA, v21;
	v63 =	vor.u32 $0xB, v21;
	v17 =	vld.idx.msk [tilespmem:v17+s2+$0x0], $0xffff  }
0x222: {  	v34 =	vor.u32 $0xC, v21;
	v35 =	vor.u32 $0xD, v21;
	v36 =	vor.u32 $0xE, v21;
	v18 =	vld.idx.msk [tilespmem:v18+s2+$0x0], $0xffff  }
0x223: {  	v37 =	vor.u32 $0xF, v21;
	v19 =	vld.idx.msk [tilespmem:v19+s2+$0x0], $0xffff;
	v11 =	vand.u32 $0x1FF, v12;
	v12 =	vshra.s32 v12, $0x9  }
0x224: {  	v20 =	vld.idx.msk [tilespmem:v20+s2+$0x0], $0xffff;
	v11 =	vadd.s32 v11, v6;
	v12 =	vadd.s32 v12, v7;
	v44 =	vand.u32 $0x1FF, v15  }
0x225: {  	v22 =	vld.idx.msk [tilespmem:v22+s2+$0x0], $0xffff;
	v15 =	vshra.s32 v15, $0x9;
	v25 =	vand.u32 $0x1FF, v13;
	v13 =	vshra.s32 v13, $0x9  }
0x226: {  	v46 =	vand.u32 $0x1FF, v14;
	v14 =	vshra.s32 v14, $0x9;
	v49 =	vand.u32 $0x1FF, v16  }
0x227: {  	v16 =	vshra.s32 v16, $0x9;
	v28 =	vand.u32 $0x1FF, v17;
	v17 =	vshra.s32 v17, $0x9  }
0x228: {  	v51 =	vand.u32 $0x1FF, v18;
	v18 =	vshra.s32 v18, $0x9;
	v54 =	vand.u32 $0x1FF, v19  }
0x229: {  	v19 =	vshra.s32 v19, $0x9;
	v31 =	vand.u32 $0x1FF, v20;
	v20 =	vshra.s32 v20, $0x9  }
0x22a: {  	v32 =	vshra.s32 v22, $0x9;
	v57 =	vand.u32 $0x1FF, v22;
	vm0 =	vlt.u32 v11, $0x60  }
0x22b: {  	vm1 =	vlt.u32 v12, $0x40;
	v12 =	vmul.u32 $0x60, v12;
	v15 =	vadd.s32 v15, v7  }
0x22c: {  	v45 =	vadd.s32 v25, v6;
	v13 =	vadd.s32 v13, v7;
	v47 =	vadd.s32 v46, v6  }
0x22d: {  	v14 =	vadd.s32 v14, v7;
	v16 =	vadd.s32 v16, v7;
	v50 =	vadd.s32 v28, v6  }
0x22e: {  	v17 =	vadd.s32 v17, v7;
	v52 =	vadd.s32 v51, v6;
	v18 =	vadd.s32 v18, v7  }
0x22f: {  	v19 =	vadd.s32 v19, v7;
	v55 =	vadd.s32 v31, v6;
	v20 =	vadd.s32 v20, v7  }
0x230: {  	v58 =	vadd.s32 v32, v7;
	vm0 =	vmand vm0, vm1;
	vm6 =	vlt.u32 v15, $0x40  }
0x231: {  	v15 =	vmul.u32 $0x60, v15;
	vm7 =	vlt.u32 v45, $0x60;
	vm2 =	vlt.u32 v13, $0x40  }
0x232: {  	v13 =	vmul.u32 $0x60, v13;
	vm8 =	vlt.u32 v47, $0x60;
	vm3 =	vlt.u32 v14, $0x40  }
0x233: {  	v14 =	vmul.u32 $0x60, v14;
	vm11 =	vlt.u32 v16, $0x40;
	v16 =	vmul.u32 $0x60, v16  }
0x234: {  	vm12 =	vlt.u32 v50, $0x60;
	vm13 =	vlt.u32 v17, $0x40;
	v17 =	vmul.u32 $0x60, v17  }
0x235: {  	vm14 =	vlt.u32 v52, $0x60;
	vm15 =	vlt.u32 v18, $0x40;
	v18 =	vmul.u32 $0x60, v18  }
0x236: {  	v40 =	vld.idx.msk [tilespmem:v34+s2+$0x0], $0xffff;
	v33 =	vmul.u32 $0x60, v58;
	v11 =	vadd.s32 v11, v12;
	v12 =	vadd.s32 v44, v6  }
0x237: {  	vm1 =	vmand vm7, vm2;
	vm9 =	vmand vm8, vm3;
	vm4 =	vmand vm14, vm15  }
0x238: {  	vm7 =	vlt.u32 v55, $0x60;
	vm8 =	vlt.u32 v20, $0x40;
	v20 =	vmul.u32 $0x60, v20  }
0x239: {  	v24 =	vnsel vm0, $0x1800, v11;
	vm5 =	vlt.u32 v12, $0x60;
	v12 =	vadd.s32 v12, v15  }
0x23a: {  	v13 =	vadd.s32 v45, v13;
	v14 =	vadd.s32 v47, v14;
	v15 =	vadd.s32 v49, v6  }
0x23b: {  	v45 =	vand.u32 $0x1FF, v40;
	vm0 =	vmand vm5, vm6;
	v26 =	vnsel vm1, $0x1800, v13  }
0x23c: {  	v27 =	vnsel vm9, $0x1800, v14;
	vm10 =	vlt.u32 v15, $0x60;
	v15 =	vadd.s32 v15, v16  }
0x23d: {  	v23 =	vld.idx.msk [tilespmem:v23+s2+$0x0], $0xffff;
	vm1 =	vmand vm12, vm13;
	v16 =	vadd.s32 v50, v17;
	v17 =	vadd.s32 v52, v18  }
0x23e: {  	v46 =	vld.idx.msk [tilespmem:v35+s2+$0x0], $0xffff;
	v18 =	vadd.s32 v54, v6;
	vm6 =	vlt.u32 v19, $0x40;
	v48 =	vnsel vm0, $0x1800, v12  }
0x23f: {  	v19 =	vmul.u32 $0x60, v19;
	vm9 =	vmand vm7, vm8;
	v52 =	vld.idx.msk [tilespmem:v36+s2+$0x0], $0xffff;
	v29 =	vnsel vm1, $0x1800, v16  }
0x240: {  	vm0 =	vmand vm10, vm11;
	v30 =	vnsel vm4, $0x1800, v17;
	vm5 =	vlt.u32 v18, $0x60;
	v24 =	vld.idx.msk [tilespmem:v24+s12+$0x0], $0xffff  }
0x241: {  	v53 =	vnsel vm0, $0x1800, v15;
	vm0 =	vmand vm5, vm6;
	v18 =	vadd.s32 v18, v19;
	v26 =	vld.idx.msk [tilespmem:v26+s12+$0x0], $0xffff  }
0x242: {  	v19 =	vadd.s32 v55, v20;
	v20 =	vadd.s32 v57, v6;
	v56 =	vnsel vm0, $0x1800, v18;
	v27 =	vld.idx.msk [tilespmem:v27+s12+$0x0], $0xffff  }
0x243: {  	vm11 =	vlt.u32 v58, $0x40;
	v59 =	vnsel vm9, $0x1800, v19;
	vm10 =	vlt.u32 v20, $0x60;
	v25 =	vld.idx.msk [tilespmem:v48+s12+$0x0], $0xffff  }
0x244: {  	v51 =	vand.u32 $0x1FF, v46;
	v20 =	vadd.s32 v20, v33;
	vm0 =	vmand vm10, vm11;
	v60 =	vld.idx.msk [tilespmem:v29+s12+$0x0], $0xffff  }
0x245: {  	v62 =	vnsel vm0, $0x1800, v20;
	v61 =	vld.idx.msk [tilespmem:v30+s12+$0x0], $0xffff;
	v30 =	vand.u32 $0x1FF, v23;
	v23 =	vshra.s32 v23, $0x9  }
0x246: {  	v34 =	vshra.s32 v52, $0x9;
	v29 =	vimm.s32 $0x0;
	v28 =	vld.idx.msk [tilespmem:v53+s12+$0x0], $0xffff;
	v23 =	vadd.s32 v23, v7  }
0x247: {  	v34 =	vadd.s32 v34, v7;
	v31 =	vld.idx.msk [tilespmem:v56+s12+$0x0], $0xffff;
	vm11 =	vlt.u32 v23, $0x40;
	v23 =	vmul.u32 $0x60, v23  }
0x248: {  	v32 =	vld.idx.msk [tilespmem:v59+s12+$0x0], $0xffff;
	v56 =	vand.u32 $0x1FF, v52;
	vm9 =	vgt.f32 v24, $1.000000050e-03;
	vm7 =	vgt.f32 v26, $1.000000050e-03  }
0x249: {  	vm6 =	vgt.f32 v27, $1.000000050e-03;
	v33 =	vsel vm9, $0x1, v3;
	v26 =	vshra.s32 v46, $0x9  }
0x24a: {  	vm8 =	vgt.f32 v25, $1.000000050e-03;
	vm4 =	vgt.f32 v60, $1.000000050e-03;
	vm2 =	vgt.f32 v61, $1.000000050e-03  }
0x24b: {  	v41 =	vsel vm7, $0x1, v3;
	v44 =	vsel vm6, $0x1, v3;
	v26 =	vadd.s32 v26, v7  }
0x24c: {  	vm5 =	vgt.f32 v28, $1.000000050e-03;
	v28 =	vld.idx.msk [tilespmem:v62+s12+$0x0], $0xffff;
	v38 =	vsel vm8, $0x1, v3;
	v50 =	vsel vm4, $0x1, v3  }
0x24d: {  	v53 =	vsel vm2, $0x1, v3;
	vm1 =	vgt.f32 v31, $1.000000050e-03;
	vm0 =	vgt.f32 v32, $1.000000050e-03  }
0x24e: {  	v31 =	vld.idx.msk [tilespmem:v63+s2+$0x0], $0xffff;
	v32 =	vimm.s32 $0x0;
	v47 =	vsel vm5, $0x1, v3;
	v22 =	vsel vm1, $0xFFFFFFFF, v29  }
0x24f: {  	v25 =	vsel vm0, $0xFFFFFFFF, v32;
	v55 =	vsel vm1, $0x1, v3;
	[tilespmem:$0x1FF80] =	vst v22;
	v22 =	vadd.s32 v30, v6  }
0x250: {  	v57 =	vsel vm0, $0x1, v3;
	[tilespmem:$0x1FF90] =	vst v25;
	v25 =	vadd.s32 v33, v10;
	vm10 =	vlt.u32 v22, $0x60  }
0x251: {  	vm12 =	vlt.s32 v25, $0x8;
	v21 =	vadd.s32 v22, v23;
	vm3 =	vgt.f32 v28, $1.000000050e-03  }
0x252: {  	vm10 =	vmand vm10, vm11;
	v27 =	vnsel vm12, $0x8, v25;
	v25 =	vshra.s32 v40, $0x9  }
0x253: {  	v39 =	vand.u32 $0x1FF, v31;
	v24 =	vshra.s32 v31, $0x9;
	v22 =	vadd.s32 v38, v27  }
0x254: {  	v43 =	vnsel vm10, $0x1800, v21;
	v25 =	vadd.s32 v25, v7;
	v58 =	vsel vm3, $0x1, v3  }
0x255: {  	v23 =	vadd.s32 v39, v6;
	v24 =	vadd.s32 v24, v7;
	vm11 =	vlt.s32 v22, $0x8  }
0x256: {  	vm15 =	vlt.u32 v25, $0x40;
	v25 =	vmul.u32 $0x60, v25;
	vm12 =	vlt.u32 v23, $0x60  }
0x257: {  	v28 =	vnsel vm11, $0x8, v22;
	vm13 =	vlt.u32 v24, $0x40;
	v24 =	vmul.u32 $0x60, v24  }
0x258: {  	v42 =	vadd.s32 v41, v28;
	vm10 =	vmand vm12, vm13;
	v52 =	vshrl.u32 v28, $0x3  }
0x259: {  	v28 =	vshll.u32 v28, $0x7;
	vm14 =	vlt.s32 v42, $0x8;
	v22 =	vadd.s32 v23, v24  }
0x25a: {  	v24 =	vadd.s32 v45, v6;
	v28 =	vand.u32 $0x380, v28;
	v30 =	vnsel vm14, $0x8, v42  }
0x25b: {  	v37 =	vld.idx.msk [tilespmem:v37+s2+$0x0], $0xffff;
	vm12 =	vlt.u32 v24, $0x60;
	v49 =	vnsel vm10, $0x1800, v22;
	vm14 =	vlt.u32 v26, $0x40  }
0x25c: {  	v26 =	vmul.u32 $0x60, v26;
	v23 =	vadd.s32 v44, v30;
	vm10 =	vmand vm12, vm15  }
0x25d: {  	v44 =	vshrl.u32 v27, $0x3;
	v27 =	vshll.u32 v27, $0x7;
	vm11 =	vlt.s32 v23, $0x8  }
0x25e: {  	v44 =	vmul.u32 $0x1800, v44;
	v27 =	vand.u32 $0x380, v27;
	v31 =	vnsel vm11, $0x8, v23  }
0x25f: {  	v23 =	vadd.s32 v24, v25;
	v25 =	vadd.s32 v51, v6;
	v48 =	vadd.s32 v47, v31  }
0x260: {  	vm12 =	vlt.u32 v25, $0x60;
	v38 =	vnsel vm10, $0x1800, v23;
	v47 =	vand.u32 $0x1FF, v37  }
0x261: {  	v37 =	vshra.s32 v37, $0x9;
	v44 =	vadd.s32 v9, v44;
	vm13 =	vlt.s32 v48, $0x8  }
0x262: {  	vm10 =	vmand vm12, vm14;
	v33 =	vld.idx.msk [tilespmem:v49+s12+$0x0], $0xffff;
	v37 =	vadd.s32 v37, v7;
	v49 =	vshrl.u32 v10, $0x3  }
0x263: {  	v29 =	vld.idx.msk [tilespmem:v43+s12+$0x0], $0xffff;
	v10 =	vshll.u32 v10, $0x7;
	v27 =	vor.u32 v27, v44;
	v32 =	vnsel vm13, $0x8, v48  }
0x264: {  	vm13 =	vlt.u32 v34, $0x40;
	v34 =	vmul.u32 $0x60, v34;
	v24 =	vadd.s32 v50, v32  }
0x265: {  	v42 =	vmul.u32 $0x60, v37;
	v10 =	vand.u32 $0x380, v10;
	vm11 =	vlt.s32 v24, $0x8  }
0x266: {  	v35 =	vnsel vm11, $0x8, v24;
	v24 =	vadd.s32 v25, v26;
	v26 =	vadd.s32 v56, v6  }
0x267: {  	v27 =	vor.u32 v8, v27;
	v54 =	vadd.s32 v53, v35;
	vm1 =	vlt.u32 v26, $0x60  }
0x268: {  	v41 =	vnsel vm10, $0x1800, v24;
	vm10 =	vgt.f32 v29, $1.000000050e-03;
	v53 =	vshrl.u32 v30, $0x3  }
0x269: {  	v30 =	vshll.u32 v30, $0x7;
	v56 =	vshrl.u32 v35, $0x3;
	vm15 =	vlt.s32 v54, $0x8  }
0x26a: {  	v35 =	vshll.u32 v35, $0x7;
	vm14 =	vmand vm1, vm13;
	v36 =	vnsel vm15, $0x8, v54  }
0x26b: {  	v60 =	vld.idx.msk [tilespmem:v38+s12+$0x0], $0xffff;
	v61 =	vsel vm10, $0x1, v3;
	v44 =	vmul.u32 $0x1800, v53;
	v25 =	vadd.s32 v55, v36  }
0x26c: {  	v30 =	vand.u32 $0x380, v30;
	v35 =	vand.u32 $0x380, v35;
	vm11 =	vlt.s32 v25, $0x8  }
0x26d: {  	v54 =	vshrl.u32 v31, $0x3;
	v31 =	vshll.u32 v31, $0x7;
	v39 =	vnsel vm11, $0x8, v25  }
0x26e: {  	v44 =	vadd.s32 v9, v44;
	v55 =	vshrl.u32 v32, $0x3;
	v40 =	vadd.s32 v57, v39  }
0x26f: {  	v31 =	vand.u32 $0x380, v31;
	v32 =	vshll.u32 v32, $0x7;
	vm15 =	vlt.s32 v40, $0x8  }
0x270: {  	vm12 =	vgt.f32 v60, $1.000000050e-03;
	v25 =	vadd.s32 v26, v34;
	v34 =	vnsel vm15, $0x8, v40  }
0x271: {  	v30 =	vor.u32 v30, v44;
	v44 =	vmul.u32 $0x1800, v55;
	v26 =	vadd.s32 v58, v34  }
0x272: {  	v32 =	vand.u32 $0x380, v32;
	v59 =	vnsel vm14, $0x1800, v25;
	vm0 =	vlt.s32 v26, $0x8  }
0x273: {  	vm11 =	vgt.f32 v33, $1.000000050e-03;
	v46 =	vsel vm12, $0x1, v3;
	v38 =	vnsel vm0, $0x8, v26  }
0x274: {  	v33 =	vadd.s32 v47, v6;
	v45 =	vsel vm11, $0x1, v3;
	v26 =	vadd.s32 v61, v38  }
0x275: {  	v44 =	vadd.s32 v9, v44;
	v57 =	vshrl.u32 v36, $0x3;
	vm1 =	vlt.s32 v26, $0x8  }
0x276: {  	v62 =	vld.idx.msk [tilespmem:v41+s12+$0x0], $0xffff;
	v32 =	vor.u32 v32, v44;
	v44 =	vmul.u32 $0x1800, v57;
	v63 =	vnsel vm1, $0x8, v26  }
0x277: {  	v30 =	vor.u32 v8, v30;
	v32 =	vor.u32 v8, v32;
	v40 =	vld.idx.msk [tilespmem:v59+s12+$0x0], $0xffff;
	v26 =	vadd.s32 v45, v63  }
0x278: {  	v58 =	vshll.u32 v36, $0x7;
	v44 =	vadd.s32 v9, v44;
	vm13 =	vlt.s32 v26, $0x8  }
0x279: {  	v60 =	vshrl.u32 v34, $0x3;
	v34 =	vshll.u32 v34, $0x7;
	v29 =	vnsel vm13, $0x8, v26  }
0x27a: {  	v34 =	vand.u32 $0x380, v34;
	vm0 =	vlt.u32 v37, $0x40;
	v26 =	vadd.s32 v46, v29  }
0x27b: {  	v59 =	vshrl.u32 v39, $0x3;
	vm13 =	vgt.f32 v62, $1.000000050e-03;
	vm15 =	vlt.s32 v26, $0x8  }
0x27c: {  	vm14 =	vgt.f32 v40, $1.000000050e-03;
	v48 =	vsel vm13, $0x1, v3;
	v40 =	vnsel vm15, $0x8, v26  }
0x27d: {  	v39 =	vshll.u32 v39, $0x7;
	v36 =	vmul.u32 $0x1800, v59;
	v26 =	vadd.s32 v48, v40  }
0x27e: {  	v39 =	vand.u32 $0x380, v39;
	vm15 =	vlt.u32 v33, $0x60;
	vm1 =	vlt.s32 v26, $0x8  }
0x27f: {  	v37 =	vnsel vm1, $0x8, v26;
	v26 =	vadd.s32 v33, v42;
	v33 =	vmul.u32 $0x1800, v49  }
0x280: {  	v61 =	vshrl.u32 v38, $0x3;
	v38 =	vshll.u32 v38, $0x7;
	v36 =	vadd.s32 v9, v36  }
0x281: {  	v36 =	vor.u32 v39, v36;
	v39 =	vmul.u32 $0x1800, v61;
	v33 =	vadd.s32 v9, v33  }
0x282: {  	v38 =	vand.u32 $0x380, v38;
	v10 =	vor.u32 v10, v33;
	v33 =	vmul.u32 $0x1800, v52  }
0x283: {  	v43 =	vsel vm14, $0x1, v3;
	v62 =	vshrl.u32 v63, $0x3;
	v39 =	vadd.s32 v9, v39  }
0x284: {  	v63 =	vshll.u32 v63, $0x7;
	v38 =	vor.u32 v38, v39;
	v33 =	vadd.s32 v9, v33  }
0x285: {  	v39 =	vand.u32 $0x380, v63;
	v28 =	vor.u32 v28, v33;
	v33 =	vmul.u32 $0x1800, v54  }
0x286: {  	v45 =	vshrl.u32 v29, $0x3;
	v29 =	vshll.u32 v29, $0x7;
	vm0 =	vmand vm15, vm0  }
0x287: {  	v46 =	vor.u32 v8, v36;
	v51 =	vnsel vm0, $0x1800, v26;
	v33 =	vadd.s32 v9, v33  }
0x288: {  	v10 =	vor.u32 v8, v10;
	v31 =	vor.u32 v31, v33;
	v33 =	vmul.u32 $0x1800, v56  }
0x289: {  	v41 =	vmul.u32 $0x1800, v45;
	v29 =	vand.u32 $0x380, v29;
	v47 =	vshrl.u32 v40, $0x3  }
0x28a: {  	v61 =	vld [tilespmem:$0x1FF90];
	v50 =	vadd.s32 v43, v37;
	v57 =	vshll.u32 v37, $0x7;
	v33 =	vadd.s32 v9, v33  }
0x28b: {  	v28 =	vor.u32 v8, v28;
	v33 =	vor.u32 v35, v33;
	v35 =	vand.u32 $0x380, v58;
	v58 =	vld [tilespmem:$0x1FF80]  }
0x28c: {  	v49 =	vor.u32 v8, v38;
	vm15 =	vlt.s32 v50, $0x8;
	v59 =	vand.u32 $0x380, v57  }
0x28d: {  	v42 =	vnsel vm15, $0x8, v50;
	v43 =	vld.idx.msk [tilespmem:v51+s12+$0x0], $0xffff;
	v51 =	vshll.u32 v40, $0x7;
	[tilespmem:v10+s15+$0x0] =	vst.idx.msk vm9, v11;
	v11 =	vadd.s32 v9, v41  }
0x28e: {  	v31 =	vor.u32 v8, v31;
	v35 =	vor.u32 v35, v44;
	v44 =	vmul.u32 $0x1800, v60  }
0x28f: {  	v54 =	vshrl.u32 v37, $0x3;
	[tilespmem:v27+s15+$0x0] =	vst.idx.msk vm8, v12;
	v11 =	vor.u32 v29, v11;
	vm8 =	vnez.u8 v61  }
0x290: {  	[tilespmem:v28+s15+$0x0] =	vst.idx.msk vm7, v13;
	v33 =	vor.u32 v8, v33;
	v44 =	vadd.s32 v9, v44;
	vm7 =	vnez.u8 v58  }
0x291: {  	v10 =	vor.u32 v8, v35;
	v34 =	vor.u32 v34, v44;
	v44 =	vmul.u32 $0x1800, v62  }
0x292: {  	v53 =	vand.u32 $0x380, v51;
	v27 =	vmul.u32 $0x1800, v47;
	v11 =	vor.u32 v8, v11;
	[tilespmem:v30+s15+$0x0] =	vst.idx.msk vm6, v14  }
0x293: {  	v55 =	vmul.u32 $0x1800, v54;
	[tilespmem:v31+s15+$0x0] =	vst.idx.msk vm5, v15;
	v48 =	vor.u32 v8, v34;
	v44 =	vadd.s32 v9, v44  }
0x294: {  	v56 =	vshrl.u32 v42, $0x3;
	v52 =	vadd.s32 v9, v27;
	[tilespmem:v32+s15+$0x0] =	vst.idx.msk vm4, v16;
	v39 =	vor.u32 v39, v44  }
0x295: {  	v27 =	vmul.u32 $0x1800, v56;
	v15 =	vor.u32 v53, v52;
	[tilespmem:v33+s15+$0x0] =	vst.idx.msk vm2, v17;
	v50 =	vor.u32 v8, v39  }
0x296: {  	v60 =	vshll.u32 v42, $0x7;
	v15 =	vor.u32 v8, v15;
	[tilespmem:v10+s15+$0x0] =	vst.idx.msk vm7, v18;
	v10 =	vadd.s32 v9, v55  }
0x297: {  	v63 =	vand.u32 $0x380, v60;
	v62 =	vadd.s32 v9, v27;
	[tilespmem:v46+s15+$0x0] =	vst.idx.msk vm8, v19;
	v10 =	vor.u32 v59, v10  }
0x298: {  	vm9 =	vgt.f32 v43, $1.000000050e-03;
	v12 =	vor.u32 v63, v62;
	[tilespmem:v48+s15+$0x0] =	vst.idx.msk vm3, v20;
	v10 =	vor.u32 v8, v10  }
0x299: {  	p0 =	sne.s32 s24, $0x5EC0;
	v12 =	vor.u32 v8, v12;
	[tilespmem:v49+s15+$0x0] =	vst.idx.msk vm10, v21  }
.Ltmp12:
0x29a: {  	[tilespmem:v50+s15+$0x0] =	vst.idx.msk vm11, v22;
	(pc) =	sbr.rel @p0 .LBB2_12-.Ltmp12, $4  }
0x29b: {  	[tilespmem:v11+s15+$0x0] =	vst.idx.msk vm12, v23;
	v11 =	vsel vm9, $0x1, v3  }
0x29c: {  	[tilespmem:v15+s15+$0x0] =	vst.idx.msk vm13, v24;
	v11 =	vadd.s32 v11, v42  }
0x29d: {  	[tilespmem:v10+s15+$0x0] =	vst.idx.msk vm14, v25;
	vm15 =	vlt.s32 v11, $0x8  }
0x29e: {  	s24 =	sadd.s32 $0x10, s24;
	[tilespmem:v12+s15+$0x0] =	vst.idx.msk vm9, v26;
	v10 =	vnsel vm15, $0x8, v11  }
.Ltmp13:
0x29f: {  	_ = 	snop;
	(pc) =	sbr.rel .LBB2_13-.Ltmp13, $1  }
0x2a0: {  	_ =	sdelay $0x3  }
.LBB2_15:
0x2a1: {  	_ =	sfence.sel $0x180000  }
0x2a2: {  	[bflag:$0x0] =	sbarrier.arrive $0xFFFF  }
0x2a3: {  	p0 =	sne.s32 s1, $0x0;
	_ =	strace $0x90000047  }
0x2a4: {  	s0 =	sadd.s32 @!p0 $0x100000, s0;
	[bflag:$0x2] =	sbarrier.arrive $0xFFFF  }
0x2a5: {  	[sflag:s0] =	ssyncadd.tile.s32 @!p0 $0x1;
	_ =	shalt  }
.Lfunc_end2:
_tile_overlayer_lowered:
.L_overlay_start_2:
0x2a6: {  	(tag) =	ssettag $0x2  }
0x2a7: {  	s0 =	rddreg [dreg:$0x0];
	s2 =	stileid.u32  }
0x2a8: {  	s1 =	rddreg [dreg:$0x1];
	p0 =	sne.s32 s2, $0x0  }
0x2a9: {  	s3 =	rddreg [dreg:$0x2];
	[bflag:$0x3] =	sbarrier.arrive $0xFFFF;
	s2 =	simm.s32 @!p0 $0x1C04  }
0x2aa: {  	[timem:s3], [sflag:s2] =	dma.local @!p0 [hbm:s0], s1  }
0x2ab: {  	s0 =	simm.s32 @!p0 $0x4  }
0x2ac: {  	_ =	swait.ge @!p0 [sflag:s0], s1  }
0x2ad: {  	s1 =	ssub.s32 @!p0 $0x0, s1;
	[sflag:s0] =	ssyncset.done @!p0 $0x0  }
0x2ae: {  	[sflag:s0] =	ssyncadd.s32 @!p0 s1  }
0x2af: {  	[bflag:$0x3] =	sbarrier.arrive $0xFFFF  }
0x2b0: {  	_ =	shalt  }

</sc_bundles>
